<compile_context>
chip_gen: v7x
topology: tpu7x:2x2x1
jax: 0.10.2.dev20260603
libtpu: 0.0.44.dev20260713+nightly
codegen_flags: <defaults>
</compile_context>

<pallas_src>
import functools

import jax
import jax.numpy as jnp
from jax import lax
from jax.experimental import pallas as pl
from jax.experimental.pallas import tpu as pltpu
from jax.experimental.pallas import tpu_sc as plsc

_B, _N, _G, _K = 4, 8192, 512, 32
_NW = 32
_GPW = (_B * _G) // _NW


def _fps_body(x_ref, y_ref, z_ref, cx_ref, cy_ref, cz_ref):
    B, N, G = _B, _N, _G
    H = N // 2
    x = x_ref[...]
    y = y_ref[...]
    z = z_ref[...]
    riota = lax.broadcasted_iota(jnp.int32, (2 * B, H), 0)
    gidx = lax.broadcasted_iota(jnp.int32, (2 * B, H), 1) + jnp.where(
        riota >= B, H, 0)
    giota = lax.broadcasted_iota(jnp.int32, (B, G), 1)

    def dup(v):
        return jnp.concatenate([v, v], axis=0)

    lx = x[0:B, 0:1]
    ly = y[0:B, 0:1]
    lz = z[0:B, 0:1]
    zero = jnp.zeros((B, G), jnp.float32)
    cxa = jnp.where(giota == 0, lx, zero)
    cya = jnp.where(giota == 0, ly, zero)
    cza = jnp.where(giota == 0, lz, zero)
    dists = jnp.full((2 * B, H), jnp.inf, jnp.float32)

    def body(i, carry):
        dists, lx, ly, lz, cxa, cya, cza = carry
        dx = x - dup(lx)
        dy = y - dup(ly)
        dz = z - dup(lz)
        d = (dx * dx + dy * dy) + dz * dz
        dists = jnp.minimum(dists, d)
        m8 = jnp.max(dists, axis=1, keepdims=True)
        m = jnp.maximum(m8[0:B], m8[B:2 * B])
        sel = dists == dup(m)
        n8 = jnp.min(jnp.where(sel, gidx, N), axis=1, keepdims=True)
        nxt = jnp.minimum(n8[0:B], n8[B:2 * B])
        onehot = gidx == dup(nxt)
        sx = jnp.sum(jnp.where(onehot, x, 0.0), axis=1, keepdims=True)
        sy = jnp.sum(jnp.where(onehot, y, 0.0), axis=1, keepdims=True)
        sz = jnp.sum(jnp.where(onehot, z, 0.0), axis=1, keepdims=True)
        lx = sx[0:B] + sx[B:2 * B]
        ly = sy[0:B] + sy[B:2 * B]
        lz = sz[0:B] + sz[B:2 * B]
        gsel = giota == i
        cxa = jnp.where(gsel, lx, cxa)
        cya = jnp.where(gsel, ly, cya)
        cza = jnp.where(gsel, lz, cza)
        return (dists, lx, ly, lz, cxa, cya, cza)

    carry = (dists, lx, ly, lz, cxa, cya, cza)
    carry = lax.fori_loop(1, G, body, carry)
    _, _, _, _, cxa, cya, cza = carry
    cx_ref[...] = cxa
    cy_ref[...] = cya
    cz_ref[...] = cza


def _fps(x, y, z):
    B, N, G = _B, _N, _G
    H = N // 2
    fold = lambda a: jnp.concatenate([a[:, :H], a[:, H:]], axis=0)
    out = jax.ShapeDtypeStruct((B, G), jnp.float32)
    return pl.pallas_call(
        _fps_body,
        out_shape=[out, out, out],
    )(fold(x), fold(y), fold(z))


_GT = 128
_NC = 512
_CW = _N // _NC


def _knn1_body(cx_ref, cy_ref, cz_ref, px_ref, py_ref, pz_ref, ck_ref):
    N, K, GT, NC = _N, _K, _GT, _NC
    cx = cx_ref[0]
    cy = cy_ref[0]
    cz = cz_ref[0]
    px = px_ref[0]
    py = py_ref[0]
    pz = pz_ref[0]
    c2 = (cx * cx + cy * cy) + cz * cz
    p2 = (px * px + py * py) + pz * pz
    r = lambda a: a.astype(jnp.bfloat16).astype(jnp.float32)
    cp = (r(cx) * r(px) + r(cy) * r(py)) + r(cz) * r(pz)
    d2 = (c2 + p2) - 2.0 * cp
    m = d2[:, 0:NC]
    for j in range(1, _CW):
        m = jnp.minimum(m, d2[:, j * NC:(j + 1) * NC])
    iota = lax.broadcasted_iota(jnp.int32, (GT, NC), 1)
    inf = jnp.float32(jnp.inf)
    for k in range(K):
        mm = jnp.min(m, axis=1, keepdims=True)
        ck = jnp.min(jnp.where(m == mm, iota, NC), axis=1, keepdims=True)
        ck_ref[0, :, k:k + 1] = ck
        m = jnp.where(iota == ck, inf, m)


def _knn1(cxp, cyp, czp, px, py, pz):
    B, N, G, K, GT = _B, _N, _G, _K, _GT
    grid = (B, G // GT)
    cspec = pl.BlockSpec((1, GT, 1), lambda b, t: (b * (G // GT) + t, 0, 0))
    pspec = pl.BlockSpec((1, 1, N), lambda b, t: (b, 0, 0))
    c3 = lambda a: a.reshape(B * G // GT, GT, 1)
    p3 = lambda a: a.reshape(B, 1, N)
    return pl.pallas_call(
        _knn1_body,
        grid=grid,
        in_specs=[cspec, cspec, cspec, pspec, pspec, pspec],
        out_specs=pl.BlockSpec((1, GT, K), lambda b, t: (b, t, 0)),
        out_shape=jax.ShapeDtypeStruct((B, G, K), jnp.int32),
    )(c3(cxp), c3(cyp), c3(czp), p3(px), p3(py), p3(pz))


def _sc_cand_body(x_h, y_h, z_h, cx_h, cy_h, cz_h, ck_h,
                  cv_h, ci_h,
                  xv, yv, zv, ckv, cxv, cyv, czv, cvv, civ):
    N, K, GPW, NC, CW = _N, _K, _GPW, _NC, _CW

    def rbf(v):
        u = plsc.bitcast(v, jnp.uint32)
        u = (u + jnp.uint32(0x7FFF) + ((u >> jnp.uint32(16)) & jnp.uint32(1)))
        u = u & jnp.uint32(0xFFFF0000)
        return plsc.bitcast(u, jnp.float32)

    cid = lax.axis_index("c")
    sid = lax.axis_index("s")
    w = sid * 2 + cid
    b = (w * GPW) // _G
    pltpu.sync_copy(x_h.at[pl.ds(b * N, N)], xv)
    pltpu.sync_copy(y_h.at[pl.ds(b * N, N)], yv)
    pltpu.sync_copy(z_h.at[pl.ds(b * N, N)], zv)
    pltpu.sync_copy(ck_h.at[pl.ds(w * GPW * K, GPW * K)], ckv)
    pltpu.sync_copy(cx_h.at[pl.ds(w * GPW * 16, GPW * 16)], cxv)
    pltpu.sync_copy(cy_h.at[pl.ds(w * GPW * 16, GPW * 16)], cyv)
    pltpu.sync_copy(cz_h.at[pl.ds(w * GPW * 16, GPW * 16)], czv)

    def row(g, _):
        cxr = cxv[pl.ds(g * 16, 16)]
        cyr = cyv[pl.ds(g * 16, 16)]
        czr = czv[pl.ds(g * 16, 16)]
        c2 = (cxr * cxr + cyr * cyr) + czr * czr
        rcx = rbf(cxr)
        rcy = rbf(cyr)
        rcz = rbf(czr)
        for h in range(K // 16):
            ckh = ckv[pl.ds(g * K + h * 16, 16)]
            for j in range(CW):
                pt = ckh + (NC * j)
                gx = plsc.load_gather(xv, [pt])
                gy = plsc.load_gather(yv, [pt])
                gz = plsc.load_gather(zv, [pt])
                p2 = (gx * gx + gy * gy) + gz * gz
                rgx = rbf(gx)
                rgy = rbf(gy)
                rgz = rbf(gz)
                cp = (rcx * rgx + rcy * rgy) + rcz * rgz
                off = g * (K * CW) + (h * CW + j) * 16
                cvv[pl.ds(off, 16)] = (c2 + p2) - 2.0 * cp
                civ[pl.ds(off, 16)] = pt
        return 0

    lax.fori_loop(0, GPW, row, 0)
    pltpu.sync_copy(cvv, cv_h.at[pl.ds(w * GPW * K * CW, GPW * K * CW)])
    pltpu.sync_copy(civ, ci_h.at[pl.ds(w * GPW * K * CW, GPW * K * CW)])


def _sc_cand(x, y, z, cx, cy, cz, ck):
    B, N, G, K, GPW, CW = _B, _N, _G, _K, _GPW, _CW
    S = K * CW
    mesh = plsc.VectorSubcoreMesh(core_axis_name="c", subcore_axis_name="s")
    f = pl.kernel(
        _sc_cand_body,
        out_type=[jax.ShapeDtypeStruct((B * G * S,), jnp.float32),
                  jax.ShapeDtypeStruct((B * G * S,), jnp.int32)],
        mesh=mesh,
        compiler_params=pltpu.CompilerParams(needs_layout_passes=False),
        scratch_types=[
            pltpu.VMEM((N,), jnp.float32),
            pltpu.VMEM((N,), jnp.float32),
            pltpu.VMEM((N,), jnp.float32),
            pltpu.VMEM((GPW * K,), jnp.int32),
            pltpu.VMEM((GPW * 16,), jnp.float32),
            pltpu.VMEM((GPW * 16,), jnp.float32),
            pltpu.VMEM((GPW * 16,), jnp.float32),
            pltpu.VMEM((GPW * S,), jnp.float32),
            pltpu.VMEM((GPW * S,), jnp.int32),
        ],
    )
    exp16 = lambda a: jnp.broadcast_to(
        a.reshape(B * G, 1), (B * G, 16)).reshape(-1)
    return f(x.reshape(-1), y.reshape(-1), z.reshape(-1),
             exp16(cx), exp16(cy), exp16(cz), ck.reshape(-1))


def _knn2_body(cv_ref, ci_ref, idx_ref):
    K, GT = _K, _GT
    S = _K * _CW
    cv = cv_ref[0]
    ci = ci_ref[0]
    big = jnp.int32(1 << 30)
    inf = jnp.float32(jnp.inf)
    for k in range(K):
        m = jnp.min(cv, axis=1, keepdims=True)
        sel = cv == m
        ik = jnp.min(jnp.where(sel, ci, big), axis=1, keepdims=True)
        idx_ref[0, :, k:k + 1] = ik
        cv = jnp.where(sel & (ci == ik), inf, cv)


def _knn2(cv, ci):
    B, G, K, GT = _B, _G, _K, _GT
    S = _K * _CW
    grid = (B, G // GT)
    spec = pl.BlockSpec((1, GT, S), lambda b, t: (b * (G // GT) + t, 0, 0))
    return pl.pallas_call(
        _knn2_body,
        grid=grid,
        in_specs=[spec, spec],
        out_specs=pl.BlockSpec((1, GT, K), lambda b, t: (b, t, 0)),
        out_shape=jax.ShapeDtypeStruct((B, G, K), jnp.int32),
    )(cv.reshape(B * G // GT, GT, S), ci.reshape(B * G // GT, GT, S))


def _sc_group_body(x_h, y_h, z_h, cx_h, cy_h, cz_h, idx_h,
                   ox_h, oy_h, oz_h,
                   xv, yv, zv, idxv, cxv, cyv, czv, outx, outy, outz):
    N, K, GPW = _N, _K, _GPW
    cid = lax.axis_index("c")
    sid = lax.axis_index("s")
    w = sid * 2 + cid
    b = (w * GPW) // _G
    pltpu.sync_copy(x_h.at[pl.ds(b * N, N)], xv)
    pltpu.sync_copy(y_h.at[pl.ds(b * N, N)], yv)
    pltpu.sync_copy(z_h.at[pl.ds(b * N, N)], zv)
    pltpu.sync_copy(idx_h.at[pl.ds(w * GPW * K, GPW * K)], idxv)
    pltpu.sync_copy(cx_h.at[pl.ds(w * GPW * K, GPW * K)], cxv)
    pltpu.sync_copy(cy_h.at[pl.ds(w * GPW * K, GPW * K)], cyv)
    pltpu.sync_copy(cz_h.at[pl.ds(w * GPW * K, GPW * K)], czv)

    def body(v, _):
        off = v * 16
        iv = idxv[pl.ds(off, 16)]
        outx[pl.ds(off, 16)] = plsc.load_gather(xv, [iv]) - cxv[pl.ds(off, 16)]
        outy[pl.ds(off, 16)] = plsc.load_gather(yv, [iv]) - cyv[pl.ds(off, 16)]
        outz[pl.ds(off, 16)] = plsc.load_gather(zv, [iv]) - czv[pl.ds(off, 16)]
        return 0

    lax.fori_loop(0, (GPW * K) // 16, body, 0)
    pltpu.sync_copy(outx, ox_h.at[pl.ds(w * GPW * K, GPW * K)])
    pltpu.sync_copy(outy, oy_h.at[pl.ds(w * GPW * K, GPW * K)])
    pltpu.sync_copy(outz, oz_h.at[pl.ds(w * GPW * K, GPW * K)])


def _sc_group(x, y, z, cx, cy, cz, idx):
    B, N, G, K, GPW = _B, _N, _G, _K, _GPW
    out = jax.ShapeDtypeStruct((B * G * K,), jnp.float32)
    mesh = plsc.VectorSubcoreMesh(core_axis_name="c", subcore_axis_name="s")
    f = pl.kernel(
        _sc_group_body,
        out_type=[out, out, out],
        mesh=mesh,
        compiler_params=pltpu.CompilerParams(needs_layout_passes=False),
        scratch_types=[
            pltpu.VMEM((N,), jnp.float32),
            pltpu.VMEM((N,), jnp.float32),
            pltpu.VMEM((N,), jnp.float32),
            pltpu.VMEM((GPW * K,), jnp.int32),
            pltpu.VMEM((GPW * K,), jnp.float32),
            pltpu.VMEM((GPW * K,), jnp.float32),
            pltpu.VMEM((GPW * K,), jnp.float32),
            pltpu.VMEM((GPW * K,), jnp.float32),
            pltpu.VMEM((GPW * K,), jnp.float32),
            pltpu.VMEM((GPW * K,), jnp.float32),
        ],
    )
    exp = lambda a: jnp.broadcast_to(
        a.reshape(B * G, 1), (B * G, K)).reshape(-1)
    return f(x.reshape(-1), y.reshape(-1), z.reshape(-1),
             exp(cx), exp(cy), exp(cz),
             idx.reshape(-1))


def kernel(pos):
    B, N, G, K = _B, _N, _G, _K
    pt = jnp.transpose(pos, (2, 0, 1))
    x, y, z = pt[0], pt[1], pt[2]
    cx, cy, cz = _fps(x, y, z)
    ck = _knn1(cx, cy, cz, x, y, z)
    cv, ci = _sc_cand(x, y, z, cx, cy, cz, ck)
    idx = _knn2(cv.reshape(B * G, K * _CW), ci.reshape(B * G, K * _CW))
    nbx, nby, nbz = _sc_group(x, y, z, cx, cy, cz, idx)
    neighborhood = jnp.stack(
        [nbx.reshape(B, G, K), nby.reshape(B, G, K), nbz.reshape(B, G, K)],
        axis=-1)
    centers = jnp.stack([cx, cy, cz], axis=-1)
    return neighborhood, centers

# --- scband reference (transcript-rebuilt; emitter-appended) ---
"""Pipeline reference for scband-grouper-35665408426483 (READ-ONLY COPY).

The authoritative reference and input builder live on the scoring server;
editing this copy changes nothing except your own understanding.
"""

import jax, jax.numpy as jnp
import numpy as np

GROUP_RATIO = 0.0625
GROUP_SIZE = 32


def farthest_point_sampling(pos, n_samples):
    # pos: [B, N, 3] -> idxs: int32[B, n_samples]
    B, N, _ = pos.shape
    idxs0 = jnp.zeros((B, n_samples), dtype=jnp.int32)
    last0 = jnp.zeros((B,), dtype=jnp.int32)
    dists0 = jnp.full((B, N), jnp.inf, dtype=pos.dtype)

    def body(i, state):
        dists, idxs, last = state
        last_pos = jnp.take_along_axis(pos, last[:, None, None].astype(jnp.int32), axis=1)  # [B,1,3]
        d = jnp.sum((pos - last_pos) ** 2, axis=-1)  # [B,N]
        dists = jnp.minimum(dists, d)
        nxt = jnp.argmax(dists, axis=-1).astype(jnp.int32)  # [B]
        idxs = idxs.at[:, i].set(nxt)
        return (dists, idxs, nxt)

    _, idxs, _ = jax.lax.fori_loop(1, n_samples, body, (dists0, idxs0, last0))
    return idxs


def knn_indices(centers, pos, k):
    # centers: [B,G,3], pos: [B,N,3] -> int32[B,G,k]
    c2 = jnp.sum(centers ** 2, axis=-1)[:, :, None]
    p2 = jnp.sum(pos ** 2, axis=-1)[:, None, :]
    d2 = c2 + p2 - 2.0 * jnp.einsum('bgd,bnd->bgn', centers, pos)  # [B,G,N]
    _, idx = jax.lax.top_k(-d2, k)
    return idx


def setup_inputs(seed: int = 0) -> dict:
    key = jax.random.key(seed)
    pos = jax.random.normal(key, (4, 8192, 3), dtype=jnp.float32)
    return {"pos": pos}


def reference(pos):
    # Grouper.forward: group_by_ratio(pc, group_size, ratio=group_ratio)
    # = FPS-sample G = N*ratio centers, then kNN-group group_size points per
    # center and normalize each group by its center.
    B, N, _ = pos.shape
    n_groups = int(N * GROUP_RATIO)
    fps_idx = farthest_point_sampling(pos, n_groups)              # [B,G]
    centers = jnp.take_along_axis(pos, fps_idx[..., None], axis=1)  # [B,G,3]
    idx = knn_indices(centers, pos, GROUP_SIZE)                   # [B,G,K]
    grouped = jax.vmap(lambda p, i: p[i])(pos, idx)               # [B,G,K,3]
    neighborhood = grouped - centers[:, :, None, :]
    return neighborhood, centers

if __name__ == "__main__":
    import jax
    _d = setup_inputs()
    print(jax.jit(kernel)(*tuple(_d.values())))

</pallas_src>

<mosaic_0001>
#map = affine_map<(d0, d1) -> (0)>
module attributes {stable_mosaic.version = 14 : i64} {
  func.func @_sc_cand_body(%arg0: i32, %arg1: i32, %arg2: memref<32768xf32, #tpu.memory_space<hbm>>, %arg3: memref<32768xf32, #tpu.memory_space<hbm>>, %arg4: memref<32768xf32, #tpu.memory_space<hbm>>, %arg5: memref<32768xf32, #tpu.memory_space<hbm>>, %arg6: memref<32768xf32, #tpu.memory_space<hbm>>, %arg7: memref<32768xf32, #tpu.memory_space<hbm>>, %arg8: memref<65536xi32, #tpu.memory_space<hbm>>, %arg9: memref<1048576xf32, #tpu.memory_space<hbm>>, %arg10: memref<1048576xi32, #tpu.memory_space<hbm>>, %arg11: memref<8192xf32, #tpu.memory_space<vmem>>, %arg12: memref<8192xf32, #tpu.memory_space<vmem>>, %arg13: memref<8192xf32, #tpu.memory_space<vmem>>, %arg14: memref<2048xi32, #tpu.memory_space<vmem>>, %arg15: memref<1024xf32, #tpu.memory_space<vmem>>, %arg16: memref<1024xf32, #tpu.memory_space<vmem>>, %arg17: memref<1024xf32, #tpu.memory_space<vmem>>, %arg18: memref<32768xf32, #tpu.memory_space<vmem>>, %arg19: memref<32768xi32, #tpu.memory_space<vmem>>) attributes {dimension_semantics = [#tpu.dimension_semantics<core_parallel>, #tpu.dimension_semantics<subcore_parallel>], iteration_bounds = array<i64: 2, 16>, scalar_prefetch = 0 : i64, scratch_operands = 9 : i64, tpu.core_type = #tpu.core_type<sc_vector_subcore>, window_params = [{transform_indices = #map}, {transform_indices = #map}, {transform_indices = #map}, {transform_indices = #map}, {transform_indices = #map}, {transform_indices = #map}, {transform_indices = #map}, {transform_indices = #map}, {transform_indices = #map}]} {
    %mul3A = arith.constant 2 : i32
    %mul3A_0 = arith.muli %arg1, %mul3A : i32
    %add3A = arith.addi %mul3A_0, %arg0 : i32
    %mul3A_1 = arith.constant 64 : i32
    %mul3A_2 = arith.muli %add3A, %mul3A_1 : i32
    %jit3A = arith.constant 512 : i32
    %div3A = arith.divsi %mul3A_2, %jit3A : i32
    %sign3A = arith.constant 0 : i32
    %sign3A_3 = arith.cmpi sgt, %mul3A_2, %sign3A : i32
    %sign3A_4 = arith.extui %sign3A_3 : i1 to i32
    %sign3A_5 = arith.constant 0 : i32
    %sign3A_6 = arith.cmpi slt, %mul3A_2, %sign3A_5 : i32
    %sign3A_7 = arith.extui %sign3A_6 : i1 to i32
    %sign3A_8 = arith.subi %sign3A_4, %sign3A_7 : i32
    %sign3A_9 = arith.constant 0 : i32
    %sign3A_10 = arith.cmpi sgt, %jit3A, %sign3A_9 : i32
    %sign3A_11 = arith.extui %sign3A_10 : i1 to i32
    %sign3A_12 = arith.constant 0 : i32
    %sign3A_13 = arith.cmpi slt, %jit3A, %sign3A_12 : i32
    %sign3A_14 = arith.extui %sign3A_13 : i1 to i32
    %sign3A_15 = arith.subi %sign3A_11, %sign3A_14 : i32
    %ne3A = arith.cmpi ne, %sign3A_8, %sign3A_15 : i32
    %rem3A = arith.remsi %mul3A_2, %jit3A : i32
    %ne3A_16 = arith.constant 0 : i32
    %ne3A_17 = arith.cmpi ne, %rem3A, %ne3A_16 : i32
    %and3A = arith.andi %ne3A, %ne3A_17 : i1
    %sub3A = arith.constant 1 : i32
    %sub3A_18 = arith.subi %div3A, %sub3A : i32
    %select_n3A = arith.select %and3A, %sub3A_18, %div3A : i32
    %mul3A_19 = arith.constant 8192 : i32
    %mul3A_20 = arith.muli %select_n3A, %mul3A_19 : i32
    "tpu.region"() ({
      %run_scoped3A = tpu.sem_alloc : memref<!tpu.dma_semaphore, #tpu.memory_space<semaphore_mem>>
      %dma_start3A = tpu.memref_slice %arg2[%mul3A_20] : memref<32768xf32, #tpu.memory_space<hbm>> -> memref<8192xf32, #tpu.memory_space<hbm>>
      %dma_start3A_59 = tpu.memref_slice %arg2[%mul3A_20] : memref<32768xf32, #tpu.memory_space<hbm>> -> memref<8192xf32, #tpu.memory_space<hbm>>
      tpu.enqueue_dma source(%dma_start3A_59 : memref<8192xf32, #tpu.memory_space<hbm>>) target(%arg11 : memref<8192xf32, #tpu.memory_space<vmem>>) target_semaphore(%run_scoped3A : memref<!tpu.dma_semaphore, #tpu.memory_space<semaphore_mem>>)
      %dma_wait3A = tpu.memref_slice %arg2[%mul3A_20] : memref<32768xf32, #tpu.memory_space<hbm>> -> memref<8192xf32, #tpu.memory_space<hbm>>
      %dma_wait3A_60 = tpu.memref_slice %arg2[%mul3A_20] : memref<32768xf32, #tpu.memory_space<hbm>> -> memref<8192xf32, #tpu.memory_space<hbm>>
      tpu.wait_dma2 semaphore(%run_scoped3A : memref<!tpu.dma_semaphore, #tpu.memory_space<semaphore_mem>>) src(%dma_wait3A_60 : memref<8192xf32, #tpu.memory_space<hbm>>) dst(%arg11 : memref<8192xf32, #tpu.memory_space<vmem>>)
      tpu.yield
    }) : () -> ()
    %mul3A_21 = arith.constant 8192 : i32
    %mul3A_22 = arith.muli %select_n3A, %mul3A_21 : i32
    "tpu.region"() ({
      %run_scoped3A = tpu.sem_alloc : memref<!tpu.dma_semaphore, #tpu.memory_space<semaphore_mem>>
      %dma_start3A = tpu.memref_slice %arg3[%mul3A_22] : memref<32768xf32, #tpu.memory_space<hbm>> -> memref<8192xf32, #tpu.memory_space<hbm>>
      %dma_start3A_59 = tpu.memref_slice %arg3[%mul3A_22] : memref<32768xf32, #tpu.memory_space<hbm>> -> memref<8192xf32, #tpu.memory_space<hbm>>
      tpu.enqueue_dma source(%dma_start3A_59 : memref<8192xf32, #tpu.memory_space<hbm>>) target(%arg12 : memref<8192xf32, #tpu.memory_space<vmem>>) target_semaphore(%run_scoped3A : memref<!tpu.dma_semaphore, #tpu.memory_space<semaphore_mem>>)
      %dma_wait3A = tpu.memref_slice %arg3[%mul3A_22] : memref<32768xf32, #tpu.memory_space<hbm>> -> memref<8192xf32, #tpu.memory_space<hbm>>
      %dma_wait3A_60 = tpu.memref_slice %arg3[%mul3A_22] : memref<32768xf32, #tpu.memory_space<hbm>> -> memref<8192xf32, #tpu.memory_space<hbm>>
      tpu.wait_dma2 semaphore(%run_scoped3A : memref<!tpu.dma_semaphore, #tpu.memory_space<semaphore_mem>>) src(%dma_wait3A_60 : memref<8192xf32, #tpu.memory_space<hbm>>) dst(%arg12 : memref<8192xf32, #tpu.memory_space<vmem>>)
      tpu.yield
    }) : () -> ()
    %mul3A_23 = arith.constant 8192 : i32
    %mul3A_24 = arith.muli %select_n3A, %mul3A_23 : i32
    "tpu.region"() ({
      %run_scoped3A = tpu.sem_alloc : memref<!tpu.dma_semaphore, #tpu.memory_space<semaphore_mem>>
      %dma_start3A = tpu.memref_slice %arg4[%mul3A_24] : memref<32768xf32, #tpu.memory_space<hbm>> -> memref<8192xf32, #tpu.memory_space<hbm>>
      %dma_start3A_59 = tpu.memref_slice %arg4[%mul3A_24] : memref<32768xf32, #tpu.memory_space<hbm>> -> memref<8192xf32, #tpu.memory_space<hbm>>
      tpu.enqueue_dma source(%dma_start3A_59 : memref<8192xf32, #tpu.memory_space<hbm>>) target(%arg13 : memref<8192xf32, #tpu.memory_space<vmem>>) target_semaphore(%run_scoped3A : memref<!tpu.dma_semaphore, #tpu.memory_space<semaphore_mem>>)
      %dma_wait3A = tpu.memref_slice %arg4[%mul3A_24] : memref<32768xf32, #tpu.memory_space<hbm>> -> memref<8192xf32, #tpu.memory_space<hbm>>
      %dma_wait3A_60 = tpu.memref_slice %arg4[%mul3A_24] : memref<32768xf32, #tpu.memory_space<hbm>> -> memref<8192xf32, #tpu.memory_space<hbm>>
      tpu.wait_dma2 semaphore(%run_scoped3A : memref<!tpu.dma_semaphore, #tpu.memory_space<semaphore_mem>>) src(%dma_wait3A_60 : memref<8192xf32, #tpu.memory_space<hbm>>) dst(%arg13 : memref<8192xf32, #tpu.memory_space<vmem>>)
      tpu.yield
    }) : () -> ()
    %mul3A_25 = arith.constant 64 : i32
    %mul3A_26 = arith.muli %add3A, %mul3A_25 : i32
    %mul3A_27 = arith.constant 32 : i32
    %mul3A_28 = arith.muli %mul3A_26, %mul3A_27 : i32
    "tpu.region"() ({
      %run_scoped3A = tpu.sem_alloc : memref<!tpu.dma_semaphore, #tpu.memory_space<semaphore_mem>>
      %dma_start3A = tpu.memref_slice %arg8[%mul3A_28] : memref<65536xi32, #tpu.memory_space<hbm>> -> memref<2048xi32, #tpu.memory_space<hbm>>
      %dma_start3A_59 = tpu.memref_slice %arg8[%mul3A_28] : memref<65536xi32, #tpu.memory_space<hbm>> -> memref<2048xi32, #tpu.memory_space<hbm>>
      tpu.enqueue_dma source(%dma_start3A_59 : memref<2048xi32, #tpu.memory_space<hbm>>) target(%arg14 : memref<2048xi32, #tpu.memory_space<vmem>>) target_semaphore(%run_scoped3A : memref<!tpu.dma_semaphore, #tpu.memory_space<semaphore_mem>>)
      %dma_wait3A = tpu.memref_slice %arg8[%mul3A_28] : memref<65536xi32, #tpu.memory_space<hbm>> -> memref<2048xi32, #tpu.memory_space<hbm>>
      %dma_wait3A_60 = tpu.memref_slice %arg8[%mul3A_28] : memref<65536xi32, #tpu.memory_space<hbm>> -> memref<2048xi32, #tpu.memory_space<hbm>>
      tpu.wait_dma2 semaphore(%run_scoped3A : memref<!tpu.dma_semaphore, #tpu.memory_space<semaphore_mem>>) src(%dma_wait3A_60 : memref<2048xi32, #tpu.memory_space<hbm>>) dst(%arg14 : memref<2048xi32, #tpu.memory_space<vmem>>)
      tpu.yield
    }) : () -> ()
    %mul3A_29 = arith.constant 64 : i32
    %mul3A_30 = arith.muli %add3A, %mul3A_29 : i32
    %mul3A_31 = arith.constant 16 : i32
    %mul3A_32 = arith.muli %mul3A_30, %mul3A_31 : i32
    "tpu.region"() ({
      %run_scoped3A = tpu.sem_alloc : memref<!tpu.dma_semaphore, #tpu.memory_space<semaphore_mem>>
      %dma_start3A = tpu.memref_slice %arg5[%mul3A_32] : memref<32768xf32, #tpu.memory_space<hbm>> -> memref<1024xf32, #tpu.memory_space<hbm>>
      %dma_start3A_59 = tpu.memref_slice %arg5[%mul3A_32] : memref<32768xf32, #tpu.memory_space<hbm>> -> memref<1024xf32, #tpu.memory_space<hbm>>
      tpu.enqueue_dma source(%dma_start3A_59 : memref<1024xf32, #tpu.memory_space<hbm>>) target(%arg15 : memref<1024xf32, #tpu.memory_space<vmem>>) target_semaphore(%run_scoped3A : memref<!tpu.dma_semaphore, #tpu.memory_space<semaphore_mem>>)
      %dma_wait3A = tpu.memref_slice %arg5[%mul3A_32] : memref<32768xf32, #tpu.memory_space<hbm>> -> memref<1024xf32, #tpu.memory_space<hbm>>
      %dma_wait3A_60 = tpu.memref_slice %arg5[%mul3A_32] : memref<32768xf32, #tpu.memory_space<hbm>> -> memref<1024xf32, #tpu.memory_space<hbm>>
      tpu.wait_dma2 semaphore(%run_scoped3A : memref<!tpu.dma_semaphore, #tpu.memory_space<semaphore_mem>>) src(%dma_wait3A_60 : memref<1024xf32, #tpu.memory_space<hbm>>) dst(%arg15 : memref<1024xf32, #tpu.memory_space<vmem>>)
      tpu.yield
    }) : () -> ()
    %mul3A_33 = arith.constant 64 : i32
    %mul3A_34 = arith.muli %add3A, %mul3A_33 : i32
    %mul3A_35 = arith.constant 16 : i32
    %mul3A_36 = arith.muli %mul3A_34, %mul3A_35 : i32
    "tpu.region"() ({
      %run_scoped3A = tpu.sem_alloc : memref<!tpu.dma_semaphore, #tpu.memory_space<semaphore_mem>>
      %dma_start3A = tpu.memref_slice %arg6[%mul3A_36] : memref<32768xf32, #tpu.memory_space<hbm>> -> memref<1024xf32, #tpu.memory_space<hbm>>
      %dma_start3A_59 = tpu.memref_slice %arg6[%mul3A_36] : memref<32768xf32, #tpu.memory_space<hbm>> -> memref<1024xf32, #tpu.memory_space<hbm>>
      tpu.enqueue_dma source(%dma_start3A_59 : memref<1024xf32, #tpu.memory_space<hbm>>) target(%arg16 : memref<1024xf32, #tpu.memory_space<vmem>>) target_semaphore(%run_scoped3A : memref<!tpu.dma_semaphore, #tpu.memory_space<semaphore_mem>>)
      %dma_wait3A = tpu.memref_slice %arg6[%mul3A_36] : memref<32768xf32, #tpu.memory_space<hbm>> -> memref<1024xf32, #tpu.memory_space<hbm>>
      %dma_wait3A_60 = tpu.memref_slice %arg6[%mul3A_36] : memref<32768xf32, #tpu.memory_space<hbm>> -> memref<1024xf32, #tpu.memory_space<hbm>>
      tpu.wait_dma2 semaphore(%run_scoped3A : memref<!tpu.dma_semaphore, #tpu.memory_space<semaphore_mem>>) src(%dma_wait3A_60 : memref<1024xf32, #tpu.memory_space<hbm>>) dst(%arg16 : memref<1024xf32, #tpu.memory_space<vmem>>)
      tpu.yield
    }) : () -> ()
    %mul3A_37 = arith.constant 64 : i32
    %mul3A_38 = arith.muli %add3A, %mul3A_37 : i32
    %mul3A_39 = arith.constant 16 : i32
    %mul3A_40 = arith.muli %mul3A_38, %mul3A_39 : i32
    "tpu.region"() ({
      %run_scoped3A = tpu.sem_alloc : memref<!tpu.dma_semaphore, #tpu.memory_space<semaphore_mem>>
      %dma_start3A = tpu.memref_slice %arg7[%mul3A_40] : memref<32768xf32, #tpu.memory_space<hbm>> -> memref<1024xf32, #tpu.memory_space<hbm>>
      %dma_start3A_59 = tpu.memref_slice %arg7[%mul3A_40] : memref<32768xf32, #tpu.memory_space<hbm>> -> memref<1024xf32, #tpu.memory_space<hbm>>
      tpu.enqueue_dma source(%dma_start3A_59 : memref<1024xf32, #tpu.memory_space<hbm>>) target(%arg17 : memref<1024xf32, #tpu.memory_space<vmem>>) target_semaphore(%run_scoped3A : memref<!tpu.dma_semaphore, #tpu.memory_space<semaphore_mem>>)
      %dma_wait3A = tpu.memref_slice %arg7[%mul3A_40] : memref<32768xf32, #tpu.memory_space<hbm>> -> memref<1024xf32, #tpu.memory_space<hbm>>
      %dma_wait3A_60 = tpu.memref_slice %arg7[%mul3A_40] : memref<32768xf32, #tpu.memory_space<hbm>> -> memref<1024xf32, #tpu.memory_space<hbm>>
      tpu.wait_dma2 semaphore(%run_scoped3A : memref<!tpu.dma_semaphore, #tpu.memory_space<semaphore_mem>>) src(%dma_wait3A_60 : memref<1024xf32, #tpu.memory_space<hbm>>) dst(%arg17 : memref<1024xf32, #tpu.memory_space<vmem>>)
      tpu.yield
    }) : () -> ()
    %scan3A = arith.constant 0 : i32
    %scan3A_41 = arith.constant 0 : i32
    %scan3A_42 = arith.constant 64 : i32
    %scan3A_43 = arith.addi %scan3A_41, %scan3A_42 : i32
    %scan3A_44 = arith.constant 1 : i32
    %scan3A_45 = scf.for %scan3A_59 = %scan3A_41 to %scan3A_43 step %scan3A_44 iter_args(%scan3A_60 = %scan3A) -> (i32)  : i32 {
      %mul3A_61 = arith.constant 16 : i32
      %mul3A_62 = arith.muli %scan3A_59, %mul3A_61 : i32
      %get3A = arith.index_cast %mul3A_62 : i32 to index
      %get3A_63 = tpu.vector_load %arg15[%get3A] {strides = array<i32>} : memref<1024xf32, #tpu.memory_space<vmem>>, vector<16xf32>,
      %mul3A_64 = arith.constant 16 : i32
      %mul3A_65 = arith.muli %scan3A_59, %mul3A_64 : i32
      %get3A_66 = arith.index_cast %mul3A_65 : i32 to index
      %get3A_67 = tpu.vector_load %arg16[%get3A_66] {strides = array<i32>} : memref<1024xf32, #tpu.memory_space<vmem>>, vector<16xf32>,
      %mul3A_68 = arith.constant 16 : i32
      %mul3A_69 = arith.muli %scan3A_59, %mul3A_68 : i32
      %get3A_70 = arith.index_cast %mul3A_69 : i32 to index
      %get3A_71 = tpu.vector_load %arg17[%get3A_70] {strides = array<i32>} : memref<1024xf32, #tpu.memory_space<vmem>>, vector<16xf32>,
      %mul3A_72 = arith.mulf %get3A_63, %get3A_63 : vector<16xf32>
      %mul3A_73 = arith.mulf %get3A_67, %get3A_67 : vector<16xf32>
      %add3A_74 = arith.addf %mul3A_72, %mul3A_73 : vector<16xf32>
      %mul3A_75 = arith.mulf %get3A_71, %get3A_71 : vector<16xf32>
      %add3A_76 = arith.addf %add3A_74, %mul3A_75 : vector<16xf32>
      %bitcast3A = vector.bitcast %get3A_63 : vector<16xf32> to vector<16xi32>
      %add3A_77 = arith.constant 32767 : i32
      %add3A_78 = vector.broadcast %add3A_77 : i32 to vector<16xi32>
      %add3A_79 = arith.addi %bitcast3A, %add3A_78 : vector<16xi32>
      %shift_right_logical3A = arith.constant 16 : i32
      %shift_right_logical3A_80 = vector.broadcast %shift_right_logical3A : i32 to vector<16xi32>
      %shift_right_logical3A_81 = arith.shrui %bitcast3A, %shift_right_logical3A_80 : vector<16xi32>
      %and3A_82 = arith.constant 1 : i32
      %and3A_83 = vector.broadcast %and3A_82 : i32 to vector<16xi32>
      %and3A_84 = arith.andi %shift_right_logical3A_81, %and3A_83 : vector<16xi32>
      %add3A_85 = arith.addi %add3A_79, %and3A_84 : vector<16xi32>
      %and3A_86 = arith.constant -65536 : i32
      %and3A_87 = vector.broadcast %and3A_86 : i32 to vector<16xi32>
      %and3A_88 = arith.andi %add3A_85, %and3A_87 : vector<16xi32>
      %bitcast3A_89 = vector.bitcast %and3A_88 : vector<16xi32> to vector<16xf32>
      %bitcast3A_90 = vector.bitcast %get3A_67 : vector<16xf32> to vector<16xi32>
      %add3A_91 = arith.constant 32767 : i32
      %add3A_92 = vector.broadcast %add3A_91 : i32 to vector<16xi32>
      %add3A_93 = arith.addi %bitcast3A_90, %add3A_92 : vector<16xi32>
      %shift_right_logical3A_94 = arith.constant 16 : i32
      %shift_right_logical3A_95 = vector.broadcast %shift_right_logical3A_94 : i32 to vector<16xi32>
      %shift_right_logical3A_96 = arith.shrui %bitcast3A_90, %shift_right_logical3A_95 : vector<16xi32>
      %and3A_97 = arith.constant 1 : i32
      %and3A_98 = vector.broadcast %and3A_97 : i32 to vector<16xi32>
      %and3A_99 = arith.andi %shift_right_logical3A_96, %and3A_98 : vector<16xi32>
      %add3A_100 = arith.addi %add3A_93, %and3A_99 : vector<16xi32>
      %and3A_101 = arith.constant -65536 : i32
      %and3A_102 = vector.broadcast %and3A_101 : i32 to vector<16xi32>
      %and3A_103 = arith.andi %add3A_100, %and3A_102 : vector<16xi32>
      %bitcast3A_104 = vector.bitcast %and3A_103 : vector<16xi32> to vector<16xf32>
      %bitcast3A_105 = vector.bitcast %get3A_71 : vector<16xf32> to vector<16xi32>
      %add3A_106 = arith.constant 32767 : i32
      %add3A_107 = vector.broadcast %add3A_106 : i32 to vector<16xi32>
      %add3A_108 = arith.addi %bitcast3A_105, %add3A_107 : vector<16xi32>
      %shift_right_logical3A_109 = arith.constant 16 : i32
      %shift_right_logical3A_110 = vector.broadcast %shift_right_logical3A_109 : i32 to vector<16xi32>
      %shift_right_logical3A_111 = arith.shrui %bitcast3A_105, %shift_right_logical3A_110 : vector<16xi32>
      %and3A_112 = arith.constant 1 : i32
      %and3A_113 = vector.broadcast %and3A_112 : i32 to vector<16xi32>
      %and3A_114 = arith.andi %shift_right_logical3A_111, %and3A_113 : vector<16xi32>
      %add3A_115 = arith.addi %add3A_108, %and3A_114 : vector<16xi32>
      %and3A_116 = arith.constant -65536 : i32
      %and3A_117 = vector.broadcast %and3A_116 : i32 to vector<16xi32>
      %and3A_118 = arith.andi %add3A_115, %and3A_117 : vector<16xi32>
      %bitcast3A_119 = vector.bitcast %and3A_118 : vector<16xi32> to vector<16xf32>
      %mul3A_120 = arith.constant 32 : i32
      %mul3A_121 = arith.muli %scan3A_59, %mul3A_120 : i32
      %add3A_122 = arith.constant 0 : i32
      %add3A_123 = arith.addi %mul3A_121, %add3A_122 : i32
      %get3A_124 = arith.index_cast %add3A_123 : i32 to index
      %get3A_125 = tpu.vector_load %arg14[%get3A_124] {strides = array<i32>} : memref<2048xi32, #tpu.memory_space<vmem>>, vector<16xi32>,
      %add3A_126 = arith.constant 0 : i32
      %add3A_127 = vector.broadcast %add3A_126 : i32 to vector<16xi32>
      %add3A_128 = arith.addi %get3A_125, %add3A_127 : vector<16xi32>
      %gather3A = tpu.vector_load_idx %arg11[%add3A_128] : memref<8192xf32, #tpu.memory_space<vmem>>[vector<16xi32>], vector<16xf32>,
      %gather3A_129 = tpu.vector_load_idx %arg12[%add3A_128] : memref<8192xf32, #tpu.memory_space<vmem>>[vector<16xi32>], vector<16xf32>,
      %gather3A_130 = tpu.vector_load_idx %arg13[%add3A_128] : memref<8192xf32, #tpu.memory_space<vmem>>[vector<16xi32>], vector<16xf32>,
      %mul3A_131 = arith.mulf %gather3A, %gather3A : vector<16xf32>
      %mul3A_132 = arith.mulf %gather3A_129, %gather3A_129 : vector<16xf32>
      %add3A_133 = arith.addf %mul3A_131, %mul3A_132 : vector<16xf32>
      %mul3A_134 = arith.mulf %gather3A_130, %gather3A_130 : vector<16xf32>
      %add3A_135 = arith.addf %add3A_133, %mul3A_134 : vector<16xf32>
      %bitcast3A_136 = vector.bitcast %gather3A : vector<16xf32> to vector<16xi32>
      %add3A_137 = arith.constant 32767 : i32
      %add3A_138 = vector.broadcast %add3A_137 : i32 to vector<16xi32>
      %add3A_139 = arith.addi %bitcast3A_136, %add3A_138 : vector<16xi32>
      %shift_right_logical3A_140 = arith.constant 16 : i32
      %shift_right_logical3A_141 = vector.broadcast %shift_right_logical3A_140 : i32 to vector<16xi32>
      %shift_right_logical3A_142 = arith.shrui %bitcast3A_136, %shift_right_logical3A_141 : vector<16xi32>
      %and3A_143 = arith.constant 1 : i32
      %and3A_144 = vector.broadcast %and3A_143 : i32 to vector<16xi32>
      %and3A_145 = arith.andi %shift_right_logical3A_142, %and3A_144 : vector<16xi32>
      %add3A_146 = arith.addi %add3A_139, %and3A_145 : vector<16xi32>
      %and3A_147 = arith.constant -65536 : i32
      %and3A_148 = vector.broadcast %and3A_147 : i32 to vector<16xi32>
      %and3A_149 = arith.andi %add3A_146, %and3A_148 : vector<16xi32>
      %bitcast3A_150 = vector.bitcast %and3A_149 : vector<16xi32> to vector<16xf32>
      %bitcast3A_151 = vector.bitcast %gather3A_129 : vector<16xf32> to vector<16xi32>
      %add3A_152 = arith.constant 32767 : i32
      %add3A_153 = vector.broadcast %add3A_152 : i32 to vector<16xi32>
      %add3A_154 = arith.addi %bitcast3A_151, %add3A_153 : vector<16xi32>
      %shift_right_logical3A_155 = arith.constant 16 : i32
      %shift_right_logical3A_156 = vector.broadcast %shift_right_logical3A_155 : i32 to vector<16xi32>
      %shift_right_logical3A_157 = arith.shrui %bitcast3A_151, %shift_right_logical3A_156 : vector<16xi32>
      %and3A_158 = arith.constant 1 : i32
      %and3A_159 = vector.broadcast %and3A_158 : i32 to vector<16xi32>
      %and3A_160 = arith.andi %shift_right_logical3A_157, %and3A_159 : vector<16xi32>
      %add3A_161 = arith.addi %add3A_154, %and3A_160 : vector<16xi32>
      %and3A_162 = arith.constant -65536 : i32
      %and3A_163 = vector.broadcast %and3A_162 : i32 to vector<16xi32>
      %and3A_164 = arith.andi %add3A_161, %and3A_163 : vector<16xi32>
      %bitcast3A_165 = vector.bitcast %and3A_164 : vector<16xi32> to vector<16xf32>
      %bitcast3A_166 = vector.bitcast %gather3A_130 : vector<16xf32> to vector<16xi32>
      %add3A_167 = arith.constant 32767 : i32
      %add3A_168 = vector.broadcast %add3A_167 : i32 to vector<16xi32>
      %add3A_169 = arith.addi %bitcast3A_166, %add3A_168 : vector<16xi32>
      %shift_right_logical3A_170 = arith.constant 16 : i32
      %shift_right_logical3A_171 = vector.broadcast %shift_right_logical3A_170 : i32 to vector<16xi32>
      %shift_right_logical3A_172 = arith.shrui %bitcast3A_166, %shift_right_logical3A_171 : vector<16xi32>
      %and3A_173 = arith.constant 1 : i32
      %and3A_174 = vector.broadcast %and3A_173 : i32 to vector<16xi32>
      %and3A_175 = arith.andi %shift_right_logical3A_172, %and3A_174 : vector<16xi32>
      %add3A_176 = arith.addi %add3A_169, %and3A_175 : vector<16xi32>
      %and3A_177 = arith.constant -65536 : i32
      %and3A_178 = vector.broadcast %and3A_177 : i32 to vector<16xi32>
      %and3A_179 = arith.andi %add3A_176, %and3A_178 : vector<16xi32>
      %bitcast3A_180 = vector.bitcast %and3A_179 : vector<16xi32> to vector<16xf32>
      %mul3A_181 = arith.mulf %bitcast3A_89, %bitcast3A_150 : vector<16xf32>
      %mul3A_182 = arith.mulf %bitcast3A_104, %bitcast3A_165 : vector<16xf32>
      %add3A_183 = arith.addf %mul3A_181, %mul3A_182 : vector<16xf32>
      %mul3A_184 = arith.mulf %bitcast3A_119, %bitcast3A_180 : vector<16xf32>
      %add3A_185 = arith.addf %add3A_183, %mul3A_184 : vector<16xf32>
      %mul3A_186 = arith.constant 512 : i32
      %mul3A_187 = arith.muli %scan3A_59, %mul3A_186 : i32
      %add3A_188 = arith.constant 0 : i32
      %add3A_189 = arith.addi %mul3A_187, %add3A_188 : i32
      %add3A_190 = arith.addf %add3A_76, %add3A_135 : vector<16xf32>
      %mul3A_191 = arith.constant 2.000000e+00 : f32
      %mul3A_192 = vector.broadcast %mul3A_191 : f32 to vector<16xf32>
      %mul3A_193 = arith.mulf %mul3A_192, %add3A_185 : vector<16xf32>
      %sub3A_194 = arith.subf %add3A_190, %mul3A_193 : vector<16xf32>
      %swap3A = arith.index_cast %add3A_189 : i32 to index
      %swap3A_195 = tpu.vector_load %arg18[%swap3A] {strides = array<i32>} : memref<32768xf32, #tpu.memory_space<vmem>>, vector<16xf32>,
      tpu.vector_store %arg18[%swap3A], %sub3A_194 {strides = array<i32>} : memref<32768xf32, #tpu.memory_space<vmem>>, vector<16xf32>,
      %swap3A_196 = arith.index_cast %add3A_189 : i32 to index
      %swap3A_197 = tpu.vector_load %arg19[%swap3A_196] {strides = array<i32>} : memref<32768xi32, #tpu.memory_space<vmem>>, vector<16xi32>,
      tpu.vector_store %arg19[%swap3A_196], %add3A_128 {strides = array<i32>} : memref<32768xi32, #tpu.memory_space<vmem>>, vector<16xi32>,
      %add3A_198 = arith.constant 512 : i32
      %add3A_199 = vector.broadcast %add3A_198 : i32 to vector<16xi32>
      %add3A_200 = arith.addi %get3A_125, %add3A_199 : vector<16xi32>
      %gather3A_201 = tpu.vector_load_idx %arg11[%add3A_200] : memref<8192xf32, #tpu.memory_space<vmem>>[vector<16xi32>], vector<16xf32>,
      %gather3A_202 = tpu.vector_load_idx %arg12[%add3A_200] : memref<8192xf32, #tpu.memory_space<vmem>>[vector<16xi32>], vector<16xf32>,
      %gather3A_203 = tpu.vector_load_idx %arg13[%add3A_200] : memref<8192xf32, #tpu.memory_space<vmem>>[vector<16xi32>], vector<16xf32>,
      %mul3A_204 = arith.mulf %gather3A_201, %gather3A_201 : vector<16xf32>
      %mul3A_205 = arith.mulf %gather3A_202, %gather3A_202 : vector<16xf32>
      %add3A_206 = arith.addf %mul3A_204, %mul3A_205 : vector<16xf32>
      %mul3A_207 = arith.mulf %gather3A_203, %gather3A_203 : vector<16xf32>
      %add3A_208 = arith.addf %add3A_206, %mul3A_207 : vector<16xf32>
      %bitcast3A_209 = vector.bitcast %gather3A_201 : vector<16xf32> to vector<16xi32>
      %add3A_210 = arith.constant 32767 : i32
      %add3A_211 = vector.broadcast %add3A_210 : i32 to vector<16xi32>
      %add3A_212 = arith.addi %bitcast3A_209, %add3A_211 : vector<16xi32>
      %shift_right_logical3A_213 = arith.constant 16 : i32
      %shift_right_logical3A_214 = vector.broadcast %shift_right_logical3A_213 : i32 to vector<16xi32>
      %shift_right_logical3A_215 = arith.shrui %bitcast3A_209, %shift_right_logical3A_214 : vector<16xi32>
      %and3A_216 = arith.constant 1 : i32
      %and3A_217 = vector.broadcast %and3A_216 : i32 to vector<16xi32>
      %and3A_218 = arith.andi %shift_right_logical3A_215, %and3A_217 : vector<16xi32>
      %add3A_219 = arith.addi %add3A_212, %and3A_218 : vector<16xi32>
      %and3A_220 = arith.constant -65536 : i32
      %and3A_221 = vector.broadcast %and3A_220 : i32 to vector<16xi32>
      %and3A_222 = arith.andi %add3A_219, %and3A_221 : vector<16xi32>
      %bitcast3A_223 = vector.bitcast %and3A_222 : vector<16xi32> to vector<16xf32>
      %bitcast3A_224 = vector.bitcast %gather3A_202 : vector<16xf32> to vector<16xi32>
      %add3A_225 = arith.constant 32767 : i32
      %add3A_226 = vector.broadcast %add3A_225 : i32 to vector<16xi32>
      %add3A_227 = arith.addi %bitcast3A_224, %add3A_226 : vector<16xi32>
      %shift_right_logical3A_228 = arith.constant 16 : i32
      %shift_right_logical3A_229 = vector.broadcast %shift_right_logical3A_228 : i32 to vector<16xi32>
      %shift_right_logical3A_230 = arith.shrui %bitcast3A_224, %shift_right_logical3A_229 : vector<16xi32>
      %and3A_231 = arith.constant 1 : i32
      %and3A_232 = vector.broadcast %and3A_231 : i32 to vector<16xi32>
      %and3A_233 = arith.andi %shift_right_logical3A_230, %and3A_232 : vector<16xi32>
      %add3A_234 = arith.addi %add3A_227, %and3A_233 : vector<16xi32>
      %and3A_235 = arith.constant -65536 : i32
      %and3A_236 = vector.broadcast %and3A_235 : i32 to vector<16xi32>
      %and3A_237 = arith.andi %add3A_234, %and3A_236 : vector<16xi32>
      %bitcast3A_238 = vector.bitcast %and3A_237 : vector<16xi32> to vector<16xf32>
      %bitcast3A_239 = vector.bitcast %gather3A_203 : vector<16xf32> to vector<16xi32>
      %add3A_240 = arith.constant 32767 : i32
      %add3A_241 = vector.broadcast %add3A_240 : i32 to vector<16xi32>
      %add3A_242 = arith.addi %bitcast3A_239, %add3A_241 : vector<16xi32>
      %shift_right_logical3A_243 = arith.constant 16 : i32
      %shift_right_logical3A_244 = vector.broadcast %shift_right_logical3A_243 : i32 to vector<16xi32>
      %shift_right_logical3A_245 = arith.shrui %bitcast3A_239, %shift_right_logical3A_244 : vector<16xi32>
      %and3A_246 = arith.constant 1 : i32
      %and3A_247 = vector.broadcast %and3A_246 : i32 to vector<16xi32>
      %and3A_248 = arith.andi %shift_right_logical3A_245, %and3A_247 : vector<16xi32>
      %add3A_249 = arith.addi %add3A_242, %and3A_248 : vector<16xi32>
      %and3A_250 = arith.constant -65536 : i32
      %and3A_251 = vector.broadcast %and3A_250 : i32 to vector<16xi32>
      %and3A_252 = arith.andi %add3A_249, %and3A_251 : vector<16xi32>
      %bitcast3A_253 = vector.bitcast %and3A_252 : vector<16xi32> to vector<16xf32>
      %mul3A_254 = arith.mulf %bitcast3A_89, %bitcast3A_223 : vector<16xf32>
      %mul3A_255 = arith.mulf %bitcast3A_104, %bitcast3A_238 : vector<16xf32>
      %add3A_256 = arith.addf %mul3A_254, %mul3A_255 : vector<16xf32>
      %mul3A_257 = arith.mulf %bitcast3A_119, %bitcast3A_253 : vector<16xf32>
      %add3A_258 = arith.addf %add3A_256, %mul3A_257 : vector<16xf32>
      %mul3A_259 = arith.constant 512 : i32
      %mul3A_260 = arith.muli %scan3A_59, %mul3A_259 : i32
      %add3A_261 = arith.constant 16 : i32
      %add3A_262 = arith.addi %mul3A_260, %add3A_261 : i32
      %add3A_263 = arith.addf %add3A_76, %add3A_208 : vector<16xf32>
      %mul3A_264 = arith.constant 2.000000e+00 : f32
      %mul3A_265 = vector.broadcast %mul3A_264 : f32 to vector<16xf32>
      %mul3A_266 = arith.mulf %mul3A_265, %add3A_258 : vector<16xf32>
      %sub3A_267 = arith.subf %add3A_263, %mul3A_266 : vector<16xf32>
      %swap3A_268 = arith.index_cast %add3A_262 : i32 to index
      %swap3A_269 = tpu.vector_load %arg18[%swap3A_268] {strides = array<i32>} : memref<32768xf32, #tpu.memory_space<vmem>>, vector<16xf32>,
      tpu.vector_store %arg18[%swap3A_268], %sub3A_267 {strides = array<i32>} : memref<32768xf32, #tpu.memory_space<vmem>>, vector<16xf32>,
      %swap3A_270 = arith.index_cast %add3A_262 : i32 to index
      %swap3A_271 = tpu.vector_load %arg19[%swap3A_270] {strides = array<i32>} : memref<32768xi32, #tpu.memory_space<vmem>>, vector<16xi32>,
      tpu.vector_store %arg19[%swap3A_270], %add3A_200 {strides = array<i32>} : memref<32768xi32, #tpu.memory_space<vmem>>, vector<16xi32>,
      %add3A_272 = arith.constant 1024 : i32
      %add3A_273 = vector.broadcast %add3A_272 : i32 to vector<16xi32>
      %add3A_274 = arith.addi %get3A_125, %add3A_273 : vector<16xi32>
      %gather3A_275 = tpu.vector_load_idx %arg11[%add3A_274] : memref<8192xf32, #tpu.memory_space<vmem>>[vector<16xi32>], vector<16xf32>,
      %gather3A_276 = tpu.vector_load_idx %arg12[%add3A_274] : memref<8192xf32, #tpu.memory_space<vmem>>[vector<16xi32>], vector<16xf32>,
      %gather3A_277 = tpu.vector_load_idx %arg13[%add3A_274] : memref<8192xf32, #tpu.memory_space<vmem>>[vector<16xi32>], vector<16xf32>,
      %mul3A_278 = arith.mulf %gather3A_275, %gather3A_275 : vector<16xf32>
      %mul3A_279 = arith.mulf %gather3A_276, %gather3A_276 : vector<16xf32>
      %add3A_280 = arith.addf %mul3A_278, %mul3A_279 : vector<16xf32>
      %mul3A_281 = arith.mulf %gather3A_277, %gather3A_277 : vector<16xf32>
      %add3A_282 = arith.addf %add3A_280, %mul3A_281 : vector<16xf32>
      %bitcast3A_283 = vector.bitcast %gather3A_275 : vector<16xf32> to vector<16xi32>
      %add3A_284 = arith.constant 32767 : i32
      %add3A_285 = vector.broadcast %add3A_284 : i32 to vector<16xi32>
      %add3A_286 = arith.addi %bitcast3A_283, %add3A_285 : vector<16xi32>
      %shift_right_logical3A_287 = arith.constant 16 : i32
      %shift_right_logical3A_288 = vector.broadcast %shift_right_logical3A_287 : i32 to vector<16xi32>
      %shift_right_logical3A_289 = arith.shrui %bitcast3A_283, %shift_right_logical3A_288 : vector<16xi32>
      %and3A_290 = arith.constant 1 : i32
      %and3A_291 = vector.broadcast %and3A_290 : i32 to vector<16xi32>
      %and3A_292 = arith.andi %shift_right_logical3A_289, %and3A_291 : vector<16xi32>
      %add3A_293 = arith.addi %add3A_286, %and3A_292 : vector<16xi32>
      %and3A_294 = arith.constant -65536 : i32
      %and3A_295 = vector.broadcast %and3A_294 : i32 to vector<16xi32>
      %and3A_296 = arith.andi %add3A_293, %and3A_295 : vector<16xi32>
      %bitcast3A_297 = vector.bitcast %and3A_296 : vector<16xi32> to vector<16xf32>
      %bitcast3A_298 = vector.bitcast %gather3A_276 : vector<16xf32> to vector<16xi32>
      %add3A_299 = arith.constant 32767 : i32
      %add3A_300 = vector.broadcast %add3A_299 : i32 to vector<16xi32>
      %add3A_301 = arith.addi %bitcast3A_298, %add3A_300 : vector<16xi32>
      %shift_right_logical3A_302 = arith.constant 16 : i32
      %shift_right_logical3A_303 = vector.broadcast %shift_right_logical3A_302 : i32 to vector<16xi32>
      %shift_right_logical3A_304 = arith.shrui %bitcast3A_298, %shift_right_logical3A_303 : vector<16xi32>
      %and3A_305 = arith.constant 1 : i32
      %and3A_306 = vector.broadcast %and3A_305 : i32 to vector<16xi32>
      %and3A_307 = arith.andi %shift_right_logical3A_304, %and3A_306 : vector<16xi32>
      %add3A_308 = arith.addi %add3A_301, %and3A_307 : vector<16xi32>
      %and3A_309 = arith.constant -65536 : i32
      %and3A_310 = vector.broadcast %and3A_309 : i32 to vector<16xi32>
      %and3A_311 = arith.andi %add3A_308, %and3A_310 : vector<16xi32>
      %bitcast3A_312 = vector.bitcast %and3A_311 : vector<16xi32> to vector<16xf32>
      %bitcast3A_313 = vector.bitcast %gather3A_277 : vector<16xf32> to vector<16xi32>
      %add3A_314 = arith.constant 32767 : i32
      %add3A_315 = vector.broadcast %add3A_314 : i32 to vector<16xi32>
      %add3A_316 = arith.addi %bitcast3A_313, %add3A_315 : vector<16xi32>
      %shift_right_logical3A_317 = arith.constant 16 : i32
      %shift_right_logical3A_318 = vector.broadcast %shift_right_logical3A_317 : i32 to vector<16xi32>
      %shift_right_logical3A_319 = arith.shrui %bitcast3A_313, %shift_right_logical3A_318 : vector<16xi32>
      %and3A_320 = arith.constant 1 : i32
      %and3A_321 = vector.broadcast %and3A_320 : i32 to vector<16xi32>
      %and3A_322 = arith.andi %shift_right_logical3A_319, %and3A_321 : vector<16xi32>
      %add3A_323 = arith.addi %add3A_316, %and3A_322 : vector<16xi32>
      %and3A_324 = arith.constant -65536 : i32
      %and3A_325 = vector.broadcast %and3A_324 : i32 to vector<16xi32>
      %and3A_326 = arith.andi %add3A_323, %and3A_325 : vector<16xi32>
      %bitcast3A_327 = vector.bitcast %and3A_326 : vector<16xi32> to vector<16xf32>
      %mul3A_328 = arith.mulf %bitcast3A_89, %bitcast3A_297 : vector<16xf32>
      %mul3A_329 = arith.mulf %bitcast3A_104, %bitcast3A_312 : vector<16xf32>
      %add3A_330 = arith.addf %mul3A_328, %mul3A_329 : vector<16xf32>
      %mul3A_331 = arith.mulf %bitcast3A_119, %bitcast3A_327 : vector<16xf32>
      %add3A_332 = arith.addf %add3A_330, %mul3A_331 : vector<16xf32>
      %mul3A_333 = arith.constant 512 : i32
      %mul3A_334 = arith.muli %scan3A_59, %mul3A_333 : i32
      %add3A_335 = arith.constant 32 : i32
      %add3A_336 = arith.addi %mul3A_334, %add3A_335 : i32
      %add3A_337 = arith.addf %add3A_76, %add3A_282 : vector<16xf32>
      %mul3A_338 = arith.constant 2.000000e+00 : f32
      %mul3A_339 = vector.broadcast %mul3A_338 : f32 to vector<16xf32>
      %mul3A_340 = arith.mulf %mul3A_339, %add3A_332 : vector<16xf32>
      %sub3A_341 = arith.subf %add3A_337, %mul3A_340 : vector<16xf32>
      %swap3A_342 = arith.index_cast %add3A_336 : i32 to index
      %swap3A_343 = tpu.vector_load %arg18[%swap3A_342] {strides = array<i32>} : memref<32768xf32, #tpu.memory_space<vmem>>, vector<16xf32>,
      tpu.vector_store %arg18[%swap3A_342], %sub3A_341 {strides = array<i32>} : memref<32768xf32, #tpu.memory_space<vmem>>, vector<16xf32>,
      %swap3A_344 = arith.index_cast %add3A_336 : i32 to index
      %swap3A_345 = tpu.vector_load %arg19[%swap3A_344] {strides = array<i32>} : memref<32768xi32, #tpu.memory_space<vmem>>, vector<16xi32>,
      tpu.vector_store %arg19[%swap3A_344], %add3A_274 {strides = array<i32>} : memref<32768xi32, #tpu.memory_space<vmem>>, vector<16xi32>,
      %add3A_346 = arith.constant 1536 : i32
      %add3A_347 = vector.broadcast %add3A_346 : i32 to vector<16xi32>
      %add3A_348 = arith.addi %get3A_125, %add3A_347 : vector<16xi32>
      %gather3A_349 = tpu.vector_load_idx %arg11[%add3A_348] : memref<8192xf32, #tpu.memory_space<vmem>>[vector<16xi32>], vector<16xf32>,
      %gather3A_350 = tpu.vector_load_idx %arg12[%add3A_348] : memref<8192xf32, #tpu.memory_space<vmem>>[vector<16xi32>], vector<16xf32>,
      %gather3A_351 = tpu.vector_load_idx %arg13[%add3A_348] : memref<8192xf32, #tpu.memory_space<vmem>>[vector<16xi32>], vector<16xf32>,
      %mul3A_352 = arith.mulf %gather3A_349, %gather3A_349 : vector<16xf32>
      %mul3A_353 = arith.mulf %gather3A_350, %gather3A_350 : vector<16xf32>
      %add3A_354 = arith.addf %mul3A_352, %mul3A_353 : vector<16xf32>
      %mul3A_355 = arith.mulf %gather3A_351, %gather3A_351 : vector<16xf32>
      %add3A_356 = arith.addf %add3A_354, %mul3A_355 : vector<16xf32>
      %bitcast3A_357 = vector.bitcast %gather3A_349 : vector<16xf32> to vector<16xi32>
      %add3A_358 = arith.constant 32767 : i32
      %add3A_359 = vector.broadcast %add3A_358 : i32 to vector<16xi32>
      %add3A_360 = arith.addi %bitcast3A_357, %add3A_359 : vector<16xi32>
      %shift_right_logical3A_361 = arith.constant 16 : i32
      %shift_right_logical3A_362 = vector.broadcast %shift_right_logical3A_361 : i32 to vector<16xi32>
      %shift_right_logical3A_363 = arith.shrui %bitcast3A_357, %shift_right_logical3A_362 : vector<16xi32>
      %and3A_364 = arith.constant 1 : i32
      %and3A_365 = vector.broadcast %and3A_364 : i32 to vector<16xi32>
      %and3A_366 = arith.andi %shift_right_logical3A_363, %and3A_365 : vector<16xi32>
      %add3A_367 = arith.addi %add3A_360, %and3A_366 : vector<16xi32>
      %and3A_368 = arith.constant -65536 : i32
      %and3A_369 = vector.broadcast %and3A_368 : i32 to vector<16xi32>
      %and3A_370 = arith.andi %add3A_367, %and3A_369 : vector<16xi32>
      %bitcast3A_371 = vector.bitcast %and3A_370 : vector<16xi32> to vector<16xf32>
      %bitcast3A_372 = vector.bitcast %gather3A_350 : vector<16xf32> to vector<16xi32>
      %add3A_373 = arith.constant 32767 : i32
      %add3A_374 = vector.broadcast %add3A_373 : i32 to vector<16xi32>
      %add3A_375 = arith.addi %bitcast3A_372, %add3A_374 : vector<16xi32>
      %shift_right_logical3A_376 = arith.constant 16 : i32
      %shift_right_logical3A_377 = vector.broadcast %shift_right_logical3A_376 : i32 to vector<16xi32>
      %shift_right_logical3A_378 = arith.shrui %bitcast3A_372, %shift_right_logical3A_377 : vector<16xi32>
      %and3A_379 = arith.constant 1 : i32
      %and3A_380 = vector.broadcast %and3A_379 : i32 to vector<16xi32>
      %and3A_381 = arith.andi %shift_right_logical3A_378, %and3A_380 : vector<16xi32>
      %add3A_382 = arith.addi %add3A_375, %and3A_381 : vector<16xi32>
      %and3A_383 = arith.constant -65536 : i32
      %and3A_384 = vector.broadcast %and3A_383 : i32 to vector<16xi32>
      %and3A_385 = arith.andi %add3A_382, %and3A_384 : vector<16xi32>
      %bitcast3A_386 = vector.bitcast %and3A_385 : vector<16xi32> to vector<16xf32>
      %bitcast3A_387 = vector.bitcast %gather3A_351 : vector<16xf32> to vector<16xi32>
      %add3A_388 = arith.constant 32767 : i32
      %add3A_389 = vector.broadcast %add3A_388 : i32 to vector<16xi32>
      %add3A_390 = arith.addi %bitcast3A_387, %add3A_389 : vector<16xi32>
      %shift_right_logical3A_391 = arith.constant 16 : i32
      %shift_right_logical3A_392 = vector.broadcast %shift_right_logical3A_391 : i32 to vector<16xi32>
      %shift_right_logical3A_393 = arith.shrui %bitcast3A_387, %shift_right_logical3A_392 : vector<16xi32>
      %and3A_394 = arith.constant 1 : i32
      %and3A_395 = vector.broadcast %and3A_394 : i32 to vector<16xi32>
      %and3A_396 = arith.andi %shift_right_logical3A_393, %and3A_395 : vector<16xi32>
      %add3A_397 = arith.addi %add3A_390, %and3A_396 : vector<16xi32>
      %and3A_398 = arith.constant -65536 : i32
      %and3A_399 = vector.broadcast %and3A_398 : i32 to vector<16xi32>
      %and3A_400 = arith.andi %add3A_397, %and3A_399 : vector<16xi32>
      %bitcast3A_401 = vector.bitcast %and3A_400 : vector<16xi32> to vector<16xf32>
      %mul3A_402 = arith.mulf %bitcast3A_89, %bitcast3A_371 : vector<16xf32>
      %mul3A_403 = arith.mulf %bitcast3A_104, %bitcast3A_386 : vector<16xf32>
      %add3A_404 = arith.addf %mul3A_402, %mul3A_403 : vector<16xf32>
      %mul3A_405 = arith.mulf %bitcast3A_119, %bitcast3A_401 : vector<16xf32>
      %add3A_406 = arith.addf %add3A_404, %mul3A_405 : vector<16xf32>
      %mul3A_407 = arith.constant 512 : i32
      %mul3A_408 = arith.muli %scan3A_59, %mul3A_407 : i32
      %add3A_409 = arith.constant 48 : i32
      %add3A_410 = arith.addi %mul3A_408, %add3A_409 : i32
      %add3A_411 = arith.addf %add3A_76, %add3A_356 : vector<16xf32>
      %mul3A_412 = arith.constant 2.000000e+00 : f32
      %mul3A_413 = vector.broadcast %mul3A_412 : f32 to vector<16xf32>
      %mul3A_414 = arith.mulf %mul3A_413, %add3A_406 : vector<16xf32>
      %sub3A_415 = arith.subf %add3A_411, %mul3A_414 : vector<16xf32>
      %swap3A_416 = arith.index_cast %add3A_410 : i32 to index
      %swap3A_417 = tpu.vector_load %arg18[%swap3A_416] {strides = array<i32>} : memref<32768xf32, #tpu.memory_space<vmem>>, vector<16xf32>,
      tpu.vector_store %arg18[%swap3A_416], %sub3A_415 {strides = array<i32>} : memref<32768xf32, #tpu.memory_space<vmem>>, vector<16xf32>,
      %swap3A_418 = arith.index_cast %add3A_410 : i32 to index
      %swap3A_419 = tpu.vector_load %arg19[%swap3A_418] {strides = array<i32>} : memref<32768xi32, #tpu.memory_space<vmem>>, vector<16xi32>,
      tpu.vector_store %arg19[%swap3A_418], %add3A_348 {strides = array<i32>} : memref<32768xi32, #tpu.memory_space<vmem>>, vector<16xi32>,
      %add3A_420 = arith.constant 2048 : i32
      %add3A_421 = vector.broadcast %add3A_420 : i32 to vector<16xi32>
      %add3A_422 = arith.addi %get3A_125, %add3A_421 : vector<16xi32>
      %gather3A_423 = tpu.vector_load_idx %arg11[%add3A_422] : memref<8192xf32, #tpu.memory_space<vmem>>[vector<16xi32>], vector<16xf32>,
      %gather3A_424 = tpu.vector_load_idx %arg12[%add3A_422] : memref<8192xf32, #tpu.memory_space<vmem>>[vector<16xi32>], vector<16xf32>,
      %gather3A_425 = tpu.vector_load_idx %arg13[%add3A_422] : memref<8192xf32, #tpu.memory_space<vmem>>[vector<16xi32>], vector<16xf32>,
      %mul3A_426 = arith.mulf %gather3A_423, %gather3A_423 : vector<16xf32>
      %mul3A_427 = arith.mulf %gather3A_424, %gather3A_424 : vector<16xf32>
      %add3A_428 = arith.addf %mul3A_426, %mul3A_427 : vector<16xf32>
      %mul3A_429 = arith.mulf %gather3A_425, %gather3A_425 : vector<16xf32>
      %add3A_430 = arith.addf %add3A_428, %mul3A_429 : vector<16xf32>
      %bitcast3A_431 = vector.bitcast %gather3A_423 : vector<16xf32> to vector<16xi32>
      %add3A_432 = arith.constant 32767 : i32
      %add3A_433 = vector.broadcast %add3A_432 : i32 to vector<16xi32>
      %add3A_434 = arith.addi %bitcast3A_431, %add3A_433 : vector<16xi32>
      %shift_right_logical3A_435 = arith.constant 16 : i32
      %shift_right_logical3A_436 = vector.broadcast %shift_right_logical3A_435 : i32 to vector<16xi32>
      %shift_right_logical3A_437 = arith.shrui %bitcast3A_431, %shift_right_logical3A_436 : vector<16xi32>
      %and3A_438 = arith.constant 1 : i32
      %and3A_439 = vector.broadcast %and3A_438 : i32 to vector<16xi32>
      %and3A_440 = arith.andi %shift_right_logical3A_437, %and3A_439 : vector<16xi32>
      %add3A_441 = arith.addi %add3A_434, %and3A_440 : vector<16xi32>
      %and3A_442 = arith.constant -65536 : i32
      %and3A_443 = vector.broadcast %and3A_442 : i32 to vector<16xi32>
      %and3A_444 = arith.andi %add3A_441, %and3A_443 : vector<16xi32>
      %bitcast3A_445 = vector.bitcast %and3A_444 : vector<16xi32> to vector<16xf32>
      %bitcast3A_446 = vector.bitcast %gather3A_424 : vector<16xf32> to vector<16xi32>
      %add3A_447 = arith.constant 32767 : i32
      %add3A_448 = vector.broadcast %add3A_447 : i32 to vector<16xi32>
      %add3A_449 = arith.addi %bitcast3A_446, %add3A_448 : vector<16xi32>
      %shift_right_logical3A_450 = arith.constant 16 : i32
      %shift_right_logical3A_451 = vector.broadcast %shift_right_logical3A_450 : i32 to vector<16xi32>
      %shift_right_logical3A_452 = arith.shrui %bitcast3A_446, %shift_right_logical3A_451 : vector<16xi32>
      %and3A_453 = arith.constant 1 : i32
      %and3A_454 = vector.broadcast %and3A_453 : i32 to vector<16xi32>
      %and3A_455 = arith.andi %shift_right_logical3A_452, %and3A_454 : vector<16xi32>
      %add3A_456 = arith.addi %add3A_449, %and3A_455 : vector<16xi32>
      %and3A_457 = arith.constant -65536 : i32
      %and3A_458 = vector.broadcast %and3A_457 : i32 to vector<16xi32>
      %and3A_459 = arith.andi %add3A_456, %and3A_458 : vector<16xi32>
      %bitcast3A_460 = vector.bitcast %and3A_459 : vector<16xi32> to vector<16xf32>
      %bitcast3A_461 = vector.bitcast %gather3A_425 : vector<16xf32> to vector<16xi32>
      %add3A_462 = arith.constant 32767 : i32
      %add3A_463 = vector.broadcast %add3A_462 : i32 to vector<16xi32>
      %add3A_464 = arith.addi %bitcast3A_461, %add3A_463 : vector<16xi32>
      %shift_right_logical3A_465 = arith.constant 16 : i32
      %shift_right_logical3A_466 = vector.broadcast %shift_right_logical3A_465 : i32 to vector<16xi32>
      %shift_right_logical3A_467 = arith.shrui %bitcast3A_461, %shift_right_logical3A_466 : vector<16xi32>
      %and3A_468 = arith.constant 1 : i32
      %and3A_469 = vector.broadcast %and3A_468 : i32 to vector<16xi32>
      %and3A_470 = arith.andi %shift_right_logical3A_467, %and3A_469 : vector<16xi32>
      %add3A_471 = arith.addi %add3A_464, %and3A_470 : vector<16xi32>
      %and3A_472 = arith.constant -65536 : i32
      %and3A_473 = vector.broadcast %and3A_472 : i32 to vector<16xi32>
      %and3A_474 = arith.andi %add3A_471, %and3A_473 : vector<16xi32>
      %bitcast3A_475 = vector.bitcast %and3A_474 : vector<16xi32> to vector<16xf32>
      %mul3A_476 = arith.mulf %bitcast3A_89, %bitcast3A_445 : vector<16xf32>
      %mul3A_477 = arith.mulf %bitcast3A_104, %bitcast3A_460 : vector<16xf32>
      %add3A_478 = arith.addf %mul3A_476, %mul3A_477 : vector<16xf32>
      %mul3A_479 = arith.mulf %bitcast3A_119, %bitcast3A_475 : vector<16xf32>
      %add3A_480 = arith.addf %add3A_478, %mul3A_479 : vector<16xf32>
      %mul3A_481 = arith.constant 512 : i32
      %mul3A_482 = arith.muli %scan3A_59, %mul3A_481 : i32
      %add3A_483 = arith.constant 64 : i32
      %add3A_484 = arith.addi %mul3A_482, %add3A_483 : i32
      %add3A_485 = arith.addf %add3A_76, %add3A_430 : vector<16xf32>
      %mul3A_486 = arith.constant 2.000000e+00 : f32
      %mul3A_487 = vector.broadcast %mul3A_486 : f32 to vector<16xf32>
      %mul3A_488 = arith.mulf %mul3A_487, %add3A_480 : vector<16xf32>
      %sub3A_489 = arith.subf %add3A_485, %mul3A_488 : vector<16xf32>
      %swap3A_490 = arith.index_cast %add3A_484 : i32 to index
      %swap3A_491 = tpu.vector_load %arg18[%swap3A_490] {strides = array<i32>} : memref<32768xf32, #tpu.memory_space<vmem>>, vector<16xf32>,
      tpu.vector_store %arg18[%swap3A_490], %sub3A_489 {strides = array<i32>} : memref<32768xf32, #tpu.memory_space<vmem>>, vector<16xf32>,
      %swap3A_492 = arith.index_cast %add3A_484 : i32 to index
      %swap3A_493 = tpu.vector_load %arg19[%swap3A_492] {strides = array<i32>} : memref<32768xi32, #tpu.memory_space<vmem>>, vector<16xi32>,
      tpu.vector_store %arg19[%swap3A_492], %add3A_422 {strides = array<i32>} : memref<32768xi32, #tpu.memory_space<vmem>>, vector<16xi32>,
      %add3A_494 = arith.constant 2560 : i32
      %add3A_495 = vector.broadcast %add3A_494 : i32 to vector<16xi32>
      %add3A_496 = arith.addi %get3A_125, %add3A_495 : vector<16xi32>
      %gather3A_497 = tpu.vector_load_idx %arg11[%add3A_496] : memref<8192xf32, #tpu.memory_space<vmem>>[vector<16xi32>], vector<16xf32>,
      %gather3A_498 = tpu.vector_load_idx %arg12[%add3A_496] : memref<8192xf32, #tpu.memory_space<vmem>>[vector<16xi32>], vector<16xf32>,
      %gather3A_499 = tpu.vector_load_idx %arg13[%add3A_496] : memref<8192xf32, #tpu.memory_space<vmem>>[vector<16xi32>], vector<16xf32>,
      %mul3A_500 = arith.mulf %gather3A_497, %gather3A_497 : vector<16xf32>
      %mul3A_501 = arith.mulf %gather3A_498, %gather3A_498 : vector<16xf32>
      %add3A_502 = arith.addf %mul3A_500, %mul3A_501 : vector<16xf32>
      %mul3A_503 = arith.mulf %gather3A_499, %gather3A_499 : vector<16xf32>
      %add3A_504 = arith.addf %add3A_502, %mul3A_503 : vector<16xf32>
      %bitcast3A_505 = vector.bitcast %gather3A_497 : vector<16xf32> to vector<16xi32>
      %add3A_506 = arith.constant 32767 : i32
      %add3A_507 = vector.broadcast %add3A_506 : i32 to vector<16xi32>
      %add3A_508 = arith.addi %bitcast3A_505, %add3A_507 : vector<16xi32>
      %shift_right_logical3A_509 = arith.constant 16 : i32
      %shift_right_logical3A_510 = vector.broadcast %shift_right_logical3A_509 : i32 to vector<16xi32>
      %shift_right_logical3A_511 = arith.shrui %bitcast3A_505, %shift_right_logical3A_510 : vector<16xi32>
      %and3A_512 = arith.constant 1 : i32
      %and3A_513 = vector.broadcast %and3A_512 : i32 to vector<16xi32>
      %and3A_514 = arith.andi %shift_right_logical3A_511, %and3A_513 : vector<16xi32>
      %add3A_515 = arith.addi %add3A_508, %and3A_514 : vector<16xi32>
      %and3A_516 = arith.constant -65536 : i32
      %and3A_517 = vector.broadcast %and3A_516 : i32 to vector<16xi32>
      %and3A_518 = arith.andi %add3A_515, %and3A_517 : vector<16xi32>
      %bitcast3A_519 = vector.bitcast %and3A_518 : vector<16xi32> to vector<16xf32>
      %bitcast3A_520 = vector.bitcast %gather3A_498 : vector<16xf32> to vector<16xi32>
      %add3A_521 = arith.constant 32767 : i32
      %add3A_522 = vector.broadcast %add3A_521 : i32 to vector<16xi32>
      %add3A_523 = arith.addi %bitcast3A_520, %add3A_522 : vector<16xi32>
      %shift_right_logical3A_524 = arith.constant 16 : i32
      %shift_right_logical3A_525 = vector.broadcast %shift_right_logical3A_524 : i32 to vector<16xi32>
      %shift_right_logical3A_526 = arith.shrui %bitcast3A_520, %shift_right_logical3A_525 : vector<16xi32>
      %and3A_527 = arith.constant 1 : i32
      %and3A_528 = vector.broadcast %and3A_527 : i32 to vector<16xi32>
      %and3A_529 = arith.andi %shift_right_logical3A_526, %and3A_528 : vector<16xi32>
      %add3A_530 = arith.addi %add3A_523, %and3A_529 : vector<16xi32>
      %and3A_531 = arith.constant -65536 : i32
      %and3A_532 = vector.broadcast %and3A_531 : i32 to vector<16xi32>
      %and3A_533 = arith.andi %add3A_530, %and3A_532 : vector<16xi32>
      %bitcast3A_534 = vector.bitcast %and3A_533 : vector<16xi32> to vector<16xf32>
      %bitcast3A_535 = vector.bitcast %gather3A_499 : vector<16xf32> to vector<16xi32>
      %add3A_536 = arith.constant 32767 : i32
      %add3A_537 = vector.broadcast %add3A_536 : i32 to vector<16xi32>
      %add3A_538 = arith.addi %bitcast3A_535, %add3A_537 : vector<16xi32>
      %shift_right_logical3A_539 = arith.constant 16 : i32
      %shift_right_logical3A_540 = vector.broadcast %shift_right_logical3A_539 : i32 to vector<16xi32>
      %shift_right_logical3A_541 = arith.shrui %bitcast3A_535, %shift_right_logical3A_540 : vector<16xi32>
      %and3A_542 = arith.constant 1 : i32
      %and3A_543 = vector.broadcast %and3A_542 : i32 to vector<16xi32>
      %and3A_544 = arith.andi %shift_right_logical3A_541, %and3A_543 : vector<16xi32>
      %add3A_545 = arith.addi %add3A_538, %and3A_544 : vector<16xi32>
      %and3A_546 = arith.constant -65536 : i32
      %and3A_547 = vector.broadcast %and3A_546 : i32 to vector<16xi32>
      %and3A_548 = arith.andi %add3A_545, %and3A_547 : vector<16xi32>
      %bitcast3A_549 = vector.bitcast %and3A_548 : vector<16xi32> to vector<16xf32>
      %mul3A_550 = arith.mulf %bitcast3A_89, %bitcast3A_519 : vector<16xf32>
      %mul3A_551 = arith.mulf %bitcast3A_104, %bitcast3A_534 : vector<16xf32>
      %add3A_552 = arith.addf %mul3A_550, %mul3A_551 : vector<16xf32>
      %mul3A_553 = arith.mulf %bitcast3A_119, %bitcast3A_549 : vector<16xf32>
      %add3A_554 = arith.addf %add3A_552, %mul3A_553 : vector<16xf32>
      %mul3A_555 = arith.constant 512 : i32
      %mul3A_556 = arith.muli %scan3A_59, %mul3A_555 : i32
      %add3A_557 = arith.constant 80 : i32
      %add3A_558 = arith.addi %mul3A_556, %add3A_557 : i32
      %add3A_559 = arith.addf %add3A_76, %add3A_504 : vector<16xf32>
      %mul3A_560 = arith.constant 2.000000e+00 : f32
      %mul3A_561 = vector.broadcast %mul3A_560 : f32 to vector<16xf32>
      %mul3A_562 = arith.mulf %mul3A_561, %add3A_554 : vector<16xf32>
      %sub3A_563 = arith.subf %add3A_559, %mul3A_562 : vector<16xf32>
      %swap3A_564 = arith.index_cast %add3A_558 : i32 to index
      %swap3A_565 = tpu.vector_load %arg18[%swap3A_564] {strides = array<i32>} : memref<32768xf32, #tpu.memory_space<vmem>>, vector<16xf32>,
      tpu.vector_store %arg18[%swap3A_564], %sub3A_563 {strides = array<i32>} : memref<32768xf32, #tpu.memory_space<vmem>>, vector<16xf32>,
      %swap3A_566 = arith.index_cast %add3A_558 : i32 to index
      %swap3A_567 = tpu.vector_load %arg19[%swap3A_566] {strides = array<i32>} : memref<32768xi32, #tpu.memory_space<vmem>>, vector<16xi32>,
      tpu.vector_store %arg19[%swap3A_566], %add3A_496 {strides = array<i32>} : memref<32768xi32, #tpu.memory_space<vmem>>, vector<16xi32>,
      %add3A_568 = arith.constant 3072 : i32
      %add3A_569 = vector.broadcast %add3A_568 : i32 to vector<16xi32>
      %add3A_570 = arith.addi %get3A_125, %add3A_569 : vector<16xi32>
      %gather3A_571 = tpu.vector_load_idx %arg11[%add3A_570] : memref<8192xf32, #tpu.memory_space<vmem>>[vector<16xi32>], vector<16xf32>,
      %gather3A_572 = tpu.vector_load_idx %arg12[%add3A_570] : memref<8192xf32, #tpu.memory_space<vmem>>[vector<16xi32>], vector<16xf32>,
      %gather3A_573 = tpu.vector_load_idx %arg13[%add3A_570] : memref<8192xf32, #tpu.memory_space<vmem>>[vector<16xi32>], vector<16xf32>,
      %mul3A_574 = arith.mulf %gather3A_571, %gather3A_571 : vector<16xf32>
      %mul3A_575 = arith.mulf %gather3A_572, %gather3A_572 : vector<16xf32>
      %add3A_576 = arith.addf %mul3A_574, %mul3A_575 : vector<16xf32>
      %mul3A_577 = arith.mulf %gather3A_573, %gather3A_573 : vector<16xf32>
      %add3A_578 = arith.addf %add3A_576, %mul3A_577 : vector<16xf32>
      %bitcast3A_579 = vector.bitcast %gather3A_571 : vector<16xf32> to vector<16xi32>
      %add3A_580 = arith.constant 32767 : i32
      %add3A_581 = vector.broadcast %add3A_580 : i32 to vector<16xi32>
      %add3A_582 = arith.addi %bitcast3A_579, %add3A_581 : vector<16xi32>
      %shift_right_logical3A_583 = arith.constant 16 : i32
      %shift_right_logical3A_584 = vector.broadcast %shift_right_logical3A_583 : i32 to vector<16xi32>
      %shift_right_logical3A_585 = arith.shrui %bitcast3A_579, %shift_right_logical3A_584 : vector<16xi32>
      %and3A_586 = arith.constant 1 : i32
      %and3A_587 = vector.broadcast %and3A_586 : i32 to vector<16xi32>
      %and3A_588 = arith.andi %shift_right_logical3A_585, %and3A_587 : vector<16xi32>
      %add3A_589 = arith.addi %add3A_582, %and3A_588 : vector<16xi32>
      %and3A_590 = arith.constant -65536 : i32
      %and3A_591 = vector.broadcast %and3A_590 : i32 to vector<16xi32>
      %and3A_592 = arith.andi %add3A_589, %and3A_591 : vector<16xi32>
      %bitcast3A_593 = vector.bitcast %and3A_592 : vector<16xi32> to vector<16xf32>
      %bitcast3A_594 = vector.bitcast %gather3A_572 : vector<16xf32> to vector<16xi32>
      %add3A_595 = arith.constant 32767 : i32
      %add3A_596 = vector.broadcast %add3A_595 : i32 to vector<16xi32>
      %add3A_597 = arith.addi %bitcast3A_594, %add3A_596 : vector<16xi32>
      %shift_right_logical3A_598 = arith.constant 16 : i32
      %shift_right_logical3A_599 = vector.broadcast %shift_right_logical3A_598 : i32 to vector<16xi32>
      %shift_right_logical3A_600 = arith.shrui %bitcast3A_594, %shift_right_logical3A_599 : vector<16xi32>
      %and3A_601 = arith.constant 1 : i32
      %and3A_602 = vector.broadcast %and3A_601 : i32 to vector<16xi32>
      %and3A_603 = arith.andi %shift_right_logical3A_600, %and3A_602 : vector<16xi32>
      %add3A_604 = arith.addi %add3A_597, %and3A_603 : vector<16xi32>
      %and3A_605 = arith.constant -65536 : i32
      %and3A_606 = vector.broadcast %and3A_605 : i32 to vector<16xi32>
      %and3A_607 = arith.andi %add3A_604, %and3A_606 : vector<16xi32>
      %bitcast3A_608 = vector.bitcast %and3A_607 : vector<16xi32> to vector<16xf32>
      %bitcast3A_609 = vector.bitcast %gather3A_573 : vector<16xf32> to vector<16xi32>
      %add3A_610 = arith.constant 32767 : i32
      %add3A_611 = vector.broadcast %add3A_610 : i32 to vector<16xi32>
      %add3A_612 = arith.addi %bitcast3A_609, %add3A_611 : vector<16xi32>
      %shift_right_logical3A_613 = arith.constant 16 : i32
      %shift_right_logical3A_614 = vector.broadcast %shift_right_logical3A_613 : i32 to vector<16xi32>
      %shift_right_logical3A_615 = arith.shrui %bitcast3A_609, %shift_right_logical3A_614 : vector<16xi32>
      %and3A_616 = arith.constant 1 : i32
      %and3A_617 = vector.broadcast %and3A_616 : i32 to vector<16xi32>
      %and3A_618 = arith.andi %shift_right_logical3A_615, %and3A_617 : vector<16xi32>
      %add3A_619 = arith.addi %add3A_612, %and3A_618 : vector<16xi32>
      %and3A_620 = arith.constant -65536 : i32
      %and3A_621 = vector.broadcast %and3A_620 : i32 to vector<16xi32>
      %and3A_622 = arith.andi %add3A_619, %and3A_621 : vector<16xi32>
      %bitcast3A_623 = vector.bitcast %and3A_622 : vector<16xi32> to vector<16xf32>
      %mul3A_624 = arith.mulf %bitcast3A_89, %bitcast3A_593 : vector<16xf32>
      %mul3A_625 = arith.mulf %bitcast3A_104, %bitcast3A_608 : vector<16xf32>
      %add3A_626 = arith.addf %mul3A_624, %mul3A_625 : vector<16xf32>
      %mul3A_627 = arith.mulf %bitcast3A_119, %bitcast3A_623 : vector<16xf32>
      %add3A_628 = arith.addf %add3A_626, %mul3A_627 : vector<16xf32>
      %mul3A_629 = arith.constant 512 : i32
      %mul3A_630 = arith.muli %scan3A_59, %mul3A_629 : i32
      %add3A_631 = arith.constant 96 : i32
      %add3A_632 = arith.addi %mul3A_630, %add3A_631 : i32
      %add3A_633 = arith.addf %add3A_76, %add3A_578 : vector<16xf32>
      %mul3A_634 = arith.constant 2.000000e+00 : f32
      %mul3A_635 = vector.broadcast %mul3A_634 : f32 to vector<16xf32>
      %mul3A_636 = arith.mulf %mul3A_635, %add3A_628 : vector<16xf32>
      %sub3A_637 = arith.subf %add3A_633, %mul3A_636 : vector<16xf32>
      %swap3A_638 = arith.index_cast %add3A_632 : i32 to index
      %swap3A_639 = tpu.vector_load %arg18[%swap3A_638] {strides = array<i32>} : memref<32768xf32, #tpu.memory_space<vmem>>, vector<16xf32>,
      tpu.vector_store %arg18[%swap3A_638], %sub3A_637 {strides = array<i32>} : memref<32768xf32, #tpu.memory_space<vmem>>, vector<16xf32>,
      %swap3A_640 = arith.index_cast %add3A_632 : i32 to index
      %swap3A_641 = tpu.vector_load %arg19[%swap3A_640] {strides = array<i32>} : memref<32768xi32, #tpu.memory_space<vmem>>, vector<16xi32>,
      tpu.vector_store %arg19[%swap3A_640], %add3A_570 {strides = array<i32>} : memref<32768xi32, #tpu.memory_space<vmem>>, vector<16xi32>,
      %add3A_642 = arith.constant 3584 : i32
      %add3A_643 = vector.broadcast %add3A_642 : i32 to vector<16xi32>
      %add3A_644 = arith.addi %get3A_125, %add3A_643 : vector<16xi32>
      %gather3A_645 = tpu.vector_load_idx %arg11[%add3A_644] : memref<8192xf32, #tpu.memory_space<vmem>>[vector<16xi32>], vector<16xf32>,
      %gather3A_646 = tpu.vector_load_idx %arg12[%add3A_644] : memref<8192xf32, #tpu.memory_space<vmem>>[vector<16xi32>], vector<16xf32>,
      %gather3A_647 = tpu.vector_load_idx %arg13[%add3A_644] : memref<8192xf32, #tpu.memory_space<vmem>>[vector<16xi32>], vector<16xf32>,
      %mul3A_648 = arith.mulf %gather3A_645, %gather3A_645 : vector<16xf32>
      %mul3A_649 = arith.mulf %gather3A_646, %gather3A_646 : vector<16xf32>
      %add3A_650 = arith.addf %mul3A_648, %mul3A_649 : vector<16xf32>
      %mul3A_651 = arith.mulf %gather3A_647, %gather3A_647 : vector<16xf32>
      %add3A_652 = arith.addf %add3A_650, %mul3A_651 : vector<16xf32>
      %bitcast3A_653 = vector.bitcast %gather3A_645 : vector<16xf32> to vector<16xi32>
      %add3A_654 = arith.constant 32767 : i32
      %add3A_655 = vector.broadcast %add3A_654 : i32 to vector<16xi32>
      %add3A_656 = arith.addi %bitcast3A_653, %add3A_655 : vector<16xi32>
      %shift_right_logical3A_657 = arith.constant 16 : i32
      %shift_right_logical3A_658 = vector.broadcast %shift_right_logical3A_657 : i32 to vector<16xi32>
      %shift_right_logical3A_659 = arith.shrui %bitcast3A_653, %shift_right_logical3A_658 : vector<16xi32>
      %and3A_660 = arith.constant 1 : i32
      %and3A_661 = vector.broadcast %and3A_660 : i32 to vector<16xi32>
      %and3A_662 = arith.andi %shift_right_logical3A_659, %and3A_661 : vector<16xi32>
      %add3A_663 = arith.addi %add3A_656, %and3A_662 : vector<16xi32>
      %and3A_664 = arith.constant -65536 : i32
      %and3A_665 = vector.broadcast %and3A_664 : i32 to vector<16xi32>
      %and3A_666 = arith.andi %add3A_663, %and3A_665 : vector<16xi32>
      %bitcast3A_667 = vector.bitcast %and3A_666 : vector<16xi32> to vector<16xf32>
      %bitcast3A_668 = vector.bitcast %gather3A_646 : vector<16xf32> to vector<16xi32>
      %add3A_669 = arith.constant 32767 : i32
      %add3A_670 = vector.broadcast %add3A_669 : i32 to vector<16xi32>
      %add3A_671 = arith.addi %bitcast3A_668, %add3A_670 : vector<16xi32>
      %shift_right_logical3A_672 = arith.constant 16 : i32
      %shift_right_logical3A_673 = vector.broadcast %shift_right_logical3A_672 : i32 to vector<16xi32>
      %shift_right_logical3A_674 = arith.shrui %bitcast3A_668, %shift_right_logical3A_673 : vector<16xi32>
      %and3A_675 = arith.constant 1 : i32
      %and3A_676 = vector.broadcast %and3A_675 : i32 to vector<16xi32>
      %and3A_677 = arith.andi %shift_right_logical3A_674, %and3A_676 : vector<16xi32>
      %add3A_678 = arith.addi %add3A_671, %and3A_677 : vector<16xi32>
      %and3A_679 = arith.constant -65536 : i32
      %and3A_680 = vector.broadcast %and3A_679 : i32 to vector<16xi32>
      %and3A_681 = arith.andi %add3A_678, %and3A_680 : vector<16xi32>
      %bitcast3A_682 = vector.bitcast %and3A_681 : vector<16xi32> to vector<16xf32>
      %bitcast3A_683 = vector.bitcast %gather3A_647 : vector<16xf32> to vector<16xi32>
      %add3A_684 = arith.constant 32767 : i32
      %add3A_685 = vector.broadcast %add3A_684 : i32 to vector<16xi32>
      %add3A_686 = arith.addi %bitcast3A_683, %add3A_685 : vector<16xi32>
      %shift_right_logical3A_687 = arith.constant 16 : i32
      %shift_right_logical3A_688 = vector.broadcast %shift_right_logical3A_687 : i32 to vector<16xi32>
      %shift_right_logical3A_689 = arith.shrui %bitcast3A_683, %shift_right_logical3A_688 : vector<16xi32>
      %and3A_690 = arith.constant 1 : i32
      %and3A_691 = vector.broadcast %and3A_690 : i32 to vector<16xi32>
      %and3A_692 = arith.andi %shift_right_logical3A_689, %and3A_691 : vector<16xi32>
      %add3A_693 = arith.addi %add3A_686, %and3A_692 : vector<16xi32>
      %and3A_694 = arith.constant -65536 : i32
      %and3A_695 = vector.broadcast %and3A_694 : i32 to vector<16xi32>
      %and3A_696 = arith.andi %add3A_693, %and3A_695 : vector<16xi32>
      %bitcast3A_697 = vector.bitcast %and3A_696 : vector<16xi32> to vector<16xf32>
      %mul3A_698 = arith.mulf %bitcast3A_89, %bitcast3A_667 : vector<16xf32>
      %mul3A_699 = arith.mulf %bitcast3A_104, %bitcast3A_682 : vector<16xf32>
      %add3A_700 = arith.addf %mul3A_698, %mul3A_699 : vector<16xf32>
      %mul3A_701 = arith.mulf %bitcast3A_119, %bitcast3A_697 : vector<16xf32>
      %add3A_702 = arith.addf %add3A_700, %mul3A_701 : vector<16xf32>
      %mul3A_703 = arith.constant 512 : i32
      %mul3A_704 = arith.muli %scan3A_59, %mul3A_703 : i32
      %add3A_705 = arith.constant 112 : i32
      %add3A_706 = arith.addi %mul3A_704, %add3A_705 : i32
      %add3A_707 = arith.addf %add3A_76, %add3A_652 : vector<16xf32>
      %mul3A_708 = arith.constant 2.000000e+00 : f32
      %mul3A_709 = vector.broadcast %mul3A_708 : f32 to vector<16xf32>
      %mul3A_710 = arith.mulf %mul3A_709, %add3A_702 : vector<16xf32>
      %sub3A_711 = arith.subf %add3A_707, %mul3A_710 : vector<16xf32>
      %swap3A_712 = arith.index_cast %add3A_706 : i32 to index
      %swap3A_713 = tpu.vector_load %arg18[%swap3A_712] {strides = array<i32>} : memref<32768xf32, #tpu.memory_space<vmem>>, vector<16xf32>,
      tpu.vector_store %arg18[%swap3A_712], %sub3A_711 {strides = array<i32>} : memref<32768xf32, #tpu.memory_space<vmem>>, vector<16xf32>,
      %swap3A_714 = arith.index_cast %add3A_706 : i32 to index
      %swap3A_715 = tpu.vector_load %arg19[%swap3A_714] {strides = array<i32>} : memref<32768xi32, #tpu.memory_space<vmem>>, vector<16xi32>,
      tpu.vector_store %arg19[%swap3A_714], %add3A_644 {strides = array<i32>} : memref<32768xi32, #tpu.memory_space<vmem>>, vector<16xi32>,
      %add3A_716 = arith.constant 4096 : i32
      %add3A_717 = vector.broadcast %add3A_716 : i32 to vector<16xi32>
      %add3A_718 = arith.addi %get3A_125, %add3A_717 : vector<16xi32>
      %gather3A_719 = tpu.vector_load_idx %arg11[%add3A_718] : memref<8192xf32, #tpu.memory_space<vmem>>[vector<16xi32>], vector<16xf32>,
      %gather3A_720 = tpu.vector_load_idx %arg12[%add3A_718] : memref<8192xf32, #tpu.memory_space<vmem>>[vector<16xi32>], vector<16xf32>,
      %gather3A_721 = tpu.vector_load_idx %arg13[%add3A_718] : memref<8192xf32, #tpu.memory_space<vmem>>[vector<16xi32>], vector<16xf32>,
      %mul3A_722 = arith.mulf %gather3A_719, %gather3A_719 : vector<16xf32>
      %mul3A_723 = arith.mulf %gather3A_720, %gather3A_720 : vector<16xf32>
      %add3A_724 = arith.addf %mul3A_722, %mul3A_723 : vector<16xf32>
      %mul3A_725 = arith.mulf %gather3A_721, %gather3A_721 : vector<16xf32>
      %add3A_726 = arith.addf %add3A_724, %mul3A_725 : vector<16xf32>
      %bitcast3A_727 = vector.bitcast %gather3A_719 : vector<16xf32> to vector<16xi32>
      %add3A_728 = arith.constant 32767 : i32
      %add3A_729 = vector.broadcast %add3A_728 : i32 to vector<16xi32>
      %add3A_730 = arith.addi %bitcast3A_727, %add3A_729 : vector<16xi32>
      %shift_right_logical3A_731 = arith.constant 16 : i32
      %shift_right_logical3A_732 = vector.broadcast %shift_right_logical3A_731 : i32 to vector<16xi32>
      %shift_right_logical3A_733 = arith.shrui %bitcast3A_727, %shift_right_logical3A_732 : vector<16xi32>
      %and3A_734 = arith.constant 1 : i32
      %and3A_735 = vector.broadcast %and3A_734 : i32 to vector<16xi32>
      %and3A_736 = arith.andi %shift_right_logical3A_733, %and3A_735 : vector<16xi32>
      %add3A_737 = arith.addi %add3A_730, %and3A_736 : vector<16xi32>
      %and3A_738 = arith.constant -65536 : i32
      %and3A_739 = vector.broadcast %and3A_738 : i32 to vector<16xi32>
      %and3A_740 = arith.andi %add3A_737, %and3A_739 : vector<16xi32>
      %bitcast3A_741 = vector.bitcast %and3A_740 : vector<16xi32> to vector<16xf32>
      %bitcast3A_742 = vector.bitcast %gather3A_720 : vector<16xf32> to vector<16xi32>
      %add3A_743 = arith.constant 32767 : i32
      %add3A_744 = vector.broadcast %add3A_743 : i32 to vector<16xi32>
      %add3A_745 = arith.addi %bitcast3A_742, %add3A_744 : vector<16xi32>
      %shift_right_logical3A_746 = arith.constant 16 : i32
      %shift_right_logical3A_747 = vector.broadcast %shift_right_logical3A_746 : i32 to vector<16xi32>
      %shift_right_logical3A_748 = arith.shrui %bitcast3A_742, %shift_right_logical3A_747 : vector<16xi32>
      %and3A_749 = arith.constant 1 : i32
      %and3A_750 = vector.broadcast %and3A_749 : i32 to vector<16xi32>
      %and3A_751 = arith.andi %shift_right_logical3A_748, %and3A_750 : vector<16xi32>
      %add3A_752 = arith.addi %add3A_745, %and3A_751 : vector<16xi32>
      %and3A_753 = arith.constant -65536 : i32
      %and3A_754 = vector.broadcast %and3A_753 : i32 to vector<16xi32>
      %and3A_755 = arith.andi %add3A_752, %and3A_754 : vector<16xi32>
      %bitcast3A_756 = vector.bitcast %and3A_755 : vector<16xi32> to vector<16xf32>
      %bitcast3A_757 = vector.bitcast %gather3A_721 : vector<16xf32> to vector<16xi32>
      %add3A_758 = arith.constant 32767 : i32
      %add3A_759 = vector.broadcast %add3A_758 : i32 to vector<16xi32>
      %add3A_760 = arith.addi %bitcast3A_757, %add3A_759 : vector<16xi32>
      %shift_right_logical3A_761 = arith.constant 16 : i32
      %shift_right_logical3A_762 = vector.broadcast %shift_right_logical3A_761 : i32 to vector<16xi32>
      %shift_right_logical3A_763 = arith.shrui %bitcast3A_757, %shift_right_logical3A_762 : vector<16xi32>
      %and3A_764 = arith.constant 1 : i32
      %and3A_765 = vector.broadcast %and3A_764 : i32 to vector<16xi32>
      %and3A_766 = arith.andi %shift_right_logical3A_763, %and3A_765 : vector<16xi32>
      %add3A_767 = arith.addi %add3A_760, %and3A_766 : vector<16xi32>
      %and3A_768 = arith.constant -65536 : i32
      %and3A_769 = vector.broadcast %and3A_768 : i32 to vector<16xi32>
      %and3A_770 = arith.andi %add3A_767, %and3A_769 : vector<16xi32>
      %bitcast3A_771 = vector.bitcast %and3A_770 : vector<16xi32> to vector<16xf32>
      %mul3A_772 = arith.mulf %bitcast3A_89, %bitcast3A_741 : vector<16xf32>
      %mul3A_773 = arith.mulf %bitcast3A_104, %bitcast3A_756 : vector<16xf32>
      %add3A_774 = arith.addf %mul3A_772, %mul3A_773 : vector<16xf32>
      %mul3A_775 = arith.mulf %bitcast3A_119, %bitcast3A_771 : vector<16xf32>
      %add3A_776 = arith.addf %add3A_774, %mul3A_775 : vector<16xf32>
      %mul3A_777 = arith.constant 512 : i32
      %mul3A_778 = arith.muli %scan3A_59, %mul3A_777 : i32
      %add3A_779 = arith.constant 128 : i32
      %add3A_780 = arith.addi %mul3A_778, %add3A_779 : i32
      %add3A_781 = arith.addf %add3A_76, %add3A_726 : vector<16xf32>
      %mul3A_782 = arith.constant 2.000000e+00 : f32
      %mul3A_783 = vector.broadcast %mul3A_782 : f32 to vector<16xf32>
      %mul3A_784 = arith.mulf %mul3A_783, %add3A_776 : vector<16xf32>
      %sub3A_785 = arith.subf %add3A_781, %mul3A_784 : vector<16xf32>
      %swap3A_786 = arith.index_cast %add3A_780 : i32 to index
      %swap3A_787 = tpu.vector_load %arg18[%swap3A_786] {strides = array<i32>} : memref<32768xf32, #tpu.memory_space<vmem>>, vector<16xf32>,
      tpu.vector_store %arg18[%swap3A_786], %sub3A_785 {strides = array<i32>} : memref<32768xf32, #tpu.memory_space<vmem>>, vector<16xf32>,
      %swap3A_788 = arith.index_cast %add3A_780 : i32 to index
      %swap3A_789 = tpu.vector_load %arg19[%swap3A_788] {strides = array<i32>} : memref<32768xi32, #tpu.memory_space<vmem>>, vector<16xi32>,
      tpu.vector_store %arg19[%swap3A_788], %add3A_718 {strides = array<i32>} : memref<32768xi32, #tpu.memory_space<vmem>>, vector<16xi32>,
      %add3A_790 = arith.constant 4608 : i32
      %add3A_791 = vector.broadcast %add3A_790 : i32 to vector<16xi32>
      %add3A_792 = arith.addi %get3A_125, %add3A_791 : vector<16xi32>
      %gather3A_793 = tpu.vector_load_idx %arg11[%add3A_792] : memref<8192xf32, #tpu.memory_space<vmem>>[vector<16xi32>], vector<16xf32>,
      %gather3A_794 = tpu.vector_load_idx %arg12[%add3A_792] : memref<8192xf32, #tpu.memory_space<vmem>>[vector<16xi32>], vector<16xf32>,
      %gather3A_795 = tpu.vector_load_idx %arg13[%add3A_792] : memref<8192xf32, #tpu.memory_space<vmem>>[vector<16xi32>], vector<16xf32>,
      %mul3A_796 = arith.mulf %gather3A_793, %gather3A_793 : vector<16xf32>
      %mul3A_797 = arith.mulf %gather3A_794, %gather3A_794 : vector<16xf32>
      %add3A_798 = arith.addf %mul3A_796, %mul3A_797 : vector<16xf32>
      %mul3A_799 = arith.mulf %gather3A_795, %gather3A_795 : vector<16xf32>
      %add3A_800 = arith.addf %add3A_798, %mul3A_799 : vector<16xf32>
      %bitcast3A_801 = vector.bitcast %gather3A_793 : vector<16xf32> to vector<16xi32>
      %add3A_802 = arith.constant 32767 : i32
      %add3A_803 = vector.broadcast %add3A_802 : i32 to vector<16xi32>
      %add3A_804 = arith.addi %bitcast3A_801, %add3A_803 : vector<16xi32>
      %shift_right_logical3A_805 = arith.constant 16 : i32
      %shift_right_logical3A_806 = vector.broadcast %shift_right_logical3A_805 : i32 to vector<16xi32>
      %shift_right_logical3A_807 = arith.shrui %bitcast3A_801, %shift_right_logical3A_806 : vector<16xi32>
      %and3A_808 = arith.constant 1 : i32
      %and3A_809 = vector.broadcast %and3A_808 : i32 to vector<16xi32>
      %and3A_810 = arith.andi %shift_right_logical3A_807, %and3A_809 : vector<16xi32>
      %add3A_811 = arith.addi %add3A_804, %and3A_810 : vector<16xi32>
      %and3A_812 = arith.constant -65536 : i32
      %and3A_813 = vector.broadcast %and3A_812 : i32 to vector<16xi32>
      %and3A_814 = arith.andi %add3A_811, %and3A_813 : vector<16xi32>
      %bitcast3A_815 = vector.bitcast %and3A_814 : vector<16xi32> to vector<16xf32>
      %bitcast3A_816 = vector.bitcast %gather3A_794 : vector<16xf32> to vector<16xi32>
      %add3A_817 = arith.constant 32767 : i32
      %add3A_818 = vector.broadcast %add3A_817 : i32 to vector<16xi32>
      %add3A_819 = arith.addi %bitcast3A_816, %add3A_818 : vector<16xi32>
      %shift_right_logical3A_820 = arith.constant 16 : i32
      %shift_right_logical3A_821 = vector.broadcast %shift_right_logical3A_820 : i32 to vector<16xi32>
      %shift_right_logical3A_822 = arith.shrui %bitcast3A_816, %shift_right_logical3A_821 : vector<16xi32>
      %and3A_823 = arith.constant 1 : i32
      %and3A_824 = vector.broadcast %and3A_823 : i32 to vector<16xi32>
      %and3A_825 = arith.andi %shift_right_logical3A_822, %and3A_824 : vector<16xi32>
      %add3A_826 = arith.addi %add3A_819, %and3A_825 : vector<16xi32>
      %and3A_827 = arith.constant -65536 : i32
      %and3A_828 = vector.broadcast %and3A_827 : i32 to vector<16xi32>
      %and3A_829 = arith.andi %add3A_826, %and3A_828 : vector<16xi32>
      %bitcast3A_830 = vector.bitcast %and3A_829 : vector<16xi32> to vector<16xf32>
      %bitcast3A_831 = vector.bitcast %gather3A_795 : vector<16xf32> to vector<16xi32>
      %add3A_832 = arith.constant 32767 : i32
      %add3A_833 = vector.broadcast %add3A_832 : i32 to vector<16xi32>
      %add3A_834 = arith.addi %bitcast3A_831, %add3A_833 : vector<16xi32>
      %shift_right_logical3A_835 = arith.constant 16 : i32
      %shift_right_logical3A_836 = vector.broadcast %shift_right_logical3A_835 : i32 to vector<16xi32>
      %shift_right_logical3A_837 = arith.shrui %bitcast3A_831, %shift_right_logical3A_836 : vector<16xi32>
      %and3A_838 = arith.constant 1 : i32
      %and3A_839 = vector.broadcast %and3A_838 : i32 to vector<16xi32>
      %and3A_840 = arith.andi %shift_right_logical3A_837, %and3A_839 : vector<16xi32>
      %add3A_841 = arith.addi %add3A_834, %and3A_840 : vector<16xi32>
      %and3A_842 = arith.constant -65536 : i32
      %and3A_843 = vector.broadcast %and3A_842 : i32 to vector<16xi32>
      %and3A_844 = arith.andi %add3A_841, %and3A_843 : vector<16xi32>
      %bitcast3A_845 = vector.bitcast %and3A_844 : vector<16xi32> to vector<16xf32>
      %mul3A_846 = arith.mulf %bitcast3A_89, %bitcast3A_815 : vector<16xf32>
      %mul3A_847 = arith.mulf %bitcast3A_104, %bitcast3A_830 : vector<16xf32>
      %add3A_848 = arith.addf %mul3A_846, %mul3A_847 : vector<16xf32>
      %mul3A_849 = arith.mulf %bitcast3A_119, %bitcast3A_845 : vector<16xf32>
      %add3A_850 = arith.addf %add3A_848, %mul3A_849 : vector<16xf32>
      %mul3A_851 = arith.constant 512 : i32
      %mul3A_852 = arith.muli %scan3A_59, %mul3A_851 : i32
      %add3A_853 = arith.constant 144 : i32
      %add3A_854 = arith.addi %mul3A_852, %add3A_853 : i32
      %add3A_855 = arith.addf %add3A_76, %add3A_800 : vector<16xf32>
      %mul3A_856 = arith.constant 2.000000e+00 : f32
      %mul3A_857 = vector.broadcast %mul3A_856 : f32 to vector<16xf32>
      %mul3A_858 = arith.mulf %mul3A_857, %add3A_850 : vector<16xf32>
      %sub3A_859 = arith.subf %add3A_855, %mul3A_858 : vector<16xf32>
      %swap3A_860 = arith.index_cast %add3A_854 : i32 to index
      %swap3A_861 = tpu.vector_load %arg18[%swap3A_860] {strides = array<i32>} : memref<32768xf32, #tpu.memory_space<vmem>>, vector<16xf32>,
      tpu.vector_store %arg18[%swap3A_860], %sub3A_859 {strides = array<i32>} : memref<32768xf32, #tpu.memory_space<vmem>>, vector<16xf32>,
      %swap3A_862 = arith.index_cast %add3A_854 : i32 to index
      %swap3A_863 = tpu.vector_load %arg19[%swap3A_862] {strides = array<i32>} : memref<32768xi32, #tpu.memory_space<vmem>>, vector<16xi32>,
      tpu.vector_store %arg19[%swap3A_862], %add3A_792 {strides = array<i32>} : memref<32768xi32, #tpu.memory_space<vmem>>, vector<16xi32>,
      %add3A_864 = arith.constant 5120 : i32
      %add3A_865 = vector.broadcast %add3A_864 : i32 to vector<16xi32>
      %add3A_866 = arith.addi %get3A_125, %add3A_865 : vector<16xi32>
      %gather3A_867 = tpu.vector_load_idx %arg11[%add3A_866] : memref<8192xf32, #tpu.memory_space<vmem>>[vector<16xi32>], vector<16xf32>,
      %gather3A_868 = tpu.vector_load_idx %arg12[%add3A_866] : memref<8192xf32, #tpu.memory_space<vmem>>[vector<16xi32>], vector<16xf32>,
      %gather3A_869 = tpu.vector_load_idx %arg13[%add3A_866] : memref<8192xf32, #tpu.memory_space<vmem>>[vector<16xi32>], vector<16xf32>,
      %mul3A_870 = arith.mulf %gather3A_867, %gather3A_867 : vector<16xf32>
      %mul3A_871 = arith.mulf %gather3A_868, %gather3A_868 : vector<16xf32>
      %add3A_872 = arith.addf %mul3A_870, %mul3A_871 : vector<16xf32>
      %mul3A_873 = arith.mulf %gather3A_869, %gather3A_869 : vector<16xf32>
      %add3A_874 = arith.addf %add3A_872, %mul3A_873 : vector<16xf32>
      %bitcast3A_875 = vector.bitcast %gather3A_867 : vector<16xf32> to vector<16xi32>
      %add3A_876 = arith.constant 32767 : i32
      %add3A_877 = vector.broadcast %add3A_876 : i32 to vector<16xi32>
      %add3A_878 = arith.addi %bitcast3A_875, %add3A_877 : vector<16xi32>
      %shift_right_logical3A_879 = arith.constant 16 : i32
      %shift_right_logical3A_880 = vector.broadcast %shift_right_logical3A_879 : i32 to vector<16xi32>
      %shift_right_logical3A_881 = arith.shrui %bitcast3A_875, %shift_right_logical3A_880 : vector<16xi32>
      %and3A_882 = arith.constant 1 : i32
      %and3A_883 = vector.broadcast %and3A_882 : i32 to vector<16xi32>
      %and3A_884 = arith.andi %shift_right_logical3A_881, %and3A_883 : vector<16xi32>
      %add3A_885 = arith.addi %add3A_878, %and3A_884 : vector<16xi32>
      %and3A_886 = arith.constant -65536 : i32
      %and3A_887 = vector.broadcast %and3A_886 : i32 to vector<16xi32>
      %and3A_888 = arith.andi %add3A_885, %and3A_887 : vector<16xi32>
      %bitcast3A_889 = vector.bitcast %and3A_888 : vector<16xi32> to vector<16xf32>
      %bitcast3A_890 = vector.bitcast %gather3A_868 : vector<16xf32> to vector<16xi32>
      %add3A_891 = arith.constant 32767 : i32
      %add3A_892 = vector.broadcast %add3A_891 : i32 to vector<16xi32>
      %add3A_893 = arith.addi %bitcast3A_890, %add3A_892 : vector<16xi32>
      %shift_right_logical3A_894 = arith.constant 16 : i32
      %shift_right_logical3A_895 = vector.broadcast %shift_right_logical3A_894 : i32 to vector<16xi32>
      %shift_right_logical3A_896 = arith.shrui %bitcast3A_890, %shift_right_logical3A_895 : vector<16xi32>
      %and3A_897 = arith.constant 1 : i32
      %and3A_898 = vector.broadcast %and3A_897 : i32 to vector<16xi32>
      %and3A_899 = arith.andi %shift_right_logical3A_896, %and3A_898 : vector<16xi32>
      %add3A_900 = arith.addi %add3A_893, %and3A_899 : vector<16xi32>
      %and3A_901 = arith.constant -65536 : i32
      %and3A_902 = vector.broadcast %and3A_901 : i32 to vector<16xi32>
      %and3A_903 = arith.andi %add3A_900, %and3A_902 : vector<16xi32>
      %bitcast3A_904 = vector.bitcast %and3A_903 : vector<16xi32> to vector<16xf32>
      %bitcast3A_905 = vector.bitcast %gather3A_869 : vector<16xf32> to vector<16xi32>
      %add3A_906 = arith.constant 32767 : i32
      %add3A_907 = vector.broadcast %add3A_906 : i32 to vector<16xi32>
      %add3A_908 = arith.addi %bitcast3A_905, %add3A_907 : vector<16xi32>
      %shift_right_logical3A_909 = arith.constant 16 : i32
      %shift_right_logical3A_910 = vector.broadcast %shift_right_logical3A_909 : i32 to vector<16xi32>
      %shift_right_logical3A_911 = arith.shrui %bitcast3A_905, %shift_right_logical3A_910 : vector<16xi32>
      %and3A_912 = arith.constant 1 : i32
      %and3A_913 = vector.broadcast %and3A_912 : i32 to vector<16xi32>
      %and3A_914 = arith.andi %shift_right_logical3A_911, %and3A_913 : vector<16xi32>
      %add3A_915 = arith.addi %add3A_908, %and3A_914 : vector<16xi32>
      %and3A_916 = arith.constant -65536 : i32
      %and3A_917 = vector.broadcast %and3A_916 : i32 to vector<16xi32>
      %and3A_918 = arith.andi %add3A_915, %and3A_917 : vector<16xi32>
      %bitcast3A_919 = vector.bitcast %and3A_918 : vector<16xi32> to vector<16xf32>
      %mul3A_920 = arith.mulf %bitcast3A_89, %bitcast3A_889 : vector<16xf32>
      %mul3A_921 = arith.mulf %bitcast3A_104, %bitcast3A_904 : vector<16xf32>
      %add3A_922 = arith.addf %mul3A_920, %mul3A_921 : vector<16xf32>
      %mul3A_923 = arith.mulf %bitcast3A_119, %bitcast3A_919 : vector<16xf32>
      %add3A_924 = arith.addf %add3A_922, %mul3A_923 : vector<16xf32>
      %mul3A_925 = arith.constant 512 : i32
      %mul3A_926 = arith.muli %scan3A_59, %mul3A_925 : i32
      %add3A_927 = arith.constant 160 : i32
      %add3A_928 = arith.addi %mul3A_926, %add3A_927 : i32
      %add3A_929 = arith.addf %add3A_76, %add3A_874 : vector<16xf32>
      %mul3A_930 = arith.constant 2.000000e+00 : f32
      %mul3A_931 = vector.broadcast %mul3A_930 : f32 to vector<16xf32>
      %mul3A_932 = arith.mulf %mul3A_931, %add3A_924 : vector<16xf32>
      %sub3A_933 = arith.subf %add3A_929, %mul3A_932 : vector<16xf32>
      %swap3A_934 = arith.index_cast %add3A_928 : i32 to index
      %swap3A_935 = tpu.vector_load %arg18[%swap3A_934] {strides = array<i32>} : memref<32768xf32, #tpu.memory_space<vmem>>, vector<16xf32>,
      tpu.vector_store %arg18[%swap3A_934], %sub3A_933 {strides = array<i32>} : memref<32768xf32, #tpu.memory_space<vmem>>, vector<16xf32>,
      %swap3A_936 = arith.index_cast %add3A_928 : i32 to index
      %swap3A_937 = tpu.vector_load %arg19[%swap3A_936] {strides = array<i32>} : memref<32768xi32, #tpu.memory_space<vmem>>, vector<16xi32>,
      tpu.vector_store %arg19[%swap3A_936], %add3A_866 {strides = array<i32>} : memref<32768xi32, #tpu.memory_space<vmem>>, vector<16xi32>,
      %add3A_938 = arith.constant 5632 : i32
      %add3A_939 = vector.broadcast %add3A_938 : i32 to vector<16xi32>
      %add3A_940 = arith.addi %get3A_125, %add3A_939 : vector<16xi32>
      %gather3A_941 = tpu.vector_load_idx %arg11[%add3A_940] : memref<8192xf32, #tpu.memory_space<vmem>>[vector<16xi32>], vector<16xf32>,
      %gather3A_942 = tpu.vector_load_idx %arg12[%add3A_940] : memref<8192xf32, #tpu.memory_space<vmem>>[vector<16xi32>], vector<16xf32>,
      %gather3A_943 = tpu.vector_load_idx %arg13[%add3A_940] : memref<8192xf32, #tpu.memory_space<vmem>>[vector<16xi32>], vector<16xf32>,
      %mul3A_944 = arith.mulf %gather3A_941, %gather3A_941 : vector<16xf32>
      %mul3A_945 = arith.mulf %gather3A_942, %gather3A_942 : vector<16xf32>
      %add3A_946 = arith.addf %mul3A_944, %mul3A_945 : vector<16xf32>
      %mul3A_947 = arith.mulf %gather3A_943, %gather3A_943 : vector<16xf32>
      %add3A_948 = arith.addf %add3A_946, %mul3A_947 : vector<16xf32>
      %bitcast3A_949 = vector.bitcast %gather3A_941 : vector<16xf32> to vector<16xi32>
      %add3A_950 = arith.constant 32767 : i32
      %add3A_951 = vector.broadcast %add3A_950 : i32 to vector<16xi32>
      %add3A_952 = arith.addi %bitcast3A_949, %add3A_951 : vector<16xi32>
      %shift_right_logical3A_953 = arith.constant 16 : i32
      %shift_right_logical3A_954 = vector.broadcast %shift_right_logical3A_953 : i32 to vector<16xi32>
      %shift_right_logical3A_955 = arith.shrui %bitcast3A_949, %shift_right_logical3A_954 : vector<16xi32>
      %and3A_956 = arith.constant 1 : i32
      %and3A_957 = vector.broadcast %and3A_956 : i32 to vector<16xi32>
      %and3A_958 = arith.andi %shift_right_logical3A_955, %and3A_957 : vector<16xi32>
      %add3A_959 = arith.addi %add3A_952, %and3A_958 : vector<16xi32>
      %and3A_960 = arith.constant -65536 : i32
      %and3A_961 = vector.broadcast %and3A_960 : i32 to vector<16xi32>
      %and3A_962 = arith.andi %add3A_959, %and3A_961 : vector<16xi32>
      %bitcast3A_963 = vector.bitcast %and3A_962 : vector<16xi32> to vector<16xf32>
      %bitcast3A_964 = vector.bitcast %gather3A_942 : vector<16xf32> to vector<16xi32>
      %add3A_965 = arith.constant 32767 : i32
      %add3A_966 = vector.broadcast %add3A_965 : i32 to vector<16xi32>
      %add3A_967 = arith.addi %bitcast3A_964, %add3A_966 : vector<16xi32>
      %shift_right_logical3A_968 = arith.constant 16 : i32
      %shift_right_logical3A_969 = vector.broadcast %shift_right_logical3A_968 : i32 to vector<16xi32>
      %shift_right_logical3A_970 = arith.shrui %bitcast3A_964, %shift_right_logical3A_969 : vector<16xi32>
      %and3A_971 = arith.constant 1 : i32
      %and3A_972 = vector.broadcast %and3A_971 : i32 to vector<16xi32>
      %and3A_973 = arith.andi %shift_right_logical3A_970, %and3A_972 : vector<16xi32>
      %add3A_974 = arith.addi %add3A_967, %and3A_973 : vector<16xi32>
      %and3A_975 = arith.constant -65536 : i32
      %and3A_976 = vector.broadcast %and3A_975 : i32 to vector<16xi32>
      %and3A_977 = arith.andi %add3A_974, %and3A_976 : vector<16xi32>
      %bitcast3A_978 = vector.bitcast %and3A_977 : vector<16xi32> to vector<16xf32>
      %bitcast3A_979 = vector.bitcast %gather3A_943 : vector<16xf32> to vector<16xi32>
      %add3A_980 = arith.constant 32767 : i32
      %add3A_981 = vector.broadcast %add3A_980 : i32 to vector<16xi32>
      %add3A_982 = arith.addi %bitcast3A_979, %add3A_981 : vector<16xi32>
      %shift_right_logical3A_983 = arith.constant 16 : i32
      %shift_right_logical3A_984 = vector.broadcast %shift_right_logical3A_983 : i32 to vector<16xi32>
      %shift_right_logical3A_985 = arith.shrui %bitcast3A_979, %shift_right_logical3A_984 : vector<16xi32>
      %and3A_986 = arith.constant 1 : i32
      %and3A_987 = vector.broadcast %and3A_986 : i32 to vector<16xi32>
      %and3A_988 = arith.andi %shift_right_logical3A_985, %and3A_987 : vector<16xi32>
      %add3A_989 = arith.addi %add3A_982, %and3A_988 : vector<16xi32>
      %and3A_990 = arith.constant -65536 : i32
      %and3A_991 = vector.broadcast %and3A_990 : i32 to vector<16xi32>
      %and3A_992 = arith.andi %add3A_989, %and3A_991 : vector<16xi32>
      %bitcast3A_993 = vector.bitcast %and3A_992 : vector<16xi32> to vector<16xf32>
      %mul3A_994 = arith.mulf %bitcast3A_89, %bitcast3A_963 : vector<16xf32>
      %mul3A_995 = arith.mulf %bitcast3A_104, %bitcast3A_978 : vector<16xf32>
      %add3A_996 = arith.addf %mul3A_994, %mul3A_995 : vector<16xf32>
      %mul3A_997 = arith.mulf %bitcast3A_119, %bitcast3A_993 : vector<16xf32>
      %add3A_998 = arith.addf %add3A_996, %mul3A_997 : vector<16xf32>
      %mul3A_999 = arith.constant 512 : i32
      %mul3A_1000 = arith.muli %scan3A_59, %mul3A_999 : i32
      %add3A_1001 = arith.constant 176 : i32
      %add3A_1002 = arith.addi %mul3A_1000, %add3A_1001 : i32
      %add3A_1003 = arith.addf %add3A_76, %add3A_948 : vector<16xf32>
      %mul3A_1004 = arith.constant 2.000000e+00 : f32
      %mul3A_1005 = vector.broadcast %mul3A_1004 : f32 to vector<16xf32>
      %mul3A_1006 = arith.mulf %mul3A_1005, %add3A_998 : vector<16xf32>
      %sub3A_1007 = arith.subf %add3A_1003, %mul3A_1006 : vector<16xf32>
      %swap3A_1008 = arith.index_cast %add3A_1002 : i32 to index
      %swap3A_1009 = tpu.vector_load %arg18[%swap3A_1008] {strides = array<i32>} : memref<32768xf32, #tpu.memory_space<vmem>>, vector<16xf32>,
      tpu.vector_store %arg18[%swap3A_1008], %sub3A_1007 {strides = array<i32>} : memref<32768xf32, #tpu.memory_space<vmem>>, vector<16xf32>,
      %swap3A_1010 = arith.index_cast %add3A_1002 : i32 to index
      %swap3A_1011 = tpu.vector_load %arg19[%swap3A_1010] {strides = array<i32>} : memref<32768xi32, #tpu.memory_space<vmem>>, vector<16xi32>,
      tpu.vector_store %arg19[%swap3A_1010], %add3A_940 {strides = array<i32>} : memref<32768xi32, #tpu.memory_space<vmem>>, vector<16xi32>,
      %add3A_1012 = arith.constant 6144 : i32
      %add3A_1013 = vector.broadcast %add3A_1012 : i32 to vector<16xi32>
      %add3A_1014 = arith.addi %get3A_125, %add3A_1013 : vector<16xi32>
      %gather3A_1015 = tpu.vector_load_idx %arg11[%add3A_1014] : memref<8192xf32, #tpu.memory_space<vmem>>[vector<16xi32>], vector<16xf32>,
      %gather3A_1016 = tpu.vector_load_idx %arg12[%add3A_1014] : memref<8192xf32, #tpu.memory_space<vmem>>[vector<16xi32>], vector<16xf32>,
      %gather3A_1017 = tpu.vector_load_idx %arg13[%add3A_1014] : memref<8192xf32, #tpu.memory_space<vmem>>[vector<16xi32>], vector<16xf32>,
      %mul3A_1018 = arith.mulf %gather3A_1015, %gather3A_1015 : vector<16xf32>
      %mul3A_1019 = arith.mulf %gather3A_1016, %gather3A_1016 : vector<16xf32>
      %add3A_1020 = arith.addf %mul3A_1018, %mul3A_1019 : vector<16xf32>
      %mul3A_1021 = arith.mulf %gather3A_1017, %gather3A_1017 : vector<16xf32>
      %add3A_1022 = arith.addf %add3A_1020, %mul3A_1021 : vector<16xf32>
      %bitcast3A_1023 = vector.bitcast %gather3A_1015 : vector<16xf32> to vector<16xi32>
      %add3A_1024 = arith.constant 32767 : i32
      %add3A_1025 = vector.broadcast %add3A_1024 : i32 to vector<16xi32>
      %add3A_1026 = arith.addi %bitcast3A_1023, %add3A_1025 : vector<16xi32>
      %shift_right_logical3A_1027 = arith.constant 16 : i32
      %shift_right_logical3A_1028 = vector.broadcast %shift_right_logical3A_1027 : i32 to vector<16xi32>
      %shift_right_logical3A_1029 = arith.shrui %bitcast3A_1023, %shift_right_logical3A_1028 : vector<16xi32>
      %and3A_1030 = arith.constant 1 : i32
      %and3A_1031 = vector.broadcast %and3A_1030 : i32 to vector<16xi32>
      %and3A_1032 = arith.andi %shift_right_logical3A_1029, %and3A_1031 : vector<16xi32>
      %add3A_1033 = arith.addi %add3A_1026, %and3A_1032 : vector<16xi32>
      %and3A_1034 = arith.constant -65536 : i32
      %and3A_1035 = vector.broadcast %and3A_1034 : i32 to vector<16xi32>
      %and3A_1036 = arith.andi %add3A_1033, %and3A_1035 : vector<16xi32>
      %bitcast3A_1037 = vector.bitcast %and3A_1036 : vector<16xi32> to vector<16xf32>
      %bitcast3A_1038 = vector.bitcast %gather3A_1016 : vector<16xf32> to vector<16xi32>
      %add3A_1039 = arith.constant 32767 : i32
      %add3A_1040 = vector.broadcast %add3A_1039 : i32 to vector<16xi32>
      %add3A_1041 = arith.addi %bitcast3A_1038, %add3A_1040 : vector<16xi32>
      %shift_right_logical3A_1042 = arith.constant 16 : i32
      %shift_right_logical3A_1043 = vector.broadcast %shift_right_logical3A_1042 : i32 to vector<16xi32>
      %shift_right_logical3A_1044 = arith.shrui %bitcast3A_1038, %shift_right_logical3A_1043 : vector<16xi32>
      %and3A_1045 = arith.constant 1 : i32
      %and3A_1046 = vector.broadcast %and3A_1045 : i32 to vector<16xi32>
      %and3A_1047 = arith.andi %shift_right_logical3A_1044, %and3A_1046 : vector<16xi32>
      %add3A_1048 = arith.addi %add3A_1041, %and3A_1047 : vector<16xi32>
      %and3A_1049 = arith.constant -65536 : i32
      %and3A_1050 = vector.broadcast %and3A_1049 : i32 to vector<16xi32>
      %and3A_1051 = arith.andi %add3A_1048, %and3A_1050 : vector<16xi32>
      %bitcast3A_1052 = vector.bitcast %and3A_1051 : vector<16xi32> to vector<16xf32>
      %bitcast3A_1053 = vector.bitcast %gather3A_1017 : vector<16xf32> to vector<16xi32>
      %add3A_1054 = arith.constant 32767 : i32
      %add3A_1055 = vector.broadcast %add3A_1054 : i32 to vector<16xi32>
      %add3A_1056 = arith.addi %bitcast3A_1053, %add3A_1055 : vector<16xi32>
      %shift_right_logical3A_1057 = arith.constant 16 : i32
      %shift_right_logical3A_1058 = vector.broadcast %shift_right_logical3A_1057 : i32 to vector<16xi32>
      %shift_right_logical3A_1059 = arith.shrui %bitcast3A_1053, %shift_right_logical3A_1058 : vector<16xi32>
      %and3A_1060 = arith.constant 1 : i32
      %and3A_1061 = vector.broadcast %and3A_1060 : i32 to vector<16xi32>
      %and3A_1062 = arith.andi %shift_right_logical3A_1059, %and3A_1061 : vector<16xi32>
      %add3A_1063 = arith.addi %add3A_1056, %and3A_1062 : vector<16xi32>
      %and3A_1064 = arith.constant -65536 : i32
      %and3A_1065 = vector.broadcast %and3A_1064 : i32 to vector<16xi32>
      %and3A_1066 = arith.andi %add3A_1063, %and3A_1065 : vector<16xi32>
      %bitcast3A_1067 = vector.bitcast %and3A_1066 : vector<16xi32> to vector<16xf32>
      %mul3A_1068 = arith.mulf %bitcast3A_89, %bitcast3A_1037 : vector<16xf32>
      %mul3A_1069 = arith.mulf %bitcast3A_104, %bitcast3A_1052 : vector<16xf32>
      %add3A_1070 = arith.addf %mul3A_1068, %mul3A_1069 : vector<16xf32>
      %mul3A_1071 = arith.mulf %bitcast3A_119, %bitcast3A_1067 : vector<16xf32>
      %add3A_1072 = arith.addf %add3A_1070, %mul3A_1071 : vector<16xf32>
      %mul3A_1073 = arith.constant 512 : i32
      %mul3A_1074 = arith.muli %scan3A_59, %mul3A_1073 : i32
      %add3A_1075 = arith.constant 192 : i32
      %add3A_1076 = arith.addi %mul3A_1074, %add3A_1075 : i32
      %add3A_1077 = arith.addf %add3A_76, %add3A_1022 : vector<16xf32>
      %mul3A_1078 = arith.constant 2.000000e+00 : f32
      %mul3A_1079 = vector.broadcast %mul3A_1078 : f32 to vector<16xf32>
      %mul3A_1080 = arith.mulf %mul3A_1079, %add3A_1072 : vector<16xf32>
      %sub3A_1081 = arith.subf %add3A_1077, %mul3A_1080 : vector<16xf32>
      %swap3A_1082 = arith.index_cast %add3A_1076 : i32 to index
      %swap3A_1083 = tpu.vector_load %arg18[%swap3A_1082] {strides = array<i32>} : memref<32768xf32, #tpu.memory_space<vmem>>, vector<16xf32>,
      tpu.vector_store %arg18[%swap3A_1082], %sub3A_1081 {strides = array<i32>} : memref<32768xf32, #tpu.memory_space<vmem>>, vector<16xf32>,
      %swap3A_1084 = arith.index_cast %add3A_1076 : i32 to index
      %swap3A_1085 = tpu.vector_load %arg19[%swap3A_1084] {strides = array<i32>} : memref<32768xi32, #tpu.memory_space<vmem>>, vector<16xi32>,
      tpu.vector_store %arg19[%swap3A_1084], %add3A_1014 {strides = array<i32>} : memref<32768xi32, #tpu.memory_space<vmem>>, vector<16xi32>,
      %add3A_1086 = arith.constant 6656 : i32
      %add3A_1087 = vector.broadcast %add3A_1086 : i32 to vector<16xi32>
      %add3A_1088 = arith.addi %get3A_125, %add3A_1087 : vector<16xi32>
      %gather3A_1089 = tpu.vector_load_idx %arg11[%add3A_1088] : memref<8192xf32, #tpu.memory_space<vmem>>[vector<16xi32>], vector<16xf32>,
      %gather3A_1090 = tpu.vector_load_idx %arg12[%add3A_1088] : memref<8192xf32, #tpu.memory_space<vmem>>[vector<16xi32>], vector<16xf32>,
      %gather3A_1091 = tpu.vector_load_idx %arg13[%add3A_1088] : memref<8192xf32, #tpu.memory_space<vmem>>[vector<16xi32>], vector<16xf32>,
      %mul3A_1092 = arith.mulf %gather3A_1089, %gather3A_1089 : vector<16xf32>
      %mul3A_1093 = arith.mulf %gather3A_1090, %gather3A_1090 : vector<16xf32>
      %add3A_1094 = arith.addf %mul3A_1092, %mul3A_1093 : vector<16xf32>
      %mul3A_1095 = arith.mulf %gather3A_1091, %gather3A_1091 : vector<16xf32>
      %add3A_1096 = arith.addf %add3A_1094, %mul3A_1095 : vector<16xf32>
      %bitcast3A_1097 = vector.bitcast %gather3A_1089 : vector<16xf32> to vector<16xi32>
      %add3A_1098 = arith.constant 32767 : i32
      %add3A_1099 = vector.broadcast %add3A_1098 : i32 to vector<16xi32>
      %add3A_1100 = arith.addi %bitcast3A_1097, %add3A_1099 : vector<16xi32>
      %shift_right_logical3A_1101 = arith.constant 16 : i32
      %shift_right_logical3A_1102 = vector.broadcast %shift_right_logical3A_1101 : i32 to vector<16xi32>
      %shift_right_logical3A_1103 = arith.shrui %bitcast3A_1097, %shift_right_logical3A_1102 : vector<16xi32>
      %and3A_1104 = arith.constant 1 : i32
      %and3A_1105 = vector.broadcast %and3A_1104 : i32 to vector<16xi32>
      %and3A_1106 = arith.andi %shift_right_logical3A_1103, %and3A_1105 : vector<16xi32>
      %add3A_1107 = arith.addi %add3A_1100, %and3A_1106 : vector<16xi32>
      %and3A_1108 = arith.constant -65536 : i32
      %and3A_1109 = vector.broadcast %and3A_1108 : i32 to vector<16xi32>
      %and3A_1110 = arith.andi %add3A_1107, %and3A_1109 : vector<16xi32>
      %bitcast3A_1111 = vector.bitcast %and3A_1110 : vector<16xi32> to vector<16xf32>
      %bitcast3A_1112 = vector.bitcast %gather3A_1090 : vector<16xf32> to vector<16xi32>
      %add3A_1113 = arith.constant 32767 : i32
      %add3A_1114 = vector.broadcast %add3A_1113 : i32 to vector<16xi32>
      %add3A_1115 = arith.addi %bitcast3A_1112, %add3A_1114 : vector<16xi32>
      %shift_right_logical3A_1116 = arith.constant 16 : i32
      %shift_right_logical3A_1117 = vector.broadcast %shift_right_logical3A_1116 : i32 to vector<16xi32>
      %shift_right_logical3A_1118 = arith.shrui %bitcast3A_1112, %shift_right_logical3A_1117 : vector<16xi32>
      %and3A_1119 = arith.constant 1 : i32
      %and3A_1120 = vector.broadcast %and3A_1119 : i32 to vector<16xi32>
      %and3A_1121 = arith.andi %shift_right_logical3A_1118, %and3A_1120 : vector<16xi32>
      %add3A_1122 = arith.addi %add3A_1115, %and3A_1121 : vector<16xi32>
      %and3A_1123 = arith.constant -65536 : i32
      %and3A_1124 = vector.broadcast %and3A_1123 : i32 to vector<16xi32>
      %and3A_1125 = arith.andi %add3A_1122, %and3A_1124 : vector<16xi32>
      %bitcast3A_1126 = vector.bitcast %and3A_1125 : vector<16xi32> to vector<16xf32>
      %bitcast3A_1127 = vector.bitcast %gather3A_1091 : vector<16xf32> to vector<16xi32>
      %add3A_1128 = arith.constant 32767 : i32
      %add3A_1129 = vector.broadcast %add3A_1128 : i32 to vector<16xi32>
      %add3A_1130 = arith.addi %bitcast3A_1127, %add3A_1129 : vector<16xi32>
      %shift_right_logical3A_1131 = arith.constant 16 : i32
      %shift_right_logical3A_1132 = vector.broadcast %shift_right_logical3A_1131 : i32 to vector<16xi32>
      %shift_right_logical3A_1133 = arith.shrui %bitcast3A_1127, %shift_right_logical3A_1132 : vector<16xi32>
      %and3A_1134 = arith.constant 1 : i32
      %and3A_1135 = vector.broadcast %and3A_1134 : i32 to vector<16xi32>
      %and3A_1136 = arith.andi %shift_right_logical3A_1133, %and3A_1135 : vector<16xi32>
      %add3A_1137 = arith.addi %add3A_1130, %and3A_1136 : vector<16xi32>
      %and3A_1138 = arith.constant -65536 : i32
      %and3A_1139 = vector.broadcast %and3A_1138 : i32 to vector<16xi32>
      %and3A_1140 = arith.andi %add3A_1137, %and3A_1139 : vector<16xi32>
      %bitcast3A_1141 = vector.bitcast %and3A_1140 : vector<16xi32> to vector<16xf32>
      %mul3A_1142 = arith.mulf %bitcast3A_89, %bitcast3A_1111 : vector<16xf32>
      %mul3A_1143 = arith.mulf %bitcast3A_104, %bitcast3A_1126 : vector<16xf32>
      %add3A_1144 = arith.addf %mul3A_1142, %mul3A_1143 : vector<16xf32>
      %mul3A_1145 = arith.mulf %bitcast3A_119, %bitcast3A_1141 : vector<16xf32>
      %add3A_1146 = arith.addf %add3A_1144, %mul3A_1145 : vector<16xf32>
      %mul3A_1147 = arith.constant 512 : i32
      %mul3A_1148 = arith.muli %scan3A_59, %mul3A_1147 : i32
      %add3A_1149 = arith.constant 208 : i32
      %add3A_1150 = arith.addi %mul3A_1148, %add3A_1149 : i32
      %add3A_1151 = arith.addf %add3A_76, %add3A_1096 : vector<16xf32>
      %mul3A_1152 = arith.constant 2.000000e+00 : f32
      %mul3A_1153 = vector.broadcast %mul3A_1152 : f32 to vector<16xf32>
      %mul3A_1154 = arith.mulf %mul3A_1153, %add3A_1146 : vector<16xf32>
      %sub3A_1155 = arith.subf %add3A_1151, %mul3A_1154 : vector<16xf32>
      %swap3A_1156 = arith.index_cast %add3A_1150 : i32 to index
      %swap3A_1157 = tpu.vector_load %arg18[%swap3A_1156] {strides = array<i32>} : memref<32768xf32, #tpu.memory_space<vmem>>, vector<16xf32>,
      tpu.vector_store %arg18[%swap3A_1156], %sub3A_1155 {strides = array<i32>} : memref<32768xf32, #tpu.memory_space<vmem>>, vector<16xf32>,
      %swap3A_1158 = arith.index_cast %add3A_1150 : i32 to index
      %swap3A_1159 = tpu.vector_load %arg19[%swap3A_1158] {strides = array<i32>} : memref<32768xi32, #tpu.memory_space<vmem>>, vector<16xi32>,
      tpu.vector_store %arg19[%swap3A_1158], %add3A_1088 {strides = array<i32>} : memref<32768xi32, #tpu.memory_space<vmem>>, vector<16xi32>,
      %add3A_1160 = arith.constant 7168 : i32
      %add3A_1161 = vector.broadcast %add3A_1160 : i32 to vector<16xi32>
      %add3A_1162 = arith.addi %get3A_125, %add3A_1161 : vector<16xi32>
      %gather3A_1163 = tpu.vector_load_idx %arg11[%add3A_1162] : memref<8192xf32, #tpu.memory_space<vmem>>[vector<16xi32>], vector<16xf32>,
      %gather3A_1164 = tpu.vector_load_idx %arg12[%add3A_1162] : memref<8192xf32, #tpu.memory_space<vmem>>[vector<16xi32>], vector<16xf32>,
      %gather3A_1165 = tpu.vector_load_idx %arg13[%add3A_1162] : memref<8192xf32, #tpu.memory_space<vmem>>[vector<16xi32>], vector<16xf32>,
      %mul3A_1166 = arith.mulf %gather3A_1163, %gather3A_1163 : vector<16xf32>
      %mul3A_1167 = arith.mulf %gather3A_1164, %gather3A_1164 : vector<16xf32>
      %add3A_1168 = arith.addf %mul3A_1166, %mul3A_1167 : vector<16xf32>
      %mul3A_1169 = arith.mulf %gather3A_1165, %gather3A_1165 : vector<16xf32>
      %add3A_1170 = arith.addf %add3A_1168, %mul3A_1169 : vector<16xf32>
      %bitcast3A_1171 = vector.bitcast %gather3A_1163 : vector<16xf32> to vector<16xi32>
      %add3A_1172 = arith.constant 32767 : i32
      %add3A_1173 = vector.broadcast %add3A_1172 : i32 to vector<16xi32>
      %add3A_1174 = arith.addi %bitcast3A_1171, %add3A_1173 : vector<16xi32>
      %shift_right_logical3A_1175 = arith.constant 16 : i32
      %shift_right_logical3A_1176 = vector.broadcast %shift_right_logical3A_1175 : i32 to vector<16xi32>
      %shift_right_logical3A_1177 = arith.shrui %bitcast3A_1171, %shift_right_logical3A_1176 : vector<16xi32>
      %and3A_1178 = arith.constant 1 : i32
      %and3A_1179 = vector.broadcast %and3A_1178 : i32 to vector<16xi32>
      %and3A_1180 = arith.andi %shift_right_logical3A_1177, %and3A_1179 : vector<16xi32>
      %add3A_1181 = arith.addi %add3A_1174, %and3A_1180 : vector<16xi32>
      %and3A_1182 = arith.constant -65536 : i32
      %and3A_1183 = vector.broadcast %and3A_1182 : i32 to vector<16xi32>
      %and3A_1184 = arith.andi %add3A_1181, %and3A_1183 : vector<16xi32>
      %bitcast3A_1185 = vector.bitcast %and3A_1184 : vector<16xi32> to vector<16xf32>
      %bitcast3A_1186 = vector.bitcast %gather3A_1164 : vector<16xf32> to vector<16xi32>
      %add3A_1187 = arith.constant 32767 : i32
      %add3A_1188 = vector.broadcast %add3A_1187 : i32 to vector<16xi32>
      %add3A_1189 = arith.addi %bitcast3A_1186, %add3A_1188 : vector<16xi32>
      %shift_right_logical3A_1190 = arith.constant 16 : i32
      %shift_right_logical3A_1191 = vector.broadcast %shift_right_logical3A_1190 : i32 to vector<16xi32>
      %shift_right_logical3A_1192 = arith.shrui %bitcast3A_1186, %shift_right_logical3A_1191 : vector<16xi32>
      %and3A_1193 = arith.constant 1 : i32
      %and3A_1194 = vector.broadcast %and3A_1193 : i32 to vector<16xi32>
      %and3A_1195 = arith.andi %shift_right_logical3A_1192, %and3A_1194 : vector<16xi32>
      %add3A_1196 = arith.addi %add3A_1189, %and3A_1195 : vector<16xi32>
      %and3A_1197 = arith.constant -65536 : i32
      %and3A_1198 = vector.broadcast %and3A_1197 : i32 to vector<16xi32>
      %and3A_1199 = arith.andi %add3A_1196, %and3A_1198 : vector<16xi32>
      %bitcast3A_1200 = vector.bitcast %and3A_1199 : vector<16xi32> to vector<16xf32>
      %bitcast3A_1201 = vector.bitcast %gather3A_1165 : vector<16xf32> to vector<16xi32>
      %add3A_1202 = arith.constant 32767 : i32
      %add3A_1203 = vector.broadcast %add3A_1202 : i32 to vector<16xi32>
      %add3A_1204 = arith.addi %bitcast3A_1201, %add3A_1203 : vector<16xi32>
      %shift_right_logical3A_1205 = arith.constant 16 : i32
      %shift_right_logical3A_1206 = vector.broadcast %shift_right_logical3A_1205 : i32 to vector<16xi32>
      %shift_right_logical3A_1207 = arith.shrui %bitcast3A_1201, %shift_right_logical3A_1206 : vector<16xi32>
      %and3A_1208 = arith.constant 1 : i32
      %and3A_1209 = vector.broadcast %and3A_1208 : i32 to vector<16xi32>
      %and3A_1210 = arith.andi %shift_right_logical3A_1207, %and3A_1209 : vector<16xi32>
      %add3A_1211 = arith.addi %add3A_1204, %and3A_1210 : vector<16xi32>
      %and3A_1212 = arith.constant -65536 : i32
      %and3A_1213 = vector.broadcast %and3A_1212 : i32 to vector<16xi32>
      %and3A_1214 = arith.andi %add3A_1211, %and3A_1213 : vector<16xi32>
      %bitcast3A_1215 = vector.bitcast %and3A_1214 : vector<16xi32> to vector<16xf32>
      %mul3A_1216 = arith.mulf %bitcast3A_89, %bitcast3A_1185 : vector<16xf32>
      %mul3A_1217 = arith.mulf %bitcast3A_104, %bitcast3A_1200 : vector<16xf32>
      %add3A_1218 = arith.addf %mul3A_1216, %mul3A_1217 : vector<16xf32>
      %mul3A_1219 = arith.mulf %bitcast3A_119, %bitcast3A_1215 : vector<16xf32>
      %add3A_1220 = arith.addf %add3A_1218, %mul3A_1219 : vector<16xf32>
      %mul3A_1221 = arith.constant 512 : i32
      %mul3A_1222 = arith.muli %scan3A_59, %mul3A_1221 : i32
      %add3A_1223 = arith.constant 224 : i32
      %add3A_1224 = arith.addi %mul3A_1222, %add3A_1223 : i32
      %add3A_1225 = arith.addf %add3A_76, %add3A_1170 : vector<16xf32>
      %mul3A_1226 = arith.constant 2.000000e+00 : f32
      %mul3A_1227 = vector.broadcast %mul3A_1226 : f32 to vector<16xf32>
      %mul3A_1228 = arith.mulf %mul3A_1227, %add3A_1220 : vector<16xf32>
      %sub3A_1229 = arith.subf %add3A_1225, %mul3A_1228 : vector<16xf32>
      %swap3A_1230 = arith.index_cast %add3A_1224 : i32 to index
      %swap3A_1231 = tpu.vector_load %arg18[%swap3A_1230] {strides = array<i32>} : memref<32768xf32, #tpu.memory_space<vmem>>, vector<16xf32>,
      tpu.vector_store %arg18[%swap3A_1230], %sub3A_1229 {strides = array<i32>} : memref<32768xf32, #tpu.memory_space<vmem>>, vector<16xf32>,
      %swap3A_1232 = arith.index_cast %add3A_1224 : i32 to index
      %swap3A_1233 = tpu.vector_load %arg19[%swap3A_1232] {strides = array<i32>} : memref<32768xi32, #tpu.memory_space<vmem>>, vector<16xi32>,
      tpu.vector_store %arg19[%swap3A_1232], %add3A_1162 {strides = array<i32>} : memref<32768xi32, #tpu.memory_space<vmem>>, vector<16xi32>,
      %add3A_1234 = arith.constant 7680 : i32
      %add3A_1235 = vector.broadcast %add3A_1234 : i32 to vector<16xi32>
      %add3A_1236 = arith.addi %get3A_125, %add3A_1235 : vector<16xi32>
      %gather3A_1237 = tpu.vector_load_idx %arg11[%add3A_1236] : memref<8192xf32, #tpu.memory_space<vmem>>[vector<16xi32>], vector<16xf32>,
      %gather3A_1238 = tpu.vector_load_idx %arg12[%add3A_1236] : memref<8192xf32, #tpu.memory_space<vmem>>[vector<16xi32>], vector<16xf32>,
      %gather3A_1239 = tpu.vector_load_idx %arg13[%add3A_1236] : memref<8192xf32, #tpu.memory_space<vmem>>[vector<16xi32>], vector<16xf32>,
      %mul3A_1240 = arith.mulf %gather3A_1237, %gather3A_1237 : vector<16xf32>
      %mul3A_1241 = arith.mulf %gather3A_1238, %gather3A_1238 : vector<16xf32>
      %add3A_1242 = arith.addf %mul3A_1240, %mul3A_1241 : vector<16xf32>
      %mul3A_1243 = arith.mulf %gather3A_1239, %gather3A_1239 : vector<16xf32>
      %add3A_1244 = arith.addf %add3A_1242, %mul3A_1243 : vector<16xf32>
      %bitcast3A_1245 = vector.bitcast %gather3A_1237 : vector<16xf32> to vector<16xi32>
      %add3A_1246 = arith.constant 32767 : i32
      %add3A_1247 = vector.broadcast %add3A_1246 : i32 to vector<16xi32>
      %add3A_1248 = arith.addi %bitcast3A_1245, %add3A_1247 : vector<16xi32>
      %shift_right_logical3A_1249 = arith.constant 16 : i32
      %shift_right_logical3A_1250 = vector.broadcast %shift_right_logical3A_1249 : i32 to vector<16xi32>
      %shift_right_logical3A_1251 = arith.shrui %bitcast3A_1245, %shift_right_logical3A_1250 : vector<16xi32>
      %and3A_1252 = arith.constant 1 : i32
      %and3A_1253 = vector.broadcast %and3A_1252 : i32 to vector<16xi32>
      %and3A_1254 = arith.andi %shift_right_logical3A_1251, %and3A_1253 : vector<16xi32>
      %add3A_1255 = arith.addi %add3A_1248, %and3A_1254 : vector<16xi32>
      %and3A_1256 = arith.constant -65536 : i32
      %and3A_1257 = vector.broadcast %and3A_1256 : i32 to vector<16xi32>
      %and3A_1258 = arith.andi %add3A_1255, %and3A_1257 : vector<16xi32>
      %bitcast3A_1259 = vector.bitcast %and3A_1258 : vector<16xi32> to vector<16xf32>
      %bitcast3A_1260 = vector.bitcast %gather3A_1238 : vector<16xf32> to vector<16xi32>
      %add3A_1261 = arith.constant 32767 : i32
      %add3A_1262 = vector.broadcast %add3A_1261 : i32 to vector<16xi32>
      %add3A_1263 = arith.addi %bitcast3A_1260, %add3A_1262 : vector<16xi32>
      %shift_right_logical3A_1264 = arith.constant 16 : i32
      %shift_right_logical3A_1265 = vector.broadcast %shift_right_logical3A_1264 : i32 to vector<16xi32>
      %shift_right_logical3A_1266 = arith.shrui %bitcast3A_1260, %shift_right_logical3A_1265 : vector<16xi32>
      %and3A_1267 = arith.constant 1 : i32
      %and3A_1268 = vector.broadcast %and3A_1267 : i32 to vector<16xi32>
      %and3A_1269 = arith.andi %shift_right_logical3A_1266, %and3A_1268 : vector<16xi32>
      %add3A_1270 = arith.addi %add3A_1263, %and3A_1269 : vector<16xi32>
      %and3A_1271 = arith.constant -65536 : i32
      %and3A_1272 = vector.broadcast %and3A_1271 : i32 to vector<16xi32>
      %and3A_1273 = arith.andi %add3A_1270, %and3A_1272 : vector<16xi32>
      %bitcast3A_1274 = vector.bitcast %and3A_1273 : vector<16xi32> to vector<16xf32>
      %bitcast3A_1275 = vector.bitcast %gather3A_1239 : vector<16xf32> to vector<16xi32>
      %add3A_1276 = arith.constant 32767 : i32
      %add3A_1277 = vector.broadcast %add3A_1276 : i32 to vector<16xi32>
      %add3A_1278 = arith.addi %bitcast3A_1275, %add3A_1277 : vector<16xi32>
      %shift_right_logical3A_1279 = arith.constant 16 : i32
      %shift_right_logical3A_1280 = vector.broadcast %shift_right_logical3A_1279 : i32 to vector<16xi32>
      %shift_right_logical3A_1281 = arith.shrui %bitcast3A_1275, %shift_right_logical3A_1280 : vector<16xi32>
      %and3A_1282 = arith.constant 1 : i32
      %and3A_1283 = vector.broadcast %and3A_1282 : i32 to vector<16xi32>
      %and3A_1284 = arith.andi %shift_right_logical3A_1281, %and3A_1283 : vector<16xi32>
      %add3A_1285 = arith.addi %add3A_1278, %and3A_1284 : vector<16xi32>
      %and3A_1286 = arith.constant -65536 : i32
      %and3A_1287 = vector.broadcast %and3A_1286 : i32 to vector<16xi32>
      %and3A_1288 = arith.andi %add3A_1285, %and3A_1287 : vector<16xi32>
      %bitcast3A_1289 = vector.bitcast %and3A_1288 : vector<16xi32> to vector<16xf32>
      %mul3A_1290 = arith.mulf %bitcast3A_89, %bitcast3A_1259 : vector<16xf32>
      %mul3A_1291 = arith.mulf %bitcast3A_104, %bitcast3A_1274 : vector<16xf32>
      %add3A_1292 = arith.addf %mul3A_1290, %mul3A_1291 : vector<16xf32>
      %mul3A_1293 = arith.mulf %bitcast3A_119, %bitcast3A_1289 : vector<16xf32>
      %add3A_1294 = arith.addf %add3A_1292, %mul3A_1293 : vector<16xf32>
      %mul3A_1295 = arith.constant 512 : i32
      %mul3A_1296 = arith.muli %scan3A_59, %mul3A_1295 : i32
      %add3A_1297 = arith.constant 240 : i32
      %add3A_1298 = arith.addi %mul3A_1296, %add3A_1297 : i32
      %add3A_1299 = arith.addf %add3A_76, %add3A_1244 : vector<16xf32>
      %mul3A_1300 = arith.constant 2.000000e+00 : f32
      %mul3A_1301 = vector.broadcast %mul3A_1300 : f32 to vector<16xf32>
      %mul3A_1302 = arith.mulf %mul3A_1301, %add3A_1294 : vector<16xf32>
      %sub3A_1303 = arith.subf %add3A_1299, %mul3A_1302 : vector<16xf32>
      %swap3A_1304 = arith.index_cast %add3A_1298 : i32 to index
      %swap3A_1305 = tpu.vector_load %arg18[%swap3A_1304] {strides = array<i32>} : memref<32768xf32, #tpu.memory_space<vmem>>, vector<16xf32>,
      tpu.vector_store %arg18[%swap3A_1304], %sub3A_1303 {strides = array<i32>} : memref<32768xf32, #tpu.memory_space<vmem>>, vector<16xf32>,
      %swap3A_1306 = arith.index_cast %add3A_1298 : i32 to index
      %swap3A_1307 = tpu.vector_load %arg19[%swap3A_1306] {strides = array<i32>} : memref<32768xi32, #tpu.memory_space<vmem>>, vector<16xi32>,
      tpu.vector_store %arg19[%swap3A_1306], %add3A_1236 {strides = array<i32>} : memref<32768xi32, #tpu.memory_space<vmem>>, vector<16xi32>,
      %mul3A_1308 = arith.constant 32 : i32
      %mul3A_1309 = arith.muli %scan3A_59, %mul3A_1308 : i32
      %add3A_1310 = arith.constant 16 : i32
      %add3A_1311 = arith.addi %mul3A_1309, %add3A_1310 : i32
      %get3A_1312 = arith.index_cast %add3A_1311 : i32 to index
      %get3A_1313 = tpu.vector_load %arg14[%get3A_1312] {strides = array<i32>} : memref<2048xi32, #tpu.memory_space<vmem>>, vector<16xi32>,
      %add3A_1314 = arith.constant 0 : i32
      %add3A_1315 = vector.broadcast %add3A_1314 : i32 to vector<16xi32>
      %add3A_1316 = arith.addi %get3A_1313, %add3A_1315 : vector<16xi32>
      %gather3A_1317 = tpu.vector_load_idx %arg11[%add3A_1316] : memref<8192xf32, #tpu.memory_space<vmem>>[vector<16xi32>], vector<16xf32>,
      %gather3A_1318 = tpu.vector_load_idx %arg12[%add3A_1316] : memref<8192xf32, #tpu.memory_space<vmem>>[vector<16xi32>], vector<16xf32>,
      %gather3A_1319 = tpu.vector_load_idx %arg13[%add3A_1316] : memref<8192xf32, #tpu.memory_space<vmem>>[vector<16xi32>], vector<16xf32>,
      %mul3A_1320 = arith.mulf %gather3A_1317, %gather3A_1317 : vector<16xf32>
      %mul3A_1321 = arith.mulf %gather3A_1318, %gather3A_1318 : vector<16xf32>
      %add3A_1322 = arith.addf %mul3A_1320, %mul3A_1321 : vector<16xf32>
      %mul3A_1323 = arith.mulf %gather3A_1319, %gather3A_1319 : vector<16xf32>
      %add3A_1324 = arith.addf %add3A_1322, %mul3A_1323 : vector<16xf32>
      %bitcast3A_1325 = vector.bitcast %gather3A_1317 : vector<16xf32> to vector<16xi32>
      %add3A_1326 = arith.constant 32767 : i32
      %add3A_1327 = vector.broadcast %add3A_1326 : i32 to vector<16xi32>
      %add3A_1328 = arith.addi %bitcast3A_1325, %add3A_1327 : vector<16xi32>
      %shift_right_logical3A_1329 = arith.constant 16 : i32
      %shift_right_logical3A_1330 = vector.broadcast %shift_right_logical3A_1329 : i32 to vector<16xi32>
      %shift_right_logical3A_1331 = arith.shrui %bitcast3A_1325, %shift_right_logical3A_1330 : vector<16xi32>
      %and3A_1332 = arith.constant 1 : i32
      %and3A_1333 = vector.broadcast %and3A_1332 : i32 to vector<16xi32>
      %and3A_1334 = arith.andi %shift_right_logical3A_1331, %and3A_1333 : vector<16xi32>
      %add3A_1335 = arith.addi %add3A_1328, %and3A_1334 : vector<16xi32>
      %and3A_1336 = arith.constant -65536 : i32
      %and3A_1337 = vector.broadcast %and3A_1336 : i32 to vector<16xi32>
      %and3A_1338 = arith.andi %add3A_1335, %and3A_1337 : vector<16xi32>
      %bitcast3A_1339 = vector.bitcast %and3A_1338 : vector<16xi32> to vector<16xf32>
      %bitcast3A_1340 = vector.bitcast %gather3A_1318 : vector<16xf32> to vector<16xi32>
      %add3A_1341 = arith.constant 32767 : i32
      %add3A_1342 = vector.broadcast %add3A_1341 : i32 to vector<16xi32>
      %add3A_1343 = arith.addi %bitcast3A_1340, %add3A_1342 : vector<16xi32>
      %shift_right_logical3A_1344 = arith.constant 16 : i32
      %shift_right_logical3A_1345 = vector.broadcast %shift_right_logical3A_1344 : i32 to vector<16xi32>
      %shift_right_logical3A_1346 = arith.shrui %bitcast3A_1340, %shift_right_logical3A_1345 : vector<16xi32>
      %and3A_1347 = arith.constant 1 : i32
      %and3A_1348 = vector.broadcast %and3A_1347 : i32 to vector<16xi32>
      %and3A_1349 = arith.andi %shift_right_logical3A_1346, %and3A_1348 : vector<16xi32>
      %add3A_1350 = arith.addi %add3A_1343, %and3A_1349 : vector<16xi32>
      %and3A_1351 = arith.constant -65536 : i32
      %and3A_1352 = vector.broadcast %and3A_1351 : i32 to vector<16xi32>
      %and3A_1353 = arith.andi %add3A_1350, %and3A_1352 : vector<16xi32>
      %bitcast3A_1354 = vector.bitcast %and3A_1353 : vector<16xi32> to vector<16xf32>
      %bitcast3A_1355 = vector.bitcast %gather3A_1319 : vector<16xf32> to vector<16xi32>
      %add3A_1356 = arith.constant 32767 : i32
      %add3A_1357 = vector.broadcast %add3A_1356 : i32 to vector<16xi32>
      %add3A_1358 = arith.addi %bitcast3A_1355, %add3A_1357 : vector<16xi32>
      %shift_right_logical3A_1359 = arith.constant 16 : i32
      %shift_right_logical3A_1360 = vector.broadcast %shift_right_logical3A_1359 : i32 to vector<16xi32>
      %shift_right_logical3A_1361 = arith.shrui %bitcast3A_1355, %shift_right_logical3A_1360 : vector<16xi32>
      %and3A_1362 = arith.constant 1 : i32
      %and3A_1363 = vector.broadcast %and3A_1362 : i32 to vector<16xi32>
      %and3A_1364 = arith.andi %shift_right_logical3A_1361, %and3A_1363 : vector<16xi32>
      %add3A_1365 = arith.addi %add3A_1358, %and3A_1364 : vector<16xi32>
      %and3A_1366 = arith.constant -65536 : i32
      %and3A_1367 = vector.broadcast %and3A_1366 : i32 to vector<16xi32>
      %and3A_1368 = arith.andi %add3A_1365, %and3A_1367 : vector<16xi32>
      %bitcast3A_1369 = vector.bitcast %and3A_1368 : vector<16xi32> to vector<16xf32>
      %mul3A_1370 = arith.mulf %bitcast3A_89, %bitcast3A_1339 : vector<16xf32>
      %mul3A_1371 = arith.mulf %bitcast3A_104, %bitcast3A_1354 : vector<16xf32>
      %add3A_1372 = arith.addf %mul3A_1370, %mul3A_1371 : vector<16xf32>
      %mul3A_1373 = arith.mulf %bitcast3A_119, %bitcast3A_1369 : vector<16xf32>
      %add3A_1374 = arith.addf %add3A_1372, %mul3A_1373 : vector<16xf32>
      %mul3A_1375 = arith.constant 512 : i32
      %mul3A_1376 = arith.muli %scan3A_59, %mul3A_1375 : i32
      %add3A_1377 = arith.constant 256 : i32
      %add3A_1378 = arith.addi %mul3A_1376, %add3A_1377 : i32
      %add3A_1379 = arith.addf %add3A_76, %add3A_1324 : vector<16xf32>
      %mul3A_1380 = arith.constant 2.000000e+00 : f32
      %mul3A_1381 = vector.broadcast %mul3A_1380 : f32 to vector<16xf32>
      %mul3A_1382 = arith.mulf %mul3A_1381, %add3A_1374 : vector<16xf32>
      %sub3A_1383 = arith.subf %add3A_1379, %mul3A_1382 : vector<16xf32>
      %swap3A_1384 = arith.index_cast %add3A_1378 : i32 to index
      %swap3A_1385 = tpu.vector_load %arg18[%swap3A_1384] {strides = array<i32>} : memref<32768xf32, #tpu.memory_space<vmem>>, vector<16xf32>,
      tpu.vector_store %arg18[%swap3A_1384], %sub3A_1383 {strides = array<i32>} : memref<32768xf32, #tpu.memory_space<vmem>>, vector<16xf32>,
      %swap3A_1386 = arith.index_cast %add3A_1378 : i32 to index
      %swap3A_1387 = tpu.vector_load %arg19[%swap3A_1386] {strides = array<i32>} : memref<32768xi32, #tpu.memory_space<vmem>>, vector<16xi32>,
      tpu.vector_store %arg19[%swap3A_1386], %add3A_1316 {strides = array<i32>} : memref<32768xi32, #tpu.memory_space<vmem>>, vector<16xi32>,
      %add3A_1388 = arith.constant 512 : i32
      %add3A_1389 = vector.broadcast %add3A_1388 : i32 to vector<16xi32>
      %add3A_1390 = arith.addi %get3A_1313, %add3A_1389 : vector<16xi32>
      %gather3A_1391 = tpu.vector_load_idx %arg11[%add3A_1390] : memref<8192xf32, #tpu.memory_space<vmem>>[vector<16xi32>], vector<16xf32>,
      %gather3A_1392 = tpu.vector_load_idx %arg12[%add3A_1390] : memref<8192xf32, #tpu.memory_space<vmem>>[vector<16xi32>], vector<16xf32>,
      %gather3A_1393 = tpu.vector_load_idx %arg13[%add3A_1390] : memref<8192xf32, #tpu.memory_space<vmem>>[vector<16xi32>], vector<16xf32>,
      %mul3A_1394 = arith.mulf %gather3A_1391, %gather3A_1391 : vector<16xf32>
      %mul3A_1395 = arith.mulf %gather3A_1392, %gather3A_1392 : vector<16xf32>
      %add3A_1396 = arith.addf %mul3A_1394, %mul3A_1395 : vector<16xf32>
      %mul3A_1397 = arith.mulf %gather3A_1393, %gather3A_1393 : vector<16xf32>
      %add3A_1398 = arith.addf %add3A_1396, %mul3A_1397 : vector<16xf32>
      %bitcast3A_1399 = vector.bitcast %gather3A_1391 : vector<16xf32> to vector<16xi32>
      %add3A_1400 = arith.constant 32767 : i32
      %add3A_1401 = vector.broadcast %add3A_1400 : i32 to vector<16xi32>
      %add3A_1402 = arith.addi %bitcast3A_1399, %add3A_1401 : vector<16xi32>
      %shift_right_logical3A_1403 = arith.constant 16 : i32
      %shift_right_logical3A_1404 = vector.broadcast %shift_right_logical3A_1403 : i32 to vector<16xi32>
      %shift_right_logical3A_1405 = arith.shrui %bitcast3A_1399, %shift_right_logical3A_1404 : vector<16xi32>
      %and3A_1406 = arith.constant 1 : i32
      %and3A_1407 = vector.broadcast %and3A_1406 : i32 to vector<16xi32>
      %and3A_1408 = arith.andi %shift_right_logical3A_1405, %and3A_1407 : vector<16xi32>
      %add3A_1409 = arith.addi %add3A_1402, %and3A_1408 : vector<16xi32>
      %and3A_1410 = arith.constant -65536 : i32
      %and3A_1411 = vector.broadcast %and3A_1410 : i32 to vector<16xi32>
      %and3A_1412 = arith.andi %add3A_1409, %and3A_1411 : vector<16xi32>
      %bitcast3A_1413 = vector.bitcast %and3A_1412 : vector<16xi32> to vector<16xf32>
      %bitcast3A_1414 = vector.bitcast %gather3A_1392 : vector<16xf32> to vector<16xi32>
      %add3A_1415 = arith.constant 32767 : i32
      %add3A_1416 = vector.broadcast %add3A_1415 : i32 to vector<16xi32>
      %add3A_1417 = arith.addi %bitcast3A_1414, %add3A_1416 : vector<16xi32>
      %shift_right_logical3A_1418 = arith.constant 16 : i32
      %shift_right_logical3A_1419 = vector.broadcast %shift_right_logical3A_1418 : i32 to vector<16xi32>
      %shift_right_logical3A_1420 = arith.shrui %bitcast3A_1414, %shift_right_logical3A_1419 : vector<16xi32>
      %and3A_1421 = arith.constant 1 : i32
      %and3A_1422 = vector.broadcast %and3A_1421 : i32 to vector<16xi32>
      %and3A_1423 = arith.andi %shift_right_logical3A_1420, %and3A_1422 : vector<16xi32>
      %add3A_1424 = arith.addi %add3A_1417, %and3A_1423 : vector<16xi32>
      %and3A_1425 = arith.constant -65536 : i32
      %and3A_1426 = vector.broadcast %and3A_1425 : i32 to vector<16xi32>
      %and3A_1427 = arith.andi %add3A_1424, %and3A_1426 : vector<16xi32>
      %bitcast3A_1428 = vector.bitcast %and3A_1427 : vector<16xi32> to vector<16xf32>
      %bitcast3A_1429 = vector.bitcast %gather3A_1393 : vector<16xf32> to vector<16xi32>
      %add3A_1430 = arith.constant 32767 : i32
      %add3A_1431 = vector.broadcast %add3A_1430 : i32 to vector<16xi32>
      %add3A_1432 = arith.addi %bitcast3A_1429, %add3A_1431 : vector<16xi32>
      %shift_right_logical3A_1433 = arith.constant 16 : i32
      %shift_right_logical3A_1434 = vector.broadcast %shift_right_logical3A_1433 : i32 to vector<16xi32>
      %shift_right_logical3A_1435 = arith.shrui %bitcast3A_1429, %shift_right_logical3A_1434 : vector<16xi32>
      %and3A_1436 = arith.constant 1 : i32
      %and3A_1437 = vector.broadcast %and3A_1436 : i32 to vector<16xi32>
      %and3A_1438 = arith.andi %shift_right_logical3A_1435, %and3A_1437 : vector<16xi32>
      %add3A_1439 = arith.addi %add3A_1432, %and3A_1438 : vector<16xi32>
      %and3A_1440 = arith.constant -65536 : i32
      %and3A_1441 = vector.broadcast %and3A_1440 : i32 to vector<16xi32>
      %and3A_1442 = arith.andi %add3A_1439, %and3A_1441 : vector<16xi32>
      %bitcast3A_1443 = vector.bitcast %and3A_1442 : vector<16xi32> to vector<16xf32>
      %mul3A_1444 = arith.mulf %bitcast3A_89, %bitcast3A_1413 : vector<16xf32>
      %mul3A_1445 = arith.mulf %bitcast3A_104, %bitcast3A_1428 : vector<16xf32>
      %add3A_1446 = arith.addf %mul3A_1444, %mul3A_1445 : vector<16xf32>
      %mul3A_1447 = arith.mulf %bitcast3A_119, %bitcast3A_1443 : vector<16xf32>
      %add3A_1448 = arith.addf %add3A_1446, %mul3A_1447 : vector<16xf32>
      %mul3A_1449 = arith.constant 512 : i32
      %mul3A_1450 = arith.muli %scan3A_59, %mul3A_1449 : i32
      %add3A_1451 = arith.constant 272 : i32
      %add3A_1452 = arith.addi %mul3A_1450, %add3A_1451 : i32
      %add3A_1453 = arith.addf %add3A_76, %add3A_1398 : vector<16xf32>
      %mul3A_1454 = arith.constant 2.000000e+00 : f32
      %mul3A_1455 = vector.broadcast %mul3A_1454 : f32 to vector<16xf32>
      %mul3A_1456 = arith.mulf %mul3A_1455, %add3A_1448 : vector<16xf32>
      %sub3A_1457 = arith.subf %add3A_1453, %mul3A_1456 : vector<16xf32>
      %swap3A_1458 = arith.index_cast %add3A_1452 : i32 to index
      %swap3A_1459 = tpu.vector_load %arg18[%swap3A_1458] {strides = array<i32>} : memref<32768xf32, #tpu.memory_space<vmem>>, vector<16xf32>,
      tpu.vector_store %arg18[%swap3A_1458], %sub3A_1457 {strides = array<i32>} : memref<32768xf32, #tpu.memory_space<vmem>>, vector<16xf32>,
      %swap3A_1460 = arith.index_cast %add3A_1452 : i32 to index
      %swap3A_1461 = tpu.vector_load %arg19[%swap3A_1460] {strides = array<i32>} : memref<32768xi32, #tpu.memory_space<vmem>>, vector<16xi32>,
      tpu.vector_store %arg19[%swap3A_1460], %add3A_1390 {strides = array<i32>} : memref<32768xi32, #tpu.memory_space<vmem>>, vector<16xi32>,
      %add3A_1462 = arith.constant 1024 : i32
      %add3A_1463 = vector.broadcast %add3A_1462 : i32 to vector<16xi32>
      %add3A_1464 = arith.addi %get3A_1313, %add3A_1463 : vector<16xi32>
      %gather3A_1465 = tpu.vector_load_idx %arg11[%add3A_1464] : memref<8192xf32, #tpu.memory_space<vmem>>[vector<16xi32>], vector<16xf32>,
      %gather3A_1466 = tpu.vector_load_idx %arg12[%add3A_1464] : memref<8192xf32, #tpu.memory_space<vmem>>[vector<16xi32>], vector<16xf32>,
      %gather3A_1467 = tpu.vector_load_idx %arg13[%add3A_1464] : memref<8192xf32, #tpu.memory_space<vmem>>[vector<16xi32>], vector<16xf32>,
      %mul3A_1468 = arith.mulf %gather3A_1465, %gather3A_1465 : vector<16xf32>
      %mul3A_1469 = arith.mulf %gather3A_1466, %gather3A_1466 : vector<16xf32>
      %add3A_1470 = arith.addf %mul3A_1468, %mul3A_1469 : vector<16xf32>
      %mul3A_1471 = arith.mulf %gather3A_1467, %gather3A_1467 : vector<16xf32>
      %add3A_1472 = arith.addf %add3A_1470, %mul3A_1471 : vector<16xf32>
      %bitcast3A_1473 = vector.bitcast %gather3A_1465 : vector<16xf32> to vector<16xi32>
      %add3A_1474 = arith.constant 32767 : i32
      %add3A_1475 = vector.broadcast %add3A_1474 : i32 to vector<16xi32>
      %add3A_1476 = arith.addi %bitcast3A_1473, %add3A_1475 : vector<16xi32>
      %shift_right_logical3A_1477 = arith.constant 16 : i32
      %shift_right_logical3A_1478 = vector.broadcast %shift_right_logical3A_1477 : i32 to vector<16xi32>
      %shift_right_logical3A_1479 = arith.shrui %bitcast3A_1473, %shift_right_logical3A_1478 : vector<16xi32>
      %and3A_1480 = arith.constant 1 : i32
      %and3A_1481 = vector.broadcast %and3A_1480 : i32 to vector<16xi32>
      %and3A_1482 = arith.andi %shift_right_logical3A_1479, %and3A_1481 : vector<16xi32>
      %add3A_1483 = arith.addi %add3A_1476, %and3A_1482 : vector<16xi32>
      %and3A_1484 = arith.constant -65536 : i32
      %and3A_1485 = vector.broadcast %and3A_1484 : i32 to vector<16xi32>
      %and3A_1486 = arith.andi %add3A_1483, %and3A_1485 : vector<16xi32>
      %bitcast3A_1487 = vector.bitcast %and3A_1486 : vector<16xi32> to vector<16xf32>
      %bitcast3A_1488 = vector.bitcast %gather3A_1466 : vector<16xf32> to vector<16xi32>
      %add3A_1489 = arith.constant 32767 : i32
      %add3A_1490 = vector.broadcast %add3A_1489 : i32 to vector<16xi32>
      %add3A_1491 = arith.addi %bitcast3A_1488, %add3A_1490 : vector<16xi32>
      %shift_right_logical3A_1492 = arith.constant 16 : i32
      %shift_right_logical3A_1493 = vector.broadcast %shift_right_logical3A_1492 : i32 to vector<16xi32>
      %shift_right_logical3A_1494 = arith.shrui %bitcast3A_1488, %shift_right_logical3A_1493 : vector<16xi32>
      %and3A_1495 = arith.constant 1 : i32
      %and3A_1496 = vector.broadcast %and3A_1495 : i32 to vector<16xi32>
      %and3A_1497 = arith.andi %shift_right_logical3A_1494, %and3A_1496 : vector<16xi32>
      %add3A_1498 = arith.addi %add3A_1491, %and3A_1497 : vector<16xi32>
      %and3A_1499 = arith.constant -65536 : i32
      %and3A_1500 = vector.broadcast %and3A_1499 : i32 to vector<16xi32>
      %and3A_1501 = arith.andi %add3A_1498, %and3A_1500 : vector<16xi32>
      %bitcast3A_1502 = vector.bitcast %and3A_1501 : vector<16xi32> to vector<16xf32>
      %bitcast3A_1503 = vector.bitcast %gather3A_1467 : vector<16xf32> to vector<16xi32>
      %add3A_1504 = arith.constant 32767 : i32
      %add3A_1505 = vector.broadcast %add3A_1504 : i32 to vector<16xi32>
      %add3A_1506 = arith.addi %bitcast3A_1503, %add3A_1505 : vector<16xi32>
      %shift_right_logical3A_1507 = arith.constant 16 : i32
      %shift_right_logical3A_1508 = vector.broadcast %shift_right_logical3A_1507 : i32 to vector<16xi32>
      %shift_right_logical3A_1509 = arith.shrui %bitcast3A_1503, %shift_right_logical3A_1508 : vector<16xi32>
      %and3A_1510 = arith.constant 1 : i32
      %and3A_1511 = vector.broadcast %and3A_1510 : i32 to vector<16xi32>
      %and3A_1512 = arith.andi %shift_right_logical3A_1509, %and3A_1511 : vector<16xi32>
      %add3A_1513 = arith.addi %add3A_1506, %and3A_1512 : vector<16xi32>
      %and3A_1514 = arith.constant -65536 : i32
      %and3A_1515 = vector.broadcast %and3A_1514 : i32 to vector<16xi32>
      %and3A_1516 = arith.andi %add3A_1513, %and3A_1515 : vector<16xi32>
      %bitcast3A_1517 = vector.bitcast %and3A_1516 : vector<16xi32> to vector<16xf32>
      %mul3A_1518 = arith.mulf %bitcast3A_89, %bitcast3A_1487 : vector<16xf32>
      %mul3A_1519 = arith.mulf %bitcast3A_104, %bitcast3A_1502 : vector<16xf32>
      %add3A_1520 = arith.addf %mul3A_1518, %mul3A_1519 : vector<16xf32>
      %mul3A_1521 = arith.mulf %bitcast3A_119, %bitcast3A_1517 : vector<16xf32>
      %add3A_1522 = arith.addf %add3A_1520, %mul3A_1521 : vector<16xf32>
      %mul3A_1523 = arith.constant 512 : i32
      %mul3A_1524 = arith.muli %scan3A_59, %mul3A_1523 : i32
      %add3A_1525 = arith.constant 288 : i32
      %add3A_1526 = arith.addi %mul3A_1524, %add3A_1525 : i32
      %add3A_1527 = arith.addf %add3A_76, %add3A_1472 : vector<16xf32>
      %mul3A_1528 = arith.constant 2.000000e+00 : f32
      %mul3A_1529 = vector.broadcast %mul3A_1528 : f32 to vector<16xf32>
      %mul3A_1530 = arith.mulf %mul3A_1529, %add3A_1522 : vector<16xf32>
      %sub3A_1531 = arith.subf %add3A_1527, %mul3A_1530 : vector<16xf32>
      %swap3A_1532 = arith.index_cast %add3A_1526 : i32 to index
      %swap3A_1533 = tpu.vector_load %arg18[%swap3A_1532] {strides = array<i32>} : memref<32768xf32, #tpu.memory_space<vmem>>, vector<16xf32>,
      tpu.vector_store %arg18[%swap3A_1532], %sub3A_1531 {strides = array<i32>} : memref<32768xf32, #tpu.memory_space<vmem>>, vector<16xf32>,
      %swap3A_1534 = arith.index_cast %add3A_1526 : i32 to index
      %swap3A_1535 = tpu.vector_load %arg19[%swap3A_1534] {strides = array<i32>} : memref<32768xi32, #tpu.memory_space<vmem>>, vector<16xi32>,
      tpu.vector_store %arg19[%swap3A_1534], %add3A_1464 {strides = array<i32>} : memref<32768xi32, #tpu.memory_space<vmem>>, vector<16xi32>,
      %add3A_1536 = arith.constant 1536 : i32
      %add3A_1537 = vector.broadcast %add3A_1536 : i32 to vector<16xi32>
      %add3A_1538 = arith.addi %get3A_1313, %add3A_1537 : vector<16xi32>
      %gather3A_1539 = tpu.vector_load_idx %arg11[%add3A_1538] : memref<8192xf32, #tpu.memory_space<vmem>>[vector<16xi32>], vector<16xf32>,
      %gather3A_1540 = tpu.vector_load_idx %arg12[%add3A_1538] : memref<8192xf32, #tpu.memory_space<vmem>>[vector<16xi32>], vector<16xf32>,
      %gather3A_1541 = tpu.vector_load_idx %arg13[%add3A_1538] : memref<8192xf32, #tpu.memory_space<vmem>>[vector<16xi32>], vector<16xf32>,
      %mul3A_1542 = arith.mulf %gather3A_1539, %gather3A_1539 : vector<16xf32>
      %mul3A_1543 = arith.mulf %gather3A_1540, %gather3A_1540 : vector<16xf32>
      %add3A_1544 = arith.addf %mul3A_1542, %mul3A_1543 : vector<16xf32>
      %mul3A_1545 = arith.mulf %gather3A_1541, %gather3A_1541 : vector<16xf32>
      %add3A_1546 = arith.addf %add3A_1544, %mul3A_1545 : vector<16xf32>
      %bitcast3A_1547 = vector.bitcast %gather3A_1539 : vector<16xf32> to vector<16xi32>
      %add3A_1548 = arith.constant 32767 : i32
      %add3A_1549 = vector.broadcast %add3A_1548 : i32 to vector<16xi32>
      %add3A_1550 = arith.addi %bitcast3A_1547, %add3A_1549 : vector<16xi32>
      %shift_right_logical3A_1551 = arith.constant 16 : i32
      %shift_right_logical3A_1552 = vector.broadcast %shift_right_logical3A_1551 : i32 to vector<16xi32>
      %shift_right_logical3A_1553 = arith.shrui %bitcast3A_1547, %shift_right_logical3A_1552 : vector<16xi32>
      %and3A_1554 = arith.constant 1 : i32
      %and3A_1555 = vector.broadcast %and3A_1554 : i32 to vector<16xi32>
      %and3A_1556 = arith.andi %shift_right_logical3A_1553, %and3A_1555 : vector<16xi32>
      %add3A_1557 = arith.addi %add3A_1550, %and3A_1556 : vector<16xi32>
      %and3A_1558 = arith.constant -65536 : i32
      %and3A_1559 = vector.broadcast %and3A_1558 : i32 to vector<16xi32>
      %and3A_1560 = arith.andi %add3A_1557, %and3A_1559 : vector<16xi32>
      %bitcast3A_1561 = vector.bitcast %and3A_1560 : vector<16xi32> to vector<16xf32>
      %bitcast3A_1562 = vector.bitcast %gather3A_1540 : vector<16xf32> to vector<16xi32>
      %add3A_1563 = arith.constant 32767 : i32
      %add3A_1564 = vector.broadcast %add3A_1563 : i32 to vector<16xi32>
      %add3A_1565 = arith.addi %bitcast3A_1562, %add3A_1564 : vector<16xi32>
      %shift_right_logical3A_1566 = arith.constant 16 : i32
      %shift_right_logical3A_1567 = vector.broadcast %shift_right_logical3A_1566 : i32 to vector<16xi32>
      %shift_right_logical3A_1568 = arith.shrui %bitcast3A_1562, %shift_right_logical3A_1567 : vector<16xi32>
      %and3A_1569 = arith.constant 1 : i32
      %and3A_1570 = vector.broadcast %and3A_1569 : i32 to vector<16xi32>
      %and3A_1571 = arith.andi %shift_right_logical3A_1568, %and3A_1570 : vector<16xi32>
      %add3A_1572 = arith.addi %add3A_1565, %and3A_1571 : vector<16xi32>
      %and3A_1573 = arith.constant -65536 : i32
      %and3A_1574 = vector.broadcast %and3A_1573 : i32 to vector<16xi32>
      %and3A_1575 = arith.andi %add3A_1572, %and3A_1574 : vector<16xi32>
      %bitcast3A_1576 = vector.bitcast %and3A_1575 : vector<16xi32> to vector<16xf32>
      %bitcast3A_1577 = vector.bitcast %gather3A_1541 : vector<16xf32> to vector<16xi32>
      %add3A_1578 = arith.constant 32767 : i32
      %add3A_1579 = vector.broadcast %add3A_1578 : i32 to vector<16xi32>
      %add3A_1580 = arith.addi %bitcast3A_1577, %add3A_1579 : vector<16xi32>
      %shift_right_logical3A_1581 = arith.constant 16 : i32
      %shift_right_logical3A_1582 = vector.broadcast %shift_right_logical3A_1581 : i32 to vector<16xi32>
      %shift_right_logical3A_1583 = arith.shrui %bitcast3A_1577, %shift_right_logical3A_1582 : vector<16xi32>
      %and3A_1584 = arith.constant 1 : i32
      %and3A_1585 = vector.broadcast %and3A_1584 : i32 to vector<16xi32>
      %and3A_1586 = arith.andi %shift_right_logical3A_1583, %and3A_1585 : vector<16xi32>
      %add3A_1587 = arith.addi %add3A_1580, %and3A_1586 : vector<16xi32>
      %and3A_1588 = arith.constant -65536 : i32
      %and3A_1589 = vector.broadcast %and3A_1588 : i32 to vector<16xi32>
      %and3A_1590 = arith.andi %add3A_1587, %and3A_1589 : vector<16xi32>
      %bitcast3A_1591 = vector.bitcast %and3A_1590 : vector<16xi32> to vector<16xf32>
      %mul3A_1592 = arith.mulf %bitcast3A_89, %bitcast3A_1561 : vector<16xf32>
      %mul3A_1593 = arith.mulf %bitcast3A_104, %bitcast3A_1576 : vector<16xf32>
      %add3A_1594 = arith.addf %mul3A_1592, %mul3A_1593 : vector<16xf32>
      %mul3A_1595 = arith.mulf %bitcast3A_119, %bitcast3A_1591 : vector<16xf32>
      %add3A_1596 = arith.addf %add3A_1594, %mul3A_1595 : vector<16xf32>
      %mul3A_1597 = arith.constant 512 : i32
      %mul3A_1598 = arith.muli %scan3A_59, %mul3A_1597 : i32
      %add3A_1599 = arith.constant 304 : i32
      %add3A_1600 = arith.addi %mul3A_1598, %add3A_1599 : i32
      %add3A_1601 = arith.addf %add3A_76, %add3A_1546 : vector<16xf32>
      %mul3A_1602 = arith.constant 2.000000e+00 : f32
      %mul3A_1603 = vector.broadcast %mul3A_1602 : f32 to vector<16xf32>
      %mul3A_1604 = arith.mulf %mul3A_1603, %add3A_1596 : vector<16xf32>
      %sub3A_1605 = arith.subf %add3A_1601, %mul3A_1604 : vector<16xf32>
      %swap3A_1606 = arith.index_cast %add3A_1600 : i32 to index
      %swap3A_1607 = tpu.vector_load %arg18[%swap3A_1606] {strides = array<i32>} : memref<32768xf32, #tpu.memory_space<vmem>>, vector<16xf32>,
      tpu.vector_store %arg18[%swap3A_1606], %sub3A_1605 {strides = array<i32>} : memref<32768xf32, #tpu.memory_space<vmem>>, vector<16xf32>,
      %swap3A_1608 = arith.index_cast %add3A_1600 : i32 to index
      %swap3A_1609 = tpu.vector_load %arg19[%swap3A_1608] {strides = array<i32>} : memref<32768xi32, #tpu.memory_space<vmem>>, vector<16xi32>,
      tpu.vector_store %arg19[%swap3A_1608], %add3A_1538 {strides = array<i32>} : memref<32768xi32, #tpu.memory_space<vmem>>, vector<16xi32>,
      %add3A_1610 = arith.constant 2048 : i32
      %add3A_1611 = vector.broadcast %add3A_1610 : i32 to vector<16xi32>
      %add3A_1612 = arith.addi %get3A_1313, %add3A_1611 : vector<16xi32>
      %gather3A_1613 = tpu.vector_load_idx %arg11[%add3A_1612] : memref<8192xf32, #tpu.memory_space<vmem>>[vector<16xi32>], vector<16xf32>,
      %gather3A_1614 = tpu.vector_load_idx %arg12[%add3A_1612] : memref<8192xf32, #tpu.memory_space<vmem>>[vector<16xi32>], vector<16xf32>,
      %gather3A_1615 = tpu.vector_load_idx %arg13[%add3A_1612] : memref<8192xf32, #tpu.memory_space<vmem>>[vector<16xi32>], vector<16xf32>,
      %mul3A_1616 = arith.mulf %gather3A_1613, %gather3A_1613 : vector<16xf32>
      %mul3A_1617 = arith.mulf %gather3A_1614, %gather3A_1614 : vector<16xf32>
      %add3A_1618 = arith.addf %mul3A_1616, %mul3A_1617 : vector<16xf32>
      %mul3A_1619 = arith.mulf %gather3A_1615, %gather3A_1615 : vector<16xf32>
      %add3A_1620 = arith.addf %add3A_1618, %mul3A_1619 : vector<16xf32>
      %bitcast3A_1621 = vector.bitcast %gather3A_1613 : vector<16xf32> to vector<16xi32>
      %add3A_1622 = arith.constant 32767 : i32
      %add3A_1623 = vector.broadcast %add3A_1622 : i32 to vector<16xi32>
      %add3A_1624 = arith.addi %bitcast3A_1621, %add3A_1623 : vector<16xi32>
      %shift_right_logical3A_1625 = arith.constant 16 : i32
      %shift_right_logical3A_1626 = vector.broadcast %shift_right_logical3A_1625 : i32 to vector<16xi32>
      %shift_right_logical3A_1627 = arith.shrui %bitcast3A_1621, %shift_right_logical3A_1626 : vector<16xi32>
      %and3A_1628 = arith.constant 1 : i32
      %and3A_1629 = vector.broadcast %and3A_1628 : i32 to vector<16xi32>
      %and3A_1630 = arith.andi %shift_right_logical3A_1627, %and3A_1629 : vector<16xi32>
      %add3A_1631 = arith.addi %add3A_1624, %and3A_1630 : vector<16xi32>
      %and3A_1632 = arith.constant -65536 : i32
      %and3A_1633 = vector.broadcast %and3A_1632 : i32 to vector<16xi32>
      %and3A_1634 = arith.andi %add3A_1631, %and3A_1633 : vector<16xi32>
      %bitcast3A_1635 = vector.bitcast %and3A_1634 : vector<16xi32> to vector<16xf32>
      %bitcast3A_1636 = vector.bitcast %gather3A_1614 : vector<16xf32> to vector<16xi32>
      %add3A_1637 = arith.constant 32767 : i32
      %add3A_1638 = vector.broadcast %add3A_1637 : i32 to vector<16xi32>
      %add3A_1639 = arith.addi %bitcast3A_1636, %add3A_1638 : vector<16xi32>
      %shift_right_logical3A_1640 = arith.constant 16 : i32
      %shift_right_logical3A_1641 = vector.broadcast %shift_right_logical3A_1640 : i32 to vector<16xi32>
      %shift_right_logical3A_1642 = arith.shrui %bitcast3A_1636, %shift_right_logical3A_1641 : vector<16xi32>
      %and3A_1643 = arith.constant 1 : i32
      %and3A_1644 = vector.broadcast %and3A_1643 : i32 to vector<16xi32>
      %and3A_1645 = arith.andi %shift_right_logical3A_1642, %and3A_1644 : vector<16xi32>
      %add3A_1646 = arith.addi %add3A_1639, %and3A_1645 : vector<16xi32>
      %and3A_1647 = arith.constant -65536 : i32
      %and3A_1648 = vector.broadcast %and3A_1647 : i32 to vector<16xi32>
      %and3A_1649 = arith.andi %add3A_1646, %and3A_1648 : vector<16xi32>
      %bitcast3A_1650 = vector.bitcast %and3A_1649 : vector<16xi32> to vector<16xf32>
      %bitcast3A_1651 = vector.bitcast %gather3A_1615 : vector<16xf32> to vector<16xi32>
      %add3A_1652 = arith.constant 32767 : i32
      %add3A_1653 = vector.broadcast %add3A_1652 : i32 to vector<16xi32>
      %add3A_1654 = arith.addi %bitcast3A_1651, %add3A_1653 : vector<16xi32>
      %shift_right_logical3A_1655 = arith.constant 16 : i32
      %shift_right_logical3A_1656 = vector.broadcast %shift_right_logical3A_1655 : i32 to vector<16xi32>
      %shift_right_logical3A_1657 = arith.shrui %bitcast3A_1651, %shift_right_logical3A_1656 : vector<16xi32>
      %and3A_1658 = arith.constant 1 : i32
      %and3A_1659 = vector.broadcast %and3A_1658 : i32 to vector<16xi32>
      %and3A_1660 = arith.andi %shift_right_logical3A_1657, %and3A_1659 : vector<16xi32>
      %add3A_1661 = arith.addi %add3A_1654, %and3A_1660 : vector<16xi32>
      %and3A_1662 = arith.constant -65536 : i32
      %and3A_1663 = vector.broadcast %and3A_1662 : i32 to vector<16xi32>
      %and3A_1664 = arith.andi %add3A_1661, %and3A_1663 : vector<16xi32>
      %bitcast3A_1665 = vector.bitcast %and3A_1664 : vector<16xi32> to vector<16xf32>
      %mul3A_1666 = arith.mulf %bitcast3A_89, %bitcast3A_1635 : vector<16xf32>
      %mul3A_1667 = arith.mulf %bitcast3A_104, %bitcast3A_1650 : vector<16xf32>
      %add3A_1668 = arith.addf %mul3A_1666, %mul3A_1667 : vector<16xf32>
      %mul3A_1669 = arith.mulf %bitcast3A_119, %bitcast3A_1665 : vector<16xf32>
      %add3A_1670 = arith.addf %add3A_1668, %mul3A_1669 : vector<16xf32>
      %mul3A_1671 = arith.constant 512 : i32
      %mul3A_1672 = arith.muli %scan3A_59, %mul3A_1671 : i32
      %add3A_1673 = arith.constant 320 : i32
      %add3A_1674 = arith.addi %mul3A_1672, %add3A_1673 : i32
      %add3A_1675 = arith.addf %add3A_76, %add3A_1620 : vector<16xf32>
      %mul3A_1676 = arith.constant 2.000000e+00 : f32
      %mul3A_1677 = vector.broadcast %mul3A_1676 : f32 to vector<16xf32>
      %mul3A_1678 = arith.mulf %mul3A_1677, %add3A_1670 : vector<16xf32>
      %sub3A_1679 = arith.subf %add3A_1675, %mul3A_1678 : vector<16xf32>
      %swap3A_1680 = arith.index_cast %add3A_1674 : i32 to index
      %swap3A_1681 = tpu.vector_load %arg18[%swap3A_1680] {strides = array<i32>} : memref<32768xf32, #tpu.memory_space<vmem>>, vector<16xf32>,
      tpu.vector_store %arg18[%swap3A_1680], %sub3A_1679 {strides = array<i32>} : memref<32768xf32, #tpu.memory_space<vmem>>, vector<16xf32>,
      %swap3A_1682 = arith.index_cast %add3A_1674 : i32 to index
      %swap3A_1683 = tpu.vector_load %arg19[%swap3A_1682] {strides = array<i32>} : memref<32768xi32, #tpu.memory_space<vmem>>, vector<16xi32>,
      tpu.vector_store %arg19[%swap3A_1682], %add3A_1612 {strides = array<i32>} : memref<32768xi32, #tpu.memory_space<vmem>>, vector<16xi32>,
      %add3A_1684 = arith.constant 2560 : i32
      %add3A_1685 = vector.broadcast %add3A_1684 : i32 to vector<16xi32>
      %add3A_1686 = arith.addi %get3A_1313, %add3A_1685 : vector<16xi32>
      %gather3A_1687 = tpu.vector_load_idx %arg11[%add3A_1686] : memref<8192xf32, #tpu.memory_space<vmem>>[vector<16xi32>], vector<16xf32>,
      %gather3A_1688 = tpu.vector_load_idx %arg12[%add3A_1686] : memref<8192xf32, #tpu.memory_space<vmem>>[vector<16xi32>], vector<16xf32>,
      %gather3A_1689 = tpu.vector_load_idx %arg13[%add3A_1686] : memref<8192xf32, #tpu.memory_space<vmem>>[vector<16xi32>], vector<16xf32>,
      %mul3A_1690 = arith.mulf %gather3A_1687, %gather3A_1687 : vector<16xf32>
      %mul3A_1691 = arith.mulf %gather3A_1688, %gather3A_1688 : vector<16xf32>
      %add3A_1692 = arith.addf %mul3A_1690, %mul3A_1691 : vector<16xf32>
      %mul3A_1693 = arith.mulf %gather3A_1689, %gather3A_1689 : vector<16xf32>
      %add3A_1694 = arith.addf %add3A_1692, %mul3A_1693 : vector<16xf32>
      %bitcast3A_1695 = vector.bitcast %gather3A_1687 : vector<16xf32> to vector<16xi32>
      %add3A_1696 = arith.constant 32767 : i32
      %add3A_1697 = vector.broadcast %add3A_1696 : i32 to vector<16xi32>
      %add3A_1698 = arith.addi %bitcast3A_1695, %add3A_1697 : vector<16xi32>
      %shift_right_logical3A_1699 = arith.constant 16 : i32
      %shift_right_logical3A_1700 = vector.broadcast %shift_right_logical3A_1699 : i32 to vector<16xi32>
      %shift_right_logical3A_1701 = arith.shrui %bitcast3A_1695, %shift_right_logical3A_1700 : vector<16xi32>
      %and3A_1702 = arith.constant 1 : i32
      %and3A_1703 = vector.broadcast %and3A_1702 : i32 to vector<16xi32>
      %and3A_1704 = arith.andi %shift_right_logical3A_1701, %and3A_1703 : vector<16xi32>
      %add3A_1705 = arith.addi %add3A_1698, %and3A_1704 : vector<16xi32>
      %and3A_1706 = arith.constant -65536 : i32
      %and3A_1707 = vector.broadcast %and3A_1706 : i32 to vector<16xi32>
      %and3A_1708 = arith.andi %add3A_1705, %and3A_1707 : vector<16xi32>
      %bitcast3A_1709 = vector.bitcast %and3A_1708 : vector<16xi32> to vector<16xf32>
      %bitcast3A_1710 = vector.bitcast %gather3A_1688 : vector<16xf32> to vector<16xi32>
      %add3A_1711 = arith.constant 32767 : i32
      %add3A_1712 = vector.broadcast %add3A_1711 : i32 to vector<16xi32>
      %add3A_1713 = arith.addi %bitcast3A_1710, %add3A_1712 : vector<16xi32>
      %shift_right_logical3A_1714 = arith.constant 16 : i32
      %shift_right_logical3A_1715 = vector.broadcast %shift_right_logical3A_1714 : i32 to vector<16xi32>
      %shift_right_logical3A_1716 = arith.shrui %bitcast3A_1710, %shift_right_logical3A_1715 : vector<16xi32>
      %and3A_1717 = arith.constant 1 : i32
      %and3A_1718 = vector.broadcast %and3A_1717 : i32 to vector<16xi32>
      %and3A_1719 = arith.andi %shift_right_logical3A_1716, %and3A_1718 : vector<16xi32>
      %add3A_1720 = arith.addi %add3A_1713, %and3A_1719 : vector<16xi32>
      %and3A_1721 = arith.constant -65536 : i32
      %and3A_1722 = vector.broadcast %and3A_1721 : i32 to vector<16xi32>
      %and3A_1723 = arith.andi %add3A_1720, %and3A_1722 : vector<16xi32>
      %bitcast3A_1724 = vector.bitcast %and3A_1723 : vector<16xi32> to vector<16xf32>
      %bitcast3A_1725 = vector.bitcast %gather3A_1689 : vector<16xf32> to vector<16xi32>
      %add3A_1726 = arith.constant 32767 : i32
      %add3A_1727 = vector.broadcast %add3A_1726 : i32 to vector<16xi32>
      %add3A_1728 = arith.addi %bitcast3A_1725, %add3A_1727 : vector<16xi32>
      %shift_right_logical3A_1729 = arith.constant 16 : i32
      %shift_right_logical3A_1730 = vector.broadcast %shift_right_logical3A_1729 : i32 to vector<16xi32>
      %shift_right_logical3A_1731 = arith.shrui %bitcast3A_1725, %shift_right_logical3A_1730 : vector<16xi32>
      %and3A_1732 = arith.constant 1 : i32
      %and3A_1733 = vector.broadcast %and3A_1732 : i32 to vector<16xi32>
      %and3A_1734 = arith.andi %shift_right_logical3A_1731, %and3A_1733 : vector<16xi32>
      %add3A_1735 = arith.addi %add3A_1728, %and3A_1734 : vector<16xi32>
      %and3A_1736 = arith.constant -65536 : i32
      %and3A_1737 = vector.broadcast %and3A_1736 : i32 to vector<16xi32>
      %and3A_1738 = arith.andi %add3A_1735, %and3A_1737 : vector<16xi32>
      %bitcast3A_1739 = vector.bitcast %and3A_1738 : vector<16xi32> to vector<16xf32>
      %mul3A_1740 = arith.mulf %bitcast3A_89, %bitcast3A_1709 : vector<16xf32>
      %mul3A_1741 = arith.mulf %bitcast3A_104, %bitcast3A_1724 : vector<16xf32>
      %add3A_1742 = arith.addf %mul3A_1740, %mul3A_1741 : vector<16xf32>
      %mul3A_1743 = arith.mulf %bitcast3A_119, %bitcast3A_1739 : vector<16xf32>
      %add3A_1744 = arith.addf %add3A_1742, %mul3A_1743 : vector<16xf32>
      %mul3A_1745 = arith.constant 512 : i32
      %mul3A_1746 = arith.muli %scan3A_59, %mul3A_1745 : i32
      %add3A_1747 = arith.constant 336 : i32
      %add3A_1748 = arith.addi %mul3A_1746, %add3A_1747 : i32
      %add3A_1749 = arith.addf %add3A_76, %add3A_1694 : vector<16xf32>
      %mul3A_1750 = arith.constant 2.000000e+00 : f32
      %mul3A_1751 = vector.broadcast %mul3A_1750 : f32 to vector<16xf32>
      %mul3A_1752 = arith.mulf %mul3A_1751, %add3A_1744 : vector<16xf32>
      %sub3A_1753 = arith.subf %add3A_1749, %mul3A_1752 : vector<16xf32>
      %swap3A_1754 = arith.index_cast %add3A_1748 : i32 to index
      %swap3A_1755 = tpu.vector_load %arg18[%swap3A_1754] {strides = array<i32>} : memref<32768xf32, #tpu.memory_space<vmem>>, vector<16xf32>,
      tpu.vector_store %arg18[%swap3A_1754], %sub3A_1753 {strides = array<i32>} : memref<32768xf32, #tpu.memory_space<vmem>>, vector<16xf32>,
      %swap3A_1756 = arith.index_cast %add3A_1748 : i32 to index
      %swap3A_1757 = tpu.vector_load %arg19[%swap3A_1756] {strides = array<i32>} : memref<32768xi32, #tpu.memory_space<vmem>>, vector<16xi32>,
      tpu.vector_store %arg19[%swap3A_1756], %add3A_1686 {strides = array<i32>} : memref<32768xi32, #tpu.memory_space<vmem>>, vector<16xi32>,
      %add3A_1758 = arith.constant 3072 : i32
      %add3A_1759 = vector.broadcast %add3A_1758 : i32 to vector<16xi32>
      %add3A_1760 = arith.addi %get3A_1313, %add3A_1759 : vector<16xi32>
      %gather3A_1761 = tpu.vector_load_idx %arg11[%add3A_1760] : memref<8192xf32, #tpu.memory_space<vmem>>[vector<16xi32>], vector<16xf32>,
      %gather3A_1762 = tpu.vector_load_idx %arg12[%add3A_1760] : memref<8192xf32, #tpu.memory_space<vmem>>[vector<16xi32>], vector<16xf32>,
      %gather3A_1763 = tpu.vector_load_idx %arg13[%add3A_1760] : memref<8192xf32, #tpu.memory_space<vmem>>[vector<16xi32>], vector<16xf32>,
      %mul3A_1764 = arith.mulf %gather3A_1761, %gather3A_1761 : vector<16xf32>
      %mul3A_1765 = arith.mulf %gather3A_1762, %gather3A_1762 : vector<16xf32>
      %add3A_1766 = arith.addf %mul3A_1764, %mul3A_1765 : vector<16xf32>
      %mul3A_1767 = arith.mulf %gather3A_1763, %gather3A_1763 : vector<16xf32>
      %add3A_1768 = arith.addf %add3A_1766, %mul3A_1767 : vector<16xf32>
      %bitcast3A_1769 = vector.bitcast %gather3A_1761 : vector<16xf32> to vector<16xi32>
      %add3A_1770 = arith.constant 32767 : i32
      %add3A_1771 = vector.broadcast %add3A_1770 : i32 to vector<16xi32>
      %add3A_1772 = arith.addi %bitcast3A_1769, %add3A_1771 : vector<16xi32>
      %shift_right_logical3A_1773 = arith.constant 16 : i32
      %shift_right_logical3A_1774 = vector.broadcast %shift_right_logical3A_1773 : i32 to vector<16xi32>
      %shift_right_logical3A_1775 = arith.shrui %bitcast3A_1769, %shift_right_logical3A_1774 : vector<16xi32>
      %and3A_1776 = arith.constant 1 : i32
      %and3A_1777 = vector.broadcast %and3A_1776 : i32 to vector<16xi32>
      %and3A_1778 = arith.andi %shift_right_logical3A_1775, %and3A_1777 : vector<16xi32>
      %add3A_1779 = arith.addi %add3A_1772, %and3A_1778 : vector<16xi32>
      %and3A_1780 = arith.constant -65536 : i32
      %and3A_1781 = vector.broadcast %and3A_1780 : i32 to vector<16xi32>
      %and3A_1782 = arith.andi %add3A_1779, %and3A_1781 : vector<16xi32>
      %bitcast3A_1783 = vector.bitcast %and3A_1782 : vector<16xi32> to vector<16xf32>
      %bitcast3A_1784 = vector.bitcast %gather3A_1762 : vector<16xf32> to vector<16xi32>
      %add3A_1785 = arith.constant 32767 : i32
      %add3A_1786 = vector.broadcast %add3A_1785 : i32 to vector<16xi32>
      %add3A_1787 = arith.addi %bitcast3A_1784, %add3A_1786 : vector<16xi32>
      %shift_right_logical3A_1788 = arith.constant 16 : i32
      %shift_right_logical3A_1789 = vector.broadcast %shift_right_logical3A_1788 : i32 to vector<16xi32>
      %shift_right_logical3A_1790 = arith.shrui %bitcast3A_1784, %shift_right_logical3A_1789 : vector<16xi32>
      %and3A_1791 = arith.constant 1 : i32
      %and3A_1792 = vector.broadcast %and3A_1791 : i32 to vector<16xi32>
      %and3A_1793 = arith.andi %shift_right_logical3A_1790, %and3A_1792 : vector<16xi32>
      %add3A_1794 = arith.addi %add3A_1787, %and3A_1793 : vector<16xi32>
      %and3A_1795 = arith.constant -65536 : i32
      %and3A_1796 = vector.broadcast %and3A_1795 : i32 to vector<16xi32>
      %and3A_1797 = arith.andi %add3A_1794, %and3A_1796 : vector<16xi32>
      %bitcast3A_1798 = vector.bitcast %and3A_1797 : vector<16xi32> to vector<16xf32>
      %bitcast3A_1799 = vector.bitcast %gather3A_1763 : vector<16xf32> to vector<16xi32>
      %add3A_1800 = arith.constant 32767 : i32
      %add3A_1801 = vector.broadcast %add3A_1800 : i32 to vector<16xi32>
      %add3A_1802 = arith.addi %bitcast3A_1799, %add3A_1801 : vector<16xi32>
      %shift_right_logical3A_1803 = arith.constant 16 : i32
      %shift_right_logical3A_1804 = vector.broadcast %shift_right_logical3A_1803 : i32 to vector<16xi32>
      %shift_right_logical3A_1805 = arith.shrui %bitcast3A_1799, %shift_right_logical3A_1804 : vector<16xi32>
      %and3A_1806 = arith.constant 1 : i32
      %and3A_1807 = vector.broadcast %and3A_1806 : i32 to vector<16xi32>
      %and3A_1808 = arith.andi %shift_right_logical3A_1805, %and3A_1807 : vector<16xi32>
      %add3A_1809 = arith.addi %add3A_1802, %and3A_1808 : vector<16xi32>
      %and3A_1810 = arith.constant -65536 : i32
      %and3A_1811 = vector.broadcast %and3A_1810 : i32 to vector<16xi32>
      %and3A_1812 = arith.andi %add3A_1809, %and3A_1811 : vector<16xi32>
      %bitcast3A_1813 = vector.bitcast %and3A_1812 : vector<16xi32> to vector<16xf32>
      %mul3A_1814 = arith.mulf %bitcast3A_89, %bitcast3A_1783 : vector<16xf32>
      %mul3A_1815 = arith.mulf %bitcast3A_104, %bitcast3A_1798 : vector<16xf32>
      %add3A_1816 = arith.addf %mul3A_1814, %mul3A_1815 : vector<16xf32>
      %mul3A_1817 = arith.mulf %bitcast3A_119, %bitcast3A_1813 : vector<16xf32>
      %add3A_1818 = arith.addf %add3A_1816, %mul3A_1817 : vector<16xf32>
      %mul3A_1819 = arith.constant 512 : i32
      %mul3A_1820 = arith.muli %scan3A_59, %mul3A_1819 : i32
      %add3A_1821 = arith.constant 352 : i32
      %add3A_1822 = arith.addi %mul3A_1820, %add3A_1821 : i32
      %add3A_1823 = arith.addf %add3A_76, %add3A_1768 : vector<16xf32>
      %mul3A_1824 = arith.constant 2.000000e+00 : f32
      %mul3A_1825 = vector.broadcast %mul3A_1824 : f32 to vector<16xf32>
      %mul3A_1826 = arith.mulf %mul3A_1825, %add3A_1818 : vector<16xf32>
      %sub3A_1827 = arith.subf %add3A_1823, %mul3A_1826 : vector<16xf32>
      %swap3A_1828 = arith.index_cast %add3A_1822 : i32 to index
      %swap3A_1829 = tpu.vector_load %arg18[%swap3A_1828] {strides = array<i32>} : memref<32768xf32, #tpu.memory_space<vmem>>, vector<16xf32>,
      tpu.vector_store %arg18[%swap3A_1828], %sub3A_1827 {strides = array<i32>} : memref<32768xf32, #tpu.memory_space<vmem>>, vector<16xf32>,
      %swap3A_1830 = arith.index_cast %add3A_1822 : i32 to index
      %swap3A_1831 = tpu.vector_load %arg19[%swap3A_1830] {strides = array<i32>} : memref<32768xi32, #tpu.memory_space<vmem>>, vector<16xi32>,
      tpu.vector_store %arg19[%swap3A_1830], %add3A_1760 {strides = array<i32>} : memref<32768xi32, #tpu.memory_space<vmem>>, vector<16xi32>,
      %add3A_1832 = arith.constant 3584 : i32
      %add3A_1833 = vector.broadcast %add3A_1832 : i32 to vector<16xi32>
      %add3A_1834 = arith.addi %get3A_1313, %add3A_1833 : vector<16xi32>
      %gather3A_1835 = tpu.vector_load_idx %arg11[%add3A_1834] : memref<8192xf32, #tpu.memory_space<vmem>>[vector<16xi32>], vector<16xf32>,
      %gather3A_1836 = tpu.vector_load_idx %arg12[%add3A_1834] : memref<8192xf32, #tpu.memory_space<vmem>>[vector<16xi32>], vector<16xf32>,
      %gather3A_1837 = tpu.vector_load_idx %arg13[%add3A_1834] : memref<8192xf32, #tpu.memory_space<vmem>>[vector<16xi32>], vector<16xf32>,
      %mul3A_1838 = arith.mulf %gather3A_1835, %gather3A_1835 : vector<16xf32>
      %mul3A_1839 = arith.mulf %gather3A_1836, %gather3A_1836 : vector<16xf32>
      %add3A_1840 = arith.addf %mul3A_1838, %mul3A_1839 : vector<16xf32>
      %mul3A_1841 = arith.mulf %gather3A_1837, %gather3A_1837 : vector<16xf32>
      %add3A_1842 = arith.addf %add3A_1840, %mul3A_1841 : vector<16xf32>
      %bitcast3A_1843 = vector.bitcast %gather3A_1835 : vector<16xf32> to vector<16xi32>
      %add3A_1844 = arith.constant 32767 : i32
      %add3A_1845 = vector.broadcast %add3A_1844 : i32 to vector<16xi32>
      %add3A_1846 = arith.addi %bitcast3A_1843, %add3A_1845 : vector<16xi32>
      %shift_right_logical3A_1847 = arith.constant 16 : i32
      %shift_right_logical3A_1848 = vector.broadcast %shift_right_logical3A_1847 : i32 to vector<16xi32>
      %shift_right_logical3A_1849 = arith.shrui %bitcast3A_1843, %shift_right_logical3A_1848 : vector<16xi32>
      %and3A_1850 = arith.constant 1 : i32
      %and3A_1851 = vector.broadcast %and3A_1850 : i32 to vector<16xi32>
      %and3A_1852 = arith.andi %shift_right_logical3A_1849, %and3A_1851 : vector<16xi32>
      %add3A_1853 = arith.addi %add3A_1846, %and3A_1852 : vector<16xi32>
      %and3A_1854 = arith.constant -65536 : i32
      %and3A_1855 = vector.broadcast %and3A_1854 : i32 to vector<16xi32>
      %and3A_1856 = arith.andi %add3A_1853, %and3A_1855 : vector<16xi32>
      %bitcast3A_1857 = vector.bitcast %and3A_1856 : vector<16xi32> to vector<16xf32>
      %bitcast3A_1858 = vector.bitcast %gather3A_1836 : vector<16xf32> to vector<16xi32>
      %add3A_1859 = arith.constant 32767 : i32
      %add3A_1860 = vector.broadcast %add3A_1859 : i32 to vector<16xi32>
      %add3A_1861 = arith.addi %bitcast3A_1858, %add3A_1860 : vector<16xi32>
      %shift_right_logical3A_1862 = arith.constant 16 : i32
      %shift_right_logical3A_1863 = vector.broadcast %shift_right_logical3A_1862 : i32 to vector<16xi32>
      %shift_right_logical3A_1864 = arith.shrui %bitcast3A_1858, %shift_right_logical3A_1863 : vector<16xi32>
      %and3A_1865 = arith.constant 1 : i32
      %and3A_1866 = vector.broadcast %and3A_1865 : i32 to vector<16xi32>
      %and3A_1867 = arith.andi %shift_right_logical3A_1864, %and3A_1866 : vector<16xi32>
      %add3A_1868 = arith.addi %add3A_1861, %and3A_1867 : vector<16xi32>
      %and3A_1869 = arith.constant -65536 : i32
      %and3A_1870 = vector.broadcast %and3A_1869 : i32 to vector<16xi32>
      %and3A_1871 = arith.andi %add3A_1868, %and3A_1870 : vector<16xi32>
      %bitcast3A_1872 = vector.bitcast %and3A_1871 : vector<16xi32> to vector<16xf32>
      %bitcast3A_1873 = vector.bitcast %gather3A_1837 : vector<16xf32> to vector<16xi32>
      %add3A_1874 = arith.constant 32767 : i32
      %add3A_1875 = vector.broadcast %add3A_1874 : i32 to vector<16xi32>
      %add3A_1876 = arith.addi %bitcast3A_1873, %add3A_1875 : vector<16xi32>
      %shift_right_logical3A_1877 = arith.constant 16 : i32
      %shift_right_logical3A_1878 = vector.broadcast %shift_right_logical3A_1877 : i32 to vector<16xi32>
      %shift_right_logical3A_1879 = arith.shrui %bitcast3A_1873, %shift_right_logical3A_1878 : vector<16xi32>
      %and3A_1880 = arith.constant 1 : i32
      %and3A_1881 = vector.broadcast %and3A_1880 : i32 to vector<16xi32>
      %and3A_1882 = arith.andi %shift_right_logical3A_1879, %and3A_1881 : vector<16xi32>
      %add3A_1883 = arith.addi %add3A_1876, %and3A_1882 : vector<16xi32>
      %and3A_1884 = arith.constant -65536 : i32
      %and3A_1885 = vector.broadcast %and3A_1884 : i32 to vector<16xi32>
      %and3A_1886 = arith.andi %add3A_1883, %and3A_1885 : vector<16xi32>
      %bitcast3A_1887 = vector.bitcast %and3A_1886 : vector<16xi32> to vector<16xf32>
      %mul3A_1888 = arith.mulf %bitcast3A_89, %bitcast3A_1857 : vector<16xf32>
      %mul3A_1889 = arith.mulf %bitcast3A_104, %bitcast3A_1872 : vector<16xf32>
      %add3A_1890 = arith.addf %mul3A_1888, %mul3A_1889 : vector<16xf32>
      %mul3A_1891 = arith.mulf %bitcast3A_119, %bitcast3A_1887 : vector<16xf32>
      %add3A_1892 = arith.addf %add3A_1890, %mul3A_1891 : vector<16xf32>
      %mul3A_1893 = arith.constant 512 : i32
      %mul3A_1894 = arith.muli %scan3A_59, %mul3A_1893 : i32
      %add3A_1895 = arith.constant 368 : i32
      %add3A_1896 = arith.addi %mul3A_1894, %add3A_1895 : i32
      %add3A_1897 = arith.addf %add3A_76, %add3A_1842 : vector<16xf32>
      %mul3A_1898 = arith.constant 2.000000e+00 : f32
      %mul3A_1899 = vector.broadcast %mul3A_1898 : f32 to vector<16xf32>
      %mul3A_1900 = arith.mulf %mul3A_1899, %add3A_1892 : vector<16xf32>
      %sub3A_1901 = arith.subf %add3A_1897, %mul3A_1900 : vector<16xf32>
      %swap3A_1902 = arith.index_cast %add3A_1896 : i32 to index
      %swap3A_1903 = tpu.vector_load %arg18[%swap3A_1902] {strides = array<i32>} : memref<32768xf32, #tpu.memory_space<vmem>>, vector<16xf32>,
      tpu.vector_store %arg18[%swap3A_1902], %sub3A_1901 {strides = array<i32>} : memref<32768xf32, #tpu.memory_space<vmem>>, vector<16xf32>,
      %swap3A_1904 = arith.index_cast %add3A_1896 : i32 to index
      %swap3A_1905 = tpu.vector_load %arg19[%swap3A_1904] {strides = array<i32>} : memref<32768xi32, #tpu.memory_space<vmem>>, vector<16xi32>,
      tpu.vector_store %arg19[%swap3A_1904], %add3A_1834 {strides = array<i32>} : memref<32768xi32, #tpu.memory_space<vmem>>, vector<16xi32>,
      %add3A_1906 = arith.constant 4096 : i32
      %add3A_1907 = vector.broadcast %add3A_1906 : i32 to vector<16xi32>
      %add3A_1908 = arith.addi %get3A_1313, %add3A_1907 : vector<16xi32>
      %gather3A_1909 = tpu.vector_load_idx %arg11[%add3A_1908] : memref<8192xf32, #tpu.memory_space<vmem>>[vector<16xi32>], vector<16xf32>,
      %gather3A_1910 = tpu.vector_load_idx %arg12[%add3A_1908] : memref<8192xf32, #tpu.memory_space<vmem>>[vector<16xi32>], vector<16xf32>,
      %gather3A_1911 = tpu.vector_load_idx %arg13[%add3A_1908] : memref<8192xf32, #tpu.memory_space<vmem>>[vector<16xi32>], vector<16xf32>,
      %mul3A_1912 = arith.mulf %gather3A_1909, %gather3A_1909 : vector<16xf32>
      %mul3A_1913 = arith.mulf %gather3A_1910, %gather3A_1910 : vector<16xf32>
      %add3A_1914 = arith.addf %mul3A_1912, %mul3A_1913 : vector<16xf32>
      %mul3A_1915 = arith.mulf %gather3A_1911, %gather3A_1911 : vector<16xf32>
      %add3A_1916 = arith.addf %add3A_1914, %mul3A_1915 : vector<16xf32>
      %bitcast3A_1917 = vector.bitcast %gather3A_1909 : vector<16xf32> to vector<16xi32>
      %add3A_1918 = arith.constant 32767 : i32
      %add3A_1919 = vector.broadcast %add3A_1918 : i32 to vector<16xi32>
      %add3A_1920 = arith.addi %bitcast3A_1917, %add3A_1919 : vector<16xi32>
      %shift_right_logical3A_1921 = arith.constant 16 : i32
      %shift_right_logical3A_1922 = vector.broadcast %shift_right_logical3A_1921 : i32 to vector<16xi32>
      %shift_right_logical3A_1923 = arith.shrui %bitcast3A_1917, %shift_right_logical3A_1922 : vector<16xi32>
      %and3A_1924 = arith.constant 1 : i32
      %and3A_1925 = vector.broadcast %and3A_1924 : i32 to vector<16xi32>
      %and3A_1926 = arith.andi %shift_right_logical3A_1923, %and3A_1925 : vector<16xi32>
      %add3A_1927 = arith.addi %add3A_1920, %and3A_1926 : vector<16xi32>
      %and3A_1928 = arith.constant -65536 : i32
      %and3A_1929 = vector.broadcast %and3A_1928 : i32 to vector<16xi32>
      %and3A_1930 = arith.andi %add3A_1927, %and3A_1929 : vector<16xi32>
      %bitcast3A_1931 = vector.bitcast %and3A_1930 : vector<16xi32> to vector<16xf32>
      %bitcast3A_1932 = vector.bitcast %gather3A_1910 : vector<16xf32> to vector<16xi32>
      %add3A_1933 = arith.constant 32767 : i32
      %add3A_1934 = vector.broadcast %add3A_1933 : i32 to vector<16xi32>
      %add3A_1935 = arith.addi %bitcast3A_1932, %add3A_1934 : vector<16xi32>
      %shift_right_logical3A_1936 = arith.constant 16 : i32
      %shift_right_logical3A_1937 = vector.broadcast %shift_right_logical3A_1936 : i32 to vector<16xi32>
      %shift_right_logical3A_1938 = arith.shrui %bitcast3A_1932, %shift_right_logical3A_1937 : vector<16xi32>
      %and3A_1939 = arith.constant 1 : i32
      %and3A_1940 = vector.broadcast %and3A_1939 : i32 to vector<16xi32>
      %and3A_1941 = arith.andi %shift_right_logical3A_1938, %and3A_1940 : vector<16xi32>
      %add3A_1942 = arith.addi %add3A_1935, %and3A_1941 : vector<16xi32>
      %and3A_1943 = arith.constant -65536 : i32
      %and3A_1944 = vector.broadcast %and3A_1943 : i32 to vector<16xi32>
      %and3A_1945 = arith.andi %add3A_1942, %and3A_1944 : vector<16xi32>
      %bitcast3A_1946 = vector.bitcast %and3A_1945 : vector<16xi32> to vector<16xf32>
      %bitcast3A_1947 = vector.bitcast %gather3A_1911 : vector<16xf32> to vector<16xi32>
      %add3A_1948 = arith.constant 32767 : i32
      %add3A_1949 = vector.broadcast %add3A_1948 : i32 to vector<16xi32>
      %add3A_1950 = arith.addi %bitcast3A_1947, %add3A_1949 : vector<16xi32>
      %shift_right_logical3A_1951 = arith.constant 16 : i32
      %shift_right_logical3A_1952 = vector.broadcast %shift_right_logical3A_1951 : i32 to vector<16xi32>
      %shift_right_logical3A_1953 = arith.shrui %bitcast3A_1947, %shift_right_logical3A_1952 : vector<16xi32>
      %and3A_1954 = arith.constant 1 : i32
      %and3A_1955 = vector.broadcast %and3A_1954 : i32 to vector<16xi32>
      %and3A_1956 = arith.andi %shift_right_logical3A_1953, %and3A_1955 : vector<16xi32>
      %add3A_1957 = arith.addi %add3A_1950, %and3A_1956 : vector<16xi32>
      %and3A_1958 = arith.constant -65536 : i32
      %and3A_1959 = vector.broadcast %and3A_1958 : i32 to vector<16xi32>
      %and3A_1960 = arith.andi %add3A_1957, %and3A_1959 : vector<16xi32>
      %bitcast3A_1961 = vector.bitcast %and3A_1960 : vector<16xi32> to vector<16xf32>
      %mul3A_1962 = arith.mulf %bitcast3A_89, %bitcast3A_1931 : vector<16xf32>
      %mul3A_1963 = arith.mulf %bitcast3A_104, %bitcast3A_1946 : vector<16xf32>
      %add3A_1964 = arith.addf %mul3A_1962, %mul3A_1963 : vector<16xf32>
      %mul3A_1965 = arith.mulf %bitcast3A_119, %bitcast3A_1961 : vector<16xf32>
      %add3A_1966 = arith.addf %add3A_1964, %mul3A_1965 : vector<16xf32>
      %mul3A_1967 = arith.constant 512 : i32
      %mul3A_1968 = arith.muli %scan3A_59, %mul3A_1967 : i32
      %add3A_1969 = arith.constant 384 : i32
      %add3A_1970 = arith.addi %mul3A_1968, %add3A_1969 : i32
      %add3A_1971 = arith.addf %add3A_76, %add3A_1916 : vector<16xf32>
      %mul3A_1972 = arith.constant 2.000000e+00 : f32
      %mul3A_1973 = vector.broadcast %mul3A_1972 : f32 to vector<16xf32>
      %mul3A_1974 = arith.mulf %mul3A_1973, %add3A_1966 : vector<16xf32>
      %sub3A_1975 = arith.subf %add3A_1971, %mul3A_1974 : vector<16xf32>
      %swap3A_1976 = arith.index_cast %add3A_1970 : i32 to index
      %swap3A_1977 = tpu.vector_load %arg18[%swap3A_1976] {strides = array<i32>} : memref<32768xf32, #tpu.memory_space<vmem>>, vector<16xf32>,
      tpu.vector_store %arg18[%swap3A_1976], %sub3A_1975 {strides = array<i32>} : memref<32768xf32, #tpu.memory_space<vmem>>, vector<16xf32>,
      %swap3A_1978 = arith.index_cast %add3A_1970 : i32 to index
      %swap3A_1979 = tpu.vector_load %arg19[%swap3A_1978] {strides = array<i32>} : memref<32768xi32, #tpu.memory_space<vmem>>, vector<16xi32>,
      tpu.vector_store %arg19[%swap3A_1978], %add3A_1908 {strides = array<i32>} : memref<32768xi32, #tpu.memory_space<vmem>>, vector<16xi32>,
      %add3A_1980 = arith.constant 4608 : i32
      %add3A_1981 = vector.broadcast %add3A_1980 : i32 to vector<16xi32>
      %add3A_1982 = arith.addi %get3A_1313, %add3A_1981 : vector<16xi32>
      %gather3A_1983 = tpu.vector_load_idx %arg11[%add3A_1982] : memref<8192xf32, #tpu.memory_space<vmem>>[vector<16xi32>], vector<16xf32>,
      %gather3A_1984 = tpu.vector_load_idx %arg12[%add3A_1982] : memref<8192xf32, #tpu.memory_space<vmem>>[vector<16xi32>], vector<16xf32>,
      %gather3A_1985 = tpu.vector_load_idx %arg13[%add3A_1982] : memref<8192xf32, #tpu.memory_space<vmem>>[vector<16xi32>], vector<16xf32>,
      %mul3A_1986 = arith.mulf %gather3A_1983, %gather3A_1983 : vector<16xf32>
      %mul3A_1987 = arith.mulf %gather3A_1984, %gather3A_1984 : vector<16xf32>
      %add3A_1988 = arith.addf %mul3A_1986, %mul3A_1987 : vector<16xf32>
      %mul3A_1989 = arith.mulf %gather3A_1985, %gather3A_1985 : vector<16xf32>
      %add3A_1990 = arith.addf %add3A_1988, %mul3A_1989 : vector<16xf32>
      %bitcast3A_1991 = vector.bitcast %gather3A_1983 : vector<16xf32> to vector<16xi32>
      %add3A_1992 = arith.constant 32767 : i32
      %add3A_1993 = vector.broadcast %add3A_1992 : i32 to vector<16xi32>
      %add3A_1994 = arith.addi %bitcast3A_1991, %add3A_1993 : vector<16xi32>
      %shift_right_logical3A_1995 = arith.constant 16 : i32
      %shift_right_logical3A_1996 = vector.broadcast %shift_right_logical3A_1995 : i32 to vector<16xi32>
      %shift_right_logical3A_1997 = arith.shrui %bitcast3A_1991, %shift_right_logical3A_1996 : vector<16xi32>
      %and3A_1998 = arith.constant 1 : i32
      %and3A_1999 = vector.broadcast %and3A_1998 : i32 to vector<16xi32>
      %and3A_2000 = arith.andi %shift_right_logical3A_1997, %and3A_1999 : vector<16xi32>
      %add3A_2001 = arith.addi %add3A_1994, %and3A_2000 : vector<16xi32>
      %and3A_2002 = arith.constant -65536 : i32
      %and3A_2003 = vector.broadcast %and3A_2002 : i32 to vector<16xi32>
      %and3A_2004 = arith.andi %add3A_2001, %and3A_2003 : vector<16xi32>
      %bitcast3A_2005 = vector.bitcast %and3A_2004 : vector<16xi32> to vector<16xf32>
      %bitcast3A_2006 = vector.bitcast %gather3A_1984 : vector<16xf32> to vector<16xi32>
      %add3A_2007 = arith.constant 32767 : i32
      %add3A_2008 = vector.broadcast %add3A_2007 : i32 to vector<16xi32>
      %add3A_2009 = arith.addi %bitcast3A_2006, %add3A_2008 : vector<16xi32>
      %shift_right_logical3A_2010 = arith.constant 16 : i32
      %shift_right_logical3A_2011 = vector.broadcast %shift_right_logical3A_2010 : i32 to vector<16xi32>
      %shift_right_logical3A_2012 = arith.shrui %bitcast3A_2006, %shift_right_logical3A_2011 : vector<16xi32>
      %and3A_2013 = arith.constant 1 : i32
      %and3A_2014 = vector.broadcast %and3A_2013 : i32 to vector<16xi32>
      %and3A_2015 = arith.andi %shift_right_logical3A_2012, %and3A_2014 : vector<16xi32>
      %add3A_2016 = arith.addi %add3A_2009, %and3A_2015 : vector<16xi32>
      %and3A_2017 = arith.constant -65536 : i32
      %and3A_2018 = vector.broadcast %and3A_2017 : i32 to vector<16xi32>
      %and3A_2019 = arith.andi %add3A_2016, %and3A_2018 : vector<16xi32>
      %bitcast3A_2020 = vector.bitcast %and3A_2019 : vector<16xi32> to vector<16xf32>
      %bitcast3A_2021 = vector.bitcast %gather3A_1985 : vector<16xf32> to vector<16xi32>
      %add3A_2022 = arith.constant 32767 : i32
      %add3A_2023 = vector.broadcast %add3A_2022 : i32 to vector<16xi32>
      %add3A_2024 = arith.addi %bitcast3A_2021, %add3A_2023 : vector<16xi32>
      %shift_right_logical3A_2025 = arith.constant 16 : i32
      %shift_right_logical3A_2026 = vector.broadcast %shift_right_logical3A_2025 : i32 to vector<16xi32>
      %shift_right_logical3A_2027 = arith.shrui %bitcast3A_2021, %shift_right_logical3A_2026 : vector<16xi32>
      %and3A_2028 = arith.constant 1 : i32
      %and3A_2029 = vector.broadcast %and3A_2028 : i32 to vector<16xi32>
      %and3A_2030 = arith.andi %shift_right_logical3A_2027, %and3A_2029 : vector<16xi32>
      %add3A_2031 = arith.addi %add3A_2024, %and3A_2030 : vector<16xi32>
      %and3A_2032 = arith.constant -65536 : i32
      %and3A_2033 = vector.broadcast %and3A_2032 : i32 to vector<16xi32>
      %and3A_2034 = arith.andi %add3A_2031, %and3A_2033 : vector<16xi32>
      %bitcast3A_2035 = vector.bitcast %and3A_2034 : vector<16xi32> to vector<16xf32>
      %mul3A_2036 = arith.mulf %bitcast3A_89, %bitcast3A_2005 : vector<16xf32>
      %mul3A_2037 = arith.mulf %bitcast3A_104, %bitcast3A_2020 : vector<16xf32>
      %add3A_2038 = arith.addf %mul3A_2036, %mul3A_2037 : vector<16xf32>
      %mul3A_2039 = arith.mulf %bitcast3A_119, %bitcast3A_2035 : vector<16xf32>
      %add3A_2040 = arith.addf %add3A_2038, %mul3A_2039 : vector<16xf32>
      %mul3A_2041 = arith.constant 512 : i32
      %mul3A_2042 = arith.muli %scan3A_59, %mul3A_2041 : i32
      %add3A_2043 = arith.constant 400 : i32
      %add3A_2044 = arith.addi %mul3A_2042, %add3A_2043 : i32
      %add3A_2045 = arith.addf %add3A_76, %add3A_1990 : vector<16xf32>
      %mul3A_2046 = arith.constant 2.000000e+00 : f32
      %mul3A_2047 = vector.broadcast %mul3A_2046 : f32 to vector<16xf32>
      %mul3A_2048 = arith.mulf %mul3A_2047, %add3A_2040 : vector<16xf32>
      %sub3A_2049 = arith.subf %add3A_2045, %mul3A_2048 : vector<16xf32>
      %swap3A_2050 = arith.index_cast %add3A_2044 : i32 to index
      %swap3A_2051 = tpu.vector_load %arg18[%swap3A_2050] {strides = array<i32>} : memref<32768xf32, #tpu.memory_space<vmem>>, vector<16xf32>,
      tpu.vector_store %arg18[%swap3A_2050], %sub3A_2049 {strides = array<i32>} : memref<32768xf32, #tpu.memory_space<vmem>>, vector<16xf32>,
      %swap3A_2052 = arith.index_cast %add3A_2044 : i32 to index
      %swap3A_2053 = tpu.vector_load %arg19[%swap3A_2052] {strides = array<i32>} : memref<32768xi32, #tpu.memory_space<vmem>>, vector<16xi32>,
      tpu.vector_store %arg19[%swap3A_2052], %add3A_1982 {strides = array<i32>} : memref<32768xi32, #tpu.memory_space<vmem>>, vector<16xi32>,
      %add3A_2054 = arith.constant 5120 : i32
      %add3A_2055 = vector.broadcast %add3A_2054 : i32 to vector<16xi32>
      %add3A_2056 = arith.addi %get3A_1313, %add3A_2055 : vector<16xi32>
      %gather3A_2057 = tpu.vector_load_idx %arg11[%add3A_2056] : memref<8192xf32, #tpu.memory_space<vmem>>[vector<16xi32>], vector<16xf32>,
      %gather3A_2058 = tpu.vector_load_idx %arg12[%add3A_2056] : memref<8192xf32, #tpu.memory_space<vmem>>[vector<16xi32>], vector<16xf32>,
      %gather3A_2059 = tpu.vector_load_idx %arg13[%add3A_2056] : memref<8192xf32, #tpu.memory_space<vmem>>[vector<16xi32>], vector<16xf32>,
      %mul3A_2060 = arith.mulf %gather3A_2057, %gather3A_2057 : vector<16xf32>
      %mul3A_2061 = arith.mulf %gather3A_2058, %gather3A_2058 : vector<16xf32>
      %add3A_2062 = arith.addf %mul3A_2060, %mul3A_2061 : vector<16xf32>
      %mul3A_2063 = arith.mulf %gather3A_2059, %gather3A_2059 : vector<16xf32>
      %add3A_2064 = arith.addf %add3A_2062, %mul3A_2063 : vector<16xf32>
      %bitcast3A_2065 = vector.bitcast %gather3A_2057 : vector<16xf32> to vector<16xi32>
      %add3A_2066 = arith.constant 32767 : i32
      %add3A_2067 = vector.broadcast %add3A_2066 : i32 to vector<16xi32>
      %add3A_2068 = arith.addi %bitcast3A_2065, %add3A_2067 : vector<16xi32>
      %shift_right_logical3A_2069 = arith.constant 16 : i32
      %shift_right_logical3A_2070 = vector.broadcast %shift_right_logical3A_2069 : i32 to vector<16xi32>
      %shift_right_logical3A_2071 = arith.shrui %bitcast3A_2065, %shift_right_logical3A_2070 : vector<16xi32>
      %and3A_2072 = arith.constant 1 : i32
      %and3A_2073 = vector.broadcast %and3A_2072 : i32 to vector<16xi32>
      %and3A_2074 = arith.andi %shift_right_logical3A_2071, %and3A_2073 : vector<16xi32>
      %add3A_2075 = arith.addi %add3A_2068, %and3A_2074 : vector<16xi32>
      %and3A_2076 = arith.constant -65536 : i32
      %and3A_2077 = vector.broadcast %and3A_2076 : i32 to vector<16xi32>
      %and3A_2078 = arith.andi %add3A_2075, %and3A_2077 : vector<16xi32>
      %bitcast3A_2079 = vector.bitcast %and3A_2078 : vector<16xi32> to vector<16xf32>
      %bitcast3A_2080 = vector.bitcast %gather3A_2058 : vector<16xf32> to vector<16xi32>
      %add3A_2081 = arith.constant 32767 : i32
      %add3A_2082 = vector.broadcast %add3A_2081 : i32 to vector<16xi32>
      %add3A_2083 = arith.addi %bitcast3A_2080, %add3A_2082 : vector<16xi32>
      %shift_right_logical3A_2084 = arith.constant 16 : i32
      %shift_right_logical3A_2085 = vector.broadcast %shift_right_logical3A_2084 : i32 to vector<16xi32>
      %shift_right_logical3A_2086 = arith.shrui %bitcast3A_2080, %shift_right_logical3A_2085 : vector<16xi32>
      %and3A_2087 = arith.constant 1 : i32
      %and3A_2088 = vector.broadcast %and3A_2087 : i32 to vector<16xi32>
      %and3A_2089 = arith.andi %shift_right_logical3A_2086, %and3A_2088 : vector<16xi32>
      %add3A_2090 = arith.addi %add3A_2083, %and3A_2089 : vector<16xi32>
      %and3A_2091 = arith.constant -65536 : i32
      %and3A_2092 = vector.broadcast %and3A_2091 : i32 to vector<16xi32>
      %and3A_2093 = arith.andi %add3A_2090, %and3A_2092 : vector<16xi32>
      %bitcast3A_2094 = vector.bitcast %and3A_2093 : vector<16xi32> to vector<16xf32>
      %bitcast3A_2095 = vector.bitcast %gather3A_2059 : vector<16xf32> to vector<16xi32>
      %add3A_2096 = arith.constant 32767 : i32
      %add3A_2097 = vector.broadcast %add3A_2096 : i32 to vector<16xi32>
      %add3A_2098 = arith.addi %bitcast3A_2095, %add3A_2097 : vector<16xi32>
      %shift_right_logical3A_2099 = arith.constant 16 : i32
      %shift_right_logical3A_2100 = vector.broadcast %shift_right_logical3A_2099 : i32 to vector<16xi32>
      %shift_right_logical3A_2101 = arith.shrui %bitcast3A_2095, %shift_right_logical3A_2100 : vector<16xi32>
      %and3A_2102 = arith.constant 1 : i32
      %and3A_2103 = vector.broadcast %and3A_2102 : i32 to vector<16xi32>
      %and3A_2104 = arith.andi %shift_right_logical3A_2101, %and3A_2103 : vector<16xi32>
      %add3A_2105 = arith.addi %add3A_2098, %and3A_2104 : vector<16xi32>
      %and3A_2106 = arith.constant -65536 : i32
      %and3A_2107 = vector.broadcast %and3A_2106 : i32 to vector<16xi32>
      %and3A_2108 = arith.andi %add3A_2105, %and3A_2107 : vector<16xi32>
      %bitcast3A_2109 = vector.bitcast %and3A_2108 : vector<16xi32> to vector<16xf32>
      %mul3A_2110 = arith.mulf %bitcast3A_89, %bitcast3A_2079 : vector<16xf32>
      %mul3A_2111 = arith.mulf %bitcast3A_104, %bitcast3A_2094 : vector<16xf32>
      %add3A_2112 = arith.addf %mul3A_2110, %mul3A_2111 : vector<16xf32>
      %mul3A_2113 = arith.mulf %bitcast3A_119, %bitcast3A_2109 : vector<16xf32>
      %add3A_2114 = arith.addf %add3A_2112, %mul3A_2113 : vector<16xf32>
      %mul3A_2115 = arith.constant 512 : i32
      %mul3A_2116 = arith.muli %scan3A_59, %mul3A_2115 : i32
      %add3A_2117 = arith.constant 416 : i32
      %add3A_2118 = arith.addi %mul3A_2116, %add3A_2117 : i32
      %add3A_2119 = arith.addf %add3A_76, %add3A_2064 : vector<16xf32>
      %mul3A_2120 = arith.constant 2.000000e+00 : f32
      %mul3A_2121 = vector.broadcast %mul3A_2120 : f32 to vector<16xf32>
      %mul3A_2122 = arith.mulf %mul3A_2121, %add3A_2114 : vector<16xf32>
      %sub3A_2123 = arith.subf %add3A_2119, %mul3A_2122 : vector<16xf32>
      %swap3A_2124 = arith.index_cast %add3A_2118 : i32 to index
      %swap3A_2125 = tpu.vector_load %arg18[%swap3A_2124] {strides = array<i32>} : memref<32768xf32, #tpu.memory_space<vmem>>, vector<16xf32>,
      tpu.vector_store %arg18[%swap3A_2124], %sub3A_2123 {strides = array<i32>} : memref<32768xf32, #tpu.memory_space<vmem>>, vector<16xf32>,
      %swap3A_2126 = arith.index_cast %add3A_2118 : i32 to index
      %swap3A_2127 = tpu.vector_load %arg19[%swap3A_2126] {strides = array<i32>} : memref<32768xi32, #tpu.memory_space<vmem>>, vector<16xi32>,
      tpu.vector_store %arg19[%swap3A_2126], %add3A_2056 {strides = array<i32>} : memref<32768xi32, #tpu.memory_space<vmem>>, vector<16xi32>,
      %add3A_2128 = arith.constant 5632 : i32
      %add3A_2129 = vector.broadcast %add3A_2128 : i32 to vector<16xi32>
      %add3A_2130 = arith.addi %get3A_1313, %add3A_2129 : vector<16xi32>
      %gather3A_2131 = tpu.vector_load_idx %arg11[%add3A_2130] : memref<8192xf32, #tpu.memory_space<vmem>>[vector<16xi32>], vector<16xf32>,
      %gather3A_2132 = tpu.vector_load_idx %arg12[%add3A_2130] : memref<8192xf32, #tpu.memory_space<vmem>>[vector<16xi32>], vector<16xf32>,
      %gather3A_2133 = tpu.vector_load_idx %arg13[%add3A_2130] : memref<8192xf32, #tpu.memory_space<vmem>>[vector<16xi32>], vector<16xf32>,
      %mul3A_2134 = arith.mulf %gather3A_2131, %gather3A_2131 : vector<16xf32>
      %mul3A_2135 = arith.mulf %gather3A_2132, %gather3A_2132 : vector<16xf32>
      %add3A_2136 = arith.addf %mul3A_2134, %mul3A_2135 : vector<16xf32>
      %mul3A_2137 = arith.mulf %gather3A_2133, %gather3A_2133 : vector<16xf32>
      %add3A_2138 = arith.addf %add3A_2136, %mul3A_2137 : vector<16xf32>
      %bitcast3A_2139 = vector.bitcast %gather3A_2131 : vector<16xf32> to vector<16xi32>
      %add3A_2140 = arith.constant 32767 : i32
      %add3A_2141 = vector.broadcast %add3A_2140 : i32 to vector<16xi32>
      %add3A_2142 = arith.addi %bitcast3A_2139, %add3A_2141 : vector<16xi32>
      %shift_right_logical3A_2143 = arith.constant 16 : i32
      %shift_right_logical3A_2144 = vector.broadcast %shift_right_logical3A_2143 : i32 to vector<16xi32>
      %shift_right_logical3A_2145 = arith.shrui %bitcast3A_2139, %shift_right_logical3A_2144 : vector<16xi32>
      %and3A_2146 = arith.constant 1 : i32
      %and3A_2147 = vector.broadcast %and3A_2146 : i32 to vector<16xi32>
      %and3A_2148 = arith.andi %shift_right_logical3A_2145, %and3A_2147 : vector<16xi32>
      %add3A_2149 = arith.addi %add3A_2142, %and3A_2148 : vector<16xi32>
      %and3A_2150 = arith.constant -65536 : i32
      %and3A_2151 = vector.broadcast %and3A_2150 : i32 to vector<16xi32>
      %and3A_2152 = arith.andi %add3A_2149, %and3A_2151 : vector<16xi32>
      %bitcast3A_2153 = vector.bitcast %and3A_2152 : vector<16xi32> to vector<16xf32>
      %bitcast3A_2154 = vector.bitcast %gather3A_2132 : vector<16xf32> to vector<16xi32>
      %add3A_2155 = arith.constant 32767 : i32
      %add3A_2156 = vector.broadcast %add3A_2155 : i32 to vector<16xi32>
      %add3A_2157 = arith.addi %bitcast3A_2154, %add3A_2156 : vector<16xi32>
      %shift_right_logical3A_2158 = arith.constant 16 : i32
      %shift_right_logical3A_2159 = vector.broadcast %shift_right_logical3A_2158 : i32 to vector<16xi32>
      %shift_right_logical3A_2160 = arith.shrui %bitcast3A_2154, %shift_right_logical3A_2159 : vector<16xi32>
      %and3A_2161 = arith.constant 1 : i32
      %and3A_2162 = vector.broadcast %and3A_2161 : i32 to vector<16xi32>
      %and3A_2163 = arith.andi %shift_right_logical3A_2160, %and3A_2162 : vector<16xi32>
      %add3A_2164 = arith.addi %add3A_2157, %and3A_2163 : vector<16xi32>
      %and3A_2165 = arith.constant -65536 : i32
      %and3A_2166 = vector.broadcast %and3A_2165 : i32 to vector<16xi32>
      %and3A_2167 = arith.andi %add3A_2164, %and3A_2166 : vector<16xi32>
      %bitcast3A_2168 = vector.bitcast %and3A_2167 : vector<16xi32> to vector<16xf32>
      %bitcast3A_2169 = vector.bitcast %gather3A_2133 : vector<16xf32> to vector<16xi32>
      %add3A_2170 = arith.constant 32767 : i32
      %add3A_2171 = vector.broadcast %add3A_2170 : i32 to vector<16xi32>
      %add3A_2172 = arith.addi %bitcast3A_2169, %add3A_2171 : vector<16xi32>
      %shift_right_logical3A_2173 = arith.constant 16 : i32
      %shift_right_logical3A_2174 = vector.broadcast %shift_right_logical3A_2173 : i32 to vector<16xi32>
      %shift_right_logical3A_2175 = arith.shrui %bitcast3A_2169, %shift_right_logical3A_2174 : vector<16xi32>
      %and3A_2176 = arith.constant 1 : i32
      %and3A_2177 = vector.broadcast %and3A_2176 : i32 to vector<16xi32>
      %and3A_2178 = arith.andi %shift_right_logical3A_2175, %and3A_2177 : vector<16xi32>
      %add3A_2179 = arith.addi %add3A_2172, %and3A_2178 : vector<16xi32>
      %and3A_2180 = arith.constant -65536 : i32
      %and3A_2181 = vector.broadcast %and3A_2180 : i32 to vector<16xi32>
      %and3A_2182 = arith.andi %add3A_2179, %and3A_2181 : vector<16xi32>
      %bitcast3A_2183 = vector.bitcast %and3A_2182 : vector<16xi32> to vector<16xf32>
      %mul3A_2184 = arith.mulf %bitcast3A_89, %bitcast3A_2153 : vector<16xf32>
      %mul3A_2185 = arith.mulf %bitcast3A_104, %bitcast3A_2168 : vector<16xf32>
      %add3A_2186 = arith.addf %mul3A_2184, %mul3A_2185 : vector<16xf32>
      %mul3A_2187 = arith.mulf %bitcast3A_119, %bitcast3A_2183 : vector<16xf32>
      %add3A_2188 = arith.addf %add3A_2186, %mul3A_2187 : vector<16xf32>
      %mul3A_2189 = arith.constant 512 : i32
      %mul3A_2190 = arith.muli %scan3A_59, %mul3A_2189 : i32
      %add3A_2191 = arith.constant 432 : i32
      %add3A_2192 = arith.addi %mul3A_2190, %add3A_2191 : i32
      %add3A_2193 = arith.addf %add3A_76, %add3A_2138 : vector<16xf32>
      %mul3A_2194 = arith.constant 2.000000e+00 : f32
      %mul3A_2195 = vector.broadcast %mul3A_2194 : f32 to vector<16xf32>
      %mul3A_2196 = arith.mulf %mul3A_2195, %add3A_2188 : vector<16xf32>
      %sub3A_2197 = arith.subf %add3A_2193, %mul3A_2196 : vector<16xf32>
      %swap3A_2198 = arith.index_cast %add3A_2192 : i32 to index
      %swap3A_2199 = tpu.vector_load %arg18[%swap3A_2198] {strides = array<i32>} : memref<32768xf32, #tpu.memory_space<vmem>>, vector<16xf32>,
      tpu.vector_store %arg18[%swap3A_2198], %sub3A_2197 {strides = array<i32>} : memref<32768xf32, #tpu.memory_space<vmem>>, vector<16xf32>,
      %swap3A_2200 = arith.index_cast %add3A_2192 : i32 to index
      %swap3A_2201 = tpu.vector_load %arg19[%swap3A_2200] {strides = array<i32>} : memref<32768xi32, #tpu.memory_space<vmem>>, vector<16xi32>,
      tpu.vector_store %arg19[%swap3A_2200], %add3A_2130 {strides = array<i32>} : memref<32768xi32, #tpu.memory_space<vmem>>, vector<16xi32>,
      %add3A_2202 = arith.constant 6144 : i32
      %add3A_2203 = vector.broadcast %add3A_2202 : i32 to vector<16xi32>
      %add3A_2204 = arith.addi %get3A_1313, %add3A_2203 : vector<16xi32>
      %gather3A_2205 = tpu.vector_load_idx %arg11[%add3A_2204] : memref<8192xf32, #tpu.memory_space<vmem>>[vector<16xi32>], vector<16xf32>,
      %gather3A_2206 = tpu.vector_load_idx %arg12[%add3A_2204] : memref<8192xf32, #tpu.memory_space<vmem>>[vector<16xi32>], vector<16xf32>,
      %gather3A_2207 = tpu.vector_load_idx %arg13[%add3A_2204] : memref<8192xf32, #tpu.memory_space<vmem>>[vector<16xi32>], vector<16xf32>,
      %mul3A_2208 = arith.mulf %gather3A_2205, %gather3A_2205 : vector<16xf32>
      %mul3A_2209 = arith.mulf %gather3A_2206, %gather3A_2206 : vector<16xf32>
      %add3A_2210 = arith.addf %mul3A_2208, %mul3A_2209 : vector<16xf32>
      %mul3A_2211 = arith.mulf %gather3A_2207, %gather3A_2207 : vector<16xf32>
      %add3A_2212 = arith.addf %add3A_2210, %mul3A_2211 : vector<16xf32>
      %bitcast3A_2213 = vector.bitcast %gather3A_2205 : vector<16xf32> to vector<16xi32>
      %add3A_2214 = arith.constant 32767 : i32
      %add3A_2215 = vector.broadcast %add3A_2214 : i32 to vector<16xi32>
      %add3A_2216 = arith.addi %bitcast3A_2213, %add3A_2215 : vector<16xi32>
      %shift_right_logical3A_2217 = arith.constant 16 : i32
      %shift_right_logical3A_2218 = vector.broadcast %shift_right_logical3A_2217 : i32 to vector<16xi32>
      %shift_right_logical3A_2219 = arith.shrui %bitcast3A_2213, %shift_right_logical3A_2218 : vector<16xi32>
      %and3A_2220 = arith.constant 1 : i32
      %and3A_2221 = vector.broadcast %and3A_2220 : i32 to vector<16xi32>
      %and3A_2222 = arith.andi %shift_right_logical3A_2219, %and3A_2221 : vector<16xi32>
      %add3A_2223 = arith.addi %add3A_2216, %and3A_2222 : vector<16xi32>
      %and3A_2224 = arith.constant -65536 : i32
      %and3A_2225 = vector.broadcast %and3A_2224 : i32 to vector<16xi32>
      %and3A_2226 = arith.andi %add3A_2223, %and3A_2225 : vector<16xi32>
      %bitcast3A_2227 = vector.bitcast %and3A_2226 : vector<16xi32> to vector<16xf32>
      %bitcast3A_2228 = vector.bitcast %gather3A_2206 : vector<16xf32> to vector<16xi32>
      %add3A_2229 = arith.constant 32767 : i32
      %add3A_2230 = vector.broadcast %add3A_2229 : i32 to vector<16xi32>
      %add3A_2231 = arith.addi %bitcast3A_2228, %add3A_2230 : vector<16xi32>
      %shift_right_logical3A_2232 = arith.constant 16 : i32
      %shift_right_logical3A_2233 = vector.broadcast %shift_right_logical3A_2232 : i32 to vector<16xi32>
      %shift_right_logical3A_2234 = arith.shrui %bitcast3A_2228, %shift_right_logical3A_2233 : vector<16xi32>
      %and3A_2235 = arith.constant 1 : i32
      %and3A_2236 = vector.broadcast %and3A_2235 : i32 to vector<16xi32>
      %and3A_2237 = arith.andi %shift_right_logical3A_2234, %and3A_2236 : vector<16xi32>
      %add3A_2238 = arith.addi %add3A_2231, %and3A_2237 : vector<16xi32>
      %and3A_2239 = arith.constant -65536 : i32
      %and3A_2240 = vector.broadcast %and3A_2239 : i32 to vector<16xi32>
      %and3A_2241 = arith.andi %add3A_2238, %and3A_2240 : vector<16xi32>
      %bitcast3A_2242 = vector.bitcast %and3A_2241 : vector<16xi32> to vector<16xf32>
      %bitcast3A_2243 = vector.bitcast %gather3A_2207 : vector<16xf32> to vector<16xi32>
      %add3A_2244 = arith.constant 32767 : i32
      %add3A_2245 = vector.broadcast %add3A_2244 : i32 to vector<16xi32>
      %add3A_2246 = arith.addi %bitcast3A_2243, %add3A_2245 : vector<16xi32>
      %shift_right_logical3A_2247 = arith.constant 16 : i32
      %shift_right_logical3A_2248 = vector.broadcast %shift_right_logical3A_2247 : i32 to vector<16xi32>
      %shift_right_logical3A_2249 = arith.shrui %bitcast3A_2243, %shift_right_logical3A_2248 : vector<16xi32>
      %and3A_2250 = arith.constant 1 : i32
      %and3A_2251 = vector.broadcast %and3A_2250 : i32 to vector<16xi32>
      %and3A_2252 = arith.andi %shift_right_logical3A_2249, %and3A_2251 : vector<16xi32>
      %add3A_2253 = arith.addi %add3A_2246, %and3A_2252 : vector<16xi32>
      %and3A_2254 = arith.constant -65536 : i32
      %and3A_2255 = vector.broadcast %and3A_2254 : i32 to vector<16xi32>
      %and3A_2256 = arith.andi %add3A_2253, %and3A_2255 : vector<16xi32>
      %bitcast3A_2257 = vector.bitcast %and3A_2256 : vector<16xi32> to vector<16xf32>
      %mul3A_2258 = arith.mulf %bitcast3A_89, %bitcast3A_2227 : vector<16xf32>
      %mul3A_2259 = arith.mulf %bitcast3A_104, %bitcast3A_2242 : vector<16xf32>
      %add3A_2260 = arith.addf %mul3A_2258, %mul3A_2259 : vector<16xf32>
      %mul3A_2261 = arith.mulf %bitcast3A_119, %bitcast3A_2257 : vector<16xf32>
      %add3A_2262 = arith.addf %add3A_2260, %mul3A_2261 : vector<16xf32>
      %mul3A_2263 = arith.constant 512 : i32
      %mul3A_2264 = arith.muli %scan3A_59, %mul3A_2263 : i32
      %add3A_2265 = arith.constant 448 : i32
      %add3A_2266 = arith.addi %mul3A_2264, %add3A_2265 : i32
      %add3A_2267 = arith.addf %add3A_76, %add3A_2212 : vector<16xf32>
      %mul3A_2268 = arith.constant 2.000000e+00 : f32
      %mul3A_2269 = vector.broadcast %mul3A_2268 : f32 to vector<16xf32>
      %mul3A_2270 = arith.mulf %mul3A_2269, %add3A_2262 : vector<16xf32>
      %sub3A_2271 = arith.subf %add3A_2267, %mul3A_2270 : vector<16xf32>
      %swap3A_2272 = arith.index_cast %add3A_2266 : i32 to index
      %swap3A_2273 = tpu.vector_load %arg18[%swap3A_2272] {strides = array<i32>} : memref<32768xf32, #tpu.memory_space<vmem>>, vector<16xf32>,
      tpu.vector_store %arg18[%swap3A_2272], %sub3A_2271 {strides = array<i32>} : memref<32768xf32, #tpu.memory_space<vmem>>, vector<16xf32>,
      %swap3A_2274 = arith.index_cast %add3A_2266 : i32 to index
      %swap3A_2275 = tpu.vector_load %arg19[%swap3A_2274] {strides = array<i32>} : memref<32768xi32, #tpu.memory_space<vmem>>, vector<16xi32>,
      tpu.vector_store %arg19[%swap3A_2274], %add3A_2204 {strides = array<i32>} : memref<32768xi32, #tpu.memory_space<vmem>>, vector<16xi32>,
      %add3A_2276 = arith.constant 6656 : i32
      %add3A_2277 = vector.broadcast %add3A_2276 : i32 to vector<16xi32>
      %add3A_2278 = arith.addi %get3A_1313, %add3A_2277 : vector<16xi32>
      %gather3A_2279 = tpu.vector_load_idx %arg11[%add3A_2278] : memref<8192xf32, #tpu.memory_space<vmem>>[vector<16xi32>], vector<16xf32>,
      %gather3A_2280 = tpu.vector_load_idx %arg12[%add3A_2278] : memref<8192xf32, #tpu.memory_space<vmem>>[vector<16xi32>], vector<16xf32>,
      %gather3A_2281 = tpu.vector_load_idx %arg13[%add3A_2278] : memref<8192xf32, #tpu.memory_space<vmem>>[vector<16xi32>], vector<16xf32>,
      %mul3A_2282 = arith.mulf %gather3A_2279, %gather3A_2279 : vector<16xf32>
      %mul3A_2283 = arith.mulf %gather3A_2280, %gather3A_2280 : vector<16xf32>
      %add3A_2284 = arith.addf %mul3A_2282, %mul3A_2283 : vector<16xf32>
      %mul3A_2285 = arith.mulf %gather3A_2281, %gather3A_2281 : vector<16xf32>
      %add3A_2286 = arith.addf %add3A_2284, %mul3A_2285 : vector<16xf32>
      %bitcast3A_2287 = vector.bitcast %gather3A_2279 : vector<16xf32> to vector<16xi32>
      %add3A_2288 = arith.constant 32767 : i32
      %add3A_2289 = vector.broadcast %add3A_2288 : i32 to vector<16xi32>
      %add3A_2290 = arith.addi %bitcast3A_2287, %add3A_2289 : vector<16xi32>
      %shift_right_logical3A_2291 = arith.constant 16 : i32
      %shift_right_logical3A_2292 = vector.broadcast %shift_right_logical3A_2291 : i32 to vector<16xi32>
      %shift_right_logical3A_2293 = arith.shrui %bitcast3A_2287, %shift_right_logical3A_2292 : vector<16xi32>
      %and3A_2294 = arith.constant 1 : i32
      %and3A_2295 = vector.broadcast %and3A_2294 : i32 to vector<16xi32>
      %and3A_2296 = arith.andi %shift_right_logical3A_2293, %and3A_2295 : vector<16xi32>
      %add3A_2297 = arith.addi %add3A_2290, %and3A_2296 : vector<16xi32>
      %and3A_2298 = arith.constant -65536 : i32
      %and3A_2299 = vector.broadcast %and3A_2298 : i32 to vector<16xi32>
      %and3A_2300 = arith.andi %add3A_2297, %and3A_2299 : vector<16xi32>
      %bitcast3A_2301 = vector.bitcast %and3A_2300 : vector<16xi32> to vector<16xf32>
      %bitcast3A_2302 = vector.bitcast %gather3A_2280 : vector<16xf32> to vector<16xi32>
      %add3A_2303 = arith.constant 32767 : i32
      %add3A_2304 = vector.broadcast %add3A_2303 : i32 to vector<16xi32>
      %add3A_2305 = arith.addi %bitcast3A_2302, %add3A_2304 : vector<16xi32>
      %shift_right_logical3A_2306 = arith.constant 16 : i32
      %shift_right_logical3A_2307 = vector.broadcast %shift_right_logical3A_2306 : i32 to vector<16xi32>
      %shift_right_logical3A_2308 = arith.shrui %bitcast3A_2302, %shift_right_logical3A_2307 : vector<16xi32>
      %and3A_2309 = arith.constant 1 : i32
      %and3A_2310 = vector.broadcast %and3A_2309 : i32 to vector<16xi32>
      %and3A_2311 = arith.andi %shift_right_logical3A_2308, %and3A_2310 : vector<16xi32>
      %add3A_2312 = arith.addi %add3A_2305, %and3A_2311 : vector<16xi32>
      %and3A_2313 = arith.constant -65536 : i32
      %and3A_2314 = vector.broadcast %and3A_2313 : i32 to vector<16xi32>
      %and3A_2315 = arith.andi %add3A_2312, %and3A_2314 : vector<16xi32>
      %bitcast3A_2316 = vector.bitcast %and3A_2315 : vector<16xi32> to vector<16xf32>
      %bitcast3A_2317 = vector.bitcast %gather3A_2281 : vector<16xf32> to vector<16xi32>
      %add3A_2318 = arith.constant 32767 : i32
      %add3A_2319 = vector.broadcast %add3A_2318 : i32 to vector<16xi32>
      %add3A_2320 = arith.addi %bitcast3A_2317, %add3A_2319 : vector<16xi32>
      %shift_right_logical3A_2321 = arith.constant 16 : i32
      %shift_right_logical3A_2322 = vector.broadcast %shift_right_logical3A_2321 : i32 to vector<16xi32>
      %shift_right_logical3A_2323 = arith.shrui %bitcast3A_2317, %shift_right_logical3A_2322 : vector<16xi32>
      %and3A_2324 = arith.constant 1 : i32
      %and3A_2325 = vector.broadcast %and3A_2324 : i32 to vector<16xi32>
      %and3A_2326 = arith.andi %shift_right_logical3A_2323, %and3A_2325 : vector<16xi32>
      %add3A_2327 = arith.addi %add3A_2320, %and3A_2326 : vector<16xi32>
      %and3A_2328 = arith.constant -65536 : i32
      %and3A_2329 = vector.broadcast %and3A_2328 : i32 to vector<16xi32>
      %and3A_2330 = arith.andi %add3A_2327, %and3A_2329 : vector<16xi32>
      %bitcast3A_2331 = vector.bitcast %and3A_2330 : vector<16xi32> to vector<16xf32>
      %mul3A_2332 = arith.mulf %bitcast3A_89, %bitcast3A_2301 : vector<16xf32>
      %mul3A_2333 = arith.mulf %bitcast3A_104, %bitcast3A_2316 : vector<16xf32>
      %add3A_2334 = arith.addf %mul3A_2332, %mul3A_2333 : vector<16xf32>
      %mul3A_2335 = arith.mulf %bitcast3A_119, %bitcast3A_2331 : vector<16xf32>
      %add3A_2336 = arith.addf %add3A_2334, %mul3A_2335 : vector<16xf32>
      %mul3A_2337 = arith.constant 512 : i32
      %mul3A_2338 = arith.muli %scan3A_59, %mul3A_2337 : i32
      %add3A_2339 = arith.constant 464 : i32
      %add3A_2340 = arith.addi %mul3A_2338, %add3A_2339 : i32
      %add3A_2341 = arith.addf %add3A_76, %add3A_2286 : vector<16xf32>
      %mul3A_2342 = arith.constant 2.000000e+00 : f32
      %mul3A_2343 = vector.broadcast %mul3A_2342 : f32 to vector<16xf32>
      %mul3A_2344 = arith.mulf %mul3A_2343, %add3A_2336 : vector<16xf32>
      %sub3A_2345 = arith.subf %add3A_2341, %mul3A_2344 : vector<16xf32>
      %swap3A_2346 = arith.index_cast %add3A_2340 : i32 to index
      %swap3A_2347 = tpu.vector_load %arg18[%swap3A_2346] {strides = array<i32>} : memref<32768xf32, #tpu.memory_space<vmem>>, vector<16xf32>,
      tpu.vector_store %arg18[%swap3A_2346], %sub3A_2345 {strides = array<i32>} : memref<32768xf32, #tpu.memory_space<vmem>>, vector<16xf32>,
      %swap3A_2348 = arith.index_cast %add3A_2340 : i32 to index
      %swap3A_2349 = tpu.vector_load %arg19[%swap3A_2348] {strides = array<i32>} : memref<32768xi32, #tpu.memory_space<vmem>>, vector<16xi32>,
      tpu.vector_store %arg19[%swap3A_2348], %add3A_2278 {strides = array<i32>} : memref<32768xi32, #tpu.memory_space<vmem>>, vector<16xi32>,
      %add3A_2350 = arith.constant 7168 : i32
      %add3A_2351 = vector.broadcast %add3A_2350 : i32 to vector<16xi32>
      %add3A_2352 = arith.addi %get3A_1313, %add3A_2351 : vector<16xi32>
      %gather3A_2353 = tpu.vector_load_idx %arg11[%add3A_2352] : memref<8192xf32, #tpu.memory_space<vmem>>[vector<16xi32>], vector<16xf32>,
      %gather3A_2354 = tpu.vector_load_idx %arg12[%add3A_2352] : memref<8192xf32, #tpu.memory_space<vmem>>[vector<16xi32>], vector<16xf32>,
      %gather3A_2355 = tpu.vector_load_idx %arg13[%add3A_2352] : memref<8192xf32, #tpu.memory_space<vmem>>[vector<16xi32>], vector<16xf32>,
      %mul3A_2356 = arith.mulf %gather3A_2353, %gather3A_2353 : vector<16xf32>
      %mul3A_2357 = arith.mulf %gather3A_2354, %gather3A_2354 : vector<16xf32>
      %add3A_2358 = arith.addf %mul3A_2356, %mul3A_2357 : vector<16xf32>
      %mul3A_2359 = arith.mulf %gather3A_2355, %gather3A_2355 : vector<16xf32>
      %add3A_2360 = arith.addf %add3A_2358, %mul3A_2359 : vector<16xf32>
      %bitcast3A_2361 = vector.bitcast %gather3A_2353 : vector<16xf32> to vector<16xi32>
      %add3A_2362 = arith.constant 32767 : i32
      %add3A_2363 = vector.broadcast %add3A_2362 : i32 to vector<16xi32>
      %add3A_2364 = arith.addi %bitcast3A_2361, %add3A_2363 : vector<16xi32>
      %shift_right_logical3A_2365 = arith.constant 16 : i32
      %shift_right_logical3A_2366 = vector.broadcast %shift_right_logical3A_2365 : i32 to vector<16xi32>
      %shift_right_logical3A_2367 = arith.shrui %bitcast3A_2361, %shift_right_logical3A_2366 : vector<16xi32>
      %and3A_2368 = arith.constant 1 : i32
      %and3A_2369 = vector.broadcast %and3A_2368 : i32 to vector<16xi32>
      %and3A_2370 = arith.andi %shift_right_logical3A_2367, %and3A_2369 : vector<16xi32>
      %add3A_2371 = arith.addi %add3A_2364, %and3A_2370 : vector<16xi32>
      %and3A_2372 = arith.constant -65536 : i32
      %and3A_2373 = vector.broadcast %and3A_2372 : i32 to vector<16xi32>
      %and3A_2374 = arith.andi %add3A_2371, %and3A_2373 : vector<16xi32>
      %bitcast3A_2375 = vector.bitcast %and3A_2374 : vector<16xi32> to vector<16xf32>
      %bitcast3A_2376 = vector.bitcast %gather3A_2354 : vector<16xf32> to vector<16xi32>
      %add3A_2377 = arith.constant 32767 : i32
      %add3A_2378 = vector.broadcast %add3A_2377 : i32 to vector<16xi32>
      %add3A_2379 = arith.addi %bitcast3A_2376, %add3A_2378 : vector<16xi32>
      %shift_right_logical3A_2380 = arith.constant 16 : i32
      %shift_right_logical3A_2381 = vector.broadcast %shift_right_logical3A_2380 : i32 to vector<16xi32>
      %shift_right_logical3A_2382 = arith.shrui %bitcast3A_2376, %shift_right_logical3A_2381 : vector<16xi32>
      %and3A_2383 = arith.constant 1 : i32
      %and3A_2384 = vector.broadcast %and3A_2383 : i32 to vector<16xi32>
      %and3A_2385 = arith.andi %shift_right_logical3A_2382, %and3A_2384 : vector<16xi32>
      %add3A_2386 = arith.addi %add3A_2379, %and3A_2385 : vector<16xi32>
      %and3A_2387 = arith.constant -65536 : i32
      %and3A_2388 = vector.broadcast %and3A_2387 : i32 to vector<16xi32>
      %and3A_2389 = arith.andi %add3A_2386, %and3A_2388 : vector<16xi32>
      %bitcast3A_2390 = vector.bitcast %and3A_2389 : vector<16xi32> to vector<16xf32>
      %bitcast3A_2391 = vector.bitcast %gather3A_2355 : vector<16xf32> to vector<16xi32>
      %add3A_2392 = arith.constant 32767 : i32
      %add3A_2393 = vector.broadcast %add3A_2392 : i32 to vector<16xi32>
      %add3A_2394 = arith.addi %bitcast3A_2391, %add3A_2393 : vector<16xi32>
      %shift_right_logical3A_2395 = arith.constant 16 : i32
      %shift_right_logical3A_2396 = vector.broadcast %shift_right_logical3A_2395 : i32 to vector<16xi32>
      %shift_right_logical3A_2397 = arith.shrui %bitcast3A_2391, %shift_right_logical3A_2396 : vector<16xi32>
      %and3A_2398 = arith.constant 1 : i32
      %and3A_2399 = vector.broadcast %and3A_2398 : i32 to vector<16xi32>
      %and3A_2400 = arith.andi %shift_right_logical3A_2397, %and3A_2399 : vector<16xi32>
      %add3A_2401 = arith.addi %add3A_2394, %and3A_2400 : vector<16xi32>
      %and3A_2402 = arith.constant -65536 : i32
      %and3A_2403 = vector.broadcast %and3A_2402 : i32 to vector<16xi32>
      %and3A_2404 = arith.andi %add3A_2401, %and3A_2403 : vector<16xi32>
      %bitcast3A_2405 = vector.bitcast %and3A_2404 : vector<16xi32> to vector<16xf32>
      %mul3A_2406 = arith.mulf %bitcast3A_89, %bitcast3A_2375 : vector<16xf32>
      %mul3A_2407 = arith.mulf %bitcast3A_104, %bitcast3A_2390 : vector<16xf32>
      %add3A_2408 = arith.addf %mul3A_2406, %mul3A_2407 : vector<16xf32>
      %mul3A_2409 = arith.mulf %bitcast3A_119, %bitcast3A_2405 : vector<16xf32>
      %add3A_2410 = arith.addf %add3A_2408, %mul3A_2409 : vector<16xf32>
      %mul3A_2411 = arith.constant 512 : i32
      %mul3A_2412 = arith.muli %scan3A_59, %mul3A_2411 : i32
      %add3A_2413 = arith.constant 480 : i32
      %add3A_2414 = arith.addi %mul3A_2412, %add3A_2413 : i32
      %add3A_2415 = arith.addf %add3A_76, %add3A_2360 : vector<16xf32>
      %mul3A_2416 = arith.constant 2.000000e+00 : f32
      %mul3A_2417 = vector.broadcast %mul3A_2416 : f32 to vector<16xf32>
      %mul3A_2418 = arith.mulf %mul3A_2417, %add3A_2410 : vector<16xf32>
      %sub3A_2419 = arith.subf %add3A_2415, %mul3A_2418 : vector<16xf32>
      %swap3A_2420 = arith.index_cast %add3A_2414 : i32 to index
      %swap3A_2421 = tpu.vector_load %arg18[%swap3A_2420] {strides = array<i32>} : memref<32768xf32, #tpu.memory_space<vmem>>, vector<16xf32>,
      tpu.vector_store %arg18[%swap3A_2420], %sub3A_2419 {strides = array<i32>} : memref<32768xf32, #tpu.memory_space<vmem>>, vector<16xf32>,
      %swap3A_2422 = arith.index_cast %add3A_2414 : i32 to index
      %swap3A_2423 = tpu.vector_load %arg19[%swap3A_2422] {strides = array<i32>} : memref<32768xi32, #tpu.memory_space<vmem>>, vector<16xi32>,
      tpu.vector_store %arg19[%swap3A_2422], %add3A_2352 {strides = array<i32>} : memref<32768xi32, #tpu.memory_space<vmem>>, vector<16xi32>,
      %add3A_2424 = arith.constant 7680 : i32
      %add3A_2425 = vector.broadcast %add3A_2424 : i32 to vector<16xi32>
      %add3A_2426 = arith.addi %get3A_1313, %add3A_2425 : vector<16xi32>
      %gather3A_2427 = tpu.vector_load_idx %arg11[%add3A_2426] : memref<8192xf32, #tpu.memory_space<vmem>>[vector<16xi32>], vector<16xf32>,
      %gather3A_2428 = tpu.vector_load_idx %arg12[%add3A_2426] : memref<8192xf32, #tpu.memory_space<vmem>>[vector<16xi32>], vector<16xf32>,
      %gather3A_2429 = tpu.vector_load_idx %arg13[%add3A_2426] : memref<8192xf32, #tpu.memory_space<vmem>>[vector<16xi32>], vector<16xf32>,
      %mul3A_2430 = arith.mulf %gather3A_2427, %gather3A_2427 : vector<16xf32>
      %mul3A_2431 = arith.mulf %gather3A_2428, %gather3A_2428 : vector<16xf32>
      %add3A_2432 = arith.addf %mul3A_2430, %mul3A_2431 : vector<16xf32>
      %mul3A_2433 = arith.mulf %gather3A_2429, %gather3A_2429 : vector<16xf32>
      %add3A_2434 = arith.addf %add3A_2432, %mul3A_2433 : vector<16xf32>
      %bitcast3A_2435 = vector.bitcast %gather3A_2427 : vector<16xf32> to vector<16xi32>
      %add3A_2436 = arith.constant 32767 : i32
      %add3A_2437 = vector.broadcast %add3A_2436 : i32 to vector<16xi32>
      %add3A_2438 = arith.addi %bitcast3A_2435, %add3A_2437 : vector<16xi32>
      %shift_right_logical3A_2439 = arith.constant 16 : i32
      %shift_right_logical3A_2440 = vector.broadcast %shift_right_logical3A_2439 : i32 to vector<16xi32>
      %shift_right_logical3A_2441 = arith.shrui %bitcast3A_2435, %shift_right_logical3A_2440 : vector<16xi32>
      %and3A_2442 = arith.constant 1 : i32
      %and3A_2443 = vector.broadcast %and3A_2442 : i32 to vector<16xi32>
      %and3A_2444 = arith.andi %shift_right_logical3A_2441, %and3A_2443 : vector<16xi32>
      %add3A_2445 = arith.addi %add3A_2438, %and3A_2444 : vector<16xi32>
      %and3A_2446 = arith.constant -65536 : i32
      %and3A_2447 = vector.broadcast %and3A_2446 : i32 to vector<16xi32>
      %and3A_2448 = arith.andi %add3A_2445, %and3A_2447 : vector<16xi32>
      %bitcast3A_2449 = vector.bitcast %and3A_2448 : vector<16xi32> to vector<16xf32>
      %bitcast3A_2450 = vector.bitcast %gather3A_2428 : vector<16xf32> to vector<16xi32>
      %add3A_2451 = arith.constant 32767 : i32
      %add3A_2452 = vector.broadcast %add3A_2451 : i32 to vector<16xi32>
      %add3A_2453 = arith.addi %bitcast3A_2450, %add3A_2452 : vector<16xi32>
      %shift_right_logical3A_2454 = arith.constant 16 : i32
      %shift_right_logical3A_2455 = vector.broadcast %shift_right_logical3A_2454 : i32 to vector<16xi32>
      %shift_right_logical3A_2456 = arith.shrui %bitcast3A_2450, %shift_right_logical3A_2455 : vector<16xi32>
      %and3A_2457 = arith.constant 1 : i32
      %and3A_2458 = vector.broadcast %and3A_2457 : i32 to vector<16xi32>
      %and3A_2459 = arith.andi %shift_right_logical3A_2456, %and3A_2458 : vector<16xi32>
      %add3A_2460 = arith.addi %add3A_2453, %and3A_2459 : vector<16xi32>
      %and3A_2461 = arith.constant -65536 : i32
      %and3A_2462 = vector.broadcast %and3A_2461 : i32 to vector<16xi32>
      %and3A_2463 = arith.andi %add3A_2460, %and3A_2462 : vector<16xi32>
      %bitcast3A_2464 = vector.bitcast %and3A_2463 : vector<16xi32> to vector<16xf32>
      %bitcast3A_2465 = vector.bitcast %gather3A_2429 : vector<16xf32> to vector<16xi32>
      %add3A_2466 = arith.constant 32767 : i32
      %add3A_2467 = vector.broadcast %add3A_2466 : i32 to vector<16xi32>
      %add3A_2468 = arith.addi %bitcast3A_2465, %add3A_2467 : vector<16xi32>
      %shift_right_logical3A_2469 = arith.constant 16 : i32
      %shift_right_logical3A_2470 = vector.broadcast %shift_right_logical3A_2469 : i32 to vector<16xi32>
      %shift_right_logical3A_2471 = arith.shrui %bitcast3A_2465, %shift_right_logical3A_2470 : vector<16xi32>
      %and3A_2472 = arith.constant 1 : i32
      %and3A_2473 = vector.broadcast %and3A_2472 : i32 to vector<16xi32>
      %and3A_2474 = arith.andi %shift_right_logical3A_2471, %and3A_2473 : vector<16xi32>
      %add3A_2475 = arith.addi %add3A_2468, %and3A_2474 : vector<16xi32>
      %and3A_2476 = arith.constant -65536 : i32
      %and3A_2477 = vector.broadcast %and3A_2476 : i32 to vector<16xi32>
      %and3A_2478 = arith.andi %add3A_2475, %and3A_2477 : vector<16xi32>
      %bitcast3A_2479 = vector.bitcast %and3A_2478 : vector<16xi32> to vector<16xf32>
      %mul3A_2480 = arith.mulf %bitcast3A_89, %bitcast3A_2449 : vector<16xf32>
      %mul3A_2481 = arith.mulf %bitcast3A_104, %bitcast3A_2464 : vector<16xf32>
      %add3A_2482 = arith.addf %mul3A_2480, %mul3A_2481 : vector<16xf32>
      %mul3A_2483 = arith.mulf %bitcast3A_119, %bitcast3A_2479 : vector<16xf32>
      %add3A_2484 = arith.addf %add3A_2482, %mul3A_2483 : vector<16xf32>
      %mul3A_2485 = arith.constant 512 : i32
      %mul3A_2486 = arith.muli %scan3A_59, %mul3A_2485 : i32
      %add3A_2487 = arith.constant 496 : i32
      %add3A_2488 = arith.addi %mul3A_2486, %add3A_2487 : i32
      %add3A_2489 = arith.addf %add3A_76, %add3A_2434 : vector<16xf32>
      %mul3A_2490 = arith.constant 2.000000e+00 : f32
      %mul3A_2491 = vector.broadcast %mul3A_2490 : f32 to vector<16xf32>
      %mul3A_2492 = arith.mulf %mul3A_2491, %add3A_2484 : vector<16xf32>
      %sub3A_2493 = arith.subf %add3A_2489, %mul3A_2492 : vector<16xf32>
      %swap3A_2494 = arith.index_cast %add3A_2488 : i32 to index
      %swap3A_2495 = tpu.vector_load %arg18[%swap3A_2494] {strides = array<i32>} : memref<32768xf32, #tpu.memory_space<vmem>>, vector<16xf32>,
      tpu.vector_store %arg18[%swap3A_2494], %sub3A_2493 {strides = array<i32>} : memref<32768xf32, #tpu.memory_space<vmem>>, vector<16xf32>,
      %swap3A_2496 = arith.index_cast %add3A_2488 : i32 to index
      %swap3A_2497 = tpu.vector_load %arg19[%swap3A_2496] {strides = array<i32>} : memref<32768xi32, #tpu.memory_space<vmem>>, vector<16xi32>,
      tpu.vector_store %arg19[%swap3A_2496], %add3A_2426 {strides = array<i32>} : memref<32768xi32, #tpu.memory_space<vmem>>, vector<16xi32>,
      %scan3A_2498 = arith.constant 0 : i32
      scf.yield %scan3A_2498 : i32
    }
    %scan3A_46 = arith.constant 64 : i32
    %mul3A_47 = arith.constant 64 : i32
    %mul3A_48 = arith.muli %add3A, %mul3A_47 : i32
    %mul3A_49 = arith.constant 32 : i32
    %mul3A_50 = arith.muli %mul3A_48, %mul3A_49 : i32
    %mul3A_51 = arith.constant 16 : i32
    %mul3A_52 = arith.muli %mul3A_50, %mul3A_51 : i32
    "tpu.region"() ({
      %run_scoped3A = tpu.sem_alloc : memref<!tpu.dma_semaphore, #tpu.memory_space<semaphore_mem>>
      %dma_start3A = tpu.memref_slice %arg9[%mul3A_52] : memref<1048576xf32, #tpu.memory_space<hbm>> -> memref<32768xf32, #tpu.memory_space<hbm>>
      %dma_start3A_59 = tpu.memref_slice %arg9[%mul3A_52] : memref<1048576xf32, #tpu.memory_space<hbm>> -> memref<32768xf32, #tpu.memory_space<hbm>>
      tpu.enqueue_dma source(%arg18 : memref<32768xf32, #tpu.memory_space<vmem>>) target(%dma_start3A_59 : memref<32768xf32, #tpu.memory_space<hbm>>) target_semaphore(%run_scoped3A : memref<!tpu.dma_semaphore, #tpu.memory_space<semaphore_mem>>)
      %dma_wait3A = tpu.memref_slice %arg9[%mul3A_52] : memref<1048576xf32, #tpu.memory_space<hbm>> -> memref<32768xf32, #tpu.memory_space<hbm>>
      %dma_wait3A_60 = tpu.memref_slice %arg9[%mul3A_52] : memref<1048576xf32, #tpu.memory_space<hbm>> -> memref<32768xf32, #tpu.memory_space<hbm>>
      tpu.wait_dma2 semaphore(%run_scoped3A : memref<!tpu.dma_semaphore, #tpu.memory_space<semaphore_mem>>) src(%arg18 : memref<32768xf32, #tpu.memory_space<vmem>>) dst(%dma_wait3A_60 : memref<32768xf32, #tpu.memory_space<hbm>>)
      tpu.yield
    }) : () -> ()
    %mul3A_53 = arith.constant 64 : i32
    %mul3A_54 = arith.muli %add3A, %mul3A_53 : i32
    %mul3A_55 = arith.constant 32 : i32
    %mul3A_56 = arith.muli %mul3A_54, %mul3A_55 : i32
    %mul3A_57 = arith.constant 16 : i32
    %mul3A_58 = arith.muli %mul3A_56, %mul3A_57 : i32
    "tpu.region"() ({
      %run_scoped3A = tpu.sem_alloc : memref<!tpu.dma_semaphore, #tpu.memory_space<semaphore_mem>>
      %dma_start3A = tpu.memref_slice %arg10[%mul3A_58] : memref<1048576xi32, #tpu.memory_space<hbm>> -> memref<32768xi32, #tpu.memory_space<hbm>>
      %dma_start3A_59 = tpu.memref_slice %arg10[%mul3A_58] : memref<1048576xi32, #tpu.memory_space<hbm>> -> memref<32768xi32, #tpu.memory_space<hbm>>
      tpu.enqueue_dma source(%arg19 : memref<32768xi32, #tpu.memory_space<vmem>>) target(%dma_start3A_59 : memref<32768xi32, #tpu.memory_space<hbm>>) target_semaphore(%run_scoped3A : memref<!tpu.dma_semaphore, #tpu.memory_space<semaphore_mem>>)
      %dma_wait3A = tpu.memref_slice %arg10[%mul3A_58] : memref<1048576xi32, #tpu.memory_space<hbm>> -> memref<32768xi32, #tpu.memory_space<hbm>>
      %dma_wait3A_60 = tpu.memref_slice %arg10[%mul3A_58] : memref<1048576xi32, #tpu.memory_space<hbm>> -> memref<32768xi32, #tpu.memory_space<hbm>>
      tpu.wait_dma2 semaphore(%run_scoped3A : memref<!tpu.dma_semaphore, #tpu.memory_space<semaphore_mem>>) src(%arg19 : memref<32768xi32, #tpu.memory_space<vmem>>) dst(%dma_wait3A_60 : memref<32768xi32, #tpu.memory_space<hbm>>)
      tpu.yield
    }) : () -> ()
    return
  }
}

#map = affine_map<(d0, d1) -> (0)>
module attributes {stable_mosaic.version = 14 : i64} {
  func.func @_sc_group_body(%arg0: i32, %arg1: i32, %arg2: memref<32768xf32, #tpu.memory_space<hbm>>, %arg3: memref<32768xf32, #tpu.memory_space<hbm>>, %arg4: memref<32768xf32, #tpu.memory_space<hbm>>, %arg5: memref<65536xf32, #tpu.memory_space<hbm>>, %arg6: memref<65536xf32, #tpu.memory_space<hbm>>, %arg7: memref<65536xf32, #tpu.memory_space<hbm>>, %arg8: memref<65536xi32, #tpu.memory_space<hbm>>, %arg9: memref<65536xf32, #tpu.memory_space<hbm>>, %arg10: memref<65536xf32, #tpu.memory_space<hbm>>, %arg11: memref<65536xf32, #tpu.memory_space<hbm>>, %arg12: memref<8192xf32, #tpu.memory_space<vmem>>, %arg13: memref<8192xf32, #tpu.memory_space<vmem>>, %arg14: memref<8192xf32, #tpu.memory_space<vmem>>, %arg15: memref<2048xi32, #tpu.memory_space<vmem>>, %arg16: memref<2048xf32, #tpu.memory_space<vmem>>, %arg17: memref<2048xf32, #tpu.memory_space<vmem>>, %arg18: memref<2048xf32, #tpu.memory_space<vmem>>, %arg19: memref<2048xf32, #tpu.memory_space<vmem>>, %arg20: memref<2048xf32, #tpu.memory_space<vmem>>, %arg21: memref<2048xf32, #tpu.memory_space<vmem>>) attributes {dimension_semantics = [#tpu.dimension_semantics<core_parallel>, #tpu.dimension_semantics<subcore_parallel>], iteration_bounds = array<i64: 2, 16>, scalar_prefetch = 0 : i64, scratch_operands = 10 : i64, tpu.core_type = #tpu.core_type<sc_vector_subcore>, window_params = [{transform_indices = #map}, {transform_indices = #map}, {transform_indices = #map}, {transform_indices = #map}, {transform_indices = #map}, {transform_indices = #map}, {transform_indices = #map}, {transform_indices = #map}, {transform_indices = #map}, {transform_indices = #map}]} {
    %mul3A = arith.constant 2 : i32
    %mul3A_0 = arith.muli %arg1, %mul3A : i32
    %add3A = arith.addi %mul3A_0, %arg0 : i32
    %mul3A_1 = arith.constant 64 : i32
    %mul3A_2 = arith.muli %add3A, %mul3A_1 : i32
    %jit3A = arith.constant 512 : i32
    %div3A = arith.divsi %mul3A_2, %jit3A : i32
    %sign3A = arith.constant 0 : i32
    %sign3A_3 = arith.cmpi sgt, %mul3A_2, %sign3A : i32
    %sign3A_4 = arith.extui %sign3A_3 : i1 to i32
    %sign3A_5 = arith.constant 0 : i32
    %sign3A_6 = arith.cmpi slt, %mul3A_2, %sign3A_5 : i32
    %sign3A_7 = arith.extui %sign3A_6 : i1 to i32
    %sign3A_8 = arith.subi %sign3A_4, %sign3A_7 : i32
    %sign3A_9 = arith.constant 0 : i32
    %sign3A_10 = arith.cmpi sgt, %jit3A, %sign3A_9 : i32
    %sign3A_11 = arith.extui %sign3A_10 : i1 to i32
    %sign3A_12 = arith.constant 0 : i32
    %sign3A_13 = arith.cmpi slt, %jit3A, %sign3A_12 : i32
    %sign3A_14 = arith.extui %sign3A_13 : i1 to i32
    %sign3A_15 = arith.subi %sign3A_11, %sign3A_14 : i32
    %ne3A = arith.cmpi ne, %sign3A_8, %sign3A_15 : i32
    %rem3A = arith.remsi %mul3A_2, %jit3A : i32
    %ne3A_16 = arith.constant 0 : i32
    %ne3A_17 = arith.cmpi ne, %rem3A, %ne3A_16 : i32
    %and3A = arith.andi %ne3A, %ne3A_17 : i1
    %sub3A = arith.constant 1 : i32
    %sub3A_18 = arith.subi %div3A, %sub3A : i32
    %select_n3A = arith.select %and3A, %sub3A_18, %div3A : i32
    %mul3A_19 = arith.constant 8192 : i32
    %mul3A_20 = arith.muli %select_n3A, %mul3A_19 : i32
    "tpu.region"() ({
      %run_scoped3A = tpu.sem_alloc : memref<!tpu.dma_semaphore, #tpu.memory_space<semaphore_mem>>
      %dma_start3A = tpu.memref_slice %arg2[%mul3A_20] : memref<32768xf32, #tpu.memory_space<hbm>> -> memref<8192xf32, #tpu.memory_space<hbm>>
      %dma_start3A_59 = tpu.memref_slice %arg2[%mul3A_20] : memref<32768xf32, #tpu.memory_space<hbm>> -> memref<8192xf32, #tpu.memory_space<hbm>>
      tpu.enqueue_dma source(%dma_start3A_59 : memref<8192xf32, #tpu.memory_space<hbm>>) target(%arg12 : memref<8192xf32, #tpu.memory_space<vmem>>) target_semaphore(%run_scoped3A : memref<!tpu.dma_semaphore, #tpu.memory_space<semaphore_mem>>)
      %dma_wait3A = tpu.memref_slice %arg2[%mul3A_20] : memref<32768xf32, #tpu.memory_space<hbm>> -> memref<8192xf32, #tpu.memory_space<hbm>>
      %dma_wait3A_60 = tpu.memref_slice %arg2[%mul3A_20] : memref<32768xf32, #tpu.memory_space<hbm>> -> memref<8192xf32, #tpu.memory_space<hbm>>
      tpu.wait_dma2 semaphore(%run_scoped3A : memref<!tpu.dma_semaphore, #tpu.memory_space<semaphore_mem>>) src(%dma_wait3A_60 : memref<8192xf32, #tpu.memory_space<hbm>>) dst(%arg12 : memref<8192xf32, #tpu.memory_space<vmem>>)
      tpu.yield
    }) : () -> ()
    %mul3A_21 = arith.constant 8192 : i32
    %mul3A_22 = arith.muli %select_n3A, %mul3A_21 : i32
    "tpu.region"() ({
      %run_scoped3A = tpu.sem_alloc : memref<!tpu.dma_semaphore, #tpu.memory_space<semaphore_mem>>
      %dma_start3A = tpu.memref_slice %arg3[%mul3A_22] : memref<32768xf32, #tpu.memory_space<hbm>> -> memref<8192xf32, #tpu.memory_space<hbm>>
      %dma_start3A_59 = tpu.memref_slice %arg3[%mul3A_22] : memref<32768xf32, #tpu.memory_space<hbm>> -> memref<8192xf32, #tpu.memory_space<hbm>>
      tpu.enqueue_dma source(%dma_start3A_59 : memref<8192xf32, #tpu.memory_space<hbm>>) target(%arg13 : memref<8192xf32, #tpu.memory_space<vmem>>) target_semaphore(%run_scoped3A : memref<!tpu.dma_semaphore, #tpu.memory_space<semaphore_mem>>)
      %dma_wait3A = tpu.memref_slice %arg3[%mul3A_22] : memref<32768xf32, #tpu.memory_space<hbm>> -> memref<8192xf32, #tpu.memory_space<hbm>>
      %dma_wait3A_60 = tpu.memref_slice %arg3[%mul3A_22] : memref<32768xf32, #tpu.memory_space<hbm>> -> memref<8192xf32, #tpu.memory_space<hbm>>
      tpu.wait_dma2 semaphore(%run_scoped3A : memref<!tpu.dma_semaphore, #tpu.memory_space<semaphore_mem>>) src(%dma_wait3A_60 : memref<8192xf32, #tpu.memory_space<hbm>>) dst(%arg13 : memref<8192xf32, #tpu.memory_space<vmem>>)
      tpu.yield
    }) : () -> ()
    %mul3A_23 = arith.constant 8192 : i32
    %mul3A_24 = arith.muli %select_n3A, %mul3A_23 : i32
    "tpu.region"() ({
      %run_scoped3A = tpu.sem_alloc : memref<!tpu.dma_semaphore, #tpu.memory_space<semaphore_mem>>
      %dma_start3A = tpu.memref_slice %arg4[%mul3A_24] : memref<32768xf32, #tpu.memory_space<hbm>> -> memref<8192xf32, #tpu.memory_space<hbm>>
      %dma_start3A_59 = tpu.memref_slice %arg4[%mul3A_24] : memref<32768xf32, #tpu.memory_space<hbm>> -> memref<8192xf32, #tpu.memory_space<hbm>>
      tpu.enqueue_dma source(%dma_start3A_59 : memref<8192xf32, #tpu.memory_space<hbm>>) target(%arg14 : memref<8192xf32, #tpu.memory_space<vmem>>) target_semaphore(%run_scoped3A : memref<!tpu.dma_semaphore, #tpu.memory_space<semaphore_mem>>)
      %dma_wait3A = tpu.memref_slice %arg4[%mul3A_24] : memref<32768xf32, #tpu.memory_space<hbm>> -> memref<8192xf32, #tpu.memory_space<hbm>>
      %dma_wait3A_60 = tpu.memref_slice %arg4[%mul3A_24] : memref<32768xf32, #tpu.memory_space<hbm>> -> memref<8192xf32, #tpu.memory_space<hbm>>
      tpu.wait_dma2 semaphore(%run_scoped3A : memref<!tpu.dma_semaphore, #tpu.memory_space<semaphore_mem>>) src(%dma_wait3A_60 : memref<8192xf32, #tpu.memory_space<hbm>>) dst(%arg14 : memref<8192xf32, #tpu.memory_space<vmem>>)
      tpu.yield
    }) : () -> ()
    %mul3A_25 = arith.constant 64 : i32
    %mul3A_26 = arith.muli %add3A, %mul3A_25 : i32
    %mul3A_27 = arith.constant 32 : i32
    %mul3A_28 = arith.muli %mul3A_26, %mul3A_27 : i32
    "tpu.region"() ({
      %run_scoped3A = tpu.sem_alloc : memref<!tpu.dma_semaphore, #tpu.memory_space<semaphore_mem>>
      %dma_start3A = tpu.memref_slice %arg8[%mul3A_28] : memref<65536xi32, #tpu.memory_space<hbm>> -> memref<2048xi32, #tpu.memory_space<hbm>>
      %dma_start3A_59 = tpu.memref_slice %arg8[%mul3A_28] : memref<65536xi32, #tpu.memory_space<hbm>> -> memref<2048xi32, #tpu.memory_space<hbm>>
      tpu.enqueue_dma source(%dma_start3A_59 : memref<2048xi32, #tpu.memory_space<hbm>>) target(%arg15 : memref<2048xi32, #tpu.memory_space<vmem>>) target_semaphore(%run_scoped3A : memref<!tpu.dma_semaphore, #tpu.memory_space<semaphore_mem>>)
      %dma_wait3A = tpu.memref_slice %arg8[%mul3A_28] : memref<65536xi32, #tpu.memory_space<hbm>> -> memref<2048xi32, #tpu.memory_space<hbm>>
      %dma_wait3A_60 = tpu.memref_slice %arg8[%mul3A_28] : memref<65536xi32, #tpu.memory_space<hbm>> -> memref<2048xi32, #tpu.memory_space<hbm>>
      tpu.wait_dma2 semaphore(%run_scoped3A : memref<!tpu.dma_semaphore, #tpu.memory_space<semaphore_mem>>) src(%dma_wait3A_60 : memref<2048xi32, #tpu.memory_space<hbm>>) dst(%arg15 : memref<2048xi32, #tpu.memory_space<vmem>>)
      tpu.yield
    }) : () -> ()
    %mul3A_29 = arith.constant 64 : i32
    %mul3A_30 = arith.muli %add3A, %mul3A_29 : i32
    %mul3A_31 = arith.constant 32 : i32
    %mul3A_32 = arith.muli %mul3A_30, %mul3A_31 : i32
    "tpu.region"() ({
      %run_scoped3A = tpu.sem_alloc : memref<!tpu.dma_semaphore, #tpu.memory_space<semaphore_mem>>
      %dma_start3A = tpu.memref_slice %arg5[%mul3A_32] : memref<65536xf32, #tpu.memory_space<hbm>> -> memref<2048xf32, #tpu.memory_space<hbm>>
      %dma_start3A_59 = tpu.memref_slice %arg5[%mul3A_32] : memref<65536xf32, #tpu.memory_space<hbm>> -> memref<2048xf32, #tpu.memory_space<hbm>>
      tpu.enqueue_dma source(%dma_start3A_59 : memref<2048xf32, #tpu.memory_space<hbm>>) target(%arg16 : memref<2048xf32, #tpu.memory_space<vmem>>) target_semaphore(%run_scoped3A : memref<!tpu.dma_semaphore, #tpu.memory_space<semaphore_mem>>)
      %dma_wait3A = tpu.memref_slice %arg5[%mul3A_32] : memref<65536xf32, #tpu.memory_space<hbm>> -> memref<2048xf32, #tpu.memory_space<hbm>>
      %dma_wait3A_60 = tpu.memref_slice %arg5[%mul3A_32] : memref<65536xf32, #tpu.memory_space<hbm>> -> memref<2048xf32, #tpu.memory_space<hbm>>
      tpu.wait_dma2 semaphore(%run_scoped3A : memref<!tpu.dma_semaphore, #tpu.memory_space<semaphore_mem>>) src(%dma_wait3A_60 : memref<2048xf32, #tpu.memory_space<hbm>>) dst(%arg16 : memref<2048xf32, #tpu.memory_space<vmem>>)
      tpu.yield
    }) : () -> ()
    %mul3A_33 = arith.constant 64 : i32
    %mul3A_34 = arith.muli %add3A, %mul3A_33 : i32
    %mul3A_35 = arith.constant 32 : i32
    %mul3A_36 = arith.muli %mul3A_34, %mul3A_35 : i32
    "tpu.region"() ({
      %run_scoped3A = tpu.sem_alloc : memref<!tpu.dma_semaphore, #tpu.memory_space<semaphore_mem>>
      %dma_start3A = tpu.memref_slice %arg6[%mul3A_36] : memref<65536xf32, #tpu.memory_space<hbm>> -> memref<2048xf32, #tpu.memory_space<hbm>>
      %dma_start3A_59 = tpu.memref_slice %arg6[%mul3A_36] : memref<65536xf32, #tpu.memory_space<hbm>> -> memref<2048xf32, #tpu.memory_space<hbm>>
      tpu.enqueue_dma source(%dma_start3A_59 : memref<2048xf32, #tpu.memory_space<hbm>>) target(%arg17 : memref<2048xf32, #tpu.memory_space<vmem>>) target_semaphore(%run_scoped3A : memref<!tpu.dma_semaphore, #tpu.memory_space<semaphore_mem>>)
      %dma_wait3A = tpu.memref_slice %arg6[%mul3A_36] : memref<65536xf32, #tpu.memory_space<hbm>> -> memref<2048xf32, #tpu.memory_space<hbm>>
      %dma_wait3A_60 = tpu.memref_slice %arg6[%mul3A_36] : memref<65536xf32, #tpu.memory_space<hbm>> -> memref<2048xf32, #tpu.memory_space<hbm>>
      tpu.wait_dma2 semaphore(%run_scoped3A : memref<!tpu.dma_semaphore, #tpu.memory_space<semaphore_mem>>) src(%dma_wait3A_60 : memref<2048xf32, #tpu.memory_space<hbm>>) dst(%arg17 : memref<2048xf32, #tpu.memory_space<vmem>>)
      tpu.yield
    }) : () -> ()
    %mul3A_37 = arith.constant 64 : i32
    %mul3A_38 = arith.muli %add3A, %mul3A_37 : i32
    %mul3A_39 = arith.constant 32 : i32
    %mul3A_40 = arith.muli %mul3A_38, %mul3A_39 : i32
    "tpu.region"() ({
      %run_scoped3A = tpu.sem_alloc : memref<!tpu.dma_semaphore, #tpu.memory_space<semaphore_mem>>
      %dma_start3A = tpu.memref_slice %arg7[%mul3A_40] : memref<65536xf32, #tpu.memory_space<hbm>> -> memref<2048xf32, #tpu.memory_space<hbm>>
      %dma_start3A_59 = tpu.memref_slice %arg7[%mul3A_40] : memref<65536xf32, #tpu.memory_space<hbm>> -> memref<2048xf32, #tpu.memory_space<hbm>>
      tpu.enqueue_dma source(%dma_start3A_59 : memref<2048xf32, #tpu.memory_space<hbm>>) target(%arg18 : memref<2048xf32, #tpu.memory_space<vmem>>) target_semaphore(%run_scoped3A : memref<!tpu.dma_semaphore, #tpu.memory_space<semaphore_mem>>)
      %dma_wait3A = tpu.memref_slice %arg7[%mul3A_40] : memref<65536xf32, #tpu.memory_space<hbm>> -> memref<2048xf32, #tpu.memory_space<hbm>>
      %dma_wait3A_60 = tpu.memref_slice %arg7[%mul3A_40] : memref<65536xf32, #tpu.memory_space<hbm>> -> memref<2048xf32, #tpu.memory_space<hbm>>
      tpu.wait_dma2 semaphore(%run_scoped3A : memref<!tpu.dma_semaphore, #tpu.memory_space<semaphore_mem>>) src(%dma_wait3A_60 : memref<2048xf32, #tpu.memory_space<hbm>>) dst(%arg18 : memref<2048xf32, #tpu.memory_space<vmem>>)
      tpu.yield
    }) : () -> ()
    %scan3A = arith.constant 0 : i32
    %scan3A_41 = arith.constant 0 : i32
    %scan3A_42 = arith.constant 128 : i32
    %scan3A_43 = arith.addi %scan3A_41, %scan3A_42 : i32
    %scan3A_44 = arith.constant 1 : i32
    %scan3A_45 = scf.for %scan3A_59 = %scan3A_41 to %scan3A_43 step %scan3A_44 iter_args(%scan3A_60 = %scan3A) -> (i32)  : i32 {
      %mul3A_61 = arith.constant 16 : i32
      %mul3A_62 = arith.muli %scan3A_59, %mul3A_61 : i32
      %get3A = arith.index_cast %mul3A_62 : i32 to index
      %get3A_63 = tpu.vector_load %arg15[%get3A] {strides = array<i32>} : memref<2048xi32, #tpu.memory_space<vmem>>, vector<16xi32>,
      %gather3A = tpu.vector_load_idx %arg12[%get3A_63] : memref<8192xf32, #tpu.memory_space<vmem>>[vector<16xi32>], vector<16xf32>,
      %get3A_64 = arith.index_cast %mul3A_62 : i32 to index
      %get3A_65 = tpu.vector_load %arg16[%get3A_64] {strides = array<i32>} : memref<2048xf32, #tpu.memory_space<vmem>>, vector<16xf32>,
      %sub3A_66 = arith.subf %gather3A, %get3A_65 : vector<16xf32>
      %swap3A = arith.index_cast %mul3A_62 : i32 to index
      %swap3A_67 = tpu.vector_load %arg19[%swap3A] {strides = array<i32>} : memref<2048xf32, #tpu.memory_space<vmem>>, vector<16xf32>,
      tpu.vector_store %arg19[%swap3A], %sub3A_66 {strides = array<i32>} : memref<2048xf32, #tpu.memory_space<vmem>>, vector<16xf32>,
      %gather3A_68 = tpu.vector_load_idx %arg13[%get3A_63] : memref<8192xf32, #tpu.memory_space<vmem>>[vector<16xi32>], vector<16xf32>,
      %get3A_69 = arith.index_cast %mul3A_62 : i32 to index
      %get3A_70 = tpu.vector_load %arg17[%get3A_69] {strides = array<i32>} : memref<2048xf32, #tpu.memory_space<vmem>>, vector<16xf32>,
      %sub3A_71 = arith.subf %gather3A_68, %get3A_70 : vector<16xf32>
      %swap3A_72 = arith.index_cast %mul3A_62 : i32 to index
      %swap3A_73 = tpu.vector_load %arg20[%swap3A_72] {strides = array<i32>} : memref<2048xf32, #tpu.memory_space<vmem>>, vector<16xf32>,
      tpu.vector_store %arg20[%swap3A_72], %sub3A_71 {strides = array<i32>} : memref<2048xf32, #tpu.memory_space<vmem>>, vector<16xf32>,
      %gather3A_74 = tpu.vector_load_idx %arg14[%get3A_63] : memref<8192xf32, #tpu.memory_space<vmem>>[vector<16xi32>], vector<16xf32>,
      %get3A_75 = arith.index_cast %mul3A_62 : i32 to index
      %get3A_76 = tpu.vector_load %arg18[%get3A_75] {strides = array<i32>} : memref<2048xf32, #tpu.memory_space<vmem>>, vector<16xf32>,
      %sub3A_77 = arith.subf %gather3A_74, %get3A_76 : vector<16xf32>
      %swap3A_78 = arith.index_cast %mul3A_62 : i32 to index
      %swap3A_79 = tpu.vector_load %arg21[%swap3A_78] {strides = array<i32>} : memref<2048xf32, #tpu.memory_space<vmem>>, vector<16xf32>,
      tpu.vector_store %arg21[%swap3A_78], %sub3A_77 {strides = array<i32>} : memref<2048xf32, #tpu.memory_space<vmem>>, vector<16xf32>,
      %scan3A_80 = arith.constant 0 : i32
      scf.yield %scan3A_80 : i32
    }
    %scan3A_46 = arith.constant 128 : i32
    %mul3A_47 = arith.constant 64 : i32
    %mul3A_48 = arith.muli %add3A, %mul3A_47 : i32
    %mul3A_49 = arith.constant 32 : i32
    %mul3A_50 = arith.muli %mul3A_48, %mul3A_49 : i32
    "tpu.region"() ({
      %run_scoped3A = tpu.sem_alloc : memref<!tpu.dma_semaphore, #tpu.memory_space<semaphore_mem>>
      %dma_start3A = tpu.memref_slice %arg9[%mul3A_50] : memref<65536xf32, #tpu.memory_space<hbm>> -> memref<2048xf32, #tpu.memory_space<hbm>>
      %dma_start3A_59 = tpu.memref_slice %arg9[%mul3A_50] : memref<65536xf32, #tpu.memory_space<hbm>> -> memref<2048xf32, #tpu.memory_space<hbm>>
      tpu.enqueue_dma source(%arg19 : memref<2048xf32, #tpu.memory_space<vmem>>) target(%dma_start3A_59 : memref<2048xf32, #tpu.memory_space<hbm>>) target_semaphore(%run_scoped3A : memref<!tpu.dma_semaphore, #tpu.memory_space<semaphore_mem>>)
      %dma_wait3A = tpu.memref_slice %arg9[%mul3A_50] : memref<65536xf32, #tpu.memory_space<hbm>> -> memref<2048xf32, #tpu.memory_space<hbm>>
      %dma_wait3A_60 = tpu.memref_slice %arg9[%mul3A_50] : memref<65536xf32, #tpu.memory_space<hbm>> -> memref<2048xf32, #tpu.memory_space<hbm>>
      tpu.wait_dma2 semaphore(%run_scoped3A : memref<!tpu.dma_semaphore, #tpu.memory_space<semaphore_mem>>) src(%arg19 : memref<2048xf32, #tpu.memory_space<vmem>>) dst(%dma_wait3A_60 : memref<2048xf32, #tpu.memory_space<hbm>>)
      tpu.yield
    }) : () -> ()
    %mul3A_51 = arith.constant 64 : i32
    %mul3A_52 = arith.muli %add3A, %mul3A_51 : i32
    %mul3A_53 = arith.constant 32 : i32
    %mul3A_54 = arith.muli %mul3A_52, %mul3A_53 : i32
    "tpu.region"() ({
      %run_scoped3A = tpu.sem_alloc : memref<!tpu.dma_semaphore, #tpu.memory_space<semaphore_mem>>
      %dma_start3A = tpu.memref_slice %arg10[%mul3A_54] : memref<65536xf32, #tpu.memory_space<hbm>> -> memref<2048xf32, #tpu.memory_space<hbm>>
      %dma_start3A_59 = tpu.memref_slice %arg10[%mul3A_54] : memref<65536xf32, #tpu.memory_space<hbm>> -> memref<2048xf32, #tpu.memory_space<hbm>>
      tpu.enqueue_dma source(%arg20 : memref<2048xf32, #tpu.memory_space<vmem>>) target(%dma_start3A_59 : memref<2048xf32, #tpu.memory_space<hbm>>) target_semaphore(%run_scoped3A : memref<!tpu.dma_semaphore, #tpu.memory_space<semaphore_mem>>)
      %dma_wait3A = tpu.memref_slice %arg10[%mul3A_54] : memref<65536xf32, #tpu.memory_space<hbm>> -> memref<2048xf32, #tpu.memory_space<hbm>>
      %dma_wait3A_60 = tpu.memref_slice %arg10[%mul3A_54] : memref<65536xf32, #tpu.memory_space<hbm>> -> memref<2048xf32, #tpu.memory_space<hbm>>
      tpu.wait_dma2 semaphore(%run_scoped3A : memref<!tpu.dma_semaphore, #tpu.memory_space<semaphore_mem>>) src(%arg20 : memref<2048xf32, #tpu.memory_space<vmem>>) dst(%dma_wait3A_60 : memref<2048xf32, #tpu.memory_space<hbm>>)
      tpu.yield
    }) : () -> ()
    %mul3A_55 = arith.constant 64 : i32
    %mul3A_56 = arith.muli %add3A, %mul3A_55 : i32
    %mul3A_57 = arith.constant 32 : i32
    %mul3A_58 = arith.muli %mul3A_56, %mul3A_57 : i32
    "tpu.region"() ({
      %run_scoped3A = tpu.sem_alloc : memref<!tpu.dma_semaphore, #tpu.memory_space<semaphore_mem>>
      %dma_start3A = tpu.memref_slice %arg11[%mul3A_58] : memref<65536xf32, #tpu.memory_space<hbm>> -> memref<2048xf32, #tpu.memory_space<hbm>>
      %dma_start3A_59 = tpu.memref_slice %arg11[%mul3A_58] : memref<65536xf32, #tpu.memory_space<hbm>> -> memref<2048xf32, #tpu.memory_space<hbm>>
      tpu.enqueue_dma source(%arg21 : memref<2048xf32, #tpu.memory_space<vmem>>) target(%dma_start3A_59 : memref<2048xf32, #tpu.memory_space<hbm>>) target_semaphore(%run_scoped3A : memref<!tpu.dma_semaphore, #tpu.memory_space<semaphore_mem>>)
      %dma_wait3A = tpu.memref_slice %arg11[%mul3A_58] : memref<65536xf32, #tpu.memory_space<hbm>> -> memref<2048xf32, #tpu.memory_space<hbm>>
      %dma_wait3A_60 = tpu.memref_slice %arg11[%mul3A_58] : memref<65536xf32, #tpu.memory_space<hbm>> -> memref<2048xf32, #tpu.memory_space<hbm>>
      tpu.wait_dma2 semaphore(%run_scoped3A : memref<!tpu.dma_semaphore, #tpu.memory_space<semaphore_mem>>) src(%arg21 : memref<2048xf32, #tpu.memory_space<vmem>>) dst(%dma_wait3A_60 : memref<2048xf32, #tpu.memory_space<hbm>>)
      tpu.yield
    }) : () -> ()
    return
  }
}

module attributes {stable_mosaic.version = 14 : i64} {
  func.func @_fps_body(%arg0: memref<8x4096xf32, #tpu.memory_space<vmem>>, %arg1: memref<8x4096xf32, #tpu.memory_space<vmem>>, %arg2: memref<8x4096xf32, #tpu.memory_space<vmem>>, %arg3: memref<4x512xf32, #tpu.memory_space<vmem>>, %arg4: memref<4x512xf32, #tpu.memory_space<vmem>>, %arg5: memref<4x512xf32, #tpu.memory_space<vmem>>) attributes {dimension_semantics = [], scalar_prefetch = 0 : i64, scratch_operands = 0 : i64, tpu.core_type = #tpu.core_type<tc>} {
    %get3A = arith.constant 0 : index
    %get3A_0 = arith.constant 0 : index
    %get3A_1 = vector.load %arg0[%get3A, %get3A_0] : memref<8x4096xf32, #tpu.memory_space<vmem>>, vector<8x4096xf32>
    %get3A_2 = arith.constant 0 : index
    %get3A_3 = arith.constant 0 : index
    %get3A_4 = vector.load %arg1[%get3A_2, %get3A_3] : memref<8x4096xf32, #tpu.memory_space<vmem>>, vector<8x4096xf32>
    %get3A_5 = arith.constant 0 : index
    %get3A_6 = arith.constant 0 : index
    %get3A_7 = vector.load %arg2[%get3A_5, %get3A_6] : memref<8x4096xf32, #tpu.memory_space<vmem>>, vector<8x4096xf32>
    %iota3A = tpu.iota {dimensions = array<i32: 0>} : vector<8x4096xi32>
    %iota3A_8 = tpu.iota {dimensions = array<i32: 1>} : vector<8x4096xi32>
    %ge3A = arith.constant 4 : i32
    %ge3A_9 = vector.broadcast %ge3A : i32 to vector<8x4096xi32>
    %ge3A_10 = arith.cmpi sge, %iota3A, %ge3A_9 : vector<8x4096xi32>
    %jit3A = arith.constant 4096 : i32
    %jit3A_11 = arith.constant 0 : i32
    %broadcast_in_dim3A = vector.broadcast %jit3A : i32 to vector<8x4096xi32>
    %broadcast_in_dim3A_12 = vector.broadcast %jit3A_11 : i32 to vector<8x4096xi32>
    %select_n3A = arith.select %ge3A_10, %broadcast_in_dim3A, %broadcast_in_dim3A_12 : vector<8x4096xi1>, vector<8x4096xi32>
    %add3A = arith.addi %iota3A_8, %select_n3A : vector<8x4096xi32>
    %iota3A_13 = tpu.iota {dimensions = array<i32: 1>} : vector<4x512xi32>
    %slice3A = vector.extract_strided_slice %get3A_1 {offsets = [0, 0], sizes = [4, 1], strides = [1, 1]} : vector<8x4096xf32> to vector<4x1xf32>
    %slice3A_14 = vector.extract_strided_slice %get3A_4 {offsets = [0, 0], sizes = [4, 1], strides = [1, 1]} : vector<8x4096xf32> to vector<4x1xf32>
    %slice3A_15 = vector.extract_strided_slice %get3A_7 {offsets = [0, 0], sizes = [4, 1], strides = [1, 1]} : vector<8x4096xf32> to vector<4x1xf32>
    %broadcast_in_dim3A_16 = arith.constant 0.000000e+00 : f32
    %broadcast_in_dim3A_17 = vector.broadcast %broadcast_in_dim3A_16 : f32 to vector<4x512xf32>
    %eq3A = arith.constant 0 : i32
    %eq3A_18 = vector.broadcast %eq3A : i32 to vector<4x512xi32>
    %eq3A_19 = arith.cmpi eq, %iota3A_13, %eq3A_18 : vector<4x512xi32>
    %broadcast_in_dim3A_20 = vector.shape_cast %slice3A : vector<4x1xf32> to vector<4x1xf32>
    %broadcast_in_dim3A_21 = vector.broadcast %broadcast_in_dim3A_20 : vector<4x1xf32> to vector<4x512xf32>
    %select_n3A_22 = arith.select %eq3A_19, %broadcast_in_dim3A_21, %broadcast_in_dim3A_17 : vector<4x512xi1>, vector<4x512xf32>
    %eq3A_23 = arith.constant 0 : i32
    %eq3A_24 = vector.broadcast %eq3A_23 : i32 to vector<4x512xi32>
    %eq3A_25 = arith.cmpi eq, %iota3A_13, %eq3A_24 : vector<4x512xi32>
    %broadcast_in_dim3A_26 = vector.shape_cast %slice3A_14 : vector<4x1xf32> to vector<4x1xf32>
    %broadcast_in_dim3A_27 = vector.broadcast %broadcast_in_dim3A_26 : vector<4x1xf32> to vector<4x512xf32>
    %select_n3A_28 = arith.select %eq3A_25, %broadcast_in_dim3A_27, %broadcast_in_dim3A_17 : vector<4x512xi1>, vector<4x512xf32>
    %eq3A_29 = arith.constant 0 : i32
    %eq3A_30 = vector.broadcast %eq3A_29 : i32 to vector<4x512xi32>
    %eq3A_31 = arith.cmpi eq, %iota3A_13, %eq3A_30 : vector<4x512xi32>
    %broadcast_in_dim3A_32 = vector.shape_cast %slice3A_15 : vector<4x1xf32> to vector<4x1xf32>
    %broadcast_in_dim3A_33 = vector.broadcast %broadcast_in_dim3A_32 : vector<4x1xf32> to vector<4x512xf32>
    %select_n3A_34 = arith.select %eq3A_31, %broadcast_in_dim3A_33, %broadcast_in_dim3A_17 : vector<4x512xi1>, vector<4x512xf32>
    %broadcast_in_dim3A_35 = arith.constant 0x7F800000 : f32
    %broadcast_in_dim3A_36 = vector.broadcast %broadcast_in_dim3A_35 : f32 to vector<8x4096xf32>
    %scan3A = arith.constant 1 : i32
    %scan3A_37 = arith.constant 511 : i32
    %scan3A_38 = arith.addi %scan3A, %scan3A_37 : i32
    %scan3A_39 = arith.constant 1 : i32
    %scan3A_40:7 = scf.for %scan3A_50 = %scan3A to %scan3A_38 step %scan3A_39 iter_args(%scan3A_51 = %broadcast_in_dim3A_36, %scan3A_52 = %slice3A, %scan3A_53 = %slice3A_14, %scan3A_54 = %slice3A_15, %scan3A_55 = %select_n3A_22, %scan3A_56 = %select_n3A_28, %scan3A_57 = %select_n3A_34) -> (vector<8x4096xf32>, vector<4x1xf32>, vector<4x1xf32>, vector<4x1xf32>, vector<4x512xf32>, vector<4x512xf32>, vector<4x512xf32>)  : i32 {
      %concatenate3A = tpu.concatenate %scan3A_52, %scan3A_52 in 0 : vector<4x1xf32>, vector<4x1xf32> -> vector<8x1xf32>
      %sub3A = vector.broadcast %concatenate3A : vector<8x1xf32> to vector<8x4096xf32>
      %sub3A_58 = arith.subf %get3A_1, %sub3A : vector<8x4096xf32>
      %concatenate3A_59 = tpu.concatenate %scan3A_53, %scan3A_53 in 0 : vector<4x1xf32>, vector<4x1xf32> -> vector<8x1xf32>
      %sub3A_60 = vector.broadcast %concatenate3A_59 : vector<8x1xf32> to vector<8x4096xf32>
      %sub3A_61 = arith.subf %get3A_4, %sub3A_60 : vector<8x4096xf32>
      %concatenate3A_62 = tpu.concatenate %scan3A_54, %scan3A_54 in 0 : vector<4x1xf32>, vector<4x1xf32> -> vector<8x1xf32>
      %sub3A_63 = vector.broadcast %concatenate3A_62 : vector<8x1xf32> to vector<8x4096xf32>
      %sub3A_64 = arith.subf %get3A_7, %sub3A_63 : vector<8x4096xf32>
      %mul3A = arith.mulf %sub3A_58, %sub3A_58 : vector<8x4096xf32>
      %mul3A_65 = arith.mulf %sub3A_61, %sub3A_61 : vector<8x4096xf32>
      %add3A_66 = arith.addf %mul3A, %mul3A_65 : vector<8x4096xf32>
      %mul3A_67 = arith.mulf %sub3A_64, %sub3A_64 : vector<8x4096xf32>
      %add3A_68 = arith.addf %add3A_66, %mul3A_67 : vector<8x4096xf32>
      %min3A = arith.minimumf %scan3A_51, %add3A_68 : vector<8x4096xf32>
      %reduce_max3A = arith.constant dense<0xFF800000> : vector<8xf32>
      %reduce_max3A_69 = vector.multi_reduction <maximumf>, %min3A, %reduce_max3A [1] : vector<8x4096xf32> to vector<8xf32>
      %broadcast_in_dim3A_70 = vector.shape_cast %reduce_max3A_69 : vector<8xf32> to vector<8x1xf32>
      %slice3A_71 = vector.extract_strided_slice %broadcast_in_dim3A_70 {offsets = [0, 0], sizes = [4, 1], strides = [1, 1]} : vector<8x1xf32> to vector<4x1xf32>
      %slice3A_72 = vector.extract_strided_slice %broadcast_in_dim3A_70 {offsets = [4, 0], sizes = [4, 1], strides = [1, 1]} : vector<8x1xf32> to vector<4x1xf32>
      %max3A = arith.maximumf %slice3A_71, %slice3A_72 : vector<4x1xf32>
      %concatenate3A_73 = tpu.concatenate %max3A, %max3A in 0 : vector<4x1xf32>, vector<4x1xf32> -> vector<8x1xf32>
      %eq3A_74 = vector.broadcast %concatenate3A_73 : vector<8x1xf32> to vector<8x4096xf32>
      %eq3A_75 = arith.cmpf oeq, %min3A, %eq3A_74 : vector<8x4096xf32>
      %jit3A_76 = arith.constant 8192 : i32
      %broadcast_in_dim3A_77 = vector.broadcast %jit3A_76 : i32 to vector<8x4096xi32>
      %select_n3A_78 = arith.select %eq3A_75, %add3A, %broadcast_in_dim3A_77 : vector<8x4096xi1>, vector<8x4096xi32>
      %reduce_min3A = arith.constant dense<2147483647> : vector<8xi32>
      %reduce_min3A_79 = vector.multi_reduction <minsi>, %select_n3A_78, %reduce_min3A [1] : vector<8x4096xi32> to vector<8xi32>
      %broadcast_in_dim3A_80 = vector.shape_cast %reduce_min3A_79 : vector<8xi32> to vector<8x1xi32>
      %slice3A_81 = vector.extract_strided_slice %broadcast_in_dim3A_80 {offsets = [0, 0], sizes = [4, 1], strides = [1, 1]} : vector<8x1xi32> to vector<4x1xi32>
      %slice3A_82 = vector.extract_strided_slice %broadcast_in_dim3A_80 {offsets = [4, 0], sizes = [4, 1], strides = [1, 1]} : vector<8x1xi32> to vector<4x1xi32>
      %min3A_83 = arith.minsi %slice3A_81, %slice3A_82 : vector<4x1xi32>
      %concatenate3A_84 = tpu.concatenate %min3A_83, %min3A_83 in 0 : vector<4x1xi32>, vector<4x1xi32> -> vector<8x1xi32>
      %eq3A_85 = vector.broadcast %concatenate3A_84 : vector<8x1xi32> to vector<8x4096xi32>
      %eq3A_86 = arith.cmpi eq, %add3A, %eq3A_85 : vector<8x4096xi32>
      %jit3A_87 = arith.constant 0.000000e+00 : f32
      %broadcast_in_dim3A_88 = vector.broadcast %jit3A_87 : f32 to vector<8x4096xf32>
      %select_n3A_89 = arith.select %eq3A_86, %get3A_1, %broadcast_in_dim3A_88 : vector<8x4096xi1>, vector<8x4096xf32>
      %reduce_sum3A = arith.constant dense<0.000000e+00> : vector<8xf32>
      %reduce_sum3A_90 = vector.multi_reduction <add>, %select_n3A_89, %reduce_sum3A [1] : vector<8x4096xf32> to vector<8xf32>
      %broadcast_in_dim3A_91 = vector.shape_cast %reduce_sum3A_90 : vector<8xf32> to vector<8x1xf32>
      %jit3A_92 = arith.constant 0.000000e+00 : f32
      %broadcast_in_dim3A_93 = vector.broadcast %jit3A_92 : f32 to vector<8x4096xf32>
      %select_n3A_94 = arith.select %eq3A_86, %get3A_4, %broadcast_in_dim3A_93 : vector<8x4096xi1>, vector<8x4096xf32>
      %reduce_sum3A_95 = arith.constant dense<0.000000e+00> : vector<8xf32>
      %reduce_sum3A_96 = vector.multi_reduction <add>, %select_n3A_94, %reduce_sum3A_95 [1] : vector<8x4096xf32> to vector<8xf32>
      %broadcast_in_dim3A_97 = vector.shape_cast %reduce_sum3A_96 : vector<8xf32> to vector<8x1xf32>
      %jit3A_98 = arith.constant 0.000000e+00 : f32
      %broadcast_in_dim3A_99 = vector.broadcast %jit3A_98 : f32 to vector<8x4096xf32>
      %select_n3A_100 = arith.select %eq3A_86, %get3A_7, %broadcast_in_dim3A_99 : vector<8x4096xi1>, vector<8x4096xf32>
      %reduce_sum3A_101 = arith.constant dense<0.000000e+00> : vector<8xf32>
      %reduce_sum3A_102 = vector.multi_reduction <add>, %select_n3A_100, %reduce_sum3A_101 [1] : vector<8x4096xf32> to vector<8xf32>
      %broadcast_in_dim3A_103 = vector.shape_cast %reduce_sum3A_102 : vector<8xf32> to vector<8x1xf32>
      %slice3A_104 = vector.extract_strided_slice %broadcast_in_dim3A_91 {offsets = [0, 0], sizes = [4, 1], strides = [1, 1]} : vector<8x1xf32> to vector<4x1xf32>
      %slice3A_105 = vector.extract_strided_slice %broadcast_in_dim3A_91 {offsets = [4, 0], sizes = [4, 1], strides = [1, 1]} : vector<8x1xf32> to vector<4x1xf32>
      %add3A_106 = arith.addf %slice3A_104, %slice3A_105 : vector<4x1xf32>
      %slice3A_107 = vector.extract_strided_slice %broadcast_in_dim3A_97 {offsets = [0, 0], sizes = [4, 1], strides = [1, 1]} : vector<8x1xf32> to vector<4x1xf32>
      %slice3A_108 = vector.extract_strided_slice %broadcast_in_dim3A_97 {offsets = [4, 0], sizes = [4, 1], strides = [1, 1]} : vector<8x1xf32> to vector<4x1xf32>
      %add3A_109 = arith.addf %slice3A_107, %slice3A_108 : vector<4x1xf32>
      %slice3A_110 = vector.extract_strided_slice %broadcast_in_dim3A_103 {offsets = [0, 0], sizes = [4, 1], strides = [1, 1]} : vector<8x1xf32> to vector<4x1xf32>
      %slice3A_111 = vector.extract_strided_slice %broadcast_in_dim3A_103 {offsets = [4, 0], sizes = [4, 1], strides = [1, 1]} : vector<8x1xf32> to vector<4x1xf32>
      %add3A_112 = arith.addf %slice3A_110, %slice3A_111 : vector<4x1xf32>
      %eq3A_113 = vector.broadcast %scan3A_50 : i32 to vector<4x512xi32>
      %eq3A_114 = arith.cmpi eq, %iota3A_13, %eq3A_113 : vector<4x512xi32>
      %broadcast_in_dim3A_115 = vector.shape_cast %add3A_106 : vector<4x1xf32> to vector<4x1xf32>
      %broadcast_in_dim3A_116 = vector.broadcast %broadcast_in_dim3A_115 : vector<4x1xf32> to vector<4x512xf32>
      %select_n3A_117 = arith.select %eq3A_114, %broadcast_in_dim3A_116, %scan3A_55 : vector<4x512xi1>, vector<4x512xf32>
      %broadcast_in_dim3A_118 = vector.shape_cast %add3A_109 : vector<4x1xf32> to vector<4x1xf32>
      %broadcast_in_dim3A_119 = vector.broadcast %broadcast_in_dim3A_118 : vector<4x1xf32> to vector<4x512xf32>
      %select_n3A_120 = arith.select %eq3A_114, %broadcast_in_dim3A_119, %scan3A_56 : vector<4x512xi1>, vector<4x512xf32>
      %broadcast_in_dim3A_121 = vector.shape_cast %add3A_112 : vector<4x1xf32> to vector<4x1xf32>
      %broadcast_in_dim3A_122 = vector.broadcast %broadcast_in_dim3A_121 : vector<4x1xf32> to vector<4x512xf32>
      %select_n3A_123 = arith.select %eq3A_114, %broadcast_in_dim3A_122, %scan3A_57 : vector<4x512xi1>, vector<4x512xf32>
      scf.yield %min3A, %add3A_106, %add3A_109, %add3A_112, %select_n3A_117, %select_n3A_120, %select_n3A_123 : vector<8x4096xf32>, vector<4x1xf32>, vector<4x1xf32>, vector<4x1xf32>, vector<4x512xf32>, vector<4x512xf32>, vector<4x512xf32>
    }
    %scan3A_41 = arith.constant 511 : i32
    %swap3A = arith.constant 0 : index
    %swap3A_42 = arith.constant 0 : index
    %swap3A_43 = vector.load %arg3[%swap3A, %swap3A_42] : memref<4x512xf32, #tpu.memory_space<vmem>>, vector<4x512xf32>
    tpu.vector_store %arg3[%swap3A, %swap3A_42], %scan3A_40#4 {strides = array<i32>} : memref<4x512xf32, #tpu.memory_space<vmem>>, vector<4x512xf32>,
    %swap3A_44 = arith.constant 0 : index
    %swap3A_45 = arith.constant 0 : index
    %swap3A_46 = vector.load %arg4[%swap3A_44, %swap3A_45] : memref<4x512xf32, #tpu.memory_space<vmem>>, vector<4x512xf32>
    tpu.vector_store %arg4[%swap3A_44, %swap3A_45], %scan3A_40#5 {strides = array<i32>} : memref<4x512xf32, #tpu.memory_space<vmem>>, vector<4x512xf32>,
    %swap3A_47 = arith.constant 0 : index
    %swap3A_48 = arith.constant 0 : index
    %swap3A_49 = vector.load %arg5[%swap3A_47, %swap3A_48] : memref<4x512xf32, #tpu.memory_space<vmem>>, vector<4x512xf32>
    tpu.vector_store %arg5[%swap3A_47, %swap3A_48], %scan3A_40#6 {strides = array<i32>} : memref<4x512xf32, #tpu.memory_space<vmem>>, vector<4x512xf32>,
    return
  }
}

module attributes {stable_mosaic.version = 14 : i64} {
  func.func @_knn1_body(%arg0: i32, %arg1: i32, %arg2: memref<1x128x1xf32, #tpu.memory_space<vmem>>, %arg3: memref<1x128x1xf32, #tpu.memory_space<vmem>>, %arg4: memref<1x128x1xf32, #tpu.memory_space<vmem>>, %arg5: memref<1x1x8192xf32, #tpu.memory_space<vmem>>, %arg6: memref<1x1x8192xf32, #tpu.memory_space<vmem>>, %arg7: memref<1x1x8192xf32, #tpu.memory_space<vmem>>, %arg8: memref<1x128x32xi32, #tpu.memory_space<vmem>>) attributes {dimension_semantics = [#tpu.dimension_semantics<arbitrary>, #tpu.dimension_semantics<arbitrary>], iteration_bounds = array<i64: 4, 4>, scalar_prefetch = 0 : i64, scratch_operands = 0 : i64, tpu.core_type = #tpu.core_type<tc>, window_params = [{transform_indices = @transform_0, window_bounds = array<i64: 1, 128, 1>}, {transform_indices = @transform_1, window_bounds = array<i64: 1, 128, 1>}, {transform_indices = @transform_2, window_bounds = array<i64: 1, 128, 1>}, {transform_indices = @transform_3, window_bounds = array<i64: 1, 1, 8192>}, {transform_indices = @transform_4, window_bounds = array<i64: 1, 1, 8192>}, {transform_indices = @transform_5, window_bounds = array<i64: 1, 1, 8192>}, {transform_indices = @transform_6, window_bounds = array<i64: 1, 128, 32>}]} {
    %get3A = arith.constant 0 : index
    %get3A_0 = arith.constant 0 : index
    %get3A_1 = arith.constant 0 : index
    %get3A_2 = vector.load %arg2[%get3A, %get3A_0, %get3A_1] : memref<1x128x1xf32, #tpu.memory_space<vmem>>, vector<1x128x1xf32>
    %get3A_3 = vector.shape_cast %get3A_2 : vector<1x128x1xf32> to vector<128x1xf32>
    %get3A_4 = arith.constant 0 : index
    %get3A_5 = arith.constant 0 : index
    %get3A_6 = arith.constant 0 : index
    %get3A_7 = vector.load %arg3[%get3A_4, %get3A_5, %get3A_6] : memref<1x128x1xf32, #tpu.memory_space<vmem>>, vector<1x128x1xf32>
    %get3A_8 = vector.shape_cast %get3A_7 : vector<1x128x1xf32> to vector<128x1xf32>
    %get3A_9 = arith.constant 0 : index
    %get3A_10 = arith.constant 0 : index
    %get3A_11 = arith.constant 0 : index
    %get3A_12 = vector.load %arg4[%get3A_9, %get3A_10, %get3A_11] : memref<1x128x1xf32, #tpu.memory_space<vmem>>, vector<1x128x1xf32>
    %get3A_13 = vector.shape_cast %get3A_12 : vector<1x128x1xf32> to vector<128x1xf32>
    %get3A_14 = arith.constant 0 : index
    %get3A_15 = arith.constant 0 : index
    %get3A_16 = arith.constant 0 : index
    %get3A_17 = vector.load %arg5[%get3A_14, %get3A_15, %get3A_16] : memref<1x1x8192xf32, #tpu.memory_space<vmem>>, vector<1x1x8192xf32>
    %get3A_18 = vector.shape_cast %get3A_17 : vector<1x1x8192xf32> to vector<1x8192xf32>
    %get3A_19 = arith.constant 0 : index
    %get3A_20 = arith.constant 0 : index
    %get3A_21 = arith.constant 0 : index
    %get3A_22 = vector.load %arg6[%get3A_19, %get3A_20, %get3A_21] : memref<1x1x8192xf32, #tpu.memory_space<vmem>>, vector<1x1x8192xf32>
    %get3A_23 = vector.shape_cast %get3A_22 : vector<1x1x8192xf32> to vector<1x8192xf32>
    %get3A_24 = arith.constant 0 : index
    %get3A_25 = arith.constant 0 : index
    %get3A_26 = arith.constant 0 : index
    %get3A_27 = vector.load %arg7[%get3A_24, %get3A_25, %get3A_26] : memref<1x1x8192xf32, #tpu.memory_space<vmem>>, vector<1x1x8192xf32>
    %get3A_28 = vector.shape_cast %get3A_27 : vector<1x1x8192xf32> to vector<1x8192xf32>
    %mul3A = arith.mulf %get3A_3, %get3A_3 : vector<128x1xf32>
    %mul3A_29 = arith.mulf %get3A_8, %get3A_8 : vector<128x1xf32>
    %add3A = arith.addf %mul3A, %mul3A_29 : vector<128x1xf32>
    %mul3A_30 = arith.mulf %get3A_13, %get3A_13 : vector<128x1xf32>
    %add3A_31 = arith.addf %add3A, %mul3A_30 : vector<128x1xf32>
    %mul3A_32 = arith.mulf %get3A_18, %get3A_18 : vector<1x8192xf32>
    %mul3A_33 = arith.mulf %get3A_23, %get3A_23 : vector<1x8192xf32>
    %add3A_34 = arith.addf %mul3A_32, %mul3A_33 : vector<1x8192xf32>
    %mul3A_35 = arith.mulf %get3A_28, %get3A_28 : vector<1x8192xf32>
    %add3A_36 = arith.addf %add3A_34, %mul3A_35 : vector<1x8192xf32>
    %convert_element_type3A = arith.truncf %get3A_3 : vector<128x1xf32> to vector<128x1xbf16>
    %convert_element_type3A_37 = arith.extf %convert_element_type3A : vector<128x1xbf16> to vector<128x1xf32>
    %convert_element_type3A_38 = arith.truncf %get3A_18 : vector<1x8192xf32> to vector<1x8192xbf16>
    %convert_element_type3A_39 = arith.extf %convert_element_type3A_38 : vector<1x8192xbf16> to vector<1x8192xf32>
    %mul3A_40 = vector.broadcast %convert_element_type3A_37 : vector<128x1xf32> to vector<128x8192xf32>
    %mul3A_41 = vector.broadcast %convert_element_type3A_39 : vector<1x8192xf32> to vector<128x8192xf32>
    %mul3A_42 = arith.mulf %mul3A_40, %mul3A_41 : vector<128x8192xf32>
    %convert_element_type3A_43 = arith.truncf %get3A_8 : vector<128x1xf32> to vector<128x1xbf16>
    %convert_element_type3A_44 = arith.extf %convert_element_type3A_43 : vector<128x1xbf16> to vector<128x1xf32>
    %convert_element_type3A_45 = arith.truncf %get3A_23 : vector<1x8192xf32> to vector<1x8192xbf16>
    %convert_element_type3A_46 = arith.extf %convert_element_type3A_45 : vector<1x8192xbf16> to vector<1x8192xf32>
    %mul3A_47 = vector.broadcast %convert_element_type3A_44 : vector<128x1xf32> to vector<128x8192xf32>
    %mul3A_48 = vector.broadcast %convert_element_type3A_46 : vector<1x8192xf32> to vector<128x8192xf32>
    %mul3A_49 = arith.mulf %mul3A_47, %mul3A_48 : vector<128x8192xf32>
    %add3A_50 = arith.addf %mul3A_42, %mul3A_49 : vector<128x8192xf32>
    %convert_element_type3A_51 = arith.truncf %get3A_13 : vector<128x1xf32> to vector<128x1xbf16>
    %convert_element_type3A_52 = arith.extf %convert_element_type3A_51 : vector<128x1xbf16> to vector<128x1xf32>
    %convert_element_type3A_53 = arith.truncf %get3A_28 : vector<1x8192xf32> to vector<1x8192xbf16>
    %convert_element_type3A_54 = arith.extf %convert_element_type3A_53 : vector<1x8192xbf16> to vector<1x8192xf32>
    %mul3A_55 = vector.broadcast %convert_element_type3A_52 : vector<128x1xf32> to vector<128x8192xf32>
    %mul3A_56 = vector.broadcast %convert_element_type3A_54 : vector<1x8192xf32> to vector<128x8192xf32>
    %mul3A_57 = arith.mulf %mul3A_55, %mul3A_56 : vector<128x8192xf32>
    %add3A_58 = arith.addf %add3A_50, %mul3A_57 : vector<128x8192xf32>
    %add3A_59 = vector.broadcast %add3A_31 : vector<128x1xf32> to vector<128x8192xf32>
    %add3A_60 = vector.broadcast %add3A_36 : vector<1x8192xf32> to vector<128x8192xf32>
    %add3A_61 = arith.addf %add3A_59, %add3A_60 : vector<128x8192xf32>
    %mul3A_62 = arith.constant 2.000000e+00 : f32
    %mul3A_63 = vector.broadcast %mul3A_62 : f32 to vector<128x8192xf32>
    %mul3A_64 = arith.mulf %mul3A_63, %add3A_58 : vector<128x8192xf32>
    %sub3A = arith.subf %add3A_61, %mul3A_64 : vector<128x8192xf32>
    %slice3A = vector.extract_strided_slice %sub3A {offsets = [0, 0], sizes = [128, 512], strides = [1, 1]} : vector<128x8192xf32> to vector<128x512xf32>
    %slice3A_65 = vector.extract_strided_slice %sub3A {offsets = [0, 512], sizes = [128, 512], strides = [1, 1]} : vector<128x8192xf32> to vector<128x512xf32>
    %min3A = arith.minimumf %slice3A, %slice3A_65 : vector<128x512xf32>
    %slice3A_66 = vector.extract_strided_slice %sub3A {offsets = [0, 1024], sizes = [128, 512], strides = [1, 1]} : vector<128x8192xf32> to vector<128x512xf32>
    %min3A_67 = arith.minimumf %min3A, %slice3A_66 : vector<128x512xf32>
    %slice3A_68 = vector.extract_strided_slice %sub3A {offsets = [0, 1536], sizes = [128, 512], strides = [1, 1]} : vector<128x8192xf32> to vector<128x512xf32>
    %min3A_69 = arith.minimumf %min3A_67, %slice3A_68 : vector<128x512xf32>
    %slice3A_70 = vector.extract_strided_slice %sub3A {offsets = [0, 2048], sizes = [128, 512], strides = [1, 1]} : vector<128x8192xf32> to vector<128x512xf32>
    %min3A_71 = arith.minimumf %min3A_69, %slice3A_70 : vector<128x512xf32>
    %slice3A_72 = vector.extract_strided_slice %sub3A {offsets = [0, 2560], sizes = [128, 512], strides = [1, 1]} : vector<128x8192xf32> to vector<128x512xf32>
    %min3A_73 = arith.minimumf %min3A_71, %slice3A_72 : vector<128x512xf32>
    %slice3A_74 = vector.extract_strided_slice %sub3A {offsets = [0, 3072], sizes = [128, 512], strides = [1, 1]} : vector<128x8192xf32> to vector<128x512xf32>
    %min3A_75 = arith.minimumf %min3A_73, %slice3A_74 : vector<128x512xf32>
    %slice3A_76 = vector.extract_strided_slice %sub3A {offsets = [0, 3584], sizes = [128, 512], strides = [1, 1]} : vector<128x8192xf32> to vector<128x512xf32>
    %min3A_77 = arith.minimumf %min3A_75, %slice3A_76 : vector<128x512xf32>
    %slice3A_78 = vector.extract_strided_slice %sub3A {offsets = [0, 4096], sizes = [128, 512], strides = [1, 1]} : vector<128x8192xf32> to vector<128x512xf32>
    %min3A_79 = arith.minimumf %min3A_77, %slice3A_78 : vector<128x512xf32>
    %slice3A_80 = vector.extract_strided_slice %sub3A {offsets = [0, 4608], sizes = [128, 512], strides = [1, 1]} : vector<128x8192xf32> to vector<128x512xf32>
    %min3A_81 = arith.minimumf %min3A_79, %slice3A_80 : vector<128x512xf32>
    %slice3A_82 = vector.extract_strided_slice %sub3A {offsets = [0, 5120], sizes = [128, 512], strides = [1, 1]} : vector<128x8192xf32> to vector<128x512xf32>
    %min3A_83 = arith.minimumf %min3A_81, %slice3A_82 : vector<128x512xf32>
    %slice3A_84 = vector.extract_strided_slice %sub3A {offsets = [0, 5632], sizes = [128, 512], strides = [1, 1]} : vector<128x8192xf32> to vector<128x512xf32>
    %min3A_85 = arith.minimumf %min3A_83, %slice3A_84 : vector<128x512xf32>
    %slice3A_86 = vector.extract_strided_slice %sub3A {offsets = [0, 6144], sizes = [128, 512], strides = [1, 1]} : vector<128x8192xf32> to vector<128x512xf32>
    %min3A_87 = arith.minimumf %min3A_85, %slice3A_86 : vector<128x512xf32>
    %slice3A_88 = vector.extract_strided_slice %sub3A {offsets = [0, 6656], sizes = [128, 512], strides = [1, 1]} : vector<128x8192xf32> to vector<128x512xf32>
    %min3A_89 = arith.minimumf %min3A_87, %slice3A_88 : vector<128x512xf32>
    %slice3A_90 = vector.extract_strided_slice %sub3A {offsets = [0, 7168], sizes = [128, 512], strides = [1, 1]} : vector<128x8192xf32> to vector<128x512xf32>
    %min3A_91 = arith.minimumf %min3A_89, %slice3A_90 : vector<128x512xf32>
    %slice3A_92 = vector.extract_strided_slice %sub3A {offsets = [0, 7680], sizes = [128, 512], strides = [1, 1]} : vector<128x8192xf32> to vector<128x512xf32>
    %min3A_93 = arith.minimumf %min3A_91, %slice3A_92 : vector<128x512xf32>
    %iota3A = tpu.iota {dimensions = array<i32: 1>} : vector<128x512xi32>
    %reduce_min3A = arith.constant dense<0x7F800000> : vector<128xf32>
    %reduce_min3A_94 = vector.multi_reduction <minimumf>, %min3A_93, %reduce_min3A [1] : vector<128x512xf32> to vector<128xf32>
    %broadcast_in_dim3A = vector.shape_cast %reduce_min3A_94 : vector<128xf32> to vector<128x1xf32>
    %eq3A = vector.broadcast %broadcast_in_dim3A : vector<128x1xf32> to vector<128x512xf32>
    %eq3A_95 = arith.cmpf oeq, %min3A_93, %eq3A : vector<128x512xf32>
    %jit3A = arith.constant 512 : i32
    %broadcast_in_dim3A_96 = vector.broadcast %jit3A : i32 to vector<128x512xi32>
    %select_n3A = arith.select %eq3A_95, %iota3A, %broadcast_in_dim3A_96 : vector<128x512xi1>, vector<128x512xi32>
    %reduce_min3A_97 = arith.constant dense<2147483647> : vector<128xi32>
    %reduce_min3A_98 = vector.multi_reduction <minsi>, %select_n3A, %reduce_min3A_97 [1] : vector<128x512xi32> to vector<128xi32>
    %broadcast_in_dim3A_99 = vector.shape_cast %reduce_min3A_98 : vector<128xi32> to vector<128x1xi32>
    %swap3A = arith.constant 0 : index
    %swap3A_100 = arith.constant 0 : index
    %swap3A_101 = arith.constant 0 : index
    %swap3A_102 = vector.load %arg8[%swap3A, %swap3A_100, %swap3A_101] : memref<1x128x32xi32, #tpu.memory_space<vmem>>, vector<1x128x1xi32>
    %swap3A_103 = vector.shape_cast %swap3A_102 : vector<1x128x1xi32> to vector<128x1xi32>
    %swap3A_104 = vector.shape_cast %broadcast_in_dim3A_99 : vector<128x1xi32> to vector<1x128x1xi32>
    tpu.vector_store %arg8[%swap3A, %swap3A_100, %swap3A_101], %swap3A_104 {strides = array<i32>} : memref<1x128x32xi32, #tpu.memory_space<vmem>>, vector<1x128x1xi32>,
    %eq3A_105 = vector.broadcast %broadcast_in_dim3A_99 : vector<128x1xi32> to vector<128x512xi32>
    %eq3A_106 = arith.cmpi eq, %iota3A, %eq3A_105 : vector<128x512xi32>
    %jit3A_107 = arith.constant 0x7F800000 : f32
    %broadcast_in_dim3A_108 = vector.broadcast %jit3A_107 : f32 to vector<128x512xf32>
    %select_n3A_109 = arith.select %eq3A_106, %broadcast_in_dim3A_108, %min3A_93 : vector<128x512xi1>, vector<128x512xf32>
    %reduce_min3A_110 = arith.constant dense<0x7F800000> : vector<128xf32>
    %reduce_min3A_111 = vector.multi_reduction <minimumf>, %select_n3A_109, %reduce_min3A_110 [1] : vector<128x512xf32> to vector<128xf32>
    %broadcast_in_dim3A_112 = vector.shape_cast %reduce_min3A_111 : vector<128xf32> to vector<128x1xf32>
    %eq3A_113 = vector.broadcast %broadcast_in_dim3A_112 : vector<128x1xf32> to vector<128x512xf32>
    %eq3A_114 = arith.cmpf oeq, %select_n3A_109, %eq3A_113 : vector<128x512xf32>
    %jit3A_115 = arith.constant 512 : i32
    %broadcast_in_dim3A_116 = vector.broadcast %jit3A_115 : i32 to vector<128x512xi32>
    %select_n3A_117 = arith.select %eq3A_114, %iota3A, %broadcast_in_dim3A_116 : vector<128x512xi1>, vector<128x512xi32>
    %reduce_min3A_118 = arith.constant dense<2147483647> : vector<128xi32>
    %reduce_min3A_119 = vector.multi_reduction <minsi>, %select_n3A_117, %reduce_min3A_118 [1] : vector<128x512xi32> to vector<128xi32>
    %broadcast_in_dim3A_120 = vector.shape_cast %reduce_min3A_119 : vector<128xi32> to vector<128x1xi32>
    %swap3A_121 = arith.constant 0 : index
    %swap3A_122 = arith.constant 0 : index
    %swap3A_123 = arith.constant 1 : index
    %swap3A_124 = vector.load %arg8[%swap3A_121, %swap3A_122, %swap3A_123] : memref<1x128x32xi32, #tpu.memory_space<vmem>>, vector<1x128x1xi32>
    %swap3A_125 = vector.shape_cast %swap3A_124 : vector<1x128x1xi32> to vector<128x1xi32>
    %swap3A_126 = vector.shape_cast %broadcast_in_dim3A_120 : vector<128x1xi32> to vector<1x128x1xi32>
    tpu.vector_store %arg8[%swap3A_121, %swap3A_122, %swap3A_123], %swap3A_126 {strides = array<i32>} : memref<1x128x32xi32, #tpu.memory_space<vmem>>, vector<1x128x1xi32>,
    %eq3A_127 = vector.broadcast %broadcast_in_dim3A_120 : vector<128x1xi32> to vector<128x512xi32>
    %eq3A_128 = arith.cmpi eq, %iota3A, %eq3A_127 : vector<128x512xi32>
    %jit3A_129 = arith.constant 0x7F800000 : f32
    %broadcast_in_dim3A_130 = vector.broadcast %jit3A_129 : f32 to vector<128x512xf32>
    %select_n3A_131 = arith.select %eq3A_128, %broadcast_in_dim3A_130, %select_n3A_109 : vector<128x512xi1>, vector<128x512xf32>
    %reduce_min3A_132 = arith.constant dense<0x7F800000> : vector<128xf32>
    %reduce_min3A_133 = vector.multi_reduction <minimumf>, %select_n3A_131, %reduce_min3A_132 [1] : vector<128x512xf32> to vector<128xf32>
    %broadcast_in_dim3A_134 = vector.shape_cast %reduce_min3A_133 : vector<128xf32> to vector<128x1xf32>
    %eq3A_135 = vector.broadcast %broadcast_in_dim3A_134 : vector<128x1xf32> to vector<128x512xf32>
    %eq3A_136 = arith.cmpf oeq, %select_n3A_131, %eq3A_135 : vector<128x512xf32>
    %jit3A_137 = arith.constant 512 : i32
    %broadcast_in_dim3A_138 = vector.broadcast %jit3A_137 : i32 to vector<128x512xi32>
    %select_n3A_139 = arith.select %eq3A_136, %iota3A, %broadcast_in_dim3A_138 : vector<128x512xi1>, vector<128x512xi32>
    %reduce_min3A_140 = arith.constant dense<2147483647> : vector<128xi32>
    %reduce_min3A_141 = vector.multi_reduction <minsi>, %select_n3A_139, %reduce_min3A_140 [1] : vector<128x512xi32> to vector<128xi32>
    %broadcast_in_dim3A_142 = vector.shape_cast %reduce_min3A_141 : vector<128xi32> to vector<128x1xi32>
    %swap3A_143 = arith.constant 0 : index
    %swap3A_144 = arith.constant 0 : index
    %swap3A_145 = arith.constant 2 : index
    %swap3A_146 = vector.load %arg8[%swap3A_143, %swap3A_144, %swap3A_145] : memref<1x128x32xi32, #tpu.memory_space<vmem>>, vector<1x128x1xi32>
    %swap3A_147 = vector.shape_cast %swap3A_146 : vector<1x128x1xi32> to vector<128x1xi32>
    %swap3A_148 = vector.shape_cast %broadcast_in_dim3A_142 : vector<128x1xi32> to vector<1x128x1xi32>
    tpu.vector_store %arg8[%swap3A_143, %swap3A_144, %swap3A_145], %swap3A_148 {strides = array<i32>} : memref<1x128x32xi32, #tpu.memory_space<vmem>>, vector<1x128x1xi32>,
    %eq3A_149 = vector.broadcast %broadcast_in_dim3A_142 : vector<128x1xi32> to vector<128x512xi32>
    %eq3A_150 = arith.cmpi eq, %iota3A, %eq3A_149 : vector<128x512xi32>
    %jit3A_151 = arith.constant 0x7F800000 : f32
    %broadcast_in_dim3A_152 = vector.broadcast %jit3A_151 : f32 to vector<128x512xf32>
    %select_n3A_153 = arith.select %eq3A_150, %broadcast_in_dim3A_152, %select_n3A_131 : vector<128x512xi1>, vector<128x512xf32>
    %reduce_min3A_154 = arith.constant dense<0x7F800000> : vector<128xf32>
    %reduce_min3A_155 = vector.multi_reduction <minimumf>, %select_n3A_153, %reduce_min3A_154 [1] : vector<128x512xf32> to vector<128xf32>
    %broadcast_in_dim3A_156 = vector.shape_cast %reduce_min3A_155 : vector<128xf32> to vector<128x1xf32>
    %eq3A_157 = vector.broadcast %broadcast_in_dim3A_156 : vector<128x1xf32> to vector<128x512xf32>
    %eq3A_158 = arith.cmpf oeq, %select_n3A_153, %eq3A_157 : vector<128x512xf32>
    %jit3A_159 = arith.constant 512 : i32
    %broadcast_in_dim3A_160 = vector.broadcast %jit3A_159 : i32 to vector<128x512xi32>
    %select_n3A_161 = arith.select %eq3A_158, %iota3A, %broadcast_in_dim3A_160 : vector<128x512xi1>, vector<128x512xi32>
    %reduce_min3A_162 = arith.constant dense<2147483647> : vector<128xi32>
    %reduce_min3A_163 = vector.multi_reduction <minsi>, %select_n3A_161, %reduce_min3A_162 [1] : vector<128x512xi32> to vector<128xi32>
    %broadcast_in_dim3A_164 = vector.shape_cast %reduce_min3A_163 : vector<128xi32> to vector<128x1xi32>
    %swap3A_165 = arith.constant 0 : index
    %swap3A_166 = arith.constant 0 : index
    %swap3A_167 = arith.constant 3 : index
    %swap3A_168 = vector.load %arg8[%swap3A_165, %swap3A_166, %swap3A_167] : memref<1x128x32xi32, #tpu.memory_space<vmem>>, vector<1x128x1xi32>
    %swap3A_169 = vector.shape_cast %swap3A_168 : vector<1x128x1xi32> to vector<128x1xi32>
    %swap3A_170 = vector.shape_cast %broadcast_in_dim3A_164 : vector<128x1xi32> to vector<1x128x1xi32>
    tpu.vector_store %arg8[%swap3A_165, %swap3A_166, %swap3A_167], %swap3A_170 {strides = array<i32>} : memref<1x128x32xi32, #tpu.memory_space<vmem>>, vector<1x128x1xi32>,
    %eq3A_171 = vector.broadcast %broadcast_in_dim3A_164 : vector<128x1xi32> to vector<128x512xi32>
    %eq3A_172 = arith.cmpi eq, %iota3A, %eq3A_171 : vector<128x512xi32>
    %jit3A_173 = arith.constant 0x7F800000 : f32
    %broadcast_in_dim3A_174 = vector.broadcast %jit3A_173 : f32 to vector<128x512xf32>
    %select_n3A_175 = arith.select %eq3A_172, %broadcast_in_dim3A_174, %select_n3A_153 : vector<128x512xi1>, vector<128x512xf32>
    %reduce_min3A_176 = arith.constant dense<0x7F800000> : vector<128xf32>
    %reduce_min3A_177 = vector.multi_reduction <minimumf>, %select_n3A_175, %reduce_min3A_176 [1] : vector<128x512xf32> to vector<128xf32>
    %broadcast_in_dim3A_178 = vector.shape_cast %reduce_min3A_177 : vector<128xf32> to vector<128x1xf32>
    %eq3A_179 = vector.broadcast %broadcast_in_dim3A_178 : vector<128x1xf32> to vector<128x512xf32>
    %eq3A_180 = arith.cmpf oeq, %select_n3A_175, %eq3A_179 : vector<128x512xf32>
    %jit3A_181 = arith.constant 512 : i32
    %broadcast_in_dim3A_182 = vector.broadcast %jit3A_181 : i32 to vector<128x512xi32>
    %select_n3A_183 = arith.select %eq3A_180, %iota3A, %broadcast_in_dim3A_182 : vector<128x512xi1>, vector<128x512xi32>
    %reduce_min3A_184 = arith.constant dense<2147483647> : vector<128xi32>
    %reduce_min3A_185 = vector.multi_reduction <minsi>, %select_n3A_183, %reduce_min3A_184 [1] : vector<128x512xi32> to vector<128xi32>
    %broadcast_in_dim3A_186 = vector.shape_cast %reduce_min3A_185 : vector<128xi32> to vector<128x1xi32>
    %swap3A_187 = arith.constant 0 : index
    %swap3A_188 = arith.constant 0 : index
    %swap3A_189 = arith.constant 4 : index
    %swap3A_190 = vector.load %arg8[%swap3A_187, %swap3A_188, %swap3A_189] : memref<1x128x32xi32, #tpu.memory_space<vmem>>, vector<1x128x1xi32>
    %swap3A_191 = vector.shape_cast %swap3A_190 : vector<1x128x1xi32> to vector<128x1xi32>
    %swap3A_192 = vector.shape_cast %broadcast_in_dim3A_186 : vector<128x1xi32> to vector<1x128x1xi32>
    tpu.vector_store %arg8[%swap3A_187, %swap3A_188, %swap3A_189], %swap3A_192 {strides = array<i32>} : memref<1x128x32xi32, #tpu.memory_space<vmem>>, vector<1x128x1xi32>,
    %eq3A_193 = vector.broadcast %broadcast_in_dim3A_186 : vector<128x1xi32> to vector<128x512xi32>
    %eq3A_194 = arith.cmpi eq, %iota3A, %eq3A_193 : vector<128x512xi32>
    %jit3A_195 = arith.constant 0x7F800000 : f32
    %broadcast_in_dim3A_196 = vector.broadcast %jit3A_195 : f32 to vector<128x512xf32>
    %select_n3A_197 = arith.select %eq3A_194, %broadcast_in_dim3A_196, %select_n3A_175 : vector<128x512xi1>, vector<128x512xf32>
    %reduce_min3A_198 = arith.constant dense<0x7F800000> : vector<128xf32>
    %reduce_min3A_199 = vector.multi_reduction <minimumf>, %select_n3A_197, %reduce_min3A_198 [1] : vector<128x512xf32> to vector<128xf32>
    %broadcast_in_dim3A_200 = vector.shape_cast %reduce_min3A_199 : vector<128xf32> to vector<128x1xf32>
    %eq3A_201 = vector.broadcast %broadcast_in_dim3A_200 : vector<128x1xf32> to vector<128x512xf32>
    %eq3A_202 = arith.cmpf oeq, %select_n3A_197, %eq3A_201 : vector<128x512xf32>
    %jit3A_203 = arith.constant 512 : i32
    %broadcast_in_dim3A_204 = vector.broadcast %jit3A_203 : i32 to vector<128x512xi32>
    %select_n3A_205 = arith.select %eq3A_202, %iota3A, %broadcast_in_dim3A_204 : vector<128x512xi1>, vector<128x512xi32>
    %reduce_min3A_206 = arith.constant dense<2147483647> : vector<128xi32>
    %reduce_min3A_207 = vector.multi_reduction <minsi>, %select_n3A_205, %reduce_min3A_206 [1] : vector<128x512xi32> to vector<128xi32>
    %broadcast_in_dim3A_208 = vector.shape_cast %reduce_min3A_207 : vector<128xi32> to vector<128x1xi32>
    %swap3A_209 = arith.constant 0 : index
    %swap3A_210 = arith.constant 0 : index
    %swap3A_211 = arith.constant 5 : index
    %swap3A_212 = vector.load %arg8[%swap3A_209, %swap3A_210, %swap3A_211] : memref<1x128x32xi32, #tpu.memory_space<vmem>>, vector<1x128x1xi32>
    %swap3A_213 = vector.shape_cast %swap3A_212 : vector<1x128x1xi32> to vector<128x1xi32>
    %swap3A_214 = vector.shape_cast %broadcast_in_dim3A_208 : vector<128x1xi32> to vector<1x128x1xi32>
    tpu.vector_store %arg8[%swap3A_209, %swap3A_210, %swap3A_211], %swap3A_214 {strides = array<i32>} : memref<1x128x32xi32, #tpu.memory_space<vmem>>, vector<1x128x1xi32>,
    %eq3A_215 = vector.broadcast %broadcast_in_dim3A_208 : vector<128x1xi32> to vector<128x512xi32>
    %eq3A_216 = arith.cmpi eq, %iota3A, %eq3A_215 : vector<128x512xi32>
    %jit3A_217 = arith.constant 0x7F800000 : f32
    %broadcast_in_dim3A_218 = vector.broadcast %jit3A_217 : f32 to vector<128x512xf32>
    %select_n3A_219 = arith.select %eq3A_216, %broadcast_in_dim3A_218, %select_n3A_197 : vector<128x512xi1>, vector<128x512xf32>
    %reduce_min3A_220 = arith.constant dense<0x7F800000> : vector<128xf32>
    %reduce_min3A_221 = vector.multi_reduction <minimumf>, %select_n3A_219, %reduce_min3A_220 [1] : vector<128x512xf32> to vector<128xf32>
    %broadcast_in_dim3A_222 = vector.shape_cast %reduce_min3A_221 : vector<128xf32> to vector<128x1xf32>
    %eq3A_223 = vector.broadcast %broadcast_in_dim3A_222 : vector<128x1xf32> to vector<128x512xf32>
    %eq3A_224 = arith.cmpf oeq, %select_n3A_219, %eq3A_223 : vector<128x512xf32>
    %jit3A_225 = arith.constant 512 : i32
    %broadcast_in_dim3A_226 = vector.broadcast %jit3A_225 : i32 to vector<128x512xi32>
    %select_n3A_227 = arith.select %eq3A_224, %iota3A, %broadcast_in_dim3A_226 : vector<128x512xi1>, vector<128x512xi32>
    %reduce_min3A_228 = arith.constant dense<2147483647> : vector<128xi32>
    %reduce_min3A_229 = vector.multi_reduction <minsi>, %select_n3A_227, %reduce_min3A_228 [1] : vector<128x512xi32> to vector<128xi32>
    %broadcast_in_dim3A_230 = vector.shape_cast %reduce_min3A_229 : vector<128xi32> to vector<128x1xi32>
    %swap3A_231 = arith.constant 0 : index
    %swap3A_232 = arith.constant 0 : index
    %swap3A_233 = arith.constant 6 : index
    %swap3A_234 = vector.load %arg8[%swap3A_231, %swap3A_232, %swap3A_233] : memref<1x128x32xi32, #tpu.memory_space<vmem>>, vector<1x128x1xi32>
    %swap3A_235 = vector.shape_cast %swap3A_234 : vector<1x128x1xi32> to vector<128x1xi32>
    %swap3A_236 = vector.shape_cast %broadcast_in_dim3A_230 : vector<128x1xi32> to vector<1x128x1xi32>
    tpu.vector_store %arg8[%swap3A_231, %swap3A_232, %swap3A_233], %swap3A_236 {strides = array<i32>} : memref<1x128x32xi32, #tpu.memory_space<vmem>>, vector<1x128x1xi32>,
    %eq3A_237 = vector.broadcast %broadcast_in_dim3A_230 : vector<128x1xi32> to vector<128x512xi32>
    %eq3A_238 = arith.cmpi eq, %iota3A, %eq3A_237 : vector<128x512xi32>
    %jit3A_239 = arith.constant 0x7F800000 : f32
    %broadcast_in_dim3A_240 = vector.broadcast %jit3A_239 : f32 to vector<128x512xf32>
    %select_n3A_241 = arith.select %eq3A_238, %broadcast_in_dim3A_240, %select_n3A_219 : vector<128x512xi1>, vector<128x512xf32>
    %reduce_min3A_242 = arith.constant dense<0x7F800000> : vector<128xf32>
    %reduce_min3A_243 = vector.multi_reduction <minimumf>, %select_n3A_241, %reduce_min3A_242 [1] : vector<128x512xf32> to vector<128xf32>
    %broadcast_in_dim3A_244 = vector.shape_cast %reduce_min3A_243 : vector<128xf32> to vector<128x1xf32>
    %eq3A_245 = vector.broadcast %broadcast_in_dim3A_244 : vector<128x1xf32> to vector<128x512xf32>
    %eq3A_246 = arith.cmpf oeq, %select_n3A_241, %eq3A_245 : vector<128x512xf32>
    %jit3A_247 = arith.constant 512 : i32
    %broadcast_in_dim3A_248 = vector.broadcast %jit3A_247 : i32 to vector<128x512xi32>
    %select_n3A_249 = arith.select %eq3A_246, %iota3A, %broadcast_in_dim3A_248 : vector<128x512xi1>, vector<128x512xi32>
    %reduce_min3A_250 = arith.constant dense<2147483647> : vector<128xi32>
    %reduce_min3A_251 = vector.multi_reduction <minsi>, %select_n3A_249, %reduce_min3A_250 [1] : vector<128x512xi32> to vector<128xi32>
    %broadcast_in_dim3A_252 = vector.shape_cast %reduce_min3A_251 : vector<128xi32> to vector<128x1xi32>
    %swap3A_253 = arith.constant 0 : index
    %swap3A_254 = arith.constant 0 : index
    %swap3A_255 = arith.constant 7 : index
    %swap3A_256 = vector.load %arg8[%swap3A_253, %swap3A_254, %swap3A_255] : memref<1x128x32xi32, #tpu.memory_space<vmem>>, vector<1x128x1xi32>
    %swap3A_257 = vector.shape_cast %swap3A_256 : vector<1x128x1xi32> to vector<128x1xi32>
    %swap3A_258 = vector.shape_cast %broadcast_in_dim3A_252 : vector<128x1xi32> to vector<1x128x1xi32>
    tpu.vector_store %arg8[%swap3A_253, %swap3A_254, %swap3A_255], %swap3A_258 {strides = array<i32>} : memref<1x128x32xi32, #tpu.memory_space<vmem>>, vector<1x128x1xi32>,
    %eq3A_259 = vector.broadcast %broadcast_in_dim3A_252 : vector<128x1xi32> to vector<128x512xi32>
    %eq3A_260 = arith.cmpi eq, %iota3A, %eq3A_259 : vector<128x512xi32>
    %jit3A_261 = arith.constant 0x7F800000 : f32
    %broadcast_in_dim3A_262 = vector.broadcast %jit3A_261 : f32 to vector<128x512xf32>
    %select_n3A_263 = arith.select %eq3A_260, %broadcast_in_dim3A_262, %select_n3A_241 : vector<128x512xi1>, vector<128x512xf32>
    %reduce_min3A_264 = arith.constant dense<0x7F800000> : vector<128xf32>
    %reduce_min3A_265 = vector.multi_reduction <minimumf>, %select_n3A_263, %reduce_min3A_264 [1] : vector<128x512xf32> to vector<128xf32>
    %broadcast_in_dim3A_266 = vector.shape_cast %reduce_min3A_265 : vector<128xf32> to vector<128x1xf32>
    %eq3A_267 = vector.broadcast %broadcast_in_dim3A_266 : vector<128x1xf32> to vector<128x512xf32>
    %eq3A_268 = arith.cmpf oeq, %select_n3A_263, %eq3A_267 : vector<128x512xf32>
    %jit3A_269 = arith.constant 512 : i32
    %broadcast_in_dim3A_270 = vector.broadcast %jit3A_269 : i32 to vector<128x512xi32>
    %select_n3A_271 = arith.select %eq3A_268, %iota3A, %broadcast_in_dim3A_270 : vector<128x512xi1>, vector<128x512xi32>
    %reduce_min3A_272 = arith.constant dense<2147483647> : vector<128xi32>
    %reduce_min3A_273 = vector.multi_reduction <minsi>, %select_n3A_271, %reduce_min3A_272 [1] : vector<128x512xi32> to vector<128xi32>
    %broadcast_in_dim3A_274 = vector.shape_cast %reduce_min3A_273 : vector<128xi32> to vector<128x1xi32>
    %swap3A_275 = arith.constant 0 : index
    %swap3A_276 = arith.constant 0 : index
    %swap3A_277 = arith.constant 8 : index
    %swap3A_278 = vector.load %arg8[%swap3A_275, %swap3A_276, %swap3A_277] : memref<1x128x32xi32, #tpu.memory_space<vmem>>, vector<1x128x1xi32>
    %swap3A_279 = vector.shape_cast %swap3A_278 : vector<1x128x1xi32> to vector<128x1xi32>
    %swap3A_280 = vector.shape_cast %broadcast_in_dim3A_274 : vector<128x1xi32> to vector<1x128x1xi32>
    tpu.vector_store %arg8[%swap3A_275, %swap3A_276, %swap3A_277], %swap3A_280 {strides = array<i32>} : memref<1x128x32xi32, #tpu.memory_space<vmem>>, vector<1x128x1xi32>,
    %eq3A_281 = vector.broadcast %broadcast_in_dim3A_274 : vector<128x1xi32> to vector<128x512xi32>
    %eq3A_282 = arith.cmpi eq, %iota3A, %eq3A_281 : vector<128x512xi32>
    %jit3A_283 = arith.constant 0x7F800000 : f32
    %broadcast_in_dim3A_284 = vector.broadcast %jit3A_283 : f32 to vector<128x512xf32>
    %select_n3A_285 = arith.select %eq3A_282, %broadcast_in_dim3A_284, %select_n3A_263 : vector<128x512xi1>, vector<128x512xf32>
    %reduce_min3A_286 = arith.constant dense<0x7F800000> : vector<128xf32>
    %reduce_min3A_287 = vector.multi_reduction <minimumf>, %select_n3A_285, %reduce_min3A_286 [1] : vector<128x512xf32> to vector<128xf32>
    %broadcast_in_dim3A_288 = vector.shape_cast %reduce_min3A_287 : vector<128xf32> to vector<128x1xf32>
    %eq3A_289 = vector.broadcast %broadcast_in_dim3A_288 : vector<128x1xf32> to vector<128x512xf32>
    %eq3A_290 = arith.cmpf oeq, %select_n3A_285, %eq3A_289 : vector<128x512xf32>
    %jit3A_291 = arith.constant 512 : i32
    %broadcast_in_dim3A_292 = vector.broadcast %jit3A_291 : i32 to vector<128x512xi32>
    %select_n3A_293 = arith.select %eq3A_290, %iota3A, %broadcast_in_dim3A_292 : vector<128x512xi1>, vector<128x512xi32>
    %reduce_min3A_294 = arith.constant dense<2147483647> : vector<128xi32>
    %reduce_min3A_295 = vector.multi_reduction <minsi>, %select_n3A_293, %reduce_min3A_294 [1] : vector<128x512xi32> to vector<128xi32>
    %broadcast_in_dim3A_296 = vector.shape_cast %reduce_min3A_295 : vector<128xi32> to vector<128x1xi32>
    %swap3A_297 = arith.constant 0 : index
    %swap3A_298 = arith.constant 0 : index
    %swap3A_299 = arith.constant 9 : index
    %swap3A_300 = vector.load %arg8[%swap3A_297, %swap3A_298, %swap3A_299] : memref<1x128x32xi32, #tpu.memory_space<vmem>>, vector<1x128x1xi32>
    %swap3A_301 = vector.shape_cast %swap3A_300 : vector<1x128x1xi32> to vector<128x1xi32>
    %swap3A_302 = vector.shape_cast %broadcast_in_dim3A_296 : vector<128x1xi32> to vector<1x128x1xi32>
    tpu.vector_store %arg8[%swap3A_297, %swap3A_298, %swap3A_299], %swap3A_302 {strides = array<i32>} : memref<1x128x32xi32, #tpu.memory_space<vmem>>, vector<1x128x1xi32>,
    %eq3A_303 = vector.broadcast %broadcast_in_dim3A_296 : vector<128x1xi32> to vector<128x512xi32>
    %eq3A_304 = arith.cmpi eq, %iota3A, %eq3A_303 : vector<128x512xi32>
    %jit3A_305 = arith.constant 0x7F800000 : f32
    %broadcast_in_dim3A_306 = vector.broadcast %jit3A_305 : f32 to vector<128x512xf32>
    %select_n3A_307 = arith.select %eq3A_304, %broadcast_in_dim3A_306, %select_n3A_285 : vector<128x512xi1>, vector<128x512xf32>
    %reduce_min3A_308 = arith.constant dense<0x7F800000> : vector<128xf32>
    %reduce_min3A_309 = vector.multi_reduction <minimumf>, %select_n3A_307, %reduce_min3A_308 [1] : vector<128x512xf32> to vector<128xf32>
    %broadcast_in_dim3A_310 = vector.shape_cast %reduce_min3A_309 : vector<128xf32> to vector<128x1xf32>
    %eq3A_311 = vector.broadcast %broadcast_in_dim3A_310 : vector<128x1xf32> to vector<128x512xf32>
    %eq3A_312 = arith.cmpf oeq, %select_n3A_307, %eq3A_311 : vector<128x512xf32>
    %jit3A_313 = arith.constant 512 : i32
    %broadcast_in_dim3A_314 = vector.broadcast %jit3A_313 : i32 to vector<128x512xi32>
    %select_n3A_315 = arith.select %eq3A_312, %iota3A, %broadcast_in_dim3A_314 : vector<128x512xi1>, vector<128x512xi32>
    %reduce_min3A_316 = arith.constant dense<2147483647> : vector<128xi32>
    %reduce_min3A_317 = vector.multi_reduction <minsi>, %select_n3A_315, %reduce_min3A_316 [1] : vector<128x512xi32> to vector<128xi32>
    %broadcast_in_dim3A_318 = vector.shape_cast %reduce_min3A_317 : vector<128xi32> to vector<128x1xi32>
    %swap3A_319 = arith.constant 0 : index
    %swap3A_320 = arith.constant 0 : index
    %swap3A_321 = arith.constant 10 : index
    %swap3A_322 = vector.load %arg8[%swap3A_319, %swap3A_320, %swap3A_321] : memref<1x128x32xi32, #tpu.memory_space<vmem>>, vector<1x128x1xi32>
    %swap3A_323 = vector.shape_cast %swap3A_322 : vector<1x128x1xi32> to vector<128x1xi32>
    %swap3A_324 = vector.shape_cast %broadcast_in_dim3A_318 : vector<128x1xi32> to vector<1x128x1xi32>
    tpu.vector_store %arg8[%swap3A_319, %swap3A_320, %swap3A_321], %swap3A_324 {strides = array<i32>} : memref<1x128x32xi32, #tpu.memory_space<vmem>>, vector<1x128x1xi32>,
    %eq3A_325 = vector.broadcast %broadcast_in_dim3A_318 : vector<128x1xi32> to vector<128x512xi32>
    %eq3A_326 = arith.cmpi eq, %iota3A, %eq3A_325 : vector<128x512xi32>
    %jit3A_327 = arith.constant 0x7F800000 : f32
    %broadcast_in_dim3A_328 = vector.broadcast %jit3A_327 : f32 to vector<128x512xf32>
    %select_n3A_329 = arith.select %eq3A_326, %broadcast_in_dim3A_328, %select_n3A_307 : vector<128x512xi1>, vector<128x512xf32>
    %reduce_min3A_330 = arith.constant dense<0x7F800000> : vector<128xf32>
    %reduce_min3A_331 = vector.multi_reduction <minimumf>, %select_n3A_329, %reduce_min3A_330 [1] : vector<128x512xf32> to vector<128xf32>
    %broadcast_in_dim3A_332 = vector.shape_cast %reduce_min3A_331 : vector<128xf32> to vector<128x1xf32>
    %eq3A_333 = vector.broadcast %broadcast_in_dim3A_332 : vector<128x1xf32> to vector<128x512xf32>
    %eq3A_334 = arith.cmpf oeq, %select_n3A_329, %eq3A_333 : vector<128x512xf32>
    %jit3A_335 = arith.constant 512 : i32
    %broadcast_in_dim3A_336 = vector.broadcast %jit3A_335 : i32 to vector<128x512xi32>
    %select_n3A_337 = arith.select %eq3A_334, %iota3A, %broadcast_in_dim3A_336 : vector<128x512xi1>, vector<128x512xi32>
    %reduce_min3A_338 = arith.constant dense<2147483647> : vector<128xi32>
    %reduce_min3A_339 = vector.multi_reduction <minsi>, %select_n3A_337, %reduce_min3A_338 [1] : vector<128x512xi32> to vector<128xi32>
    %broadcast_in_dim3A_340 = vector.shape_cast %reduce_min3A_339 : vector<128xi32> to vector<128x1xi32>
    %swap3A_341 = arith.constant 0 : index
    %swap3A_342 = arith.constant 0 : index
    %swap3A_343 = arith.constant 11 : index
    %swap3A_344 = vector.load %arg8[%swap3A_341, %swap3A_342, %swap3A_343] : memref<1x128x32xi32, #tpu.memory_space<vmem>>, vector<1x128x1xi32>
    %swap3A_345 = vector.shape_cast %swap3A_344 : vector<1x128x1xi32> to vector<128x1xi32>
    %swap3A_346 = vector.shape_cast %broadcast_in_dim3A_340 : vector<128x1xi32> to vector<1x128x1xi32>
    tpu.vector_store %arg8[%swap3A_341, %swap3A_342, %swap3A_343], %swap3A_346 {strides = array<i32>} : memref<1x128x32xi32, #tpu.memory_space<vmem>>, vector<1x128x1xi32>,
    %eq3A_347 = vector.broadcast %broadcast_in_dim3A_340 : vector<128x1xi32> to vector<128x512xi32>
    %eq3A_348 = arith.cmpi eq, %iota3A, %eq3A_347 : vector<128x512xi32>
    %jit3A_349 = arith.constant 0x7F800000 : f32
    %broadcast_in_dim3A_350 = vector.broadcast %jit3A_349 : f32 to vector<128x512xf32>
    %select_n3A_351 = arith.select %eq3A_348, %broadcast_in_dim3A_350, %select_n3A_329 : vector<128x512xi1>, vector<128x512xf32>
    %reduce_min3A_352 = arith.constant dense<0x7F800000> : vector<128xf32>
    %reduce_min3A_353 = vector.multi_reduction <minimumf>, %select_n3A_351, %reduce_min3A_352 [1] : vector<128x512xf32> to vector<128xf32>
    %broadcast_in_dim3A_354 = vector.shape_cast %reduce_min3A_353 : vector<128xf32> to vector<128x1xf32>
    %eq3A_355 = vector.broadcast %broadcast_in_dim3A_354 : vector<128x1xf32> to vector<128x512xf32>
    %eq3A_356 = arith.cmpf oeq, %select_n3A_351, %eq3A_355 : vector<128x512xf32>
    %jit3A_357 = arith.constant 512 : i32
    %broadcast_in_dim3A_358 = vector.broadcast %jit3A_357 : i32 to vector<128x512xi32>
    %select_n3A_359 = arith.select %eq3A_356, %iota3A, %broadcast_in_dim3A_358 : vector<128x512xi1>, vector<128x512xi32>
    %reduce_min3A_360 = arith.constant dense<2147483647> : vector<128xi32>
    %reduce_min3A_361 = vector.multi_reduction <minsi>, %select_n3A_359, %reduce_min3A_360 [1] : vector<128x512xi32> to vector<128xi32>
    %broadcast_in_dim3A_362 = vector.shape_cast %reduce_min3A_361 : vector<128xi32> to vector<128x1xi32>
    %swap3A_363 = arith.constant 0 : index
    %swap3A_364 = arith.constant 0 : index
    %swap3A_365 = arith.constant 12 : index
    %swap3A_366 = vector.load %arg8[%swap3A_363, %swap3A_364, %swap3A_365] : memref<1x128x32xi32, #tpu.memory_space<vmem>>, vector<1x128x1xi32>
    %swap3A_367 = vector.shape_cast %swap3A_366 : vector<1x128x1xi32> to vector<128x1xi32>
    %swap3A_368 = vector.shape_cast %broadcast_in_dim3A_362 : vector<128x1xi32> to vector<1x128x1xi32>
    tpu.vector_store %arg8[%swap3A_363, %swap3A_364, %swap3A_365], %swap3A_368 {strides = array<i32>} : memref<1x128x32xi32, #tpu.memory_space<vmem>>, vector<1x128x1xi32>,
    %eq3A_369 = vector.broadcast %broadcast_in_dim3A_362 : vector<128x1xi32> to vector<128x512xi32>
    %eq3A_370 = arith.cmpi eq, %iota3A, %eq3A_369 : vector<128x512xi32>
    %jit3A_371 = arith.constant 0x7F800000 : f32
    %broadcast_in_dim3A_372 = vector.broadcast %jit3A_371 : f32 to vector<128x512xf32>
    %select_n3A_373 = arith.select %eq3A_370, %broadcast_in_dim3A_372, %select_n3A_351 : vector<128x512xi1>, vector<128x512xf32>
    %reduce_min3A_374 = arith.constant dense<0x7F800000> : vector<128xf32>
    %reduce_min3A_375 = vector.multi_reduction <minimumf>, %select_n3A_373, %reduce_min3A_374 [1] : vector<128x512xf32> to vector<128xf32>
    %broadcast_in_dim3A_376 = vector.shape_cast %reduce_min3A_375 : vector<128xf32> to vector<128x1xf32>
    %eq3A_377 = vector.broadcast %broadcast_in_dim3A_376 : vector<128x1xf32> to vector<128x512xf32>
    %eq3A_378 = arith.cmpf oeq, %select_n3A_373, %eq3A_377 : vector<128x512xf32>
    %jit3A_379 = arith.constant 512 : i32
    %broadcast_in_dim3A_380 = vector.broadcast %jit3A_379 : i32 to vector<128x512xi32>
    %select_n3A_381 = arith.select %eq3A_378, %iota3A, %broadcast_in_dim3A_380 : vector<128x512xi1>, vector<128x512xi32>
    %reduce_min3A_382 = arith.constant dense<2147483647> : vector<128xi32>
    %reduce_min3A_383 = vector.multi_reduction <minsi>, %select_n3A_381, %reduce_min3A_382 [1] : vector<128x512xi32> to vector<128xi32>
    %broadcast_in_dim3A_384 = vector.shape_cast %reduce_min3A_383 : vector<128xi32> to vector<128x1xi32>
    %swap3A_385 = arith.constant 0 : index
    %swap3A_386 = arith.constant 0 : index
    %swap3A_387 = arith.constant 13 : index
    %swap3A_388 = vector.load %arg8[%swap3A_385, %swap3A_386, %swap3A_387] : memref<1x128x32xi32, #tpu.memory_space<vmem>>, vector<1x128x1xi32>
    %swap3A_389 = vector.shape_cast %swap3A_388 : vector<1x128x1xi32> to vector<128x1xi32>
    %swap3A_390 = vector.shape_cast %broadcast_in_dim3A_384 : vector<128x1xi32> to vector<1x128x1xi32>
    tpu.vector_store %arg8[%swap3A_385, %swap3A_386, %swap3A_387], %swap3A_390 {strides = array<i32>} : memref<1x128x32xi32, #tpu.memory_space<vmem>>, vector<1x128x1xi32>,
    %eq3A_391 = vector.broadcast %broadcast_in_dim3A_384 : vector<128x1xi32> to vector<128x512xi32>
    %eq3A_392 = arith.cmpi eq, %iota3A, %eq3A_391 : vector<128x512xi32>
    %jit3A_393 = arith.constant 0x7F800000 : f32
    %broadcast_in_dim3A_394 = vector.broadcast %jit3A_393 : f32 to vector<128x512xf32>
    %select_n3A_395 = arith.select %eq3A_392, %broadcast_in_dim3A_394, %select_n3A_373 : vector<128x512xi1>, vector<128x512xf32>
    %reduce_min3A_396 = arith.constant dense<0x7F800000> : vector<128xf32>
    %reduce_min3A_397 = vector.multi_reduction <minimumf>, %select_n3A_395, %reduce_min3A_396 [1] : vector<128x512xf32> to vector<128xf32>
    %broadcast_in_dim3A_398 = vector.shape_cast %reduce_min3A_397 : vector<128xf32> to vector<128x1xf32>
    %eq3A_399 = vector.broadcast %broadcast_in_dim3A_398 : vector<128x1xf32> to vector<128x512xf32>
    %eq3A_400 = arith.cmpf oeq, %select_n3A_395, %eq3A_399 : vector<128x512xf32>
    %jit3A_401 = arith.constant 512 : i32
    %broadcast_in_dim3A_402 = vector.broadcast %jit3A_401 : i32 to vector<128x512xi32>
    %select_n3A_403 = arith.select %eq3A_400, %iota3A, %broadcast_in_dim3A_402 : vector<128x512xi1>, vector<128x512xi32>
    %reduce_min3A_404 = arith.constant dense<2147483647> : vector<128xi32>
    %reduce_min3A_405 = vector.multi_reduction <minsi>, %select_n3A_403, %reduce_min3A_404 [1] : vector<128x512xi32> to vector<128xi32>
    %broadcast_in_dim3A_406 = vector.shape_cast %reduce_min3A_405 : vector<128xi32> to vector<128x1xi32>
    %swap3A_407 = arith.constant 0 : index
    %swap3A_408 = arith.constant 0 : index
    %swap3A_409 = arith.constant 14 : index
    %swap3A_410 = vector.load %arg8[%swap3A_407, %swap3A_408, %swap3A_409] : memref<1x128x32xi32, #tpu.memory_space<vmem>>, vector<1x128x1xi32>
    %swap3A_411 = vector.shape_cast %swap3A_410 : vector<1x128x1xi32> to vector<128x1xi32>
    %swap3A_412 = vector.shape_cast %broadcast_in_dim3A_406 : vector<128x1xi32> to vector<1x128x1xi32>
    tpu.vector_store %arg8[%swap3A_407, %swap3A_408, %swap3A_409], %swap3A_412 {strides = array<i32>} : memref<1x128x32xi32, #tpu.memory_space<vmem>>, vector<1x128x1xi32>,
    %eq3A_413 = vector.broadcast %broadcast_in_dim3A_406 : vector<128x1xi32> to vector<128x512xi32>
    %eq3A_414 = arith.cmpi eq, %iota3A, %eq3A_413 : vector<128x512xi32>
    %jit3A_415 = arith.constant 0x7F800000 : f32
    %broadcast_in_dim3A_416 = vector.broadcast %jit3A_415 : f32 to vector<128x512xf32>
    %select_n3A_417 = arith.select %eq3A_414, %broadcast_in_dim3A_416, %select_n3A_395 : vector<128x512xi1>, vector<128x512xf32>
    %reduce_min3A_418 = arith.constant dense<0x7F800000> : vector<128xf32>
    %reduce_min3A_419 = vector.multi_reduction <minimumf>, %select_n3A_417, %reduce_min3A_418 [1] : vector<128x512xf32> to vector<128xf32>
    %broadcast_in_dim3A_420 = vector.shape_cast %reduce_min3A_419 : vector<128xf32> to vector<128x1xf32>
    %eq3A_421 = vector.broadcast %broadcast_in_dim3A_420 : vector<128x1xf32> to vector<128x512xf32>
    %eq3A_422 = arith.cmpf oeq, %select_n3A_417, %eq3A_421 : vector<128x512xf32>
    %jit3A_423 = arith.constant 512 : i32
    %broadcast_in_dim3A_424 = vector.broadcast %jit3A_423 : i32 to vector<128x512xi32>
    %select_n3A_425 = arith.select %eq3A_422, %iota3A, %broadcast_in_dim3A_424 : vector<128x512xi1>, vector<128x512xi32>
    %reduce_min3A_426 = arith.constant dense<2147483647> : vector<128xi32>
    %reduce_min3A_427 = vector.multi_reduction <minsi>, %select_n3A_425, %reduce_min3A_426 [1] : vector<128x512xi32> to vector<128xi32>
    %broadcast_in_dim3A_428 = vector.shape_cast %reduce_min3A_427 : vector<128xi32> to vector<128x1xi32>
    %swap3A_429 = arith.constant 0 : index
    %swap3A_430 = arith.constant 0 : index
    %swap3A_431 = arith.constant 15 : index
    %swap3A_432 = vector.load %arg8[%swap3A_429, %swap3A_430, %swap3A_431] : memref<1x128x32xi32, #tpu.memory_space<vmem>>, vector<1x128x1xi32>
    %swap3A_433 = vector.shape_cast %swap3A_432 : vector<1x128x1xi32> to vector<128x1xi32>
    %swap3A_434 = vector.shape_cast %broadcast_in_dim3A_428 : vector<128x1xi32> to vector<1x128x1xi32>
    tpu.vector_store %arg8[%swap3A_429, %swap3A_430, %swap3A_431], %swap3A_434 {strides = array<i32>} : memref<1x128x32xi32, #tpu.memory_space<vmem>>, vector<1x128x1xi32>,
    %eq3A_435 = vector.broadcast %broadcast_in_dim3A_428 : vector<128x1xi32> to vector<128x512xi32>
    %eq3A_436 = arith.cmpi eq, %iota3A, %eq3A_435 : vector<128x512xi32>
    %jit3A_437 = arith.constant 0x7F800000 : f32
    %broadcast_in_dim3A_438 = vector.broadcast %jit3A_437 : f32 to vector<128x512xf32>
    %select_n3A_439 = arith.select %eq3A_436, %broadcast_in_dim3A_438, %select_n3A_417 : vector<128x512xi1>, vector<128x512xf32>
    %reduce_min3A_440 = arith.constant dense<0x7F800000> : vector<128xf32>
    %reduce_min3A_441 = vector.multi_reduction <minimumf>, %select_n3A_439, %reduce_min3A_440 [1] : vector<128x512xf32> to vector<128xf32>
    %broadcast_in_dim3A_442 = vector.shape_cast %reduce_min3A_441 : vector<128xf32> to vector<128x1xf32>
    %eq3A_443 = vector.broadcast %broadcast_in_dim3A_442 : vector<128x1xf32> to vector<128x512xf32>
    %eq3A_444 = arith.cmpf oeq, %select_n3A_439, %eq3A_443 : vector<128x512xf32>
    %jit3A_445 = arith.constant 512 : i32
    %broadcast_in_dim3A_446 = vector.broadcast %jit3A_445 : i32 to vector<128x512xi32>
    %select_n3A_447 = arith.select %eq3A_444, %iota3A, %broadcast_in_dim3A_446 : vector<128x512xi1>, vector<128x512xi32>
    %reduce_min3A_448 = arith.constant dense<2147483647> : vector<128xi32>
    %reduce_min3A_449 = vector.multi_reduction <minsi>, %select_n3A_447, %reduce_min3A_448 [1] : vector<128x512xi32> to vector<128xi32>
    %broadcast_in_dim3A_450 = vector.shape_cast %reduce_min3A_449 : vector<128xi32> to vector<128x1xi32>
    %swap3A_451 = arith.constant 0 : index
    %swap3A_452 = arith.constant 0 : index
    %swap3A_453 = arith.constant 16 : index
    %swap3A_454 = vector.load %arg8[%swap3A_451, %swap3A_452, %swap3A_453] : memref<1x128x32xi32, #tpu.memory_space<vmem>>, vector<1x128x1xi32>
    %swap3A_455 = vector.shape_cast %swap3A_454 : vector<1x128x1xi32> to vector<128x1xi32>
    %swap3A_456 = vector.shape_cast %broadcast_in_dim3A_450 : vector<128x1xi32> to vector<1x128x1xi32>
    tpu.vector_store %arg8[%swap3A_451, %swap3A_452, %swap3A_453], %swap3A_456 {strides = array<i32>} : memref<1x128x32xi32, #tpu.memory_space<vmem>>, vector<1x128x1xi32>,
    %eq3A_457 = vector.broadcast %broadcast_in_dim3A_450 : vector<128x1xi32> to vector<128x512xi32>
    %eq3A_458 = arith.cmpi eq, %iota3A, %eq3A_457 : vector<128x512xi32>
    %jit3A_459 = arith.constant 0x7F800000 : f32
    %broadcast_in_dim3A_460 = vector.broadcast %jit3A_459 : f32 to vector<128x512xf32>
    %select_n3A_461 = arith.select %eq3A_458, %broadcast_in_dim3A_460, %select_n3A_439 : vector<128x512xi1>, vector<128x512xf32>
    %reduce_min3A_462 = arith.constant dense<0x7F800000> : vector<128xf32>
    %reduce_min3A_463 = vector.multi_reduction <minimumf>, %select_n3A_461, %reduce_min3A_462 [1] : vector<128x512xf32> to vector<128xf32>
    %broadcast_in_dim3A_464 = vector.shape_cast %reduce_min3A_463 : vector<128xf32> to vector<128x1xf32>
    %eq3A_465 = vector.broadcast %broadcast_in_dim3A_464 : vector<128x1xf32> to vector<128x512xf32>
    %eq3A_466 = arith.cmpf oeq, %select_n3A_461, %eq3A_465 : vector<128x512xf32>
    %jit3A_467 = arith.constant 512 : i32
    %broadcast_in_dim3A_468 = vector.broadcast %jit3A_467 : i32 to vector<128x512xi32>
    %select_n3A_469 = arith.select %eq3A_466, %iota3A, %broadcast_in_dim3A_468 : vector<128x512xi1>, vector<128x512xi32>
    %reduce_min3A_470 = arith.constant dense<2147483647> : vector<128xi32>
    %reduce_min3A_471 = vector.multi_reduction <minsi>, %select_n3A_469, %reduce_min3A_470 [1] : vector<128x512xi32> to vector<128xi32>
    %broadcast_in_dim3A_472 = vector.shape_cast %reduce_min3A_471 : vector<128xi32> to vector<128x1xi32>
    %swap3A_473 = arith.constant 0 : index
    %swap3A_474 = arith.constant 0 : index
    %swap3A_475 = arith.constant 17 : index
    %swap3A_476 = vector.load %arg8[%swap3A_473, %swap3A_474, %swap3A_475] : memref<1x128x32xi32, #tpu.memory_space<vmem>>, vector<1x128x1xi32>
    %swap3A_477 = vector.shape_cast %swap3A_476 : vector<1x128x1xi32> to vector<128x1xi32>
    %swap3A_478 = vector.shape_cast %broadcast_in_dim3A_472 : vector<128x1xi32> to vector<1x128x1xi32>
    tpu.vector_store %arg8[%swap3A_473, %swap3A_474, %swap3A_475], %swap3A_478 {strides = array<i32>} : memref<1x128x32xi32, #tpu.memory_space<vmem>>, vector<1x128x1xi32>,
    %eq3A_479 = vector.broadcast %broadcast_in_dim3A_472 : vector<128x1xi32> to vector<128x512xi32>
    %eq3A_480 = arith.cmpi eq, %iota3A, %eq3A_479 : vector<128x512xi32>
    %jit3A_481 = arith.constant 0x7F800000 : f32
    %broadcast_in_dim3A_482 = vector.broadcast %jit3A_481 : f32 to vector<128x512xf32>
    %select_n3A_483 = arith.select %eq3A_480, %broadcast_in_dim3A_482, %select_n3A_461 : vector<128x512xi1>, vector<128x512xf32>
    %reduce_min3A_484 = arith.constant dense<0x7F800000> : vector<128xf32>
    %reduce_min3A_485 = vector.multi_reduction <minimumf>, %select_n3A_483, %reduce_min3A_484 [1] : vector<128x512xf32> to vector<128xf32>
    %broadcast_in_dim3A_486 = vector.shape_cast %reduce_min3A_485 : vector<128xf32> to vector<128x1xf32>
    %eq3A_487 = vector.broadcast %broadcast_in_dim3A_486 : vector<128x1xf32> to vector<128x512xf32>
    %eq3A_488 = arith.cmpf oeq, %select_n3A_483, %eq3A_487 : vector<128x512xf32>
    %jit3A_489 = arith.constant 512 : i32
    %broadcast_in_dim3A_490 = vector.broadcast %jit3A_489 : i32 to vector<128x512xi32>
    %select_n3A_491 = arith.select %eq3A_488, %iota3A, %broadcast_in_dim3A_490 : vector<128x512xi1>, vector<128x512xi32>
    %reduce_min3A_492 = arith.constant dense<2147483647> : vector<128xi32>
    %reduce_min3A_493 = vector.multi_reduction <minsi>, %select_n3A_491, %reduce_min3A_492 [1] : vector<128x512xi32> to vector<128xi32>
    %broadcast_in_dim3A_494 = vector.shape_cast %reduce_min3A_493 : vector<128xi32> to vector<128x1xi32>
    %swap3A_495 = arith.constant 0 : index
    %swap3A_496 = arith.constant 0 : index
    %swap3A_497 = arith.constant 18 : index
    %swap3A_498 = vector.load %arg8[%swap3A_495, %swap3A_496, %swap3A_497] : memref<1x128x32xi32, #tpu.memory_space<vmem>>, vector<1x128x1xi32>
    %swap3A_499 = vector.shape_cast %swap3A_498 : vector<1x128x1xi32> to vector<128x1xi32>
    %swap3A_500 = vector.shape_cast %broadcast_in_dim3A_494 : vector<128x1xi32> to vector<1x128x1xi32>
    tpu.vector_store %arg8[%swap3A_495, %swap3A_496, %swap3A_497], %swap3A_500 {strides = array<i32>} : memref<1x128x32xi32, #tpu.memory_space<vmem>>, vector<1x128x1xi32>,
    %eq3A_501 = vector.broadcast %broadcast_in_dim3A_494 : vector<128x1xi32> to vector<128x512xi32>
    %eq3A_502 = arith.cmpi eq, %iota3A, %eq3A_501 : vector<128x512xi32>
    %jit3A_503 = arith.constant 0x7F800000 : f32
    %broadcast_in_dim3A_504 = vector.broadcast %jit3A_503 : f32 to vector<128x512xf32>
    %select_n3A_505 = arith.select %eq3A_502, %broadcast_in_dim3A_504, %select_n3A_483 : vector<128x512xi1>, vector<128x512xf32>
    %reduce_min3A_506 = arith.constant dense<0x7F800000> : vector<128xf32>
    %reduce_min3A_507 = vector.multi_reduction <minimumf>, %select_n3A_505, %reduce_min3A_506 [1] : vector<128x512xf32> to vector<128xf32>
    %broadcast_in_dim3A_508 = vector.shape_cast %reduce_min3A_507 : vector<128xf32> to vector<128x1xf32>
    %eq3A_509 = vector.broadcast %broadcast_in_dim3A_508 : vector<128x1xf32> to vector<128x512xf32>
    %eq3A_510 = arith.cmpf oeq, %select_n3A_505, %eq3A_509 : vector<128x512xf32>
    %jit3A_511 = arith.constant 512 : i32
    %broadcast_in_dim3A_512 = vector.broadcast %jit3A_511 : i32 to vector<128x512xi32>
    %select_n3A_513 = arith.select %eq3A_510, %iota3A, %broadcast_in_dim3A_512 : vector<128x512xi1>, vector<128x512xi32>
    %reduce_min3A_514 = arith.constant dense<2147483647> : vector<128xi32>
    %reduce_min3A_515 = vector.multi_reduction <minsi>, %select_n3A_513, %reduce_min3A_514 [1] : vector<128x512xi32> to vector<128xi32>
    %broadcast_in_dim3A_516 = vector.shape_cast %reduce_min3A_515 : vector<128xi32> to vector<128x1xi32>
    %swap3A_517 = arith.constant 0 : index
    %swap3A_518 = arith.constant 0 : index
    %swap3A_519 = arith.constant 19 : index
    %swap3A_520 = vector.load %arg8[%swap3A_517, %swap3A_518, %swap3A_519] : memref<1x128x32xi32, #tpu.memory_space<vmem>>, vector<1x128x1xi32>
    %swap3A_521 = vector.shape_cast %swap3A_520 : vector<1x128x1xi32> to vector<128x1xi32>
    %swap3A_522 = vector.shape_cast %broadcast_in_dim3A_516 : vector<128x1xi32> to vector<1x128x1xi32>
    tpu.vector_store %arg8[%swap3A_517, %swap3A_518, %swap3A_519], %swap3A_522 {strides = array<i32>} : memref<1x128x32xi32, #tpu.memory_space<vmem>>, vector<1x128x1xi32>,
    %eq3A_523 = vector.broadcast %broadcast_in_dim3A_516 : vector<128x1xi32> to vector<128x512xi32>
    %eq3A_524 = arith.cmpi eq, %iota3A, %eq3A_523 : vector<128x512xi32>
    %jit3A_525 = arith.constant 0x7F800000 : f32
    %broadcast_in_dim3A_526 = vector.broadcast %jit3A_525 : f32 to vector<128x512xf32>
    %select_n3A_527 = arith.select %eq3A_524, %broadcast_in_dim3A_526, %select_n3A_505 : vector<128x512xi1>, vector<128x512xf32>
    %reduce_min3A_528 = arith.constant dense<0x7F800000> : vector<128xf32>
    %reduce_min3A_529 = vector.multi_reduction <minimumf>, %select_n3A_527, %reduce_min3A_528 [1] : vector<128x512xf32> to vector<128xf32>
    %broadcast_in_dim3A_530 = vector.shape_cast %reduce_min3A_529 : vector<128xf32> to vector<128x1xf32>
    %eq3A_531 = vector.broadcast %broadcast_in_dim3A_530 : vector<128x1xf32> to vector<128x512xf32>
    %eq3A_532 = arith.cmpf oeq, %select_n3A_527, %eq3A_531 : vector<128x512xf32>
    %jit3A_533 = arith.constant 512 : i32
    %broadcast_in_dim3A_534 = vector.broadcast %jit3A_533 : i32 to vector<128x512xi32>
    %select_n3A_535 = arith.select %eq3A_532, %iota3A, %broadcast_in_dim3A_534 : vector<128x512xi1>, vector<128x512xi32>
    %reduce_min3A_536 = arith.constant dense<2147483647> : vector<128xi32>
    %reduce_min3A_537 = vector.multi_reduction <minsi>, %select_n3A_535, %reduce_min3A_536 [1] : vector<128x512xi32> to vector<128xi32>
    %broadcast_in_dim3A_538 = vector.shape_cast %reduce_min3A_537 : vector<128xi32> to vector<128x1xi32>
    %swap3A_539 = arith.constant 0 : index
    %swap3A_540 = arith.constant 0 : index
    %swap3A_541 = arith.constant 20 : index
    %swap3A_542 = vector.load %arg8[%swap3A_539, %swap3A_540, %swap3A_541] : memref<1x128x32xi32, #tpu.memory_space<vmem>>, vector<1x128x1xi32>
    %swap3A_543 = vector.shape_cast %swap3A_542 : vector<1x128x1xi32> to vector<128x1xi32>
    %swap3A_544 = vector.shape_cast %broadcast_in_dim3A_538 : vector<128x1xi32> to vector<1x128x1xi32>
    tpu.vector_store %arg8[%swap3A_539, %swap3A_540, %swap3A_541], %swap3A_544 {strides = array<i32>} : memref<1x128x32xi32, #tpu.memory_space<vmem>>, vector<1x128x1xi32>,
    %eq3A_545 = vector.broadcast %broadcast_in_dim3A_538 : vector<128x1xi32> to vector<128x512xi32>
    %eq3A_546 = arith.cmpi eq, %iota3A, %eq3A_545 : vector<128x512xi32>
    %jit3A_547 = arith.constant 0x7F800000 : f32
    %broadcast_in_dim3A_548 = vector.broadcast %jit3A_547 : f32 to vector<128x512xf32>
    %select_n3A_549 = arith.select %eq3A_546, %broadcast_in_dim3A_548, %select_n3A_527 : vector<128x512xi1>, vector<128x512xf32>
    %reduce_min3A_550 = arith.constant dense<0x7F800000> : vector<128xf32>
    %reduce_min3A_551 = vector.multi_reduction <minimumf>, %select_n3A_549, %reduce_min3A_550 [1] : vector<128x512xf32> to vector<128xf32>
    %broadcast_in_dim3A_552 = vector.shape_cast %reduce_min3A_551 : vector<128xf32> to vector<128x1xf32>
    %eq3A_553 = vector.broadcast %broadcast_in_dim3A_552 : vector<128x1xf32> to vector<128x512xf32>
    %eq3A_554 = arith.cmpf oeq, %select_n3A_549, %eq3A_553 : vector<128x512xf32>
    %jit3A_555 = arith.constant 512 : i32
    %broadcast_in_dim3A_556 = vector.broadcast %jit3A_555 : i32 to vector<128x512xi32>
    %select_n3A_557 = arith.select %eq3A_554, %iota3A, %broadcast_in_dim3A_556 : vector<128x512xi1>, vector<128x512xi32>
    %reduce_min3A_558 = arith.constant dense<2147483647> : vector<128xi32>
    %reduce_min3A_559 = vector.multi_reduction <minsi>, %select_n3A_557, %reduce_min3A_558 [1] : vector<128x512xi32> to vector<128xi32>
    %broadcast_in_dim3A_560 = vector.shape_cast %reduce_min3A_559 : vector<128xi32> to vector<128x1xi32>
    %swap3A_561 = arith.constant 0 : index
    %swap3A_562 = arith.constant 0 : index
    %swap3A_563 = arith.constant 21 : index
    %swap3A_564 = vector.load %arg8[%swap3A_561, %swap3A_562, %swap3A_563] : memref<1x128x32xi32, #tpu.memory_space<vmem>>, vector<1x128x1xi32>
    %swap3A_565 = vector.shape_cast %swap3A_564 : vector<1x128x1xi32> to vector<128x1xi32>
    %swap3A_566 = vector.shape_cast %broadcast_in_dim3A_560 : vector<128x1xi32> to vector<1x128x1xi32>
    tpu.vector_store %arg8[%swap3A_561, %swap3A_562, %swap3A_563], %swap3A_566 {strides = array<i32>} : memref<1x128x32xi32, #tpu.memory_space<vmem>>, vector<1x128x1xi32>,
    %eq3A_567 = vector.broadcast %broadcast_in_dim3A_560 : vector<128x1xi32> to vector<128x512xi32>
    %eq3A_568 = arith.cmpi eq, %iota3A, %eq3A_567 : vector<128x512xi32>
    %jit3A_569 = arith.constant 0x7F800000 : f32
    %broadcast_in_dim3A_570 = vector.broadcast %jit3A_569 : f32 to vector<128x512xf32>
    %select_n3A_571 = arith.select %eq3A_568, %broadcast_in_dim3A_570, %select_n3A_549 : vector<128x512xi1>, vector<128x512xf32>
    %reduce_min3A_572 = arith.constant dense<0x7F800000> : vector<128xf32>
    %reduce_min3A_573 = vector.multi_reduction <minimumf>, %select_n3A_571, %reduce_min3A_572 [1] : vector<128x512xf32> to vector<128xf32>
    %broadcast_in_dim3A_574 = vector.shape_cast %reduce_min3A_573 : vector<128xf32> to vector<128x1xf32>
    %eq3A_575 = vector.broadcast %broadcast_in_dim3A_574 : vector<128x1xf32> to vector<128x512xf32>
    %eq3A_576 = arith.cmpf oeq, %select_n3A_571, %eq3A_575 : vector<128x512xf32>
    %jit3A_577 = arith.constant 512 : i32
    %broadcast_in_dim3A_578 = vector.broadcast %jit3A_577 : i32 to vector<128x512xi32>
    %select_n3A_579 = arith.select %eq3A_576, %iota3A, %broadcast_in_dim3A_578 : vector<128x512xi1>, vector<128x512xi32>
    %reduce_min3A_580 = arith.constant dense<2147483647> : vector<128xi32>
    %reduce_min3A_581 = vector.multi_reduction <minsi>, %select_n3A_579, %reduce_min3A_580 [1] : vector<128x512xi32> to vector<128xi32>
    %broadcast_in_dim3A_582 = vector.shape_cast %reduce_min3A_581 : vector<128xi32> to vector<128x1xi32>
    %swap3A_583 = arith.constant 0 : index
    %swap3A_584 = arith.constant 0 : index
    %swap3A_585 = arith.constant 22 : index
    %swap3A_586 = vector.load %arg8[%swap3A_583, %swap3A_584, %swap3A_585] : memref<1x128x32xi32, #tpu.memory_space<vmem>>, vector<1x128x1xi32>
    %swap3A_587 = vector.shape_cast %swap3A_586 : vector<1x128x1xi32> to vector<128x1xi32>
    %swap3A_588 = vector.shape_cast %broadcast_in_dim3A_582 : vector<128x1xi32> to vector<1x128x1xi32>
    tpu.vector_store %arg8[%swap3A_583, %swap3A_584, %swap3A_585], %swap3A_588 {strides = array<i32>} : memref<1x128x32xi32, #tpu.memory_space<vmem>>, vector<1x128x1xi32>,
    %eq3A_589 = vector.broadcast %broadcast_in_dim3A_582 : vector<128x1xi32> to vector<128x512xi32>
    %eq3A_590 = arith.cmpi eq, %iota3A, %eq3A_589 : vector<128x512xi32>
    %jit3A_591 = arith.constant 0x7F800000 : f32
    %broadcast_in_dim3A_592 = vector.broadcast %jit3A_591 : f32 to vector<128x512xf32>
    %select_n3A_593 = arith.select %eq3A_590, %broadcast_in_dim3A_592, %select_n3A_571 : vector<128x512xi1>, vector<128x512xf32>
    %reduce_min3A_594 = arith.constant dense<0x7F800000> : vector<128xf32>
    %reduce_min3A_595 = vector.multi_reduction <minimumf>, %select_n3A_593, %reduce_min3A_594 [1] : vector<128x512xf32> to vector<128xf32>
    %broadcast_in_dim3A_596 = vector.shape_cast %reduce_min3A_595 : vector<128xf32> to vector<128x1xf32>
    %eq3A_597 = vector.broadcast %broadcast_in_dim3A_596 : vector<128x1xf32> to vector<128x512xf32>
    %eq3A_598 = arith.cmpf oeq, %select_n3A_593, %eq3A_597 : vector<128x512xf32>
    %jit3A_599 = arith.constant 512 : i32
    %broadcast_in_dim3A_600 = vector.broadcast %jit3A_599 : i32 to vector<128x512xi32>
    %select_n3A_601 = arith.select %eq3A_598, %iota3A, %broadcast_in_dim3A_600 : vector<128x512xi1>, vector<128x512xi32>
    %reduce_min3A_602 = arith.constant dense<2147483647> : vector<128xi32>
    %reduce_min3A_603 = vector.multi_reduction <minsi>, %select_n3A_601, %reduce_min3A_602 [1] : vector<128x512xi32> to vector<128xi32>
    %broadcast_in_dim3A_604 = vector.shape_cast %reduce_min3A_603 : vector<128xi32> to vector<128x1xi32>
    %swap3A_605 = arith.constant 0 : index
    %swap3A_606 = arith.constant 0 : index
    %swap3A_607 = arith.constant 23 : index
    %swap3A_608 = vector.load %arg8[%swap3A_605, %swap3A_606, %swap3A_607] : memref<1x128x32xi32, #tpu.memory_space<vmem>>, vector<1x128x1xi32>
    %swap3A_609 = vector.shape_cast %swap3A_608 : vector<1x128x1xi32> to vector<128x1xi32>
    %swap3A_610 = vector.shape_cast %broadcast_in_dim3A_604 : vector<128x1xi32> to vector<1x128x1xi32>
    tpu.vector_store %arg8[%swap3A_605, %swap3A_606, %swap3A_607], %swap3A_610 {strides = array<i32>} : memref<1x128x32xi32, #tpu.memory_space<vmem>>, vector<1x128x1xi32>,
    %eq3A_611 = vector.broadcast %broadcast_in_dim3A_604 : vector<128x1xi32> to vector<128x512xi32>
    %eq3A_612 = arith.cmpi eq, %iota3A, %eq3A_611 : vector<128x512xi32>
    %jit3A_613 = arith.constant 0x7F800000 : f32
    %broadcast_in_dim3A_614 = vector.broadcast %jit3A_613 : f32 to vector<128x512xf32>
    %select_n3A_615 = arith.select %eq3A_612, %broadcast_in_dim3A_614, %select_n3A_593 : vector<128x512xi1>, vector<128x512xf32>
    %reduce_min3A_616 = arith.constant dense<0x7F800000> : vector<128xf32>
    %reduce_min3A_617 = vector.multi_reduction <minimumf>, %select_n3A_615, %reduce_min3A_616 [1] : vector<128x512xf32> to vector<128xf32>
    %broadcast_in_dim3A_618 = vector.shape_cast %reduce_min3A_617 : vector<128xf32> to vector<128x1xf32>
    %eq3A_619 = vector.broadcast %broadcast_in_dim3A_618 : vector<128x1xf32> to vector<128x512xf32>
    %eq3A_620 = arith.cmpf oeq, %select_n3A_615, %eq3A_619 : vector<128x512xf32>
    %jit3A_621 = arith.constant 512 : i32
    %broadcast_in_dim3A_622 = vector.broadcast %jit3A_621 : i32 to vector<128x512xi32>
    %select_n3A_623 = arith.select %eq3A_620, %iota3A, %broadcast_in_dim3A_622 : vector<128x512xi1>, vector<128x512xi32>
    %reduce_min3A_624 = arith.constant dense<2147483647> : vector<128xi32>
    %reduce_min3A_625 = vector.multi_reduction <minsi>, %select_n3A_623, %reduce_min3A_624 [1] : vector<128x512xi32> to vector<128xi32>
    %broadcast_in_dim3A_626 = vector.shape_cast %reduce_min3A_625 : vector<128xi32> to vector<128x1xi32>
    %swap3A_627 = arith.constant 0 : index
    %swap3A_628 = arith.constant 0 : index
    %swap3A_629 = arith.constant 24 : index
    %swap3A_630 = vector.load %arg8[%swap3A_627, %swap3A_628, %swap3A_629] : memref<1x128x32xi32, #tpu.memory_space<vmem>>, vector<1x128x1xi32>
    %swap3A_631 = vector.shape_cast %swap3A_630 : vector<1x128x1xi32> to vector<128x1xi32>
    %swap3A_632 = vector.shape_cast %broadcast_in_dim3A_626 : vector<128x1xi32> to vector<1x128x1xi32>
    tpu.vector_store %arg8[%swap3A_627, %swap3A_628, %swap3A_629], %swap3A_632 {strides = array<i32>} : memref<1x128x32xi32, #tpu.memory_space<vmem>>, vector<1x128x1xi32>,
    %eq3A_633 = vector.broadcast %broadcast_in_dim3A_626 : vector<128x1xi32> to vector<128x512xi32>
    %eq3A_634 = arith.cmpi eq, %iota3A, %eq3A_633 : vector<128x512xi32>
    %jit3A_635 = arith.constant 0x7F800000 : f32
    %broadcast_in_dim3A_636 = vector.broadcast %jit3A_635 : f32 to vector<128x512xf32>
    %select_n3A_637 = arith.select %eq3A_634, %broadcast_in_dim3A_636, %select_n3A_615 : vector<128x512xi1>, vector<128x512xf32>
    %reduce_min3A_638 = arith.constant dense<0x7F800000> : vector<128xf32>
    %reduce_min3A_639 = vector.multi_reduction <minimumf>, %select_n3A_637, %reduce_min3A_638 [1] : vector<128x512xf32> to vector<128xf32>
    %broadcast_in_dim3A_640 = vector.shape_cast %reduce_min3A_639 : vector<128xf32> to vector<128x1xf32>
    %eq3A_641 = vector.broadcast %broadcast_in_dim3A_640 : vector<128x1xf32> to vector<128x512xf32>
    %eq3A_642 = arith.cmpf oeq, %select_n3A_637, %eq3A_641 : vector<128x512xf32>
    %jit3A_643 = arith.constant 512 : i32
    %broadcast_in_dim3A_644 = vector.broadcast %jit3A_643 : i32 to vector<128x512xi32>
    %select_n3A_645 = arith.select %eq3A_642, %iota3A, %broadcast_in_dim3A_644 : vector<128x512xi1>, vector<128x512xi32>
    %reduce_min3A_646 = arith.constant dense<2147483647> : vector<128xi32>
    %reduce_min3A_647 = vector.multi_reduction <minsi>, %select_n3A_645, %reduce_min3A_646 [1] : vector<128x512xi32> to vector<128xi32>
    %broadcast_in_dim3A_648 = vector.shape_cast %reduce_min3A_647 : vector<128xi32> to vector<128x1xi32>
    %swap3A_649 = arith.constant 0 : index
    %swap3A_650 = arith.constant 0 : index
    %swap3A_651 = arith.constant 25 : index
    %swap3A_652 = vector.load %arg8[%swap3A_649, %swap3A_650, %swap3A_651] : memref<1x128x32xi32, #tpu.memory_space<vmem>>, vector<1x128x1xi32>
    %swap3A_653 = vector.shape_cast %swap3A_652 : vector<1x128x1xi32> to vector<128x1xi32>
    %swap3A_654 = vector.shape_cast %broadcast_in_dim3A_648 : vector<128x1xi32> to vector<1x128x1xi32>
    tpu.vector_store %arg8[%swap3A_649, %swap3A_650, %swap3A_651], %swap3A_654 {strides = array<i32>} : memref<1x128x32xi32, #tpu.memory_space<vmem>>, vector<1x128x1xi32>,
    %eq3A_655 = vector.broadcast %broadcast_in_dim3A_648 : vector<128x1xi32> to vector<128x512xi32>
    %eq3A_656 = arith.cmpi eq, %iota3A, %eq3A_655 : vector<128x512xi32>
    %jit3A_657 = arith.constant 0x7F800000 : f32
    %broadcast_in_dim3A_658 = vector.broadcast %jit3A_657 : f32 to vector<128x512xf32>
    %select_n3A_659 = arith.select %eq3A_656, %broadcast_in_dim3A_658, %select_n3A_637 : vector<128x512xi1>, vector<128x512xf32>
    %reduce_min3A_660 = arith.constant dense<0x7F800000> : vector<128xf32>
    %reduce_min3A_661 = vector.multi_reduction <minimumf>, %select_n3A_659, %reduce_min3A_660 [1] : vector<128x512xf32> to vector<128xf32>
    %broadcast_in_dim3A_662 = vector.shape_cast %reduce_min3A_661 : vector<128xf32> to vector<128x1xf32>
    %eq3A_663 = vector.broadcast %broadcast_in_dim3A_662 : vector<128x1xf32> to vector<128x512xf32>
    %eq3A_664 = arith.cmpf oeq, %select_n3A_659, %eq3A_663 : vector<128x512xf32>
    %jit3A_665 = arith.constant 512 : i32
    %broadcast_in_dim3A_666 = vector.broadcast %jit3A_665 : i32 to vector<128x512xi32>
    %select_n3A_667 = arith.select %eq3A_664, %iota3A, %broadcast_in_dim3A_666 : vector<128x512xi1>, vector<128x512xi32>
    %reduce_min3A_668 = arith.constant dense<2147483647> : vector<128xi32>
    %reduce_min3A_669 = vector.multi_reduction <minsi>, %select_n3A_667, %reduce_min3A_668 [1] : vector<128x512xi32> to vector<128xi32>
    %broadcast_in_dim3A_670 = vector.shape_cast %reduce_min3A_669 : vector<128xi32> to vector<128x1xi32>
    %swap3A_671 = arith.constant 0 : index
    %swap3A_672 = arith.constant 0 : index
    %swap3A_673 = arith.constant 26 : index
    %swap3A_674 = vector.load %arg8[%swap3A_671, %swap3A_672, %swap3A_673] : memref<1x128x32xi32, #tpu.memory_space<vmem>>, vector<1x128x1xi32>
    %swap3A_675 = vector.shape_cast %swap3A_674 : vector<1x128x1xi32> to vector<128x1xi32>
    %swap3A_676 = vector.shape_cast %broadcast_in_dim3A_670 : vector<128x1xi32> to vector<1x128x1xi32>
    tpu.vector_store %arg8[%swap3A_671, %swap3A_672, %swap3A_673], %swap3A_676 {strides = array<i32>} : memref<1x128x32xi32, #tpu.memory_space<vmem>>, vector<1x128x1xi32>,
    %eq3A_677 = vector.broadcast %broadcast_in_dim3A_670 : vector<128x1xi32> to vector<128x512xi32>
    %eq3A_678 = arith.cmpi eq, %iota3A, %eq3A_677 : vector<128x512xi32>
    %jit3A_679 = arith.constant 0x7F800000 : f32
    %broadcast_in_dim3A_680 = vector.broadcast %jit3A_679 : f32 to vector<128x512xf32>
    %select_n3A_681 = arith.select %eq3A_678, %broadcast_in_dim3A_680, %select_n3A_659 : vector<128x512xi1>, vector<128x512xf32>
    %reduce_min3A_682 = arith.constant dense<0x7F800000> : vector<128xf32>
    %reduce_min3A_683 = vector.multi_reduction <minimumf>, %select_n3A_681, %reduce_min3A_682 [1] : vector<128x512xf32> to vector<128xf32>
    %broadcast_in_dim3A_684 = vector.shape_cast %reduce_min3A_683 : vector<128xf32> to vector<128x1xf32>
    %eq3A_685 = vector.broadcast %broadcast_in_dim3A_684 : vector<128x1xf32> to vector<128x512xf32>
    %eq3A_686 = arith.cmpf oeq, %select_n3A_681, %eq3A_685 : vector<128x512xf32>
    %jit3A_687 = arith.constant 512 : i32
    %broadcast_in_dim3A_688 = vector.broadcast %jit3A_687 : i32 to vector<128x512xi32>
    %select_n3A_689 = arith.select %eq3A_686, %iota3A, %broadcast_in_dim3A_688 : vector<128x512xi1>, vector<128x512xi32>
    %reduce_min3A_690 = arith.constant dense<2147483647> : vector<128xi32>
    %reduce_min3A_691 = vector.multi_reduction <minsi>, %select_n3A_689, %reduce_min3A_690 [1] : vector<128x512xi32> to vector<128xi32>
    %broadcast_in_dim3A_692 = vector.shape_cast %reduce_min3A_691 : vector<128xi32> to vector<128x1xi32>
    %swap3A_693 = arith.constant 0 : index
    %swap3A_694 = arith.constant 0 : index
    %swap3A_695 = arith.constant 27 : index
    %swap3A_696 = vector.load %arg8[%swap3A_693, %swap3A_694, %swap3A_695] : memref<1x128x32xi32, #tpu.memory_space<vmem>>, vector<1x128x1xi32>
    %swap3A_697 = vector.shape_cast %swap3A_696 : vector<1x128x1xi32> to vector<128x1xi32>
    %swap3A_698 = vector.shape_cast %broadcast_in_dim3A_692 : vector<128x1xi32> to vector<1x128x1xi32>
    tpu.vector_store %arg8[%swap3A_693, %swap3A_694, %swap3A_695], %swap3A_698 {strides = array<i32>} : memref<1x128x32xi32, #tpu.memory_space<vmem>>, vector<1x128x1xi32>,
    %eq3A_699 = vector.broadcast %broadcast_in_dim3A_692 : vector<128x1xi32> to vector<128x512xi32>
    %eq3A_700 = arith.cmpi eq, %iota3A, %eq3A_699 : vector<128x512xi32>
    %jit3A_701 = arith.constant 0x7F800000 : f32
    %broadcast_in_dim3A_702 = vector.broadcast %jit3A_701 : f32 to vector<128x512xf32>
    %select_n3A_703 = arith.select %eq3A_700, %broadcast_in_dim3A_702, %select_n3A_681 : vector<128x512xi1>, vector<128x512xf32>
    %reduce_min3A_704 = arith.constant dense<0x7F800000> : vector<128xf32>
    %reduce_min3A_705 = vector.multi_reduction <minimumf>, %select_n3A_703, %reduce_min3A_704 [1] : vector<128x512xf32> to vector<128xf32>
    %broadcast_in_dim3A_706 = vector.shape_cast %reduce_min3A_705 : vector<128xf32> to vector<128x1xf32>
    %eq3A_707 = vector.broadcast %broadcast_in_dim3A_706 : vector<128x1xf32> to vector<128x512xf32>
    %eq3A_708 = arith.cmpf oeq, %select_n3A_703, %eq3A_707 : vector<128x512xf32>
    %jit3A_709 = arith.constant 512 : i32
    %broadcast_in_dim3A_710 = vector.broadcast %jit3A_709 : i32 to vector<128x512xi32>
    %select_n3A_711 = arith.select %eq3A_708, %iota3A, %broadcast_in_dim3A_710 : vector<128x512xi1>, vector<128x512xi32>
    %reduce_min3A_712 = arith.constant dense<2147483647> : vector<128xi32>
    %reduce_min3A_713 = vector.multi_reduction <minsi>, %select_n3A_711, %reduce_min3A_712 [1] : vector<128x512xi32> to vector<128xi32>
    %broadcast_in_dim3A_714 = vector.shape_cast %reduce_min3A_713 : vector<128xi32> to vector<128x1xi32>
    %swap3A_715 = arith.constant 0 : index
    %swap3A_716 = arith.constant 0 : index
    %swap3A_717 = arith.constant 28 : index
    %swap3A_718 = vector.load %arg8[%swap3A_715, %swap3A_716, %swap3A_717] : memref<1x128x32xi32, #tpu.memory_space<vmem>>, vector<1x128x1xi32>
    %swap3A_719 = vector.shape_cast %swap3A_718 : vector<1x128x1xi32> to vector<128x1xi32>
    %swap3A_720 = vector.shape_cast %broadcast_in_dim3A_714 : vector<128x1xi32> to vector<1x128x1xi32>
    tpu.vector_store %arg8[%swap3A_715, %swap3A_716, %swap3A_717], %swap3A_720 {strides = array<i32>} : memref<1x128x32xi32, #tpu.memory_space<vmem>>, vector<1x128x1xi32>,
    %eq3A_721 = vector.broadcast %broadcast_in_dim3A_714 : vector<128x1xi32> to vector<128x512xi32>
    %eq3A_722 = arith.cmpi eq, %iota3A, %eq3A_721 : vector<128x512xi32>
    %jit3A_723 = arith.constant 0x7F800000 : f32
    %broadcast_in_dim3A_724 = vector.broadcast %jit3A_723 : f32 to vector<128x512xf32>
    %select_n3A_725 = arith.select %eq3A_722, %broadcast_in_dim3A_724, %select_n3A_703 : vector<128x512xi1>, vector<128x512xf32>
    %reduce_min3A_726 = arith.constant dense<0x7F800000> : vector<128xf32>
    %reduce_min3A_727 = vector.multi_reduction <minimumf>, %select_n3A_725, %reduce_min3A_726 [1] : vector<128x512xf32> to vector<128xf32>
    %broadcast_in_dim3A_728 = vector.shape_cast %reduce_min3A_727 : vector<128xf32> to vector<128x1xf32>
    %eq3A_729 = vector.broadcast %broadcast_in_dim3A_728 : vector<128x1xf32> to vector<128x512xf32>
    %eq3A_730 = arith.cmpf oeq, %select_n3A_725, %eq3A_729 : vector<128x512xf32>
    %jit3A_731 = arith.constant 512 : i32
    %broadcast_in_dim3A_732 = vector.broadcast %jit3A_731 : i32 to vector<128x512xi32>
    %select_n3A_733 = arith.select %eq3A_730, %iota3A, %broadcast_in_dim3A_732 : vector<128x512xi1>, vector<128x512xi32>
    %reduce_min3A_734 = arith.constant dense<2147483647> : vector<128xi32>
    %reduce_min3A_735 = vector.multi_reduction <minsi>, %select_n3A_733, %reduce_min3A_734 [1] : vector<128x512xi32> to vector<128xi32>
    %broadcast_in_dim3A_736 = vector.shape_cast %reduce_min3A_735 : vector<128xi32> to vector<128x1xi32>
    %swap3A_737 = arith.constant 0 : index
    %swap3A_738 = arith.constant 0 : index
    %swap3A_739 = arith.constant 29 : index
    %swap3A_740 = vector.load %arg8[%swap3A_737, %swap3A_738, %swap3A_739] : memref<1x128x32xi32, #tpu.memory_space<vmem>>, vector<1x128x1xi32>
    %swap3A_741 = vector.shape_cast %swap3A_740 : vector<1x128x1xi32> to vector<128x1xi32>
    %swap3A_742 = vector.shape_cast %broadcast_in_dim3A_736 : vector<128x1xi32> to vector<1x128x1xi32>
    tpu.vector_store %arg8[%swap3A_737, %swap3A_738, %swap3A_739], %swap3A_742 {strides = array<i32>} : memref<1x128x32xi32, #tpu.memory_space<vmem>>, vector<1x128x1xi32>,
    %eq3A_743 = vector.broadcast %broadcast_in_dim3A_736 : vector<128x1xi32> to vector<128x512xi32>
    %eq3A_744 = arith.cmpi eq, %iota3A, %eq3A_743 : vector<128x512xi32>
    %jit3A_745 = arith.constant 0x7F800000 : f32
    %broadcast_in_dim3A_746 = vector.broadcast %jit3A_745 : f32 to vector<128x512xf32>
    %select_n3A_747 = arith.select %eq3A_744, %broadcast_in_dim3A_746, %select_n3A_725 : vector<128x512xi1>, vector<128x512xf32>
    %reduce_min3A_748 = arith.constant dense<0x7F800000> : vector<128xf32>
    %reduce_min3A_749 = vector.multi_reduction <minimumf>, %select_n3A_747, %reduce_min3A_748 [1] : vector<128x512xf32> to vector<128xf32>
    %broadcast_in_dim3A_750 = vector.shape_cast %reduce_min3A_749 : vector<128xf32> to vector<128x1xf32>
    %eq3A_751 = vector.broadcast %broadcast_in_dim3A_750 : vector<128x1xf32> to vector<128x512xf32>
    %eq3A_752 = arith.cmpf oeq, %select_n3A_747, %eq3A_751 : vector<128x512xf32>
    %jit3A_753 = arith.constant 512 : i32
    %broadcast_in_dim3A_754 = vector.broadcast %jit3A_753 : i32 to vector<128x512xi32>
    %select_n3A_755 = arith.select %eq3A_752, %iota3A, %broadcast_in_dim3A_754 : vector<128x512xi1>, vector<128x512xi32>
    %reduce_min3A_756 = arith.constant dense<2147483647> : vector<128xi32>
    %reduce_min3A_757 = vector.multi_reduction <minsi>, %select_n3A_755, %reduce_min3A_756 [1] : vector<128x512xi32> to vector<128xi32>
    %broadcast_in_dim3A_758 = vector.shape_cast %reduce_min3A_757 : vector<128xi32> to vector<128x1xi32>
    %swap3A_759 = arith.constant 0 : index
    %swap3A_760 = arith.constant 0 : index
    %swap3A_761 = arith.constant 30 : index
    %swap3A_762 = vector.load %arg8[%swap3A_759, %swap3A_760, %swap3A_761] : memref<1x128x32xi32, #tpu.memory_space<vmem>>, vector<1x128x1xi32>
    %swap3A_763 = vector.shape_cast %swap3A_762 : vector<1x128x1xi32> to vector<128x1xi32>
    %swap3A_764 = vector.shape_cast %broadcast_in_dim3A_758 : vector<128x1xi32> to vector<1x128x1xi32>
    tpu.vector_store %arg8[%swap3A_759, %swap3A_760, %swap3A_761], %swap3A_764 {strides = array<i32>} : memref<1x128x32xi32, #tpu.memory_space<vmem>>, vector<1x128x1xi32>,
    %eq3A_765 = vector.broadcast %broadcast_in_dim3A_758 : vector<128x1xi32> to vector<128x512xi32>
    %eq3A_766 = arith.cmpi eq, %iota3A, %eq3A_765 : vector<128x512xi32>
    %jit3A_767 = arith.constant 0x7F800000 : f32
    %broadcast_in_dim3A_768 = vector.broadcast %jit3A_767 : f32 to vector<128x512xf32>
    %select_n3A_769 = arith.select %eq3A_766, %broadcast_in_dim3A_768, %select_n3A_747 : vector<128x512xi1>, vector<128x512xf32>
    %reduce_min3A_770 = arith.constant dense<0x7F800000> : vector<128xf32>
    %reduce_min3A_771 = vector.multi_reduction <minimumf>, %select_n3A_769, %reduce_min3A_770 [1] : vector<128x512xf32> to vector<128xf32>
    %broadcast_in_dim3A_772 = vector.shape_cast %reduce_min3A_771 : vector<128xf32> to vector<128x1xf32>
    %eq3A_773 = vector.broadcast %broadcast_in_dim3A_772 : vector<128x1xf32> to vector<128x512xf32>
    %eq3A_774 = arith.cmpf oeq, %select_n3A_769, %eq3A_773 : vector<128x512xf32>
    %jit3A_775 = arith.constant 512 : i32
    %broadcast_in_dim3A_776 = vector.broadcast %jit3A_775 : i32 to vector<128x512xi32>
    %select_n3A_777 = arith.select %eq3A_774, %iota3A, %broadcast_in_dim3A_776 : vector<128x512xi1>, vector<128x512xi32>
    %reduce_min3A_778 = arith.constant dense<2147483647> : vector<128xi32>
    %reduce_min3A_779 = vector.multi_reduction <minsi>, %select_n3A_777, %reduce_min3A_778 [1] : vector<128x512xi32> to vector<128xi32>
    %broadcast_in_dim3A_780 = vector.shape_cast %reduce_min3A_779 : vector<128xi32> to vector<128x1xi32>
    %swap3A_781 = arith.constant 0 : index
    %swap3A_782 = arith.constant 0 : index
    %swap3A_783 = arith.constant 31 : index
    %swap3A_784 = vector.load %arg8[%swap3A_781, %swap3A_782, %swap3A_783] : memref<1x128x32xi32, #tpu.memory_space<vmem>>, vector<1x128x1xi32>
    %swap3A_785 = vector.shape_cast %swap3A_784 : vector<1x128x1xi32> to vector<128x1xi32>
    %swap3A_786 = vector.shape_cast %broadcast_in_dim3A_780 : vector<128x1xi32> to vector<1x128x1xi32>
    tpu.vector_store %arg8[%swap3A_781, %swap3A_782, %swap3A_783], %swap3A_786 {strides = array<i32>} : memref<1x128x32xi32, #tpu.memory_space<vmem>>, vector<1x128x1xi32>,
    return
  }
  func.func @transform_0(%arg0: i32, %arg1: i32) -> (i32, i32, i32) {
    %mul3A = arith.constant 4 : i32
    %mul3A_0 = arith.muli %arg0, %mul3A : i32
    %add3A = arith.addi %mul3A_0, %arg1 : i32
    %c0_i32 = arith.constant 0 : i32
    %c0_i32_1 = arith.constant 0 : i32
    %c0_i32_2 = arith.constant 0 : i32
    return %add3A, %c0_i32, %c0_i32_1 : i32, i32, i32
  }
  func.func @transform_1(%arg0: i32, %arg1: i32) -> (i32, i32, i32) {
    %mul3A = arith.constant 4 : i32
    %mul3A_0 = arith.muli %arg0, %mul3A : i32
    %add3A = arith.addi %mul3A_0, %arg1 : i32
    %c0_i32 = arith.constant 0 : i32
    %c0_i32_1 = arith.constant 0 : i32
    %c0_i32_2 = arith.constant 0 : i32
    return %add3A, %c0_i32, %c0_i32_1 : i32, i32, i32
  }
  func.func @transform_2(%arg0: i32, %arg1: i32) -> (i32, i32, i32) {
    %mul3A = arith.constant 4 : i32
    %mul3A_0 = arith.muli %arg0, %mul3A : i32
    %add3A = arith.addi %mul3A_0, %arg1 : i32
    %c0_i32 = arith.constant 0 : i32
    %c0_i32_1 = arith.constant 0 : i32
    %c0_i32_2 = arith.constant 0 : i32
    return %add3A, %c0_i32, %c0_i32_1 : i32, i32, i32
  }
  func.func @transform_3(%arg0: i32, %arg1: i32) -> (i32, i32, i32) {
    %c0_i32 = arith.constant 0 : i32
    %c0_i32_0 = arith.constant 0 : i32
    %c0_i32_1 = arith.constant 0 : i32
    return %arg0, %c0_i32, %c0_i32_0 : i32, i32, i32
  }
  func.func @transform_4(%arg0: i32, %arg1: i32) -> (i32, i32, i32) {
    %c0_i32 = arith.constant 0 : i32
    %c0_i32_0 = arith.constant 0 : i32
    %c0_i32_1 = arith.constant 0 : i32
    return %arg0, %c0_i32, %c0_i32_0 : i32, i32, i32
  }
  func.func @transform_5(%arg0: i32, %arg1: i32) -> (i32, i32, i32) {
    %c0_i32 = arith.constant 0 : i32
    %c0_i32_0 = arith.constant 0 : i32
    %c0_i32_1 = arith.constant 0 : i32
    return %arg0, %c0_i32, %c0_i32_0 : i32, i32, i32
  }
  func.func @transform_6(%arg0: i32, %arg1: i32) -> (i32, i32, i32) {
    %c0_i32 = arith.constant 0 : i32
    %c0_i32_0 = arith.constant 0 : i32
    return %arg0, %arg1, %c0_i32 : i32, i32, i32
  }
}

module attributes {stable_mosaic.version = 14 : i64} {
  func.func @_knn2_body(%arg0: i32, %arg1: i32, %arg2: memref<1x128x512xf32, #tpu.memory_space<vmem>>, %arg3: memref<1x128x512xi32, #tpu.memory_space<vmem>>, %arg4: memref<1x128x32xi32, #tpu.memory_space<vmem>>) attributes {dimension_semantics = [#tpu.dimension_semantics<arbitrary>, #tpu.dimension_semantics<arbitrary>], iteration_bounds = array<i64: 4, 4>, scalar_prefetch = 0 : i64, scratch_operands = 0 : i64, tpu.core_type = #tpu.core_type<tc>, window_params = [{transform_indices = @transform_0, window_bounds = array<i64: 1, 128, 512>}, {transform_indices = @transform_1, window_bounds = array<i64: 1, 128, 512>}, {transform_indices = @transform_2, window_bounds = array<i64: 1, 128, 32>}]} {
    %get3A = arith.constant 0 : index
    %get3A_0 = arith.constant 0 : index
    %get3A_1 = arith.constant 0 : index
    %get3A_2 = vector.load %arg2[%get3A, %get3A_0, %get3A_1] : memref<1x128x512xf32, #tpu.memory_space<vmem>>, vector<1x128x512xf32>
    %get3A_3 = vector.shape_cast %get3A_2 : vector<1x128x512xf32> to vector<128x512xf32>
    %get3A_4 = arith.constant 0 : index
    %get3A_5 = arith.constant 0 : index
    %get3A_6 = arith.constant 0 : index
    %get3A_7 = vector.load %arg3[%get3A_4, %get3A_5, %get3A_6] : memref<1x128x512xi32, #tpu.memory_space<vmem>>, vector<1x128x512xi32>
    %get3A_8 = vector.shape_cast %get3A_7 : vector<1x128x512xi32> to vector<128x512xi32>
    %reduce_min3A = arith.constant dense<0x7F800000> : vector<128xf32>
    %reduce_min3A_9 = vector.multi_reduction <minimumf>, %get3A_3, %reduce_min3A [1] : vector<128x512xf32> to vector<128xf32>
    %broadcast_in_dim3A = vector.shape_cast %reduce_min3A_9 : vector<128xf32> to vector<128x1xf32>
    %eq3A = vector.broadcast %broadcast_in_dim3A : vector<128x1xf32> to vector<128x512xf32>
    %eq3A_10 = arith.cmpf oeq, %get3A_3, %eq3A : vector<128x512xf32>
    %jit3A = arith.constant 1073741824 : i32
    %broadcast_in_dim3A_11 = vector.broadcast %jit3A : i32 to vector<128x512xi32>
    %select_n3A = arith.select %eq3A_10, %get3A_8, %broadcast_in_dim3A_11 : vector<128x512xi1>, vector<128x512xi32>
    %reduce_min3A_12 = arith.constant dense<2147483647> : vector<128xi32>
    %reduce_min3A_13 = vector.multi_reduction <minsi>, %select_n3A, %reduce_min3A_12 [1] : vector<128x512xi32> to vector<128xi32>
    %broadcast_in_dim3A_14 = vector.shape_cast %reduce_min3A_13 : vector<128xi32> to vector<128x1xi32>
    %swap3A = arith.constant 0 : index
    %swap3A_15 = arith.constant 0 : index
    %swap3A_16 = arith.constant 0 : index
    %swap3A_17 = vector.load %arg4[%swap3A, %swap3A_15, %swap3A_16] : memref<1x128x32xi32, #tpu.memory_space<vmem>>, vector<1x128x1xi32>
    %swap3A_18 = vector.shape_cast %swap3A_17 : vector<1x128x1xi32> to vector<128x1xi32>
    %swap3A_19 = vector.shape_cast %broadcast_in_dim3A_14 : vector<128x1xi32> to vector<1x128x1xi32>
    tpu.vector_store %arg4[%swap3A, %swap3A_15, %swap3A_16], %swap3A_19 {strides = array<i32>} : memref<1x128x32xi32, #tpu.memory_space<vmem>>, vector<1x128x1xi32>,
    %eq3A_20 = vector.broadcast %broadcast_in_dim3A_14 : vector<128x1xi32> to vector<128x512xi32>
    %eq3A_21 = arith.cmpi eq, %get3A_8, %eq3A_20 : vector<128x512xi32>
    %and3A = arith.andi %eq3A_10, %eq3A_21 : vector<128x512xi1>
    %jit3A_22 = arith.constant 0x7F800000 : f32
    %broadcast_in_dim3A_23 = vector.broadcast %jit3A_22 : f32 to vector<128x512xf32>
    %select_n3A_24 = arith.select %and3A, %broadcast_in_dim3A_23, %get3A_3 : vector<128x512xi1>, vector<128x512xf32>
    %reduce_min3A_25 = arith.constant dense<0x7F800000> : vector<128xf32>
    %reduce_min3A_26 = vector.multi_reduction <minimumf>, %select_n3A_24, %reduce_min3A_25 [1] : vector<128x512xf32> to vector<128xf32>
    %broadcast_in_dim3A_27 = vector.shape_cast %reduce_min3A_26 : vector<128xf32> to vector<128x1xf32>
    %eq3A_28 = vector.broadcast %broadcast_in_dim3A_27 : vector<128x1xf32> to vector<128x512xf32>
    %eq3A_29 = arith.cmpf oeq, %select_n3A_24, %eq3A_28 : vector<128x512xf32>
    %jit3A_30 = arith.constant 1073741824 : i32
    %broadcast_in_dim3A_31 = vector.broadcast %jit3A_30 : i32 to vector<128x512xi32>
    %select_n3A_32 = arith.select %eq3A_29, %get3A_8, %broadcast_in_dim3A_31 : vector<128x512xi1>, vector<128x512xi32>
    %reduce_min3A_33 = arith.constant dense<2147483647> : vector<128xi32>
    %reduce_min3A_34 = vector.multi_reduction <minsi>, %select_n3A_32, %reduce_min3A_33 [1] : vector<128x512xi32> to vector<128xi32>
    %broadcast_in_dim3A_35 = vector.shape_cast %reduce_min3A_34 : vector<128xi32> to vector<128x1xi32>
    %swap3A_36 = arith.constant 0 : index
    %swap3A_37 = arith.constant 0 : index
    %swap3A_38 = arith.constant 1 : index
    %swap3A_39 = vector.load %arg4[%swap3A_36, %swap3A_37, %swap3A_38] : memref<1x128x32xi32, #tpu.memory_space<vmem>>, vector<1x128x1xi32>
    %swap3A_40 = vector.shape_cast %swap3A_39 : vector<1x128x1xi32> to vector<128x1xi32>
    %swap3A_41 = vector.shape_cast %broadcast_in_dim3A_35 : vector<128x1xi32> to vector<1x128x1xi32>
    tpu.vector_store %arg4[%swap3A_36, %swap3A_37, %swap3A_38], %swap3A_41 {strides = array<i32>} : memref<1x128x32xi32, #tpu.memory_space<vmem>>, vector<1x128x1xi32>,
    %eq3A_42 = vector.broadcast %broadcast_in_dim3A_35 : vector<128x1xi32> to vector<128x512xi32>
    %eq3A_43 = arith.cmpi eq, %get3A_8, %eq3A_42 : vector<128x512xi32>
    %and3A_44 = arith.andi %eq3A_29, %eq3A_43 : vector<128x512xi1>
    %jit3A_45 = arith.constant 0x7F800000 : f32
    %broadcast_in_dim3A_46 = vector.broadcast %jit3A_45 : f32 to vector<128x512xf32>
    %select_n3A_47 = arith.select %and3A_44, %broadcast_in_dim3A_46, %select_n3A_24 : vector<128x512xi1>, vector<128x512xf32>
    %reduce_min3A_48 = arith.constant dense<0x7F800000> : vector<128xf32>
    %reduce_min3A_49 = vector.multi_reduction <minimumf>, %select_n3A_47, %reduce_min3A_48 [1] : vector<128x512xf32> to vector<128xf32>
    %broadcast_in_dim3A_50 = vector.shape_cast %reduce_min3A_49 : vector<128xf32> to vector<128x1xf32>
    %eq3A_51 = vector.broadcast %broadcast_in_dim3A_50 : vector<128x1xf32> to vector<128x512xf32>
    %eq3A_52 = arith.cmpf oeq, %select_n3A_47, %eq3A_51 : vector<128x512xf32>
    %jit3A_53 = arith.constant 1073741824 : i32
    %broadcast_in_dim3A_54 = vector.broadcast %jit3A_53 : i32 to vector<128x512xi32>
    %select_n3A_55 = arith.select %eq3A_52, %get3A_8, %broadcast_in_dim3A_54 : vector<128x512xi1>, vector<128x512xi32>
    %reduce_min3A_56 = arith.constant dense<2147483647> : vector<128xi32>
    %reduce_min3A_57 = vector.multi_reduction <minsi>, %select_n3A_55, %reduce_min3A_56 [1] : vector<128x512xi32> to vector<128xi32>
    %broadcast_in_dim3A_58 = vector.shape_cast %reduce_min3A_57 : vector<128xi32> to vector<128x1xi32>
    %swap3A_59 = arith.constant 0 : index
    %swap3A_60 = arith.constant 0 : index
    %swap3A_61 = arith.constant 2 : index
    %swap3A_62 = vector.load %arg4[%swap3A_59, %swap3A_60, %swap3A_61] : memref<1x128x32xi32, #tpu.memory_space<vmem>>, vector<1x128x1xi32>
    %swap3A_63 = vector.shape_cast %swap3A_62 : vector<1x128x1xi32> to vector<128x1xi32>
    %swap3A_64 = vector.shape_cast %broadcast_in_dim3A_58 : vector<128x1xi32> to vector<1x128x1xi32>
    tpu.vector_store %arg4[%swap3A_59, %swap3A_60, %swap3A_61], %swap3A_64 {strides = array<i32>} : memref<1x128x32xi32, #tpu.memory_space<vmem>>, vector<1x128x1xi32>,
    %eq3A_65 = vector.broadcast %broadcast_in_dim3A_58 : vector<128x1xi32> to vector<128x512xi32>
    %eq3A_66 = arith.cmpi eq, %get3A_8, %eq3A_65 : vector<128x512xi32>
    %and3A_67 = arith.andi %eq3A_52, %eq3A_66 : vector<128x512xi1>
    %jit3A_68 = arith.constant 0x7F800000 : f32
    %broadcast_in_dim3A_69 = vector.broadcast %jit3A_68 : f32 to vector<128x512xf32>
    %select_n3A_70 = arith.select %and3A_67, %broadcast_in_dim3A_69, %select_n3A_47 : vector<128x512xi1>, vector<128x512xf32>
    %reduce_min3A_71 = arith.constant dense<0x7F800000> : vector<128xf32>
    %reduce_min3A_72 = vector.multi_reduction <minimumf>, %select_n3A_70, %reduce_min3A_71 [1] : vector<128x512xf32> to vector<128xf32>
    %broadcast_in_dim3A_73 = vector.shape_cast %reduce_min3A_72 : vector<128xf32> to vector<128x1xf32>
    %eq3A_74 = vector.broadcast %broadcast_in_dim3A_73 : vector<128x1xf32> to vector<128x512xf32>
    %eq3A_75 = arith.cmpf oeq, %select_n3A_70, %eq3A_74 : vector<128x512xf32>
    %jit3A_76 = arith.constant 1073741824 : i32
    %broadcast_in_dim3A_77 = vector.broadcast %jit3A_76 : i32 to vector<128x512xi32>
    %select_n3A_78 = arith.select %eq3A_75, %get3A_8, %broadcast_in_dim3A_77 : vector<128x512xi1>, vector<128x512xi32>
    %reduce_min3A_79 = arith.constant dense<2147483647> : vector<128xi32>
    %reduce_min3A_80 = vector.multi_reduction <minsi>, %select_n3A_78, %reduce_min3A_79 [1] : vector<128x512xi32> to vector<128xi32>
    %broadcast_in_dim3A_81 = vector.shape_cast %reduce_min3A_80 : vector<128xi32> to vector<128x1xi32>
    %swap3A_82 = arith.constant 0 : index
    %swap3A_83 = arith.constant 0 : index
    %swap3A_84 = arith.constant 3 : index
    %swap3A_85 = vector.load %arg4[%swap3A_82, %swap3A_83, %swap3A_84] : memref<1x128x32xi32, #tpu.memory_space<vmem>>, vector<1x128x1xi32>
    %swap3A_86 = vector.shape_cast %swap3A_85 : vector<1x128x1xi32> to vector<128x1xi32>
    %swap3A_87 = vector.shape_cast %broadcast_in_dim3A_81 : vector<128x1xi32> to vector<1x128x1xi32>
    tpu.vector_store %arg4[%swap3A_82, %swap3A_83, %swap3A_84], %swap3A_87 {strides = array<i32>} : memref<1x128x32xi32, #tpu.memory_space<vmem>>, vector<1x128x1xi32>,
    %eq3A_88 = vector.broadcast %broadcast_in_dim3A_81 : vector<128x1xi32> to vector<128x512xi32>
    %eq3A_89 = arith.cmpi eq, %get3A_8, %eq3A_88 : vector<128x512xi32>
    %and3A_90 = arith.andi %eq3A_75, %eq3A_89 : vector<128x512xi1>
    %jit3A_91 = arith.constant 0x7F800000 : f32
    %broadcast_in_dim3A_92 = vector.broadcast %jit3A_91 : f32 to vector<128x512xf32>
    %select_n3A_93 = arith.select %and3A_90, %broadcast_in_dim3A_92, %select_n3A_70 : vector<128x512xi1>, vector<128x512xf32>
    %reduce_min3A_94 = arith.constant dense<0x7F800000> : vector<128xf32>
    %reduce_min3A_95 = vector.multi_reduction <minimumf>, %select_n3A_93, %reduce_min3A_94 [1] : vector<128x512xf32> to vector<128xf32>
    %broadcast_in_dim3A_96 = vector.shape_cast %reduce_min3A_95 : vector<128xf32> to vector<128x1xf32>
    %eq3A_97 = vector.broadcast %broadcast_in_dim3A_96 : vector<128x1xf32> to vector<128x512xf32>
    %eq3A_98 = arith.cmpf oeq, %select_n3A_93, %eq3A_97 : vector<128x512xf32>
    %jit3A_99 = arith.constant 1073741824 : i32
    %broadcast_in_dim3A_100 = vector.broadcast %jit3A_99 : i32 to vector<128x512xi32>
    %select_n3A_101 = arith.select %eq3A_98, %get3A_8, %broadcast_in_dim3A_100 : vector<128x512xi1>, vector<128x512xi32>
    %reduce_min3A_102 = arith.constant dense<2147483647> : vector<128xi32>
    %reduce_min3A_103 = vector.multi_reduction <minsi>, %select_n3A_101, %reduce_min3A_102 [1] : vector<128x512xi32> to vector<128xi32>
    %broadcast_in_dim3A_104 = vector.shape_cast %reduce_min3A_103 : vector<128xi32> to vector<128x1xi32>
    %swap3A_105 = arith.constant 0 : index
    %swap3A_106 = arith.constant 0 : index
    %swap3A_107 = arith.constant 4 : index
    %swap3A_108 = vector.load %arg4[%swap3A_105, %swap3A_106, %swap3A_107] : memref<1x128x32xi32, #tpu.memory_space<vmem>>, vector<1x128x1xi32>
    %swap3A_109 = vector.shape_cast %swap3A_108 : vector<1x128x1xi32> to vector<128x1xi32>
    %swap3A_110 = vector.shape_cast %broadcast_in_dim3A_104 : vector<128x1xi32> to vector<1x128x1xi32>
    tpu.vector_store %arg4[%swap3A_105, %swap3A_106, %swap3A_107], %swap3A_110 {strides = array<i32>} : memref<1x128x32xi32, #tpu.memory_space<vmem>>, vector<1x128x1xi32>,
    %eq3A_111 = vector.broadcast %broadcast_in_dim3A_104 : vector<128x1xi32> to vector<128x512xi32>
    %eq3A_112 = arith.cmpi eq, %get3A_8, %eq3A_111 : vector<128x512xi32>
    %and3A_113 = arith.andi %eq3A_98, %eq3A_112 : vector<128x512xi1>
    %jit3A_114 = arith.constant 0x7F800000 : f32
    %broadcast_in_dim3A_115 = vector.broadcast %jit3A_114 : f32 to vector<128x512xf32>
    %select_n3A_116 = arith.select %and3A_113, %broadcast_in_dim3A_115, %select_n3A_93 : vector<128x512xi1>, vector<128x512xf32>
    %reduce_min3A_117 = arith.constant dense<0x7F800000> : vector<128xf32>
    %reduce_min3A_118 = vector.multi_reduction <minimumf>, %select_n3A_116, %reduce_min3A_117 [1] : vector<128x512xf32> to vector<128xf32>
    %broadcast_in_dim3A_119 = vector.shape_cast %reduce_min3A_118 : vector<128xf32> to vector<128x1xf32>
    %eq3A_120 = vector.broadcast %broadcast_in_dim3A_119 : vector<128x1xf32> to vector<128x512xf32>
    %eq3A_121 = arith.cmpf oeq, %select_n3A_116, %eq3A_120 : vector<128x512xf32>
    %jit3A_122 = arith.constant 1073741824 : i32
    %broadcast_in_dim3A_123 = vector.broadcast %jit3A_122 : i32 to vector<128x512xi32>
    %select_n3A_124 = arith.select %eq3A_121, %get3A_8, %broadcast_in_dim3A_123 : vector<128x512xi1>, vector<128x512xi32>
    %reduce_min3A_125 = arith.constant dense<2147483647> : vector<128xi32>
    %reduce_min3A_126 = vector.multi_reduction <minsi>, %select_n3A_124, %reduce_min3A_125 [1] : vector<128x512xi32> to vector<128xi32>
    %broadcast_in_dim3A_127 = vector.shape_cast %reduce_min3A_126 : vector<128xi32> to vector<128x1xi32>
    %swap3A_128 = arith.constant 0 : index
    %swap3A_129 = arith.constant 0 : index
    %swap3A_130 = arith.constant 5 : index
    %swap3A_131 = vector.load %arg4[%swap3A_128, %swap3A_129, %swap3A_130] : memref<1x128x32xi32, #tpu.memory_space<vmem>>, vector<1x128x1xi32>
    %swap3A_132 = vector.shape_cast %swap3A_131 : vector<1x128x1xi32> to vector<128x1xi32>
    %swap3A_133 = vector.shape_cast %broadcast_in_dim3A_127 : vector<128x1xi32> to vector<1x128x1xi32>
    tpu.vector_store %arg4[%swap3A_128, %swap3A_129, %swap3A_130], %swap3A_133 {strides = array<i32>} : memref<1x128x32xi32, #tpu.memory_space<vmem>>, vector<1x128x1xi32>,
    %eq3A_134 = vector.broadcast %broadcast_in_dim3A_127 : vector<128x1xi32> to vector<128x512xi32>
    %eq3A_135 = arith.cmpi eq, %get3A_8, %eq3A_134 : vector<128x512xi32>
    %and3A_136 = arith.andi %eq3A_121, %eq3A_135 : vector<128x512xi1>
    %jit3A_137 = arith.constant 0x7F800000 : f32
    %broadcast_in_dim3A_138 = vector.broadcast %jit3A_137 : f32 to vector<128x512xf32>
    %select_n3A_139 = arith.select %and3A_136, %broadcast_in_dim3A_138, %select_n3A_116 : vector<128x512xi1>, vector<128x512xf32>
    %reduce_min3A_140 = arith.constant dense<0x7F800000> : vector<128xf32>
    %reduce_min3A_141 = vector.multi_reduction <minimumf>, %select_n3A_139, %reduce_min3A_140 [1] : vector<128x512xf32> to vector<128xf32>
    %broadcast_in_dim3A_142 = vector.shape_cast %reduce_min3A_141 : vector<128xf32> to vector<128x1xf32>
    %eq3A_143 = vector.broadcast %broadcast_in_dim3A_142 : vector<128x1xf32> to vector<128x512xf32>
    %eq3A_144 = arith.cmpf oeq, %select_n3A_139, %eq3A_143 : vector<128x512xf32>
    %jit3A_145 = arith.constant 1073741824 : i32
    %broadcast_in_dim3A_146 = vector.broadcast %jit3A_145 : i32 to vector<128x512xi32>
    %select_n3A_147 = arith.select %eq3A_144, %get3A_8, %broadcast_in_dim3A_146 : vector<128x512xi1>, vector<128x512xi32>
    %reduce_min3A_148 = arith.constant dense<2147483647> : vector<128xi32>
    %reduce_min3A_149 = vector.multi_reduction <minsi>, %select_n3A_147, %reduce_min3A_148 [1] : vector<128x512xi32> to vector<128xi32>
    %broadcast_in_dim3A_150 = vector.shape_cast %reduce_min3A_149 : vector<128xi32> to vector<128x1xi32>
    %swap3A_151 = arith.constant 0 : index
    %swap3A_152 = arith.constant 0 : index
    %swap3A_153 = arith.constant 6 : index
    %swap3A_154 = vector.load %arg4[%swap3A_151, %swap3A_152, %swap3A_153] : memref<1x128x32xi32, #tpu.memory_space<vmem>>, vector<1x128x1xi32>
    %swap3A_155 = vector.shape_cast %swap3A_154 : vector<1x128x1xi32> to vector<128x1xi32>
    %swap3A_156 = vector.shape_cast %broadcast_in_dim3A_150 : vector<128x1xi32> to vector<1x128x1xi32>
    tpu.vector_store %arg4[%swap3A_151, %swap3A_152, %swap3A_153], %swap3A_156 {strides = array<i32>} : memref<1x128x32xi32, #tpu.memory_space<vmem>>, vector<1x128x1xi32>,
    %eq3A_157 = vector.broadcast %broadcast_in_dim3A_150 : vector<128x1xi32> to vector<128x512xi32>
    %eq3A_158 = arith.cmpi eq, %get3A_8, %eq3A_157 : vector<128x512xi32>
    %and3A_159 = arith.andi %eq3A_144, %eq3A_158 : vector<128x512xi1>
    %jit3A_160 = arith.constant 0x7F800000 : f32
    %broadcast_in_dim3A_161 = vector.broadcast %jit3A_160 : f32 to vector<128x512xf32>
    %select_n3A_162 = arith.select %and3A_159, %broadcast_in_dim3A_161, %select_n3A_139 : vector<128x512xi1>, vector<128x512xf32>
    %reduce_min3A_163 = arith.constant dense<0x7F800000> : vector<128xf32>
    %reduce_min3A_164 = vector.multi_reduction <minimumf>, %select_n3A_162, %reduce_min3A_163 [1] : vector<128x512xf32> to vector<128xf32>
    %broadcast_in_dim3A_165 = vector.shape_cast %reduce_min3A_164 : vector<128xf32> to vector<128x1xf32>
    %eq3A_166 = vector.broadcast %broadcast_in_dim3A_165 : vector<128x1xf32> to vector<128x512xf32>
    %eq3A_167 = arith.cmpf oeq, %select_n3A_162, %eq3A_166 : vector<128x512xf32>
    %jit3A_168 = arith.constant 1073741824 : i32
    %broadcast_in_dim3A_169 = vector.broadcast %jit3A_168 : i32 to vector<128x512xi32>
    %select_n3A_170 = arith.select %eq3A_167, %get3A_8, %broadcast_in_dim3A_169 : vector<128x512xi1>, vector<128x512xi32>
    %reduce_min3A_171 = arith.constant dense<2147483647> : vector<128xi32>
    %reduce_min3A_172 = vector.multi_reduction <minsi>, %select_n3A_170, %reduce_min3A_171 [1] : vector<128x512xi32> to vector<128xi32>
    %broadcast_in_dim3A_173 = vector.shape_cast %reduce_min3A_172 : vector<128xi32> to vector<128x1xi32>
    %swap3A_174 = arith.constant 0 : index
    %swap3A_175 = arith.constant 0 : index
    %swap3A_176 = arith.constant 7 : index
    %swap3A_177 = vector.load %arg4[%swap3A_174, %swap3A_175, %swap3A_176] : memref<1x128x32xi32, #tpu.memory_space<vmem>>, vector<1x128x1xi32>
    %swap3A_178 = vector.shape_cast %swap3A_177 : vector<1x128x1xi32> to vector<128x1xi32>
    %swap3A_179 = vector.shape_cast %broadcast_in_dim3A_173 : vector<128x1xi32> to vector<1x128x1xi32>
    tpu.vector_store %arg4[%swap3A_174, %swap3A_175, %swap3A_176], %swap3A_179 {strides = array<i32>} : memref<1x128x32xi32, #tpu.memory_space<vmem>>, vector<1x128x1xi32>,
    %eq3A_180 = vector.broadcast %broadcast_in_dim3A_173 : vector<128x1xi32> to vector<128x512xi32>
    %eq3A_181 = arith.cmpi eq, %get3A_8, %eq3A_180 : vector<128x512xi32>
    %and3A_182 = arith.andi %eq3A_167, %eq3A_181 : vector<128x512xi1>
    %jit3A_183 = arith.constant 0x7F800000 : f32
    %broadcast_in_dim3A_184 = vector.broadcast %jit3A_183 : f32 to vector<128x512xf32>
    %select_n3A_185 = arith.select %and3A_182, %broadcast_in_dim3A_184, %select_n3A_162 : vector<128x512xi1>, vector<128x512xf32>
    %reduce_min3A_186 = arith.constant dense<0x7F800000> : vector<128xf32>
    %reduce_min3A_187 = vector.multi_reduction <minimumf>, %select_n3A_185, %reduce_min3A_186 [1] : vector<128x512xf32> to vector<128xf32>
    %broadcast_in_dim3A_188 = vector.shape_cast %reduce_min3A_187 : vector<128xf32> to vector<128x1xf32>
    %eq3A_189 = vector.broadcast %broadcast_in_dim3A_188 : vector<128x1xf32> to vector<128x512xf32>
    %eq3A_190 = arith.cmpf oeq, %select_n3A_185, %eq3A_189 : vector<128x512xf32>
    %jit3A_191 = arith.constant 1073741824 : i32
    %broadcast_in_dim3A_192 = vector.broadcast %jit3A_191 : i32 to vector<128x512xi32>
    %select_n3A_193 = arith.select %eq3A_190, %get3A_8, %broadcast_in_dim3A_192 : vector<128x512xi1>, vector<128x512xi32>
    %reduce_min3A_194 = arith.constant dense<2147483647> : vector<128xi32>
    %reduce_min3A_195 = vector.multi_reduction <minsi>, %select_n3A_193, %reduce_min3A_194 [1] : vector<128x512xi32> to vector<128xi32>
    %broadcast_in_dim3A_196 = vector.shape_cast %reduce_min3A_195 : vector<128xi32> to vector<128x1xi32>
    %swap3A_197 = arith.constant 0 : index
    %swap3A_198 = arith.constant 0 : index
    %swap3A_199 = arith.constant 8 : index
    %swap3A_200 = vector.load %arg4[%swap3A_197, %swap3A_198, %swap3A_199] : memref<1x128x32xi32, #tpu.memory_space<vmem>>, vector<1x128x1xi32>
    %swap3A_201 = vector.shape_cast %swap3A_200 : vector<1x128x1xi32> to vector<128x1xi32>
    %swap3A_202 = vector.shape_cast %broadcast_in_dim3A_196 : vector<128x1xi32> to vector<1x128x1xi32>
    tpu.vector_store %arg4[%swap3A_197, %swap3A_198, %swap3A_199], %swap3A_202 {strides = array<i32>} : memref<1x128x32xi32, #tpu.memory_space<vmem>>, vector<1x128x1xi32>,
    %eq3A_203 = vector.broadcast %broadcast_in_dim3A_196 : vector<128x1xi32> to vector<128x512xi32>
    %eq3A_204 = arith.cmpi eq, %get3A_8, %eq3A_203 : vector<128x512xi32>
    %and3A_205 = arith.andi %eq3A_190, %eq3A_204 : vector<128x512xi1>
    %jit3A_206 = arith.constant 0x7F800000 : f32
    %broadcast_in_dim3A_207 = vector.broadcast %jit3A_206 : f32 to vector<128x512xf32>
    %select_n3A_208 = arith.select %and3A_205, %broadcast_in_dim3A_207, %select_n3A_185 : vector<128x512xi1>, vector<128x512xf32>
    %reduce_min3A_209 = arith.constant dense<0x7F800000> : vector<128xf32>
    %reduce_min3A_210 = vector.multi_reduction <minimumf>, %select_n3A_208, %reduce_min3A_209 [1] : vector<128x512xf32> to vector<128xf32>
    %broadcast_in_dim3A_211 = vector.shape_cast %reduce_min3A_210 : vector<128xf32> to vector<128x1xf32>
    %eq3A_212 = vector.broadcast %broadcast_in_dim3A_211 : vector<128x1xf32> to vector<128x512xf32>
    %eq3A_213 = arith.cmpf oeq, %select_n3A_208, %eq3A_212 : vector<128x512xf32>
    %jit3A_214 = arith.constant 1073741824 : i32
    %broadcast_in_dim3A_215 = vector.broadcast %jit3A_214 : i32 to vector<128x512xi32>
    %select_n3A_216 = arith.select %eq3A_213, %get3A_8, %broadcast_in_dim3A_215 : vector<128x512xi1>, vector<128x512xi32>
    %reduce_min3A_217 = arith.constant dense<2147483647> : vector<128xi32>
    %reduce_min3A_218 = vector.multi_reduction <minsi>, %select_n3A_216, %reduce_min3A_217 [1] : vector<128x512xi32> to vector<128xi32>
    %broadcast_in_dim3A_219 = vector.shape_cast %reduce_min3A_218 : vector<128xi32> to vector<128x1xi32>
    %swap3A_220 = arith.constant 0 : index
    %swap3A_221 = arith.constant 0 : index
    %swap3A_222 = arith.constant 9 : index
    %swap3A_223 = vector.load %arg4[%swap3A_220, %swap3A_221, %swap3A_222] : memref<1x128x32xi32, #tpu.memory_space<vmem>>, vector<1x128x1xi32>
    %swap3A_224 = vector.shape_cast %swap3A_223 : vector<1x128x1xi32> to vector<128x1xi32>
    %swap3A_225 = vector.shape_cast %broadcast_in_dim3A_219 : vector<128x1xi32> to vector<1x128x1xi32>
    tpu.vector_store %arg4[%swap3A_220, %swap3A_221, %swap3A_222], %swap3A_225 {strides = array<i32>} : memref<1x128x32xi32, #tpu.memory_space<vmem>>, vector<1x128x1xi32>,
    %eq3A_226 = vector.broadcast %broadcast_in_dim3A_219 : vector<128x1xi32> to vector<128x512xi32>
    %eq3A_227 = arith.cmpi eq, %get3A_8, %eq3A_226 : vector<128x512xi32>
    %and3A_228 = arith.andi %eq3A_213, %eq3A_227 : vector<128x512xi1>
    %jit3A_229 = arith.constant 0x7F800000 : f32
    %broadcast_in_dim3A_230 = vector.broadcast %jit3A_229 : f32 to vector<128x512xf32>
    %select_n3A_231 = arith.select %and3A_228, %broadcast_in_dim3A_230, %select_n3A_208 : vector<128x512xi1>, vector<128x512xf32>
    %reduce_min3A_232 = arith.constant dense<0x7F800000> : vector<128xf32>
    %reduce_min3A_233 = vector.multi_reduction <minimumf>, %select_n3A_231, %reduce_min3A_232 [1] : vector<128x512xf32> to vector<128xf32>
    %broadcast_in_dim3A_234 = vector.shape_cast %reduce_min3A_233 : vector<128xf32> to vector<128x1xf32>
    %eq3A_235 = vector.broadcast %broadcast_in_dim3A_234 : vector<128x1xf32> to vector<128x512xf32>
    %eq3A_236 = arith.cmpf oeq, %select_n3A_231, %eq3A_235 : vector<128x512xf32>
    %jit3A_237 = arith.constant 1073741824 : i32
    %broadcast_in_dim3A_238 = vector.broadcast %jit3A_237 : i32 to vector<128x512xi32>
    %select_n3A_239 = arith.select %eq3A_236, %get3A_8, %broadcast_in_dim3A_238 : vector<128x512xi1>, vector<128x512xi32>
    %reduce_min3A_240 = arith.constant dense<2147483647> : vector<128xi32>
    %reduce_min3A_241 = vector.multi_reduction <minsi>, %select_n3A_239, %reduce_min3A_240 [1] : vector<128x512xi32> to vector<128xi32>
    %broadcast_in_dim3A_242 = vector.shape_cast %reduce_min3A_241 : vector<128xi32> to vector<128x1xi32>
    %swap3A_243 = arith.constant 0 : index
    %swap3A_244 = arith.constant 0 : index
    %swap3A_245 = arith.constant 10 : index
    %swap3A_246 = vector.load %arg4[%swap3A_243, %swap3A_244, %swap3A_245] : memref<1x128x32xi32, #tpu.memory_space<vmem>>, vector<1x128x1xi32>
    %swap3A_247 = vector.shape_cast %swap3A_246 : vector<1x128x1xi32> to vector<128x1xi32>
    %swap3A_248 = vector.shape_cast %broadcast_in_dim3A_242 : vector<128x1xi32> to vector<1x128x1xi32>
    tpu.vector_store %arg4[%swap3A_243, %swap3A_244, %swap3A_245], %swap3A_248 {strides = array<i32>} : memref<1x128x32xi32, #tpu.memory_space<vmem>>, vector<1x128x1xi32>,
    %eq3A_249 = vector.broadcast %broadcast_in_dim3A_242 : vector<128x1xi32> to vector<128x512xi32>
    %eq3A_250 = arith.cmpi eq, %get3A_8, %eq3A_249 : vector<128x512xi32>
    %and3A_251 = arith.andi %eq3A_236, %eq3A_250 : vector<128x512xi1>
    %jit3A_252 = arith.constant 0x7F800000 : f32
    %broadcast_in_dim3A_253 = vector.broadcast %jit3A_252 : f32 to vector<128x512xf32>
    %select_n3A_254 = arith.select %and3A_251, %broadcast_in_dim3A_253, %select_n3A_231 : vector<128x512xi1>, vector<128x512xf32>
    %reduce_min3A_255 = arith.constant dense<0x7F800000> : vector<128xf32>
    %reduce_min3A_256 = vector.multi_reduction <minimumf>, %select_n3A_254, %reduce_min3A_255 [1] : vector<128x512xf32> to vector<128xf32>
    %broadcast_in_dim3A_257 = vector.shape_cast %reduce_min3A_256 : vector<128xf32> to vector<128x1xf32>
    %eq3A_258 = vector.broadcast %broadcast_in_dim3A_257 : vector<128x1xf32> to vector<128x512xf32>
    %eq3A_259 = arith.cmpf oeq, %select_n3A_254, %eq3A_258 : vector<128x512xf32>
    %jit3A_260 = arith.constant 1073741824 : i32
    %broadcast_in_dim3A_261 = vector.broadcast %jit3A_260 : i32 to vector<128x512xi32>
    %select_n3A_262 = arith.select %eq3A_259, %get3A_8, %broadcast_in_dim3A_261 : vector<128x512xi1>, vector<128x512xi32>
    %reduce_min3A_263 = arith.constant dense<2147483647> : vector<128xi32>
    %reduce_min3A_264 = vector.multi_reduction <minsi>, %select_n3A_262, %reduce_min3A_263 [1] : vector<128x512xi32> to vector<128xi32>
    %broadcast_in_dim3A_265 = vector.shape_cast %reduce_min3A_264 : vector<128xi32> to vector<128x1xi32>
    %swap3A_266 = arith.constant 0 : index
    %swap3A_267 = arith.constant 0 : index
    %swap3A_268 = arith.constant 11 : index
    %swap3A_269 = vector.load %arg4[%swap3A_266, %swap3A_267, %swap3A_268] : memref<1x128x32xi32, #tpu.memory_space<vmem>>, vector<1x128x1xi32>
    %swap3A_270 = vector.shape_cast %swap3A_269 : vector<1x128x1xi32> to vector<128x1xi32>
    %swap3A_271 = vector.shape_cast %broadcast_in_dim3A_265 : vector<128x1xi32> to vector<1x128x1xi32>
    tpu.vector_store %arg4[%swap3A_266, %swap3A_267, %swap3A_268], %swap3A_271 {strides = array<i32>} : memref<1x128x32xi32, #tpu.memory_space<vmem>>, vector<1x128x1xi32>,
    %eq3A_272 = vector.broadcast %broadcast_in_dim3A_265 : vector<128x1xi32> to vector<128x512xi32>
    %eq3A_273 = arith.cmpi eq, %get3A_8, %eq3A_272 : vector<128x512xi32>
    %and3A_274 = arith.andi %eq3A_259, %eq3A_273 : vector<128x512xi1>
    %jit3A_275 = arith.constant 0x7F800000 : f32
    %broadcast_in_dim3A_276 = vector.broadcast %jit3A_275 : f32 to vector<128x512xf32>
    %select_n3A_277 = arith.select %and3A_274, %broadcast_in_dim3A_276, %select_n3A_254 : vector<128x512xi1>, vector<128x512xf32>
    %reduce_min3A_278 = arith.constant dense<0x7F800000> : vector<128xf32>
    %reduce_min3A_279 = vector.multi_reduction <minimumf>, %select_n3A_277, %reduce_min3A_278 [1] : vector<128x512xf32> to vector<128xf32>
    %broadcast_in_dim3A_280 = vector.shape_cast %reduce_min3A_279 : vector<128xf32> to vector<128x1xf32>
    %eq3A_281 = vector.broadcast %broadcast_in_dim3A_280 : vector<128x1xf32> to vector<128x512xf32>
    %eq3A_282 = arith.cmpf oeq, %select_n3A_277, %eq3A_281 : vector<128x512xf32>
    %jit3A_283 = arith.constant 1073741824 : i32
    %broadcast_in_dim3A_284 = vector.broadcast %jit3A_283 : i32 to vector<128x512xi32>
    %select_n3A_285 = arith.select %eq3A_282, %get3A_8, %broadcast_in_dim3A_284 : vector<128x512xi1>, vector<128x512xi32>
    %reduce_min3A_286 = arith.constant dense<2147483647> : vector<128xi32>
    %reduce_min3A_287 = vector.multi_reduction <minsi>, %select_n3A_285, %reduce_min3A_286 [1] : vector<128x512xi32> to vector<128xi32>
    %broadcast_in_dim3A_288 = vector.shape_cast %reduce_min3A_287 : vector<128xi32> to vector<128x1xi32>
    %swap3A_289 = arith.constant 0 : index
    %swap3A_290 = arith.constant 0 : index
    %swap3A_291 = arith.constant 12 : index
    %swap3A_292 = vector.load %arg4[%swap3A_289, %swap3A_290, %swap3A_291] : memref<1x128x32xi32, #tpu.memory_space<vmem>>, vector<1x128x1xi32>
    %swap3A_293 = vector.shape_cast %swap3A_292 : vector<1x128x1xi32> to vector<128x1xi32>
    %swap3A_294 = vector.shape_cast %broadcast_in_dim3A_288 : vector<128x1xi32> to vector<1x128x1xi32>
    tpu.vector_store %arg4[%swap3A_289, %swap3A_290, %swap3A_291], %swap3A_294 {strides = array<i32>} : memref<1x128x32xi32, #tpu.memory_space<vmem>>, vector<1x128x1xi32>,
    %eq3A_295 = vector.broadcast %broadcast_in_dim3A_288 : vector<128x1xi32> to vector<128x512xi32>
    %eq3A_296 = arith.cmpi eq, %get3A_8, %eq3A_295 : vector<128x512xi32>
    %and3A_297 = arith.andi %eq3A_282, %eq3A_296 : vector<128x512xi1>
    %jit3A_298 = arith.constant 0x7F800000 : f32
    %broadcast_in_dim3A_299 = vector.broadcast %jit3A_298 : f32 to vector<128x512xf32>
    %select_n3A_300 = arith.select %and3A_297, %broadcast_in_dim3A_299, %select_n3A_277 : vector<128x512xi1>, vector<128x512xf32>
    %reduce_min3A_301 = arith.constant dense<0x7F800000> : vector<128xf32>
    %reduce_min3A_302 = vector.multi_reduction <minimumf>, %select_n3A_300, %reduce_min3A_301 [1] : vector<128x512xf32> to vector<128xf32>
    %broadcast_in_dim3A_303 = vector.shape_cast %reduce_min3A_302 : vector<128xf32> to vector<128x1xf32>
    %eq3A_304 = vector.broadcast %broadcast_in_dim3A_303 : vector<128x1xf32> to vector<128x512xf32>
    %eq3A_305 = arith.cmpf oeq, %select_n3A_300, %eq3A_304 : vector<128x512xf32>
    %jit3A_306 = arith.constant 1073741824 : i32
    %broadcast_in_dim3A_307 = vector.broadcast %jit3A_306 : i32 to vector<128x512xi32>
    %select_n3A_308 = arith.select %eq3A_305, %get3A_8, %broadcast_in_dim3A_307 : vector<128x512xi1>, vector<128x512xi32>
    %reduce_min3A_309 = arith.constant dense<2147483647> : vector<128xi32>
    %reduce_min3A_310 = vector.multi_reduction <minsi>, %select_n3A_308, %reduce_min3A_309 [1] : vector<128x512xi32> to vector<128xi32>
    %broadcast_in_dim3A_311 = vector.shape_cast %reduce_min3A_310 : vector<128xi32> to vector<128x1xi32>
    %swap3A_312 = arith.constant 0 : index
    %swap3A_313 = arith.constant 0 : index
    %swap3A_314 = arith.constant 13 : index
    %swap3A_315 = vector.load %arg4[%swap3A_312, %swap3A_313, %swap3A_314] : memref<1x128x32xi32, #tpu.memory_space<vmem>>, vector<1x128x1xi32>
    %swap3A_316 = vector.shape_cast %swap3A_315 : vector<1x128x1xi32> to vector<128x1xi32>
    %swap3A_317 = vector.shape_cast %broadcast_in_dim3A_311 : vector<128x1xi32> to vector<1x128x1xi32>
    tpu.vector_store %arg4[%swap3A_312, %swap3A_313, %swap3A_314], %swap3A_317 {strides = array<i32>} : memref<1x128x32xi32, #tpu.memory_space<vmem>>, vector<1x128x1xi32>,
    %eq3A_318 = vector.broadcast %broadcast_in_dim3A_311 : vector<128x1xi32> to vector<128x512xi32>
    %eq3A_319 = arith.cmpi eq, %get3A_8, %eq3A_318 : vector<128x512xi32>
    %and3A_320 = arith.andi %eq3A_305, %eq3A_319 : vector<128x512xi1>
    %jit3A_321 = arith.constant 0x7F800000 : f32
    %broadcast_in_dim3A_322 = vector.broadcast %jit3A_321 : f32 to vector<128x512xf32>
    %select_n3A_323 = arith.select %and3A_320, %broadcast_in_dim3A_322, %select_n3A_300 : vector<128x512xi1>, vector<128x512xf32>
    %reduce_min3A_324 = arith.constant dense<0x7F800000> : vector<128xf32>
    %reduce_min3A_325 = vector.multi_reduction <minimumf>, %select_n3A_323, %reduce_min3A_324 [1] : vector<128x512xf32> to vector<128xf32>
    %broadcast_in_dim3A_326 = vector.shape_cast %reduce_min3A_325 : vector<128xf32> to vector<128x1xf32>
    %eq3A_327 = vector.broadcast %broadcast_in_dim3A_326 : vector<128x1xf32> to vector<128x512xf32>
    %eq3A_328 = arith.cmpf oeq, %select_n3A_323, %eq3A_327 : vector<128x512xf32>
    %jit3A_329 = arith.constant 1073741824 : i32
    %broadcast_in_dim3A_330 = vector.broadcast %jit3A_329 : i32 to vector<128x512xi32>
    %select_n3A_331 = arith.select %eq3A_328, %get3A_8, %broadcast_in_dim3A_330 : vector<128x512xi1>, vector<128x512xi32>
    %reduce_min3A_332 = arith.constant dense<2147483647> : vector<128xi32>
    %reduce_min3A_333 = vector.multi_reduction <minsi>, %select_n3A_331, %reduce_min3A_332 [1] : vector<128x512xi32> to vector<128xi32>
    %broadcast_in_dim3A_334 = vector.shape_cast %reduce_min3A_333 : vector<128xi32> to vector<128x1xi32>
    %swap3A_335 = arith.constant 0 : index
    %swap3A_336 = arith.constant 0 : index
    %swap3A_337 = arith.constant 14 : index
    %swap3A_338 = vector.load %arg4[%swap3A_335, %swap3A_336, %swap3A_337] : memref<1x128x32xi32, #tpu.memory_space<vmem>>, vector<1x128x1xi32>
    %swap3A_339 = vector.shape_cast %swap3A_338 : vector<1x128x1xi32> to vector<128x1xi32>
    %swap3A_340 = vector.shape_cast %broadcast_in_dim3A_334 : vector<128x1xi32> to vector<1x128x1xi32>
    tpu.vector_store %arg4[%swap3A_335, %swap3A_336, %swap3A_337], %swap3A_340 {strides = array<i32>} : memref<1x128x32xi32, #tpu.memory_space<vmem>>, vector<1x128x1xi32>,
    %eq3A_341 = vector.broadcast %broadcast_in_dim3A_334 : vector<128x1xi32> to vector<128x512xi32>
    %eq3A_342 = arith.cmpi eq, %get3A_8, %eq3A_341 : vector<128x512xi32>
    %and3A_343 = arith.andi %eq3A_328, %eq3A_342 : vector<128x512xi1>
    %jit3A_344 = arith.constant 0x7F800000 : f32
    %broadcast_in_dim3A_345 = vector.broadcast %jit3A_344 : f32 to vector<128x512xf32>
    %select_n3A_346 = arith.select %and3A_343, %broadcast_in_dim3A_345, %select_n3A_323 : vector<128x512xi1>, vector<128x512xf32>
    %reduce_min3A_347 = arith.constant dense<0x7F800000> : vector<128xf32>
    %reduce_min3A_348 = vector.multi_reduction <minimumf>, %select_n3A_346, %reduce_min3A_347 [1] : vector<128x512xf32> to vector<128xf32>
    %broadcast_in_dim3A_349 = vector.shape_cast %reduce_min3A_348 : vector<128xf32> to vector<128x1xf32>
    %eq3A_350 = vector.broadcast %broadcast_in_dim3A_349 : vector<128x1xf32> to vector<128x512xf32>
    %eq3A_351 = arith.cmpf oeq, %select_n3A_346, %eq3A_350 : vector<128x512xf32>
    %jit3A_352 = arith.constant 1073741824 : i32
    %broadcast_in_dim3A_353 = vector.broadcast %jit3A_352 : i32 to vector<128x512xi32>
    %select_n3A_354 = arith.select %eq3A_351, %get3A_8, %broadcast_in_dim3A_353 : vector<128x512xi1>, vector<128x512xi32>
    %reduce_min3A_355 = arith.constant dense<2147483647> : vector<128xi32>
    %reduce_min3A_356 = vector.multi_reduction <minsi>, %select_n3A_354, %reduce_min3A_355 [1] : vector<128x512xi32> to vector<128xi32>
    %broadcast_in_dim3A_357 = vector.shape_cast %reduce_min3A_356 : vector<128xi32> to vector<128x1xi32>
    %swap3A_358 = arith.constant 0 : index
    %swap3A_359 = arith.constant 0 : index
    %swap3A_360 = arith.constant 15 : index
    %swap3A_361 = vector.load %arg4[%swap3A_358, %swap3A_359, %swap3A_360] : memref<1x128x32xi32, #tpu.memory_space<vmem>>, vector<1x128x1xi32>
    %swap3A_362 = vector.shape_cast %swap3A_361 : vector<1x128x1xi32> to vector<128x1xi32>
    %swap3A_363 = vector.shape_cast %broadcast_in_dim3A_357 : vector<128x1xi32> to vector<1x128x1xi32>
    tpu.vector_store %arg4[%swap3A_358, %swap3A_359, %swap3A_360], %swap3A_363 {strides = array<i32>} : memref<1x128x32xi32, #tpu.memory_space<vmem>>, vector<1x128x1xi32>,
    %eq3A_364 = vector.broadcast %broadcast_in_dim3A_357 : vector<128x1xi32> to vector<128x512xi32>
    %eq3A_365 = arith.cmpi eq, %get3A_8, %eq3A_364 : vector<128x512xi32>
    %and3A_366 = arith.andi %eq3A_351, %eq3A_365 : vector<128x512xi1>
    %jit3A_367 = arith.constant 0x7F800000 : f32
    %broadcast_in_dim3A_368 = vector.broadcast %jit3A_367 : f32 to vector<128x512xf32>
    %select_n3A_369 = arith.select %and3A_366, %broadcast_in_dim3A_368, %select_n3A_346 : vector<128x512xi1>, vector<128x512xf32>
    %reduce_min3A_370 = arith.constant dense<0x7F800000> : vector<128xf32>
    %reduce_min3A_371 = vector.multi_reduction <minimumf>, %select_n3A_369, %reduce_min3A_370 [1] : vector<128x512xf32> to vector<128xf32>
    %broadcast_in_dim3A_372 = vector.shape_cast %reduce_min3A_371 : vector<128xf32> to vector<128x1xf32>
    %eq3A_373 = vector.broadcast %broadcast_in_dim3A_372 : vector<128x1xf32> to vector<128x512xf32>
    %eq3A_374 = arith.cmpf oeq, %select_n3A_369, %eq3A_373 : vector<128x512xf32>
    %jit3A_375 = arith.constant 1073741824 : i32
    %broadcast_in_dim3A_376 = vector.broadcast %jit3A_375 : i32 to vector<128x512xi32>
    %select_n3A_377 = arith.select %eq3A_374, %get3A_8, %broadcast_in_dim3A_376 : vector<128x512xi1>, vector<128x512xi32>
    %reduce_min3A_378 = arith.constant dense<2147483647> : vector<128xi32>
    %reduce_min3A_379 = vector.multi_reduction <minsi>, %select_n3A_377, %reduce_min3A_378 [1] : vector<128x512xi32> to vector<128xi32>
    %broadcast_in_dim3A_380 = vector.shape_cast %reduce_min3A_379 : vector<128xi32> to vector<128x1xi32>
    %swap3A_381 = arith.constant 0 : index
    %swap3A_382 = arith.constant 0 : index
    %swap3A_383 = arith.constant 16 : index
    %swap3A_384 = vector.load %arg4[%swap3A_381, %swap3A_382, %swap3A_383] : memref<1x128x32xi32, #tpu.memory_space<vmem>>, vector<1x128x1xi32>
    %swap3A_385 = vector.shape_cast %swap3A_384 : vector<1x128x1xi32> to vector<128x1xi32>
    %swap3A_386 = vector.shape_cast %broadcast_in_dim3A_380 : vector<128x1xi32> to vector<1x128x1xi32>
    tpu.vector_store %arg4[%swap3A_381, %swap3A_382, %swap3A_383], %swap3A_386 {strides = array<i32>} : memref<1x128x32xi32, #tpu.memory_space<vmem>>, vector<1x128x1xi32>,
    %eq3A_387 = vector.broadcast %broadcast_in_dim3A_380 : vector<128x1xi32> to vector<128x512xi32>
    %eq3A_388 = arith.cmpi eq, %get3A_8, %eq3A_387 : vector<128x512xi32>
    %and3A_389 = arith.andi %eq3A_374, %eq3A_388 : vector<128x512xi1>
    %jit3A_390 = arith.constant 0x7F800000 : f32
    %broadcast_in_dim3A_391 = vector.broadcast %jit3A_390 : f32 to vector<128x512xf32>
    %select_n3A_392 = arith.select %and3A_389, %broadcast_in_dim3A_391, %select_n3A_369 : vector<128x512xi1>, vector<128x512xf32>
    %reduce_min3A_393 = arith.constant dense<0x7F800000> : vector<128xf32>
    %reduce_min3A_394 = vector.multi_reduction <minimumf>, %select_n3A_392, %reduce_min3A_393 [1] : vector<128x512xf32> to vector<128xf32>
    %broadcast_in_dim3A_395 = vector.shape_cast %reduce_min3A_394 : vector<128xf32> to vector<128x1xf32>
    %eq3A_396 = vector.broadcast %broadcast_in_dim3A_395 : vector<128x1xf32> to vector<128x512xf32>
    %eq3A_397 = arith.cmpf oeq, %select_n3A_392, %eq3A_396 : vector<128x512xf32>
    %jit3A_398 = arith.constant 1073741824 : i32
    %broadcast_in_dim3A_399 = vector.broadcast %jit3A_398 : i32 to vector<128x512xi32>
    %select_n3A_400 = arith.select %eq3A_397, %get3A_8, %broadcast_in_dim3A_399 : vector<128x512xi1>, vector<128x512xi32>
    %reduce_min3A_401 = arith.constant dense<2147483647> : vector<128xi32>
    %reduce_min3A_402 = vector.multi_reduction <minsi>, %select_n3A_400, %reduce_min3A_401 [1] : vector<128x512xi32> to vector<128xi32>
    %broadcast_in_dim3A_403 = vector.shape_cast %reduce_min3A_402 : vector<128xi32> to vector<128x1xi32>
    %swap3A_404 = arith.constant 0 : index
    %swap3A_405 = arith.constant 0 : index
    %swap3A_406 = arith.constant 17 : index
    %swap3A_407 = vector.load %arg4[%swap3A_404, %swap3A_405, %swap3A_406] : memref<1x128x32xi32, #tpu.memory_space<vmem>>, vector<1x128x1xi32>
    %swap3A_408 = vector.shape_cast %swap3A_407 : vector<1x128x1xi32> to vector<128x1xi32>
    %swap3A_409 = vector.shape_cast %broadcast_in_dim3A_403 : vector<128x1xi32> to vector<1x128x1xi32>
    tpu.vector_store %arg4[%swap3A_404, %swap3A_405, %swap3A_406], %swap3A_409 {strides = array<i32>} : memref<1x128x32xi32, #tpu.memory_space<vmem>>, vector<1x128x1xi32>,
    %eq3A_410 = vector.broadcast %broadcast_in_dim3A_403 : vector<128x1xi32> to vector<128x512xi32>
    %eq3A_411 = arith.cmpi eq, %get3A_8, %eq3A_410 : vector<128x512xi32>
    %and3A_412 = arith.andi %eq3A_397, %eq3A_411 : vector<128x512xi1>
    %jit3A_413 = arith.constant 0x7F800000 : f32
    %broadcast_in_dim3A_414 = vector.broadcast %jit3A_413 : f32 to vector<128x512xf32>
    %select_n3A_415 = arith.select %and3A_412, %broadcast_in_dim3A_414, %select_n3A_392 : vector<128x512xi1>, vector<128x512xf32>
    %reduce_min3A_416 = arith.constant dense<0x7F800000> : vector<128xf32>
    %reduce_min3A_417 = vector.multi_reduction <minimumf>, %select_n3A_415, %reduce_min3A_416 [1] : vector<128x512xf32> to vector<128xf32>
    %broadcast_in_dim3A_418 = vector.shape_cast %reduce_min3A_417 : vector<128xf32> to vector<128x1xf32>
    %eq3A_419 = vector.broadcast %broadcast_in_dim3A_418 : vector<128x1xf32> to vector<128x512xf32>
    %eq3A_420 = arith.cmpf oeq, %select_n3A_415, %eq3A_419 : vector<128x512xf32>
    %jit3A_421 = arith.constant 1073741824 : i32
    %broadcast_in_dim3A_422 = vector.broadcast %jit3A_421 : i32 to vector<128x512xi32>
    %select_n3A_423 = arith.select %eq3A_420, %get3A_8, %broadcast_in_dim3A_422 : vector<128x512xi1>, vector<128x512xi32>
    %reduce_min3A_424 = arith.constant dense<2147483647> : vector<128xi32>
    %reduce_min3A_425 = vector.multi_reduction <minsi>, %select_n3A_423, %reduce_min3A_424 [1] : vector<128x512xi32> to vector<128xi32>
    %broadcast_in_dim3A_426 = vector.shape_cast %reduce_min3A_425 : vector<128xi32> to vector<128x1xi32>
    %swap3A_427 = arith.constant 0 : index
    %swap3A_428 = arith.constant 0 : index
    %swap3A_429 = arith.constant 18 : index
    %swap3A_430 = vector.load %arg4[%swap3A_427, %swap3A_428, %swap3A_429] : memref<1x128x32xi32, #tpu.memory_space<vmem>>, vector<1x128x1xi32>
    %swap3A_431 = vector.shape_cast %swap3A_430 : vector<1x128x1xi32> to vector<128x1xi32>
    %swap3A_432 = vector.shape_cast %broadcast_in_dim3A_426 : vector<128x1xi32> to vector<1x128x1xi32>
    tpu.vector_store %arg4[%swap3A_427, %swap3A_428, %swap3A_429], %swap3A_432 {strides = array<i32>} : memref<1x128x32xi32, #tpu.memory_space<vmem>>, vector<1x128x1xi32>,
    %eq3A_433 = vector.broadcast %broadcast_in_dim3A_426 : vector<128x1xi32> to vector<128x512xi32>
    %eq3A_434 = arith.cmpi eq, %get3A_8, %eq3A_433 : vector<128x512xi32>
    %and3A_435 = arith.andi %eq3A_420, %eq3A_434 : vector<128x512xi1>
    %jit3A_436 = arith.constant 0x7F800000 : f32
    %broadcast_in_dim3A_437 = vector.broadcast %jit3A_436 : f32 to vector<128x512xf32>
    %select_n3A_438 = arith.select %and3A_435, %broadcast_in_dim3A_437, %select_n3A_415 : vector<128x512xi1>, vector<128x512xf32>
    %reduce_min3A_439 = arith.constant dense<0x7F800000> : vector<128xf32>
    %reduce_min3A_440 = vector.multi_reduction <minimumf>, %select_n3A_438, %reduce_min3A_439 [1] : vector<128x512xf32> to vector<128xf32>
    %broadcast_in_dim3A_441 = vector.shape_cast %reduce_min3A_440 : vector<128xf32> to vector<128x1xf32>
    %eq3A_442 = vector.broadcast %broadcast_in_dim3A_441 : vector<128x1xf32> to vector<128x512xf32>
    %eq3A_443 = arith.cmpf oeq, %select_n3A_438, %eq3A_442 : vector<128x512xf32>
    %jit3A_444 = arith.constant 1073741824 : i32
    %broadcast_in_dim3A_445 = vector.broadcast %jit3A_444 : i32 to vector<128x512xi32>
    %select_n3A_446 = arith.select %eq3A_443, %get3A_8, %broadcast_in_dim3A_445 : vector<128x512xi1>, vector<128x512xi32>
    %reduce_min3A_447 = arith.constant dense<2147483647> : vector<128xi32>
    %reduce_min3A_448 = vector.multi_reduction <minsi>, %select_n3A_446, %reduce_min3A_447 [1] : vector<128x512xi32> to vector<128xi32>
    %broadcast_in_dim3A_449 = vector.shape_cast %reduce_min3A_448 : vector<128xi32> to vector<128x1xi32>
    %swap3A_450 = arith.constant 0 : index
    %swap3A_451 = arith.constant 0 : index
    %swap3A_452 = arith.constant 19 : index
    %swap3A_453 = vector.load %arg4[%swap3A_450, %swap3A_451, %swap3A_452] : memref<1x128x32xi32, #tpu.memory_space<vmem>>, vector<1x128x1xi32>
    %swap3A_454 = vector.shape_cast %swap3A_453 : vector<1x128x1xi32> to vector<128x1xi32>
    %swap3A_455 = vector.shape_cast %broadcast_in_dim3A_449 : vector<128x1xi32> to vector<1x128x1xi32>
    tpu.vector_store %arg4[%swap3A_450, %swap3A_451, %swap3A_452], %swap3A_455 {strides = array<i32>} : memref<1x128x32xi32, #tpu.memory_space<vmem>>, vector<1x128x1xi32>,
    %eq3A_456 = vector.broadcast %broadcast_in_dim3A_449 : vector<128x1xi32> to vector<128x512xi32>
    %eq3A_457 = arith.cmpi eq, %get3A_8, %eq3A_456 : vector<128x512xi32>
    %and3A_458 = arith.andi %eq3A_443, %eq3A_457 : vector<128x512xi1>
    %jit3A_459 = arith.constant 0x7F800000 : f32
    %broadcast_in_dim3A_460 = vector.broadcast %jit3A_459 : f32 to vector<128x512xf32>
    %select_n3A_461 = arith.select %and3A_458, %broadcast_in_dim3A_460, %select_n3A_438 : vector<128x512xi1>, vector<128x512xf32>
    %reduce_min3A_462 = arith.constant dense<0x7F800000> : vector<128xf32>
    %reduce_min3A_463 = vector.multi_reduction <minimumf>, %select_n3A_461, %reduce_min3A_462 [1] : vector<128x512xf32> to vector<128xf32>
    %broadcast_in_dim3A_464 = vector.shape_cast %reduce_min3A_463 : vector<128xf32> to vector<128x1xf32>
    %eq3A_465 = vector.broadcast %broadcast_in_dim3A_464 : vector<128x1xf32> to vector<128x512xf32>
    %eq3A_466 = arith.cmpf oeq, %select_n3A_461, %eq3A_465 : vector<128x512xf32>
    %jit3A_467 = arith.constant 1073741824 : i32
    %broadcast_in_dim3A_468 = vector.broadcast %jit3A_467 : i32 to vector<128x512xi32>
    %select_n3A_469 = arith.select %eq3A_466, %get3A_8, %broadcast_in_dim3A_468 : vector<128x512xi1>, vector<128x512xi32>
    %reduce_min3A_470 = arith.constant dense<2147483647> : vector<128xi32>
    %reduce_min3A_471 = vector.multi_reduction <minsi>, %select_n3A_469, %reduce_min3A_470 [1] : vector<128x512xi32> to vector<128xi32>
    %broadcast_in_dim3A_472 = vector.shape_cast %reduce_min3A_471 : vector<128xi32> to vector<128x1xi32>
    %swap3A_473 = arith.constant 0 : index
    %swap3A_474 = arith.constant 0 : index
    %swap3A_475 = arith.constant 20 : index
    %swap3A_476 = vector.load %arg4[%swap3A_473, %swap3A_474, %swap3A_475] : memref<1x128x32xi32, #tpu.memory_space<vmem>>, vector<1x128x1xi32>
    %swap3A_477 = vector.shape_cast %swap3A_476 : vector<1x128x1xi32> to vector<128x1xi32>
    %swap3A_478 = vector.shape_cast %broadcast_in_dim3A_472 : vector<128x1xi32> to vector<1x128x1xi32>
    tpu.vector_store %arg4[%swap3A_473, %swap3A_474, %swap3A_475], %swap3A_478 {strides = array<i32>} : memref<1x128x32xi32, #tpu.memory_space<vmem>>, vector<1x128x1xi32>,
    %eq3A_479 = vector.broadcast %broadcast_in_dim3A_472 : vector<128x1xi32> to vector<128x512xi32>
    %eq3A_480 = arith.cmpi eq, %get3A_8, %eq3A_479 : vector<128x512xi32>
    %and3A_481 = arith.andi %eq3A_466, %eq3A_480 : vector<128x512xi1>
    %jit3A_482 = arith.constant 0x7F800000 : f32
    %broadcast_in_dim3A_483 = vector.broadcast %jit3A_482 : f32 to vector<128x512xf32>
    %select_n3A_484 = arith.select %and3A_481, %broadcast_in_dim3A_483, %select_n3A_461 : vector<128x512xi1>, vector<128x512xf32>
    %reduce_min3A_485 = arith.constant dense<0x7F800000> : vector<128xf32>
    %reduce_min3A_486 = vector.multi_reduction <minimumf>, %select_n3A_484, %reduce_min3A_485 [1] : vector<128x512xf32> to vector<128xf32>
    %broadcast_in_dim3A_487 = vector.shape_cast %reduce_min3A_486 : vector<128xf32> to vector<128x1xf32>
    %eq3A_488 = vector.broadcast %broadcast_in_dim3A_487 : vector<128x1xf32> to vector<128x512xf32>
    %eq3A_489 = arith.cmpf oeq, %select_n3A_484, %eq3A_488 : vector<128x512xf32>
    %jit3A_490 = arith.constant 1073741824 : i32
    %broadcast_in_dim3A_491 = vector.broadcast %jit3A_490 : i32 to vector<128x512xi32>
    %select_n3A_492 = arith.select %eq3A_489, %get3A_8, %broadcast_in_dim3A_491 : vector<128x512xi1>, vector<128x512xi32>
    %reduce_min3A_493 = arith.constant dense<2147483647> : vector<128xi32>
    %reduce_min3A_494 = vector.multi_reduction <minsi>, %select_n3A_492, %reduce_min3A_493 [1] : vector<128x512xi32> to vector<128xi32>
    %broadcast_in_dim3A_495 = vector.shape_cast %reduce_min3A_494 : vector<128xi32> to vector<128x1xi32>
    %swap3A_496 = arith.constant 0 : index
    %swap3A_497 = arith.constant 0 : index
    %swap3A_498 = arith.constant 21 : index
    %swap3A_499 = vector.load %arg4[%swap3A_496, %swap3A_497, %swap3A_498] : memref<1x128x32xi32, #tpu.memory_space<vmem>>, vector<1x128x1xi32>
    %swap3A_500 = vector.shape_cast %swap3A_499 : vector<1x128x1xi32> to vector<128x1xi32>
    %swap3A_501 = vector.shape_cast %broadcast_in_dim3A_495 : vector<128x1xi32> to vector<1x128x1xi32>
    tpu.vector_store %arg4[%swap3A_496, %swap3A_497, %swap3A_498], %swap3A_501 {strides = array<i32>} : memref<1x128x32xi32, #tpu.memory_space<vmem>>, vector<1x128x1xi32>,
    %eq3A_502 = vector.broadcast %broadcast_in_dim3A_495 : vector<128x1xi32> to vector<128x512xi32>
    %eq3A_503 = arith.cmpi eq, %get3A_8, %eq3A_502 : vector<128x512xi32>
    %and3A_504 = arith.andi %eq3A_489, %eq3A_503 : vector<128x512xi1>
    %jit3A_505 = arith.constant 0x7F800000 : f32
    %broadcast_in_dim3A_506 = vector.broadcast %jit3A_505 : f32 to vector<128x512xf32>
    %select_n3A_507 = arith.select %and3A_504, %broadcast_in_dim3A_506, %select_n3A_484 : vector<128x512xi1>, vector<128x512xf32>
    %reduce_min3A_508 = arith.constant dense<0x7F800000> : vector<128xf32>
    %reduce_min3A_509 = vector.multi_reduction <minimumf>, %select_n3A_507, %reduce_min3A_508 [1] : vector<128x512xf32> to vector<128xf32>
    %broadcast_in_dim3A_510 = vector.shape_cast %reduce_min3A_509 : vector<128xf32> to vector<128x1xf32>
    %eq3A_511 = vector.broadcast %broadcast_in_dim3A_510 : vector<128x1xf32> to vector<128x512xf32>
    %eq3A_512 = arith.cmpf oeq, %select_n3A_507, %eq3A_511 : vector<128x512xf32>
    %jit3A_513 = arith.constant 1073741824 : i32
    %broadcast_in_dim3A_514 = vector.broadcast %jit3A_513 : i32 to vector<128x512xi32>
    %select_n3A_515 = arith.select %eq3A_512, %get3A_8, %broadcast_in_dim3A_514 : vector<128x512xi1>, vector<128x512xi32>
    %reduce_min3A_516 = arith.constant dense<2147483647> : vector<128xi32>
    %reduce_min3A_517 = vector.multi_reduction <minsi>, %select_n3A_515, %reduce_min3A_516 [1] : vector<128x512xi32> to vector<128xi32>
    %broadcast_in_dim3A_518 = vector.shape_cast %reduce_min3A_517 : vector<128xi32> to vector<128x1xi32>
    %swap3A_519 = arith.constant 0 : index
    %swap3A_520 = arith.constant 0 : index
    %swap3A_521 = arith.constant 22 : index
    %swap3A_522 = vector.load %arg4[%swap3A_519, %swap3A_520, %swap3A_521] : memref<1x128x32xi32, #tpu.memory_space<vmem>>, vector<1x128x1xi32>
    %swap3A_523 = vector.shape_cast %swap3A_522 : vector<1x128x1xi32> to vector<128x1xi32>
    %swap3A_524 = vector.shape_cast %broadcast_in_dim3A_518 : vector<128x1xi32> to vector<1x128x1xi32>
    tpu.vector_store %arg4[%swap3A_519, %swap3A_520, %swap3A_521], %swap3A_524 {strides = array<i32>} : memref<1x128x32xi32, #tpu.memory_space<vmem>>, vector<1x128x1xi32>,
    %eq3A_525 = vector.broadcast %broadcast_in_dim3A_518 : vector<128x1xi32> to vector<128x512xi32>
    %eq3A_526 = arith.cmpi eq, %get3A_8, %eq3A_525 : vector<128x512xi32>
    %and3A_527 = arith.andi %eq3A_512, %eq3A_526 : vector<128x512xi1>
    %jit3A_528 = arith.constant 0x7F800000 : f32
    %broadcast_in_dim3A_529 = vector.broadcast %jit3A_528 : f32 to vector<128x512xf32>
    %select_n3A_530 = arith.select %and3A_527, %broadcast_in_dim3A_529, %select_n3A_507 : vector<128x512xi1>, vector<128x512xf32>
    %reduce_min3A_531 = arith.constant dense<0x7F800000> : vector<128xf32>
    %reduce_min3A_532 = vector.multi_reduction <minimumf>, %select_n3A_530, %reduce_min3A_531 [1] : vector<128x512xf32> to vector<128xf32>
    %broadcast_in_dim3A_533 = vector.shape_cast %reduce_min3A_532 : vector<128xf32> to vector<128x1xf32>
    %eq3A_534 = vector.broadcast %broadcast_in_dim3A_533 : vector<128x1xf32> to vector<128x512xf32>
    %eq3A_535 = arith.cmpf oeq, %select_n3A_530, %eq3A_534 : vector<128x512xf32>
    %jit3A_536 = arith.constant 1073741824 : i32
    %broadcast_in_dim3A_537 = vector.broadcast %jit3A_536 : i32 to vector<128x512xi32>
    %select_n3A_538 = arith.select %eq3A_535, %get3A_8, %broadcast_in_dim3A_537 : vector<128x512xi1>, vector<128x512xi32>
    %reduce_min3A_539 = arith.constant dense<2147483647> : vector<128xi32>
    %reduce_min3A_540 = vector.multi_reduction <minsi>, %select_n3A_538, %reduce_min3A_539 [1] : vector<128x512xi32> to vector<128xi32>
    %broadcast_in_dim3A_541 = vector.shape_cast %reduce_min3A_540 : vector<128xi32> to vector<128x1xi32>
    %swap3A_542 = arith.constant 0 : index
    %swap3A_543 = arith.constant 0 : index
    %swap3A_544 = arith.constant 23 : index
    %swap3A_545 = vector.load %arg4[%swap3A_542, %swap3A_543, %swap3A_544] : memref<1x128x32xi32, #tpu.memory_space<vmem>>, vector<1x128x1xi32>
    %swap3A_546 = vector.shape_cast %swap3A_545 : vector<1x128x1xi32> to vector<128x1xi32>
    %swap3A_547 = vector.shape_cast %broadcast_in_dim3A_541 : vector<128x1xi32> to vector<1x128x1xi32>
    tpu.vector_store %arg4[%swap3A_542, %swap3A_543, %swap3A_544], %swap3A_547 {strides = array<i32>} : memref<1x128x32xi32, #tpu.memory_space<vmem>>, vector<1x128x1xi32>,
    %eq3A_548 = vector.broadcast %broadcast_in_dim3A_541 : vector<128x1xi32> to vector<128x512xi32>
    %eq3A_549 = arith.cmpi eq, %get3A_8, %eq3A_548 : vector<128x512xi32>
    %and3A_550 = arith.andi %eq3A_535, %eq3A_549 : vector<128x512xi1>
    %jit3A_551 = arith.constant 0x7F800000 : f32
    %broadcast_in_dim3A_552 = vector.broadcast %jit3A_551 : f32 to vector<128x512xf32>
    %select_n3A_553 = arith.select %and3A_550, %broadcast_in_dim3A_552, %select_n3A_530 : vector<128x512xi1>, vector<128x512xf32>
    %reduce_min3A_554 = arith.constant dense<0x7F800000> : vector<128xf32>
    %reduce_min3A_555 = vector.multi_reduction <minimumf>, %select_n3A_553, %reduce_min3A_554 [1] : vector<128x512xf32> to vector<128xf32>
    %broadcast_in_dim3A_556 = vector.shape_cast %reduce_min3A_555 : vector<128xf32> to vector<128x1xf32>
    %eq3A_557 = vector.broadcast %broadcast_in_dim3A_556 : vector<128x1xf32> to vector<128x512xf32>
    %eq3A_558 = arith.cmpf oeq, %select_n3A_553, %eq3A_557 : vector<128x512xf32>
    %jit3A_559 = arith.constant 1073741824 : i32
    %broadcast_in_dim3A_560 = vector.broadcast %jit3A_559 : i32 to vector<128x512xi32>
    %select_n3A_561 = arith.select %eq3A_558, %get3A_8, %broadcast_in_dim3A_560 : vector<128x512xi1>, vector<128x512xi32>
    %reduce_min3A_562 = arith.constant dense<2147483647> : vector<128xi32>
    %reduce_min3A_563 = vector.multi_reduction <minsi>, %select_n3A_561, %reduce_min3A_562 [1] : vector<128x512xi32> to vector<128xi32>
    %broadcast_in_dim3A_564 = vector.shape_cast %reduce_min3A_563 : vector<128xi32> to vector<128x1xi32>
    %swap3A_565 = arith.constant 0 : index
    %swap3A_566 = arith.constant 0 : index
    %swap3A_567 = arith.constant 24 : index
    %swap3A_568 = vector.load %arg4[%swap3A_565, %swap3A_566, %swap3A_567] : memref<1x128x32xi32, #tpu.memory_space<vmem>>, vector<1x128x1xi32>
    %swap3A_569 = vector.shape_cast %swap3A_568 : vector<1x128x1xi32> to vector<128x1xi32>
    %swap3A_570 = vector.shape_cast %broadcast_in_dim3A_564 : vector<128x1xi32> to vector<1x128x1xi32>
    tpu.vector_store %arg4[%swap3A_565, %swap3A_566, %swap3A_567], %swap3A_570 {strides = array<i32>} : memref<1x128x32xi32, #tpu.memory_space<vmem>>, vector<1x128x1xi32>,
    %eq3A_571 = vector.broadcast %broadcast_in_dim3A_564 : vector<128x1xi32> to vector<128x512xi32>
    %eq3A_572 = arith.cmpi eq, %get3A_8, %eq3A_571 : vector<128x512xi32>
    %and3A_573 = arith.andi %eq3A_558, %eq3A_572 : vector<128x512xi1>
    %jit3A_574 = arith.constant 0x7F800000 : f32
    %broadcast_in_dim3A_575 = vector.broadcast %jit3A_574 : f32 to vector<128x512xf32>
    %select_n3A_576 = arith.select %and3A_573, %broadcast_in_dim3A_575, %select_n3A_553 : vector<128x512xi1>, vector<128x512xf32>
    %reduce_min3A_577 = arith.constant dense<0x7F800000> : vector<128xf32>
    %reduce_min3A_578 = vector.multi_reduction <minimumf>, %select_n3A_576, %reduce_min3A_577 [1] : vector<128x512xf32> to vector<128xf32>
    %broadcast_in_dim3A_579 = vector.shape_cast %reduce_min3A_578 : vector<128xf32> to vector<128x1xf32>
    %eq3A_580 = vector.broadcast %broadcast_in_dim3A_579 : vector<128x1xf32> to vector<128x512xf32>
    %eq3A_581 = arith.cmpf oeq, %select_n3A_576, %eq3A_580 : vector<128x512xf32>
    %jit3A_582 = arith.constant 1073741824 : i32
    %broadcast_in_dim3A_583 = vector.broadcast %jit3A_582 : i32 to vector<128x512xi32>
    %select_n3A_584 = arith.select %eq3A_581, %get3A_8, %broadcast_in_dim3A_583 : vector<128x512xi1>, vector<128x512xi32>
    %reduce_min3A_585 = arith.constant dense<2147483647> : vector<128xi32>
    %reduce_min3A_586 = vector.multi_reduction <minsi>, %select_n3A_584, %reduce_min3A_585 [1] : vector<128x512xi32> to vector<128xi32>
    %broadcast_in_dim3A_587 = vector.shape_cast %reduce_min3A_586 : vector<128xi32> to vector<128x1xi32>
    %swap3A_588 = arith.constant 0 : index
    %swap3A_589 = arith.constant 0 : index
    %swap3A_590 = arith.constant 25 : index
    %swap3A_591 = vector.load %arg4[%swap3A_588, %swap3A_589, %swap3A_590] : memref<1x128x32xi32, #tpu.memory_space<vmem>>, vector<1x128x1xi32>
    %swap3A_592 = vector.shape_cast %swap3A_591 : vector<1x128x1xi32> to vector<128x1xi32>
    %swap3A_593 = vector.shape_cast %broadcast_in_dim3A_587 : vector<128x1xi32> to vector<1x128x1xi32>
    tpu.vector_store %arg4[%swap3A_588, %swap3A_589, %swap3A_590], %swap3A_593 {strides = array<i32>} : memref<1x128x32xi32, #tpu.memory_space<vmem>>, vector<1x128x1xi32>,
    %eq3A_594 = vector.broadcast %broadcast_in_dim3A_587 : vector<128x1xi32> to vector<128x512xi32>
    %eq3A_595 = arith.cmpi eq, %get3A_8, %eq3A_594 : vector<128x512xi32>
    %and3A_596 = arith.andi %eq3A_581, %eq3A_595 : vector<128x512xi1>
    %jit3A_597 = arith.constant 0x7F800000 : f32
    %broadcast_in_dim3A_598 = vector.broadcast %jit3A_597 : f32 to vector<128x512xf32>
    %select_n3A_599 = arith.select %and3A_596, %broadcast_in_dim3A_598, %select_n3A_576 : vector<128x512xi1>, vector<128x512xf32>
    %reduce_min3A_600 = arith.constant dense<0x7F800000> : vector<128xf32>
    %reduce_min3A_601 = vector.multi_reduction <minimumf>, %select_n3A_599, %reduce_min3A_600 [1] : vector<128x512xf32> to vector<128xf32>
    %broadcast_in_dim3A_602 = vector.shape_cast %reduce_min3A_601 : vector<128xf32> to vector<128x1xf32>
    %eq3A_603 = vector.broadcast %broadcast_in_dim3A_602 : vector<128x1xf32> to vector<128x512xf32>
    %eq3A_604 = arith.cmpf oeq, %select_n3A_599, %eq3A_603 : vector<128x512xf32>
    %jit3A_605 = arith.constant 1073741824 : i32
    %broadcast_in_dim3A_606 = vector.broadcast %jit3A_605 : i32 to vector<128x512xi32>
    %select_n3A_607 = arith.select %eq3A_604, %get3A_8, %broadcast_in_dim3A_606 : vector<128x512xi1>, vector<128x512xi32>
    %reduce_min3A_608 = arith.constant dense<2147483647> : vector<128xi32>
    %reduce_min3A_609 = vector.multi_reduction <minsi>, %select_n3A_607, %reduce_min3A_608 [1] : vector<128x512xi32> to vector<128xi32>
    %broadcast_in_dim3A_610 = vector.shape_cast %reduce_min3A_609 : vector<128xi32> to vector<128x1xi32>
    %swap3A_611 = arith.constant 0 : index
    %swap3A_612 = arith.constant 0 : index
    %swap3A_613 = arith.constant 26 : index
    %swap3A_614 = vector.load %arg4[%swap3A_611, %swap3A_612, %swap3A_613] : memref<1x128x32xi32, #tpu.memory_space<vmem>>, vector<1x128x1xi32>
    %swap3A_615 = vector.shape_cast %swap3A_614 : vector<1x128x1xi32> to vector<128x1xi32>
    %swap3A_616 = vector.shape_cast %broadcast_in_dim3A_610 : vector<128x1xi32> to vector<1x128x1xi32>
    tpu.vector_store %arg4[%swap3A_611, %swap3A_612, %swap3A_613], %swap3A_616 {strides = array<i32>} : memref<1x128x32xi32, #tpu.memory_space<vmem>>, vector<1x128x1xi32>,
    %eq3A_617 = vector.broadcast %broadcast_in_dim3A_610 : vector<128x1xi32> to vector<128x512xi32>
    %eq3A_618 = arith.cmpi eq, %get3A_8, %eq3A_617 : vector<128x512xi32>
    %and3A_619 = arith.andi %eq3A_604, %eq3A_618 : vector<128x512xi1>
    %jit3A_620 = arith.constant 0x7F800000 : f32
    %broadcast_in_dim3A_621 = vector.broadcast %jit3A_620 : f32 to vector<128x512xf32>
    %select_n3A_622 = arith.select %and3A_619, %broadcast_in_dim3A_621, %select_n3A_599 : vector<128x512xi1>, vector<128x512xf32>
    %reduce_min3A_623 = arith.constant dense<0x7F800000> : vector<128xf32>
    %reduce_min3A_624 = vector.multi_reduction <minimumf>, %select_n3A_622, %reduce_min3A_623 [1] : vector<128x512xf32> to vector<128xf32>
    %broadcast_in_dim3A_625 = vector.shape_cast %reduce_min3A_624 : vector<128xf32> to vector<128x1xf32>
    %eq3A_626 = vector.broadcast %broadcast_in_dim3A_625 : vector<128x1xf32> to vector<128x512xf32>
    %eq3A_627 = arith.cmpf oeq, %select_n3A_622, %eq3A_626 : vector<128x512xf32>
    %jit3A_628 = arith.constant 1073741824 : i32
    %broadcast_in_dim3A_629 = vector.broadcast %jit3A_628 : i32 to vector<128x512xi32>
    %select_n3A_630 = arith.select %eq3A_627, %get3A_8, %broadcast_in_dim3A_629 : vector<128x512xi1>, vector<128x512xi32>
    %reduce_min3A_631 = arith.constant dense<2147483647> : vector<128xi32>
    %reduce_min3A_632 = vector.multi_reduction <minsi>, %select_n3A_630, %reduce_min3A_631 [1] : vector<128x512xi32> to vector<128xi32>
    %broadcast_in_dim3A_633 = vector.shape_cast %reduce_min3A_632 : vector<128xi32> to vector<128x1xi32>
    %swap3A_634 = arith.constant 0 : index
    %swap3A_635 = arith.constant 0 : index
    %swap3A_636 = arith.constant 27 : index
    %swap3A_637 = vector.load %arg4[%swap3A_634, %swap3A_635, %swap3A_636] : memref<1x128x32xi32, #tpu.memory_space<vmem>>, vector<1x128x1xi32>
    %swap3A_638 = vector.shape_cast %swap3A_637 : vector<1x128x1xi32> to vector<128x1xi32>
    %swap3A_639 = vector.shape_cast %broadcast_in_dim3A_633 : vector<128x1xi32> to vector<1x128x1xi32>
    tpu.vector_store %arg4[%swap3A_634, %swap3A_635, %swap3A_636], %swap3A_639 {strides = array<i32>} : memref<1x128x32xi32, #tpu.memory_space<vmem>>, vector<1x128x1xi32>,
    %eq3A_640 = vector.broadcast %broadcast_in_dim3A_633 : vector<128x1xi32> to vector<128x512xi32>
    %eq3A_641 = arith.cmpi eq, %get3A_8, %eq3A_640 : vector<128x512xi32>
    %and3A_642 = arith.andi %eq3A_627, %eq3A_641 : vector<128x512xi1>
    %jit3A_643 = arith.constant 0x7F800000 : f32
    %broadcast_in_dim3A_644 = vector.broadcast %jit3A_643 : f32 to vector<128x512xf32>
    %select_n3A_645 = arith.select %and3A_642, %broadcast_in_dim3A_644, %select_n3A_622 : vector<128x512xi1>, vector<128x512xf32>
    %reduce_min3A_646 = arith.constant dense<0x7F800000> : vector<128xf32>
    %reduce_min3A_647 = vector.multi_reduction <minimumf>, %select_n3A_645, %reduce_min3A_646 [1] : vector<128x512xf32> to vector<128xf32>
    %broadcast_in_dim3A_648 = vector.shape_cast %reduce_min3A_647 : vector<128xf32> to vector<128x1xf32>
    %eq3A_649 = vector.broadcast %broadcast_in_dim3A_648 : vector<128x1xf32> to vector<128x512xf32>
    %eq3A_650 = arith.cmpf oeq, %select_n3A_645, %eq3A_649 : vector<128x512xf32>
    %jit3A_651 = arith.constant 1073741824 : i32
    %broadcast_in_dim3A_652 = vector.broadcast %jit3A_651 : i32 to vector<128x512xi32>
    %select_n3A_653 = arith.select %eq3A_650, %get3A_8, %broadcast_in_dim3A_652 : vector<128x512xi1>, vector<128x512xi32>
    %reduce_min3A_654 = arith.constant dense<2147483647> : vector<128xi32>
    %reduce_min3A_655 = vector.multi_reduction <minsi>, %select_n3A_653, %reduce_min3A_654 [1] : vector<128x512xi32> to vector<128xi32>
    %broadcast_in_dim3A_656 = vector.shape_cast %reduce_min3A_655 : vector<128xi32> to vector<128x1xi32>
    %swap3A_657 = arith.constant 0 : index
    %swap3A_658 = arith.constant 0 : index
    %swap3A_659 = arith.constant 28 : index
    %swap3A_660 = vector.load %arg4[%swap3A_657, %swap3A_658, %swap3A_659] : memref<1x128x32xi32, #tpu.memory_space<vmem>>, vector<1x128x1xi32>
    %swap3A_661 = vector.shape_cast %swap3A_660 : vector<1x128x1xi32> to vector<128x1xi32>
    %swap3A_662 = vector.shape_cast %broadcast_in_dim3A_656 : vector<128x1xi32> to vector<1x128x1xi32>
    tpu.vector_store %arg4[%swap3A_657, %swap3A_658, %swap3A_659], %swap3A_662 {strides = array<i32>} : memref<1x128x32xi32, #tpu.memory_space<vmem>>, vector<1x128x1xi32>,
    %eq3A_663 = vector.broadcast %broadcast_in_dim3A_656 : vector<128x1xi32> to vector<128x512xi32>
    %eq3A_664 = arith.cmpi eq, %get3A_8, %eq3A_663 : vector<128x512xi32>
    %and3A_665 = arith.andi %eq3A_650, %eq3A_664 : vector<128x512xi1>
    %jit3A_666 = arith.constant 0x7F800000 : f32
    %broadcast_in_dim3A_667 = vector.broadcast %jit3A_666 : f32 to vector<128x512xf32>
    %select_n3A_668 = arith.select %and3A_665, %broadcast_in_dim3A_667, %select_n3A_645 : vector<128x512xi1>, vector<128x512xf32>
    %reduce_min3A_669 = arith.constant dense<0x7F800000> : vector<128xf32>
    %reduce_min3A_670 = vector.multi_reduction <minimumf>, %select_n3A_668, %reduce_min3A_669 [1] : vector<128x512xf32> to vector<128xf32>
    %broadcast_in_dim3A_671 = vector.shape_cast %reduce_min3A_670 : vector<128xf32> to vector<128x1xf32>
    %eq3A_672 = vector.broadcast %broadcast_in_dim3A_671 : vector<128x1xf32> to vector<128x512xf32>
    %eq3A_673 = arith.cmpf oeq, %select_n3A_668, %eq3A_672 : vector<128x512xf32>
    %jit3A_674 = arith.constant 1073741824 : i32
    %broadcast_in_dim3A_675 = vector.broadcast %jit3A_674 : i32 to vector<128x512xi32>
    %select_n3A_676 = arith.select %eq3A_673, %get3A_8, %broadcast_in_dim3A_675 : vector<128x512xi1>, vector<128x512xi32>
    %reduce_min3A_677 = arith.constant dense<2147483647> : vector<128xi32>
    %reduce_min3A_678 = vector.multi_reduction <minsi>, %select_n3A_676, %reduce_min3A_677 [1] : vector<128x512xi32> to vector<128xi32>
    %broadcast_in_dim3A_679 = vector.shape_cast %reduce_min3A_678 : vector<128xi32> to vector<128x1xi32>
    %swap3A_680 = arith.constant 0 : index
    %swap3A_681 = arith.constant 0 : index
    %swap3A_682 = arith.constant 29 : index
    %swap3A_683 = vector.load %arg4[%swap3A_680, %swap3A_681, %swap3A_682] : memref<1x128x32xi32, #tpu.memory_space<vmem>>, vector<1x128x1xi32>
    %swap3A_684 = vector.shape_cast %swap3A_683 : vector<1x128x1xi32> to vector<128x1xi32>
    %swap3A_685 = vector.shape_cast %broadcast_in_dim3A_679 : vector<128x1xi32> to vector<1x128x1xi32>
    tpu.vector_store %arg4[%swap3A_680, %swap3A_681, %swap3A_682], %swap3A_685 {strides = array<i32>} : memref<1x128x32xi32, #tpu.memory_space<vmem>>, vector<1x128x1xi32>,
    %eq3A_686 = vector.broadcast %broadcast_in_dim3A_679 : vector<128x1xi32> to vector<128x512xi32>
    %eq3A_687 = arith.cmpi eq, %get3A_8, %eq3A_686 : vector<128x512xi32>
    %and3A_688 = arith.andi %eq3A_673, %eq3A_687 : vector<128x512xi1>
    %jit3A_689 = arith.constant 0x7F800000 : f32
    %broadcast_in_dim3A_690 = vector.broadcast %jit3A_689 : f32 to vector<128x512xf32>
    %select_n3A_691 = arith.select %and3A_688, %broadcast_in_dim3A_690, %select_n3A_668 : vector<128x512xi1>, vector<128x512xf32>
    %reduce_min3A_692 = arith.constant dense<0x7F800000> : vector<128xf32>
    %reduce_min3A_693 = vector.multi_reduction <minimumf>, %select_n3A_691, %reduce_min3A_692 [1] : vector<128x512xf32> to vector<128xf32>
    %broadcast_in_dim3A_694 = vector.shape_cast %reduce_min3A_693 : vector<128xf32> to vector<128x1xf32>
    %eq3A_695 = vector.broadcast %broadcast_in_dim3A_694 : vector<128x1xf32> to vector<128x512xf32>
    %eq3A_696 = arith.cmpf oeq, %select_n3A_691, %eq3A_695 : vector<128x512xf32>
    %jit3A_697 = arith.constant 1073741824 : i32
    %broadcast_in_dim3A_698 = vector.broadcast %jit3A_697 : i32 to vector<128x512xi32>
    %select_n3A_699 = arith.select %eq3A_696, %get3A_8, %broadcast_in_dim3A_698 : vector<128x512xi1>, vector<128x512xi32>
    %reduce_min3A_700 = arith.constant dense<2147483647> : vector<128xi32>
    %reduce_min3A_701 = vector.multi_reduction <minsi>, %select_n3A_699, %reduce_min3A_700 [1] : vector<128x512xi32> to vector<128xi32>
    %broadcast_in_dim3A_702 = vector.shape_cast %reduce_min3A_701 : vector<128xi32> to vector<128x1xi32>
    %swap3A_703 = arith.constant 0 : index
    %swap3A_704 = arith.constant 0 : index
    %swap3A_705 = arith.constant 30 : index
    %swap3A_706 = vector.load %arg4[%swap3A_703, %swap3A_704, %swap3A_705] : memref<1x128x32xi32, #tpu.memory_space<vmem>>, vector<1x128x1xi32>
    %swap3A_707 = vector.shape_cast %swap3A_706 : vector<1x128x1xi32> to vector<128x1xi32>
    %swap3A_708 = vector.shape_cast %broadcast_in_dim3A_702 : vector<128x1xi32> to vector<1x128x1xi32>
    tpu.vector_store %arg4[%swap3A_703, %swap3A_704, %swap3A_705], %swap3A_708 {strides = array<i32>} : memref<1x128x32xi32, #tpu.memory_space<vmem>>, vector<1x128x1xi32>,
    %eq3A_709 = vector.broadcast %broadcast_in_dim3A_702 : vector<128x1xi32> to vector<128x512xi32>
    %eq3A_710 = arith.cmpi eq, %get3A_8, %eq3A_709 : vector<128x512xi32>
    %and3A_711 = arith.andi %eq3A_696, %eq3A_710 : vector<128x512xi1>
    %jit3A_712 = arith.constant 0x7F800000 : f32
    %broadcast_in_dim3A_713 = vector.broadcast %jit3A_712 : f32 to vector<128x512xf32>
    %select_n3A_714 = arith.select %and3A_711, %broadcast_in_dim3A_713, %select_n3A_691 : vector<128x512xi1>, vector<128x512xf32>
    %reduce_min3A_715 = arith.constant dense<0x7F800000> : vector<128xf32>
    %reduce_min3A_716 = vector.multi_reduction <minimumf>, %select_n3A_714, %reduce_min3A_715 [1] : vector<128x512xf32> to vector<128xf32>
    %broadcast_in_dim3A_717 = vector.shape_cast %reduce_min3A_716 : vector<128xf32> to vector<128x1xf32>
    %eq3A_718 = vector.broadcast %broadcast_in_dim3A_717 : vector<128x1xf32> to vector<128x512xf32>
    %eq3A_719 = arith.cmpf oeq, %select_n3A_714, %eq3A_718 : vector<128x512xf32>
    %jit3A_720 = arith.constant 1073741824 : i32
    %broadcast_in_dim3A_721 = vector.broadcast %jit3A_720 : i32 to vector<128x512xi32>
    %select_n3A_722 = arith.select %eq3A_719, %get3A_8, %broadcast_in_dim3A_721 : vector<128x512xi1>, vector<128x512xi32>
    %reduce_min3A_723 = arith.constant dense<2147483647> : vector<128xi32>
    %reduce_min3A_724 = vector.multi_reduction <minsi>, %select_n3A_722, %reduce_min3A_723 [1] : vector<128x512xi32> to vector<128xi32>
    %broadcast_in_dim3A_725 = vector.shape_cast %reduce_min3A_724 : vector<128xi32> to vector<128x1xi32>
    %swap3A_726 = arith.constant 0 : index
    %swap3A_727 = arith.constant 0 : index
    %swap3A_728 = arith.constant 31 : index
    %swap3A_729 = vector.load %arg4[%swap3A_726, %swap3A_727, %swap3A_728] : memref<1x128x32xi32, #tpu.memory_space<vmem>>, vector<1x128x1xi32>
    %swap3A_730 = vector.shape_cast %swap3A_729 : vector<1x128x1xi32> to vector<128x1xi32>
    %swap3A_731 = vector.shape_cast %broadcast_in_dim3A_725 : vector<128x1xi32> to vector<1x128x1xi32>
    tpu.vector_store %arg4[%swap3A_726, %swap3A_727, %swap3A_728], %swap3A_731 {strides = array<i32>} : memref<1x128x32xi32, #tpu.memory_space<vmem>>, vector<1x128x1xi32>,
    return
  }
  func.func @transform_0(%arg0: i32, %arg1: i32) -> (i32, i32, i32) {
    %mul3A = arith.constant 4 : i32
    %mul3A_0 = arith.muli %arg0, %mul3A : i32
    %add3A = arith.addi %mul3A_0, %arg1 : i32
    %c0_i32 = arith.constant 0 : i32
    %c0_i32_1 = arith.constant 0 : i32
    %c0_i32_2 = arith.constant 0 : i32
    return %add3A, %c0_i32, %c0_i32_1 : i32, i32, i32
  }
  func.func @transform_1(%arg0: i32, %arg1: i32) -> (i32, i32, i32) {
    %mul3A = arith.constant 4 : i32
    %mul3A_0 = arith.muli %arg0, %mul3A : i32
    %add3A = arith.addi %mul3A_0, %arg1 : i32
    %c0_i32 = arith.constant 0 : i32
    %c0_i32_1 = arith.constant 0 : i32
    %c0_i32_2 = arith.constant 0 : i32
    return %add3A, %c0_i32, %c0_i32_1 : i32, i32, i32
  }
  func.func @transform_2(%arg0: i32, %arg1: i32) -> (i32, i32, i32) {
    %c0_i32 = arith.constant 0 : i32
    %c0_i32_0 = arith.constant 0 : i32
    return %arg0, %arg1, %c0_i32 : i32, i32, i32
  }
}

</mosaic_0001>

<sc_bundles>
// kernel: kernel.10.cloned.1.call-start
scs
__scs_entry_jumppad:
0x0: {  	(pc) =	sbr.rel $0x88, $3  }
0x1: {  	(tag) =	ssettag $0x0;
	lr =	simm.s32 $0x1  }
0x2: {  	[smem:$0x3FA0] =	sst lr;
	_ =	strace $0xD0000000  }
0x3: {  	_ = 	snop  }
0x4: {  	_ = 	snop  }
0x5: {  	_ = 	snop  }
0x6: {  	_ = 	snop  }
0x7: {  	_ = 	snop  }
__scs_overlays_trampoline_lowered:
0x8: {  	[smem:$0x3FAF] =	sst s0  }
0x9: {  	[smem:$0x3FB0] =	sst s1  }
0xa: {  	[smem:$0x3FB1] =	sst s2  }
0xb: {  	[smem:$0x3FB2] =	sst s3  }
0xc: {  	[smem:$0x3FB3] =	sst s4  }
0xd: {  	[smem:$0x3FB4] =	sst s5  }
0xe: {  	[smem:$0x3FB5] =	sst s6  }
0xf: {  	[smem:$0x3FB6] =	sst s7  }
0x10: {  	[smem:$0x3FB7] =	sst s8  }
0x11: {  	[smem:$0x3FB8] =	sst s9;
	s0 =	simm.s32 @!p0 $0x0  }
0x12: {  	s1 =	sld [smem:$0x3F9E];
	s0 =	simm.s32 @p0 $0x1  }
0x13: {  	[smem:$0x3FB9] =	sst s0;
	s0 =	simm.s32 @!p1 $0x0  }
0x14: {  	s2 =	sld [smem:$0x3F9D];
	s0 =	simm.s32 @p1 $0x1  }
0x15: {  	[smem:$0x3FBA] =	sst s0;
	s0 =	simm.s32 @!p2 $0x0  }
0x16: {  	s3 =	sld [smem:$0x3FDB];
	s0 =	simm.s32 @p2 $0x1  }
0x17: {  	s4 =	simm.s32 $0x1BF5;
	[smem:$0x3FBC] =	sst s0  }
0x18: {  	s0 =	sld [smem:$0x3F9F];
	_ =	swait.ge [sflag:s4], $0x0  }
0x19: {  	s7 =	sld [smem:$0x3FA0]  }
0x1a: {  	s8 =	sadd.s32 $0xFFFFE003, lr  }
0x1b: {  	s9 =	sadd.s32 $0xFFFFFEF7, lr;
	s5 =	simm.s32 $0xFFFFFFFF;
	p2 =	slt.u32 s8, $0xFFFFF086  }
0x1c: {  	p1 =	slt.u32 s9, $0xF7A;
	s5 =	simm.s32 @!p2 $0x0  }
0x1d: {  	s5 =	simm.s32 @p1 $0x1;
	p0 =	seq.s32 s7, s2  }
0x1e: {  	s7 =	smul.u32 @!p0 $0xF7A, s2;
	p2 =	seq.s32 @!p0 s5, $0x0  }
0x1f: {  	s9 =	smul.u32 $0xF7A, s1;
	s8 =	simm.s32 @!p0 $0x1BF5;
	p2 =	por !p2, p0  }
0x20: {  	[sflag:s8] =	ssyncset.s32 @!p0 $0xFFFFF086;
	s6 =	sadd.s32 @!p0 s3, s7;
	s7 =	simm.s32 @!p0 $0x108  }
0x21: {  	s3 =	sadd.s32 s3, s9;
	s6 =	sadd.s32 @!p0 $0x88, s6;
	s7 =	simm.s32 @p2 $0x1082  }
0x22: {  	[simem:s7], [sflag:s8] =	dma.local @!p0 [hbm:s6], $0xF7A  }
0x23: {  	s9 =	sor.u32 $0xD0000000, s2;
	s6 =	simm.s32 $0x108;
	_ =	swait.ge @!p0 [sflag:s8], $0x0  }
0x24: {  	s3 =	sadd.s32 $0x88, s3;
	s6 =	simm.s32 @!p1 $0x1082;
	[sflag:s4] =	ssyncset.s32 $0xFFFFF086  }
0x25: {  	[simem:s6], [sflag:s4] =	dma.local [hbm:s3], $0xF7A  }
0x26: {  	[smem:$0x3FA0] =	sst s1;
	(tag) =	ssettag s2;
	_ =	strace s9  }
0x27: {  	s1 =	sld [smem:$0x3FB0]  }
0x28: {  	s2 =	sld [smem:$0x3FB1]  }
0x29: {  	s4 =	sld [smem:$0x3FB3]  }
0x2a: {  	p0 =	seq.s32 s5, $0x0;
	s5 =	sld [smem:$0x3FB4]  }
0x2b: {  	s6 =	sld [smem:$0x3FB5]  }
0x2c: {  	s7 =	sld [smem:$0x3FB6]  }
0x2d: {  	s3 =	simm.s32 $0x108;
	s8 =	sld [smem:$0x3FB7]  }
0x2e: {  	s3 =	simm.s32 @!p0 $0x1082;
	s9 =	sld [smem:$0x3FB8]  }
0x2f: {  	lr =	sadd.s32 s0, s3;
	s0 =	sld [smem:$0x3FAF]  }
0x30: {  	s3 =	sld [smem:$0x3FB2]  }
0x31: {  	[smem:$0x3FBB] =	sst s10  }
0x32: {  	s10 =	sld [smem:$0x3FB9];
	_ =	sdelay $0x3  }
0x33: {  	p0 =	seq.s32 s10, $0x1;
	s10 =	sld [smem:$0x3FBB];
	_ =	sdelay $0x3  }
0x34: {  	[smem:$0x3FBB] =	sst s10  }
0x35: {  	s10 =	sld [smem:$0x3FBA];
	_ =	sdelay $0x3  }
0x36: {  	p1 =	seq.s32 s10, $0x1;
	s10 =	sld [smem:$0x3FBB];
	_ =	sdelay $0x3  }
0x37: {  	[smem:$0x3FBB] =	sst s10  }
0x38: {  	s10 =	sld [smem:$0x3FBC]  }
0x39: {  	_ = 	snop;
	(pc) =	sbr.ind lr, $3  }
0x3a: {  	_ = 	snop  }
0x3b: {  	_ = 	snop  }
0x3c: {  	p2 =	seq.s32 s10, $0x1;
	s10 =	sld [smem:$0x3FBB]  }
0x3d: {  	_ =	shalt  }
0x3e: {  	_ =	shalt  }
0x3f: {  	_ =	shalt  }
0x40: {  	_ =	shalt  }
0x41: {  	_ =	shalt  }
0x42: {  	_ =	shalt  }
0x43: {  	_ =	shalt  }
0x44: {  	_ =	shalt  }
0x45: {  	_ =	shalt  }
0x46: {  	_ =	shalt  }
0x47: {  	_ =	shalt  }
0x48: {  	_ =	shalt  }
0x49: {  	_ =	shalt  }
0x4a: {  	_ =	shalt  }
0x4b: {  	_ =	shalt  }
0x4c: {  	_ =	shalt  }
0x4d: {  	_ =	shalt  }
0x4e: {  	_ =	shalt  }
0x4f: {  	_ =	shalt  }
0x50: {  	_ =	shalt  }
0x51: {  	_ =	shalt  }
0x52: {  	_ =	shalt  }
0x53: {  	_ =	shalt  }
0x54: {  	_ =	shalt  }
0x55: {  	_ =	shalt  }
0x56: {  	_ =	shalt  }
0x57: {  	_ =	shalt  }
0x58: {  	_ =	shalt  }
0x59: {  	_ =	shalt  }
0x5a: {  	_ =	shalt  }
0x5b: {  	_ =	shalt  }
0x5c: {  	_ =	shalt  }
0x5d: {  	_ =	shalt  }
0x5e: {  	_ =	shalt  }
0x5f: {  	_ =	shalt  }
0x60: {  	_ =	shalt  }
0x61: {  	_ =	shalt  }
0x62: {  	_ =	shalt  }
0x63: {  	_ =	shalt  }
0x64: {  	_ =	shalt  }
0x65: {  	_ =	shalt  }
0x66: {  	_ =	shalt  }
0x67: {  	_ =	shalt  }
0x68: {  	_ =	shalt  }
0x69: {  	_ =	shalt  }
0x6a: {  	_ =	shalt  }
0x6b: {  	_ =	shalt  }
0x6c: {  	_ =	shalt  }
0x6d: {  	_ =	shalt  }
0x6e: {  	_ =	shalt  }
0x6f: {  	_ =	shalt  }
0x70: {  	_ =	shalt  }
0x71: {  	_ =	shalt  }
0x72: {  	_ =	shalt  }
0x73: {  	_ =	shalt  }
0x74: {  	_ =	shalt  }
0x75: {  	_ =	shalt  }
0x76: {  	_ =	shalt  }
0x77: {  	_ =	shalt  }
0x78: {  	_ =	shalt  }
0x79: {  	_ =	shalt  }
0x7a: {  	_ =	shalt  }
0x7b: {  	_ =	shalt  }
0x7c: {  	_ =	shalt  }
0x7d: {  	_ =	shalt  }
0x7e: {  	_ =	shalt  }
0x7f: {  	_ =	shalt  }
0x80: {  	_ =	shalt  }
0x81: {  	_ =	shalt  }
0x82: {  	_ =	shalt  }
0x83: {  	_ =	shalt  }
0x84: {  	_ =	shalt  }
0x85: {  	_ =	shalt  }
0x86: {  	_ =	shalt  }
0x87: {  	_ =	shalt  }
.Lfunc_end0:
.L_simem_size_0:
called_computation.1_lowered:
.L_overlay_start_0:
0x88: {  	s2 =	sld [smem:$0x3FD9]  }
0x89: {  	s3 =	sld [smem:$0x3FFE];
	_ =	sdelay $0x1  }
0x8a: {  	s1 =	srdreg.scid  }
0x8b: {  	s0 =	sand.u32 $0x1, s1  }
0x8c: {  	s14 =	sshll.u32 s0, $0xA;
	s2 =	sadd.s32 s3, s2  }
0x8d: {  	s2 =	sadd.s32 s2, s14  }
0x8e: {  	[smem:$0x3FC7] =	sst s2  }
0x8f: {  	_ = 	snop  }
0x90: {  	s2 =	sld [smem:$0x3FD0];
	_ =	sdelay $0x2  }
0x91: {  	s15 =	simm.s32 $0xA;
	s4 =	simm.s32 $0x10  }
0x92: {  	[smem:s4], [sflag:s15] =	dma.local [hbm:s2], $0x1  }
0x93: {  	_ =	swait.eq [sflag:s15], $0x1  }
0x94: {  	[sflag:s15] =	ssyncset.done $0x0  }
0x95: {  	[sflag:s15] =	ssyncadd.s32 $0xFFFFFFFF  }
0x96: {  	s16 =	sld [smem:$0x10];
	(tm) =	ssettm $0x1  }
0x97: {  	s17 =	sld [smem:$0x3FFB];
	_ =	sdelay $0x3  }
0x98: {  	_ =	strace s17  }
0x99: {  	s3 =	sld [smem:$0x3FFC];
	_ =	sdelay $0x3  }
0x9a: {  	_ =	strace s3  }
0x9b: {  	s3 =	sld [smem:$0x3FFD];
	_ =	sdelay $0x3  }
0x9c: {  	_ =	strace s3  }
0x9d: {  	_ =	strace $0x8FFFFFFF  }
0x9e: {  	s18 =	sld [smem:$0x3FDB];
	_ =	sdelay $0x1  }
0x9f: {  	s19 =	simm.s32 $_scs_section_size  }
0xa0: {  	s5 =	simm.s32 $_size__tile_overlayer_lowered;
	s6 =	simm.s32 $_tile_overlayer_lowered  }
0xa1: {  	s22 =	simm.s32 $0x1BFF;
	s21 =	sshll.u32 s6, $0x1;
	s3 =	sadd.s32 s19, s18  }
0xa2: {  	s7 =	simm.s32 $0x0;
	s20 =	sshll.u32 s5, $0x1;
	s5 =	sadd.s32 s21, s3  }
0xa3: {  	[timem:s7], [sflag:s22] =	dma.local [hbm:s5], s20  }
0xa4: {  	_ =	swait.ge [sflag:s22], s20  }
0xa5: {  	s4 =	ssub.s32 $0x0, s20;
	[sflag:s22] =	ssyncset.done $0x0  }
0xa6: {  	[sflag:s22] =	ssyncadd.s32 s4;
	_ =	sdelay $0x1  }
0xa7: {  	s23 =	simm.s32 $0x1B8B  }
0xa8: {  	_ =	swait.ge [sflag:s23], $0x1  }
0xa9: {  	[sflag:s23] =	ssyncset.done $0x0  }
0xaa: {  	s25 =	simm.s32 $0x1B8E;
	s24 =	sld [smem:$0x3FFE];
	[sflag:s23] =	ssyncadd.s32 $0xFFFFFFFF  }
0xab: {  	s26 =	simm.s32 $execute0_lowered;
	[smem:$0x3FD2] =	sst s25  }
0xac: {  	s5 =	sshll.u32 s26, $0x1;
	_ =	strace $0x80000049;
	[dreg:$0x1] =	wrdreg $0xFFFFFFFF  }
0xad: {  	s28 =	simm.s32 $_size_execute0_lowered;
	s3 =	sadd.s32 s3, s5;
	[dreg:$0x0] =	wrdreg $0x0  }
0xae: {  	s5 =	sshll.u32 s28, $0x1;
	[dreg:$0x2] =	wrdreg s3  }
0xaf: {  	[dreg:$0x3] =	wrdreg s5  }
0xb0: {  	[dreg:$0x4] =	wrdreg $0xC0  }
0xb1: {  	_ =	task [dreg:s7], $0x5FFFF  }
0xb2: {  	[dreg:$0x1] =	wrdreg $0xFFFFFFFF  }
0xb3: {  	[dreg:$0x0] =	wrdreg $0x60  }
0xb4: {  	[dreg:$0x2] =	wrdreg s24  }
0xb5: {  	[dreg:$0x3] =	wrdreg s16  }
0xb6: {  	[dreg:$0x4] =	wrdreg $0x9  }
0xb7: {  	_ =	task.clear_ibuf [dreg:s7], $0x5FFFF;
	_ =	strace $0x90000049  }
0xb8: {  	s29 =	simm.s32 $0x9;
	_ =	strace $0x8000004B  }
0xb9: {  	_ =	swait.ge [sflag:s29], $0x1  }
0xba: {  	[sflag:s29] =	ssyncadd.s32 $0xFFFFFFFF  }
0xbb: {  	_ =	strace $0x9000004B  }
0xbc: {  	_ =	sfence  }
0xbd: {  	s30 =	sld [smem:$0x0];
	_ =	sdelay $0x2  }
0xbe: {  	s31 =	sshll.u32 s1, $0xD;
	s1 =	sshrl.u32 s1, $0x2  }
0xbf: {  	s3 =	sand.u32 $0x4000, s31;
	s1 =	sadd.s32 s1, s30  }
0xc0: {  	s0 =	sor.u32 s3, s0;
	s1 =	sshll.u32 s1, $0x11  }
0xc1: {  	s0 =	sor.u32 s1, s0  }
0xc2: {  	s0 =	sadd.s32 $0x8F2B, s0  }
0xc3: {  	[sflag:s0] =	ssyncadd.remote.s32 $0x1  }
0xc4: {  	_ =	sfence.sel $0xFFFF  }
0xc5: {  	[dreg:$0x0] =	wrdreg $0xFFFFFFFF;
	(pc) =	sbr.abs _section_cstart, $3  }
0xc6: {  	[dreg:$0x1] =	wrdreg $0xFFFFFFFF  }
0xc7: {  	_ =	task.clear_ibuf [dreg:s7], $0x2FFFF;
	_ =	strace $0x9FFFFFFF  }
0xc8: {  	(tm) =	ssettm $0x7FFFFFFF  }
0xc9: {  	_ =	shalt  }
tec
execute0_lowered:
.L_overlay_start_1:
0x0: {  	(tag) =	ssettag $0x1  }
0x1: {  	s3 =	rddreg [dreg:$0x0]  }
0x2: {  	s7 =	rddreg [dreg:$0x1]  }
0x3: {  	s0 =	rddreg [dreg:$0x2];
	s2 =	simm.s32 $0x0;
	s1 =	stileid.u32  }
0x4: {  	s5 =	srdreg.scid;
	s14 =	simm.s32 $0x1;
	s15 =	simm.s32 $0x2000  }
0x5: {  	s16 =	simm.s32 $0x4000;
	s17 =	simm.s32 $0x6000;
	s18 =	simm.s32 $0x6800  }
0x6: {  	s19 =	simm.s32 $0x7000;
	s20 =	simm.s32 $0x7800;
	s21 =	simm.s32 $0x8000  }
0x7: {  	s22 =	simm.s32 $0x8800;
	s23 =	simm.s32 $0x9000;
	s24 =	simm.s32 $0x0  }
0x8: {  	[smem:$0x7FF] =	sst s2;
	s4 =	sshll.u32 s1, $0x8;
	s5 =	sand.u32 $0x1, s5  }
0x9: {  	s6 =	sshll.u32 s1, $0x9;
	_ =	strace $0x8000004A;
	s8 =	sshll.u32 s5, $0x8  }
0xa: {  	s4 =	sand.u32 $0xC00, s4;
	s5 =	ssub.s32 $0x2, s5;
	s8 =	sor.u32 s8, s6  }
0xb: {  	s9 =	sadd.s32 s4, s3;
	s31 =	sshrl.u32 s5, $0x1;
	s12 =	sadd.s32 s8, s3  }
0xc: {  	s13 =	ssub.s32 s5, s31;
	s3 =	sadd.s32 $0x2600, s9;
	s4 =	sadd.s32 $0x4600, s9  }
0xd: {  	s5 =	sadd.s32 $0x3600, s9;
	s7 =	sadd.s32 s7, s8;
	s6 =	sadd.s32 $0x5600, s12  }
0xe: {  	s8 =	sadd.s32 $0x4A600, s12;
	s9 =	sadd.s32 $0x4C600, s12;
	s10 =	sadd.s32 $0x7600, s12  }
0xf: {  	s11 =	sadd.s32 $0x9600, s12;
	s12 =	sadd.s32 $0xB600, s12;
	s13 =	smax.u32 s13, $0x1  }
.LBB2_1:
0x10: {  	[tilespmem:s2], [sflag:$0x1] =	stream.linear.gather [hbm4b:s3+s2], $0x2000, $0x38;
	[tilespmem:$0x9800] =	vst v63  }
0x11: {  	_ =	swait.ge [sflag:s14], $0x2000  }
0x12: {  	[sflag:s14] =	ssyncset.done $0x0  }
0x13: {  	[sflag:s14] =	ssyncadd.s32 $0xFFFFE000  }
0x14: {  	[tilespmem:s15], [sflag:$0x1] =	stream.linear.gather [hbm4b:s4+s2], $0x2000, $0x38;
	[tilespmem:$0x9800] =	vst v63  }
0x15: {  	_ =	swait.ge [sflag:s14], $0x2000  }
0x16: {  	[sflag:s14] =	ssyncset.done $0x0  }
0x17: {  	[sflag:s14] =	ssyncadd.s32 $0xFFFFE000  }
0x18: {  	[tilespmem:s16], [sflag:$0x1] =	stream.linear.gather [hbm4b:s5+s2], $0x2000, $0x38;
	[tilespmem:$0x9800] =	vst v63  }
0x19: {  	_ =	swait.ge [sflag:s14], $0x2000  }
0x1a: {  	[sflag:s14] =	ssyncset.done $0x0  }
0x1b: {  	[sflag:s14] =	ssyncadd.s32 $0xFFFFE000  }
0x1c: {  	[tilespmem:s17], [sflag:$0x1] =	stream.linear.gather [hbm4b:s6+s2], $0x800, $0x38;
	[tilespmem:$0x9800] =	vst v63  }
0x1d: {  	_ =	swait.ge [sflag:s14], $0x800  }
0x1e: {  	[sflag:s14] =	ssyncset.done $0x0  }
0x1f: {  	[sflag:s14] =	ssyncadd.s32 $0xFFFFF800  }
0x20: {  	[tilespmem:s18], [sflag:$0x1] =	stream.linear.gather [hbm4b:s7+s2], $0x800, $0x38;
	[tilespmem:$0x9800] =	vst v63  }
0x21: {  	_ =	swait.ge [sflag:s14], $0x800  }
0x22: {  	[sflag:s14] =	ssyncset.done $0x0  }
0x23: {  	[sflag:s14] =	ssyncadd.s32 $0xFFFFF800  }
0x24: {  	[tilespmem:s19], [sflag:$0x1] =	stream.linear.gather [hbm4b:s8+s2], $0x800, $0x38;
	[tilespmem:$0x9800] =	vst v63  }
0x25: {  	_ =	swait.ge [sflag:s14], $0x800  }
0x26: {  	[sflag:s14] =	ssyncset.done $0x0  }
0x27: {  	[sflag:s14] =	ssyncadd.s32 $0xFFFFF800  }
0x28: {  	[tilespmem:s20], [sflag:$0x1] =	stream.linear.gather [hbm4b:s9+s2], $0x800, $0x38;
	[tilespmem:$0x9800] =	vst v63  }
0x29: {  	_ =	swait.ge [sflag:s14], $0x800  }
0x2a: {  	[sflag:s14] =	ssyncset.done $0x0  }
0x2b: {  	s25 =	simm.s32 $0x0;
	[sflag:s14] =	ssyncadd.s32 $0xFFFFF800  }
0x2c: {  	v1 =	vld [tilespmem:s25+$0x6000];
	_ =	sdelay $0x6  }
0x2d: {  	v2 =	vld [tilespmem:s25+$0x6800]  }
0x2e: {  	v0 =	vld.idx.msk [tilespmem:v1+s2+$0x0], $0xffff;
	_ =	sdelay $0x4  }
0x2f: {  	v0 =	vsub.f32 v0, v2;
	_ =	sdelay $0x1  }
0x30: {  	v2 =	vld [tilespmem:s25+$0x7000];
	[tilespmem:s25+$0x8000] =	vst v0  }
0x31: {  	v0 =	vld.idx.msk [tilespmem:v1+s15+$0x0], $0xffff;
	_ =	sdelay $0x4  }
0x32: {  	v0 =	vsub.f32 v0, v2;
	_ =	sdelay $0x1  }
0x33: {  	[tilespmem:s25+$0x8800] =	vst v0;
	v0 =	vld [tilespmem:s25+$0x7800]  }
0x34: {  	s28 =	simm.s32 $0x10;
	s26 =	simm.s32 $0x80;
	v1 =	vld.idx.msk [tilespmem:v1+s16+$0x0], $0xffff  }
.LBB2_2:
0x35: {  	p0 =	sne.s32 s26, $0x1FC0;
	v2 =	vld [tilespmem:s28+$0x6000];
	_ =	sdelay $0x4  }
0x36: {  	v0 =	vsub.f32 v1, v0;
	_ =	sdelay $0x1  }
0x37: {  	[tilespmem:s25+$0x9000] =	vst v0;
	s25 =	smov.u32 s28  }
0x38: {  	v0 =	vld.idx.msk [tilespmem:v2+s2+$0x0], $0xffff  }
0x39: {  	v1 =	vld [tilespmem:s25+$0x6800];
	_ =	sdelay $0x4  }
0x3a: {  	v0 =	vsub.f32 v0, v1;
	_ =	sdelay $0x1  }
0x3b: {  	[tilespmem:s25+$0x8000] =	vst v0  }
0x3c: {  	v0 =	vld.idx.msk [tilespmem:v2+s15+$0x0], $0xffff  }
0x3d: {  	v1 =	vld [tilespmem:s25+$0x7000];
	_ =	sdelay $0x3  }
.Ltmp0:
0x3e: {  	(pc) =	sbr.rel @p0 .LBB2_2-.Ltmp0, $3  }
0x3f: {  	v0 =	vsub.f32 v0, v1;
	_ =	sdelay $0x1  }
0x40: {  	[tilespmem:s25+$0x8800] =	vst v0;
	v0 =	vld [tilespmem:s25+$0x7800]  }
0x41: {  	s28 =	sshra.s32 s26, $0x2;
	s26 =	sadd.s32 $0x40, s26;
	v1 =	vld.idx.msk [tilespmem:v2+s16+$0x0], $0xffff  }
0x42: {  	v2 =	vld [tilespmem:s28+$0x6000];
	_ =	sdelay $0x3  }
0x43: {  	v0 =	vsub.f32 v1, v0;
	_ =	sdelay $0x1  }
0x44: {  	[tilespmem:s25+$0x9000] =	vst v0  }
0x45: {  	v60 =	vld [tilespmem:s28+$0x6800]  }
0x46: {  	v0 =	vld.idx.msk [tilespmem:v2+s2+$0x0], $0xffff;
	_ =	sdelay $0x4  }
0x47: {  	v0 =	vsub.f32 v0, v60;
	_ =	sdelay $0x1  }
0x48: {  	v61 =	vld [tilespmem:s28+$0x7000];
	[tilespmem:s28+$0x8000] =	vst v0  }
0x49: {  	v0 =	vld.idx.msk [tilespmem:v2+s15+$0x0], $0xffff;
	_ =	sdelay $0x4  }
0x4a: {  	v0 =	vsub.f32 v0, v61;
	_ =	sdelay $0x1  }
0x4b: {  	v62 =	vld [tilespmem:s28+$0x7800];
	[tilespmem:s28+$0x8800] =	vst v0  }
0x4c: {  	v63 =	vld.idx.msk [tilespmem:v2+s16+$0x0], $0xffff;
	_ =	sdelay $0x4  }
0x4d: {  	v0 =	vsub.f32 v63, v62;
	_ =	sdelay $0x1  }
0x4e: {  	[tilespmem:s28+$0x9000] =	vst v0  }
0x4f: {  	[hbm4b:s10+s2] =	stream.linear.scatter [tilespmem:s21], [sflag:$0x1], $0x800, $0x38;
	[tilespmem:$0x9800] =	vst v63  }
0x50: {  	_ =	swait.ge [sflag:s14], $0x800  }
0x51: {  	[sflag:s14] =	ssyncset.done $0x0  }
0x52: {  	[sflag:s14] =	ssyncadd.s32 $0xFFFFF800  }
0x53: {  	[hbm4b:s11+s2] =	stream.linear.scatter [tilespmem:s22], [sflag:$0x1], $0x800, $0x38;
	[tilespmem:$0x9800] =	vst v63  }
0x54: {  	s24 =	sadd.s32 $0x1, s24;
	_ =	swait.ge [sflag:s14], $0x800  }
0x55: {  	p0 =	sne.s32 s24, s13;
	[sflag:s14] =	ssyncset.done $0x0  }
.Ltmp1:
0x56: {  	[sflag:s14] =	ssyncadd.s32 $0xFFFFF800;
	(pc) =	sbr.rel @p0 .LBB2_1-.Ltmp1, $4  }
0x57: {  	[hbm4b:s12+s2] =	stream.linear.scatter [tilespmem:s23], [sflag:$0x1], $0x800, $0x38;
	[tilespmem:$0x9800] =	vst v63  }
0x58: {  	_ =	swait.ge [sflag:s14], $0x800  }
0x59: {  	[sflag:s14] =	ssyncset.done $0x0  }
0x5a: {  	[sflag:s14] =	ssyncadd.s32 $0xFFFFF800  }
0x5b: {  	_ =	sfence.sel $0x180000  }
0x5c: {  	[bflag:$0x0] =	sbarrier.arrive $0xFFFF  }
0x5d: {  	p0 =	sne.s32 s1, $0x0;
	_ =	strace $0x9000004A  }
0x5e: {  	s0 =	sadd.s32 @!p0 $0x100000, s0;
	[bflag:$0x2] =	sbarrier.arrive $0xFFFF  }
0x5f: {  	[sflag:s0] =	ssyncadd.tile.s32 @!p0 $0x1;
	_ =	shalt  }
.Lfunc_end2:
_tile_overlayer_lowered:
.L_overlay_start_2:
0x60: {  	(tag) =	ssettag $0x2  }
0x61: {  	s0 =	rddreg [dreg:$0x0];
	s2 =	stileid.u32  }
0x62: {  	s1 =	rddreg [dreg:$0x1];
	p0 =	sne.s32 s2, $0x0  }
0x63: {  	s3 =	rddreg [dreg:$0x2];
	[bflag:$0x3] =	sbarrier.arrive $0xFFFF;
	s2 =	simm.s32 @!p0 $0x1C01  }
0x64: {  	[timem:s3], [sflag:s2] =	dma.local @!p0 [hbm:s0], s1  }
0x65: {  	s0 =	simm.s32 @!p0 $0x1  }
0x66: {  	_ =	swait.ge @!p0 [sflag:s0], s1  }
0x67: {  	s1 =	ssub.s32 @!p0 $0x0, s1;
	[sflag:s0] =	ssyncset.done @!p0 $0x0  }
0x68: {  	[sflag:s0] =	ssyncadd.s32 @!p0 s1  }
0x69: {  	[bflag:$0x3] =	sbarrier.arrive $0xFFFF  }
0x6a: {  	_ =	shalt  }

// kernel: kernel.7.cloned.1.call-start
scs
__scs_entry_jumppad:
0x0: {  	(pc) =	sbr.rel $0x88, $3  }
0x1: {  	(tag) =	ssettag $0x0;
	lr =	simm.s32 $0x1  }
0x2: {  	[smem:$0x3FA0] =	sst lr;
	_ =	strace $0xD0000000  }
0x3: {  	_ = 	snop  }
0x4: {  	_ = 	snop  }
0x5: {  	_ = 	snop  }
0x6: {  	_ = 	snop  }
0x7: {  	_ = 	snop  }
__scs_overlays_trampoline_lowered:
0x8: {  	[smem:$0x3FAF] =	sst s0  }
0x9: {  	[smem:$0x3FB0] =	sst s1  }
0xa: {  	[smem:$0x3FB1] =	sst s2  }
0xb: {  	[smem:$0x3FB2] =	sst s3  }
0xc: {  	[smem:$0x3FB3] =	sst s4  }
0xd: {  	[smem:$0x3FB4] =	sst s5  }
0xe: {  	[smem:$0x3FB5] =	sst s6  }
0xf: {  	[smem:$0x3FB6] =	sst s7  }
0x10: {  	[smem:$0x3FB7] =	sst s8  }
0x11: {  	[smem:$0x3FB8] =	sst s9;
	s0 =	simm.s32 @!p0 $0x0  }
0x12: {  	s1 =	sld [smem:$0x3F9E];
	s0 =	simm.s32 @p0 $0x1  }
0x13: {  	[smem:$0x3FB9] =	sst s0;
	s0 =	simm.s32 @!p1 $0x0  }
0x14: {  	s2 =	sld [smem:$0x3F9D];
	s0 =	simm.s32 @p1 $0x1  }
0x15: {  	[smem:$0x3FBA] =	sst s0;
	s0 =	simm.s32 @!p2 $0x0  }
0x16: {  	s3 =	sld [smem:$0x3FDB];
	s0 =	simm.s32 @p2 $0x1  }
0x17: {  	s4 =	simm.s32 $0x1BF5;
	[smem:$0x3FBC] =	sst s0  }
0x18: {  	s0 =	sld [smem:$0x3F9F];
	_ =	swait.ge [sflag:s4], $0x0  }
0x19: {  	s7 =	sld [smem:$0x3FA0]  }
0x1a: {  	s8 =	sadd.s32 $0xFFFFE003, lr  }
0x1b: {  	s9 =	sadd.s32 $0xFFFFFEF7, lr;
	s5 =	simm.s32 $0xFFFFFFFF;
	p2 =	slt.u32 s8, $0xFFFFF086  }
0x1c: {  	p1 =	slt.u32 s9, $0xF7A;
	s5 =	simm.s32 @!p2 $0x0  }
0x1d: {  	s5 =	simm.s32 @p1 $0x1;
	p0 =	seq.s32 s7, s2  }
0x1e: {  	s7 =	smul.u32 @!p0 $0xF7A, s2;
	p2 =	seq.s32 @!p0 s5, $0x0  }
0x1f: {  	s9 =	smul.u32 $0xF7A, s1;
	s8 =	simm.s32 @!p0 $0x1BF5;
	p2 =	por !p2, p0  }
0x20: {  	[sflag:s8] =	ssyncset.s32 @!p0 $0xFFFFF086;
	s6 =	sadd.s32 @!p0 s3, s7;
	s7 =	simm.s32 @!p0 $0x108  }
0x21: {  	s3 =	sadd.s32 s3, s9;
	s6 =	sadd.s32 @!p0 $0x88, s6;
	s7 =	simm.s32 @p2 $0x1082  }
0x22: {  	[simem:s7], [sflag:s8] =	dma.local @!p0 [hbm:s6], $0xF7A  }
0x23: {  	s9 =	sor.u32 $0xD0000000, s2;
	s6 =	simm.s32 $0x108;
	_ =	swait.ge @!p0 [sflag:s8], $0x0  }
0x24: {  	s3 =	sadd.s32 $0x88, s3;
	s6 =	simm.s32 @!p1 $0x1082;
	[sflag:s4] =	ssyncset.s32 $0xFFFFF086  }
0x25: {  	[simem:s6], [sflag:s4] =	dma.local [hbm:s3], $0xF7A  }
0x26: {  	[smem:$0x3FA0] =	sst s1;
	(tag) =	ssettag s2;
	_ =	strace s9  }
0x27: {  	s1 =	sld [smem:$0x3FB0]  }
0x28: {  	s2 =	sld [smem:$0x3FB1]  }
0x29: {  	s4 =	sld [smem:$0x3FB3]  }
0x2a: {  	p0 =	seq.s32 s5, $0x0;
	s5 =	sld [smem:$0x3FB4]  }
0x2b: {  	s6 =	sld [smem:$0x3FB5]  }
0x2c: {  	s7 =	sld [smem:$0x3FB6]  }
0x2d: {  	s3 =	simm.s32 $0x108;
	s8 =	sld [smem:$0x3FB7]  }
0x2e: {  	s3 =	simm.s32 @!p0 $0x1082;
	s9 =	sld [smem:$0x3FB8]  }
0x2f: {  	lr =	sadd.s32 s0, s3;
	s0 =	sld [smem:$0x3FAF]  }
0x30: {  	s3 =	sld [smem:$0x3FB2]  }
0x31: {  	[smem:$0x3FBB] =	sst s10  }
0x32: {  	s10 =	sld [smem:$0x3FB9];
	_ =	sdelay $0x3  }
0x33: {  	p0 =	seq.s32 s10, $0x1;
	s10 =	sld [smem:$0x3FBB];
	_ =	sdelay $0x3  }
0x34: {  	[smem:$0x3FBB] =	sst s10  }
0x35: {  	s10 =	sld [smem:$0x3FBA];
	_ =	sdelay $0x3  }
0x36: {  	p1 =	seq.s32 s10, $0x1;
	s10 =	sld [smem:$0x3FBB];
	_ =	sdelay $0x3  }
0x37: {  	[smem:$0x3FBB] =	sst s10  }
0x38: {  	s10 =	sld [smem:$0x3FBC]  }
0x39: {  	_ = 	snop;
	(pc) =	sbr.ind lr, $3  }
0x3a: {  	_ = 	snop  }
0x3b: {  	_ = 	snop  }
0x3c: {  	p2 =	seq.s32 s10, $0x1;
	s10 =	sld [smem:$0x3FBB]  }
0x3d: {  	_ =	shalt  }
0x3e: {  	_ =	shalt  }
0x3f: {  	_ =	shalt  }
0x40: {  	_ =	shalt  }
0x41: {  	_ =	shalt  }
0x42: {  	_ =	shalt  }
0x43: {  	_ =	shalt  }
0x44: {  	_ =	shalt  }
0x45: {  	_ =	shalt  }
0x46: {  	_ =	shalt  }
0x47: {  	_ =	shalt  }
0x48: {  	_ =	shalt  }
0x49: {  	_ =	shalt  }
0x4a: {  	_ =	shalt  }
0x4b: {  	_ =	shalt  }
0x4c: {  	_ =	shalt  }
0x4d: {  	_ =	shalt  }
0x4e: {  	_ =	shalt  }
0x4f: {  	_ =	shalt  }
0x50: {  	_ =	shalt  }
0x51: {  	_ =	shalt  }
0x52: {  	_ =	shalt  }
0x53: {  	_ =	shalt  }
0x54: {  	_ =	shalt  }
0x55: {  	_ =	shalt  }
0x56: {  	_ =	shalt  }
0x57: {  	_ =	shalt  }
0x58: {  	_ =	shalt  }
0x59: {  	_ =	shalt  }
0x5a: {  	_ =	shalt  }
0x5b: {  	_ =	shalt  }
0x5c: {  	_ =	shalt  }
0x5d: {  	_ =	shalt  }
0x5e: {  	_ =	shalt  }
0x5f: {  	_ =	shalt  }
0x60: {  	_ =	shalt  }
0x61: {  	_ =	shalt  }
0x62: {  	_ =	shalt  }
0x63: {  	_ =	shalt  }
0x64: {  	_ =	shalt  }
0x65: {  	_ =	shalt  }
0x66: {  	_ =	shalt  }
0x67: {  	_ =	shalt  }
0x68: {  	_ =	shalt  }
0x69: {  	_ =	shalt  }
0x6a: {  	_ =	shalt  }
0x6b: {  	_ =	shalt  }
0x6c: {  	_ =	shalt  }
0x6d: {  	_ =	shalt  }
0x6e: {  	_ =	shalt  }
0x6f: {  	_ =	shalt  }
0x70: {  	_ =	shalt  }
0x71: {  	_ =	shalt  }
0x72: {  	_ =	shalt  }
0x73: {  	_ =	shalt  }
0x74: {  	_ =	shalt  }
0x75: {  	_ =	shalt  }
0x76: {  	_ =	shalt  }
0x77: {  	_ =	shalt  }
0x78: {  	_ =	shalt  }
0x79: {  	_ =	shalt  }
0x7a: {  	_ =	shalt  }
0x7b: {  	_ =	shalt  }
0x7c: {  	_ =	shalt  }
0x7d: {  	_ =	shalt  }
0x7e: {  	_ =	shalt  }
0x7f: {  	_ =	shalt  }
0x80: {  	_ =	shalt  }
0x81: {  	_ =	shalt  }
0x82: {  	_ =	shalt  }
0x83: {  	_ =	shalt  }
0x84: {  	_ =	shalt  }
0x85: {  	_ =	shalt  }
0x86: {  	_ =	shalt  }
0x87: {  	_ =	shalt  }
.Lfunc_end0:
.L_simem_size_0:
called_computation_lowered:
.L_overlay_start_0:
0x88: {  	s2 =	sld [smem:$0x3FD9]  }
0x89: {  	s3 =	sld [smem:$0x3FFE];
	_ =	sdelay $0x1  }
0x8a: {  	s1 =	srdreg.scid  }
0x8b: {  	s0 =	sand.u32 $0x1, s1  }
0x8c: {  	s16 =	sshll.u32 s0, $0xA;
	s2 =	sadd.s32 s3, s2  }
0x8d: {  	s2 =	sadd.s32 s2, s16  }
0x8e: {  	[smem:$0x3FC7] =	sst s2  }
0x8f: {  	_ = 	snop  }
0x90: {  	(tm) =	ssettm $0x1  }
0x91: {  	s17 =	sld [smem:$0x3FFB];
	_ =	sdelay $0x3  }
0x92: {  	_ =	strace s17  }
0x93: {  	s2 =	sld [smem:$0x3FFC];
	_ =	sdelay $0x3  }
0x94: {  	_ =	strace s2  }
0x95: {  	s2 =	sld [smem:$0x3FFD];
	_ =	sdelay $0x3  }
0x96: {  	_ =	strace s2  }
0x97: {  	_ =	strace $0x8FFFFFFF  }
0x98: {  	s18 =	sld [smem:$0x3FDB];
	_ =	sdelay $0x1  }
0x99: {  	s19 =	simm.s32 $_scs_section_size  }
0x9a: {  	s4 =	simm.s32 $_size__tile_overlayer_lowered;
	s5 =	simm.s32 $_tile_overlayer_lowered  }
0x9b: {  	s22 =	simm.s32 $0x1BFF;
	s21 =	sshll.u32 s5, $0x1;
	s2 =	sadd.s32 s19, s18  }
0x9c: {  	s6 =	simm.s32 $0x0;
	s20 =	sshll.u32 s4, $0x1;
	s4 =	sadd.s32 s21, s2  }
0x9d: {  	[timem:s6], [sflag:s22] =	dma.local [hbm:s4], s20  }
0x9e: {  	_ =	swait.ge [sflag:s22], s20  }
0x9f: {  	s3 =	ssub.s32 $0x0, s20;
	[sflag:s22] =	ssyncset.done $0x0  }
0xa0: {  	[sflag:s22] =	ssyncadd.s32 s3;
	_ =	sdelay $0x1  }
0xa1: {  	s23 =	simm.s32 $0x1B8B  }
0xa2: {  	_ =	swait.ge [sflag:s23], $0x1  }
0xa3: {  	[sflag:s23] =	ssyncset.done $0x0  }
0xa4: {  	s25 =	simm.s32 $0x1B8E;
	s24 =	sld [smem:$0x3FFE];
	[sflag:s23] =	ssyncadd.s32 $0xFFFFFFFF  }
0xa5: {  	s26 =	simm.s32 $execute0_lowered;
	[smem:$0x3FD2] =	sst s25  }
0xa6: {  	s4 =	sshll.u32 s26, $0x1;
	_ =	strace $0x80000046;
	[dreg:$0x1] =	wrdreg $0xFFFFFFFF  }
0xa7: {  	s28 =	simm.s32 $_size_execute0_lowered;
	s2 =	sadd.s32 s2, s4;
	[dreg:$0x0] =	wrdreg $0x0  }
0xa8: {  	s4 =	sshll.u32 s28, $0x1;
	[dreg:$0x2] =	wrdreg s2  }
0xa9: {  	[dreg:$0x3] =	wrdreg s4  }
0xaa: {  	[dreg:$0x4] =	wrdreg $0xC0  }
0xab: {  	_ =	task [dreg:s6], $0x5FFFF  }
0xac: {  	[dreg:$0x1] =	wrdreg $0xFFFFFFFF  }
0xad: {  	[dreg:$0x0] =	wrdreg $0x60  }
0xae: {  	[dreg:$0x2] =	wrdreg s24  }
0xaf: {  	[dreg:$0x3] =	wrdreg $0x9  }
0xb0: {  	_ =	task.clear_ibuf [dreg:s6], $0x4FFFF;
	_ =	strace $0x90000046  }
0xb1: {  	s29 =	simm.s32 $0x9;
	_ =	strace $0x80000048  }
0xb2: {  	_ =	swait.ge [sflag:s29], $0x1  }
0xb3: {  	[sflag:s29] =	ssyncadd.s32 $0xFFFFFFFF  }
0xb4: {  	_ =	strace $0x90000048  }
0xb5: {  	_ =	sfence  }
0xb6: {  	s30 =	sld [smem:$0x0];
	_ =	sdelay $0x2  }
0xb7: {  	s31 =	sshll.u32 s1, $0xD;
	s1 =	sshrl.u32 s1, $0x2  }
0xb8: {  	s3 =	sand.u32 $0x4000, s31;
	s1 =	sadd.s32 s1, s30  }
0xb9: {  	s0 =	sor.u32 s3, s0;
	s1 =	sshll.u32 s1, $0x11  }
0xba: {  	s0 =	sor.u32 s1, s0  }
0xbb: {  	s0 =	sadd.s32 $0x8F2B, s0  }
0xbc: {  	[sflag:s0] =	ssyncadd.remote.s32 $0x1  }
0xbd: {  	_ =	sfence.sel $0xFFFF  }
0xbe: {  	[dreg:$0x0] =	wrdreg $0xFFFFFFFF;
	(pc) =	sbr.abs _section_cstart, $3  }
0xbf: {  	[dreg:$0x1] =	wrdreg $0xFFFFFFFF  }
0xc0: {  	_ =	task.clear_ibuf [dreg:s6], $0x2FFFF;
	_ =	strace $0x9FFFFFFF  }
0xc1: {  	(tm) =	ssettm $0x7FFFFFFF  }
tec
execute0_lowered:
.L_overlay_start_1:
0x0: {  	(tag) =	ssettag $0x1  }
0x1: {  	s1 =	srdreg.scid;
	s0 =	stileid.u32  }
0x2: {  	s4 =	rddreg [dreg:$0x0];
	s2 =	simm.s32 $0x0;
	s13 =	simm.s32 $0x1  }
0x3: {  	s14 =	simm.s32 $0x2000;
	s15 =	simm.s32 $0x4000;
	s16 =	simm.s32 $0x6000  }
0x4: {  	s17 =	simm.s32 $0x6800;
	s18 =	simm.s32 $0x6C00;
	s19 =	simm.s32 $0x7000  }
0x5: {  	s20 =	simm.s32 $0x7400;
	s21 =	simm.s32 $0xF400;
	s22 =	simm.s32 $0x0  }
0x6: {  	s3 =	sand.u32 $0x1, s1;
	s29 =	sshll.u32 s0, $0x1;
	[smem:$0x7FF] =	sst s2  }
0x7: {  	s1 =	rddreg [dreg:$0x1];
	s5 =	sor.u32 s3, s29;
	_ =	strace $0x80000047  }
0x8: {  	s3 =	ssub.s32 $0x2, s3;
	s6 =	sshll.u32 s5, $0x7;
	s30 =	sshll.u32 s5, $0x8  }
0x9: {  	s5 =	sshll.u32 s5, $0xC;
	s31 =	sshrl.u32 s3, $0x1;
	s7 =	sand.u32 $0xC00, s6  }
0xa: {  	s9 =	sadd.s32 s6, s4;
	s6 =	sadd.s32 s30, s4;
	s11 =	sadd.s32 s5, s4  }
0xb: {  	s12 =	ssub.s32 s3, s31;
	s7 =	sadd.s32 s7, s4;
	s6 =	sadd.s32 $0x5600, s6  }
0xc: {  	s8 =	sadd.s32 $0x8600, s9;
	s10 =	sadd.s32 $0xA600, s11;
	s11 =	sadd.s32 $0x2A600, s11  }
0xd: {  	s12 =	smax.u32 s12, $0x1;
	s3 =	sadd.s32 $0x2600, s7;
	s4 =	sadd.s32 $0x4600, s7  }
0xe: {  	s5 =	sadd.s32 $0x3600, s7;
	s7 =	sadd.s32 $0x7600, s9;
	s9 =	sadd.s32 $0x9600, s9  }
.LBB2_1:
0xf: {  	[tilespmem:s2], [sflag:$0x1] =	stream.linear.gather [hbm4b:s3+s2], $0x2000, $0x38;
	[tilespmem:$0x17400] =	vst v63  }
0x10: {  	_ =	swait.ge [sflag:s13], $0x2000  }
0x11: {  	[sflag:s13] =	ssyncset.done $0x0  }
0x12: {  	[sflag:s13] =	ssyncadd.s32 $0xFFFFE000  }
0x13: {  	[tilespmem:s14], [sflag:$0x1] =	stream.linear.gather [hbm4b:s4+s2], $0x2000, $0x38;
	[tilespmem:$0x17400] =	vst v63  }
0x14: {  	_ =	swait.ge [sflag:s13], $0x2000  }
0x15: {  	[sflag:s13] =	ssyncset.done $0x0  }
0x16: {  	[sflag:s13] =	ssyncadd.s32 $0xFFFFE000  }
0x17: {  	[tilespmem:s15], [sflag:$0x1] =	stream.linear.gather [hbm4b:s5+s2], $0x2000, $0x38;
	[tilespmem:$0x17400] =	vst v63  }
0x18: {  	_ =	swait.ge [sflag:s13], $0x2000  }
0x19: {  	[sflag:s13] =	ssyncset.done $0x0  }
0x1a: {  	[sflag:s13] =	ssyncadd.s32 $0xFFFFE000  }
0x1b: {  	[tilespmem:s16], [sflag:$0x1] =	stream.linear.gather [hbm4b:s6+s2], $0x800, $0x38;
	[tilespmem:$0x17400] =	vst v63  }
0x1c: {  	_ =	swait.ge [sflag:s13], $0x800  }
0x1d: {  	[sflag:s13] =	ssyncset.done $0x0  }
0x1e: {  	[sflag:s13] =	ssyncadd.s32 $0xFFFFF800  }
0x1f: {  	[tilespmem:s17], [sflag:$0x1] =	stream.linear.gather [hbm4b:s7+s2], $0x400, $0x38;
	[tilespmem:$0x17400] =	vst v63  }
0x20: {  	_ =	swait.ge [sflag:s13], $0x400  }
0x21: {  	[sflag:s13] =	ssyncset.done $0x0  }
0x22: {  	[sflag:s13] =	ssyncadd.s32 $0xFFFFFC00  }
0x23: {  	[tilespmem:s18], [sflag:$0x1] =	stream.linear.gather [hbm4b:s8+s2], $0x400, $0x38;
	[tilespmem:$0x17400] =	vst v63  }
0x24: {  	_ =	swait.ge [sflag:s13], $0x400  }
0x25: {  	[sflag:s13] =	ssyncset.done $0x0  }
0x26: {  	[sflag:s13] =	ssyncadd.s32 $0xFFFFFC00  }
0x27: {  	[tilespmem:s19], [sflag:$0x1] =	stream.linear.gather [hbm4b:s9+s2], $0x400, $0x38;
	[tilespmem:$0x17400] =	vst v63  }
0x28: {  	_ =	swait.ge [sflag:s13], $0x400  }
0x29: {  	s23 =	simm.s32 $0x6010;
	s24 =	simm.s32 $0xF500;
	[sflag:s13] =	ssyncset.done $0x0  }
0x2a: {  	s25 =	simm.s32 $0x7500;
	s26 =	simm.s32 $0x0;
	[sflag:s13] =	ssyncadd.s32 $0xFFFFFC00  }
.LBB2_2:
0x2b: {  	v4 =	vld [tilespmem:s23+$0xFFFFFFF0]  }
0x2c: {  	s28 =	sshra.s32 s26, $0x2  }
0x2d: {  	v0 =	vld [tilespmem:s28+$0x6800]  }
0x2e: {  	v1 =	vld [tilespmem:s28+$0x6C00]  }
0x2f: {  	v2 =	vld [tilespmem:s28+$0x7000];
	_ =	sdelay $0x3  }
0x30: {  	v3 =	vmul.f32 v0, v0;
	v5 =	vmul.f32 v1, v1;
	v6 =	vshrl.u32 v0, $0x10;
	v7 =	vld.idx.msk [tilespmem:v4+s2+$0x0], $0xffff  }
0x31: {  	v54 =	vshrl.u32 v1, $0x10;
	v9 =	vmul.f32 v2, v2;
	v56 =	vshrl.u32 v2, $0x10;
	v8 =	vld.idx.msk [tilespmem:v4+s14+$0x0], $0xffff  }
0x32: {  	v53 =	vand.u32 $0x1, v6;
	v55 =	vand.u32 $0x1, v54;
	v3 =	vadd.f32 v5, v3  }
0x33: {  	v0 =	vadd.s32 v53, v0;
	v1 =	vadd.s32 v55, v1;
	v57 =	vld.idx.msk [tilespmem:v4+s15+$0x0], $0xffff;
	v5 =	vand.u32 $0x1, v56  }
0x34: {  	v0 =	vadd.s32 $0x7FFF, v0;
	v1 =	vadd.s32 $0x7FFF, v1;
	v2 =	vadd.s32 v5, v2  }
0x35: {  	v0 =	vand.u32 $0xFFFF0000, v0;
	v1 =	vand.u32 $0xFFFF0000, v1;
	v2 =	vadd.s32 $0x7FFF, v2  }
0x36: {  	v58 =	vshrl.u32 v7, $0x10;
	v10 =	vshrl.u32 v8, $0x10;
	v11 =	vmul.f32 v7, v7  }
0x37: {  	v60 =	vmul.f32 v8, v8;
	v5 =	vand.u32 $0x1, v58;
	v59 =	vand.u32 $0x1, v10  }
0x38: {  	v61 =	vshrl.u32 v57, $0x10;
	v5 =	vadd.s32 v5, v7;
	v7 =	vadd.s32 v59, v8  }
0x39: {  	v8 =	vand.u32 $0x1, v61;
	v5 =	vadd.s32 $0x7FFF, v5;
	v7 =	vadd.s32 $0x7FFF, v7  }
0x3a: {  	v8 =	vadd.s32 v8, v57;
	v5 =	vand.u32 $0xFFFF0000, v5;
	v7 =	vand.u32 $0xFFFF0000, v7  }
0x3b: {  	v8 =	vadd.s32 $0x7FFF, v8;
	v5 =	vmul.f32 v5, v0;
	v7 =	vmul.f32 v7, v1  }
0x3c: {  	v2 =	vand.u32 $0xFFFF0000, v2;
	v6 =	vmul.f32 v57, v57;
	v8 =	vand.u32 $0xFFFF0000, v8  }
0x3d: {  	v10 =	vadd.f32 v60, v11;
	v62 =	vmul.f32 v8, v2;
	v5 =	vadd.f32 v7, v5  }
0x3e: {  	v3 =	vadd.f32 v9, v3  }
0x3f: {  	v6 =	vadd.f32 v6, v10;
	v5 =	vadd.f32 v62, v5;
	_ =	sdelay $0x1  }
0x40: {  	v6 =	vadd.f32 v6, v3;
	v5 =	vadd.f32 v5, v5  }
0x41: {  	v63 =	vadd.s32 $0x200, v4  }
0x42: {  	v5 =	vsub.f32 v6, v5;
	_ =	sdelay $0x1  }
0x43: {  	[tilespmem:s25+$0xFFFFFF00] =	vst v5  }
0x44: {  	[tilespmem:s24+$0xFFFFFF00] =	vst v4  }
0x45: {  	v5 =	vld.idx.msk [tilespmem:v63+s2+$0x0], $0xffff  }
0x46: {  	v12 =	vld.idx.msk [tilespmem:v63+s14+$0x0], $0xffff;
	_ =	sdelay $0x1  }
0x47: {  	v13 =	vld.idx.msk [tilespmem:v63+s15+$0x0], $0xffff;
	_ =	sdelay $0x2  }
0x48: {  	v14 =	vshrl.u32 v5, $0x10;
	v15 =	vshrl.u32 v12, $0x10;
	v16 =	vmul.f32 v5, v5  }
0x49: {  	v18 =	vmul.f32 v12, v12;
	v9 =	vand.u32 $0x1, v14;
	v17 =	vand.u32 $0x1, v15  }
0x4a: {  	v19 =	vshrl.u32 v13, $0x10;
	v5 =	vadd.s32 v9, v5;
	v6 =	vadd.s32 v17, v12  }
0x4b: {  	v9 =	vand.u32 $0x1, v19;
	v5 =	vadd.s32 $0x7FFF, v5;
	v6 =	vadd.s32 $0x7FFF, v6  }
0x4c: {  	v9 =	vadd.s32 v9, v13;
	v5 =	vand.u32 $0xFFFF0000, v5;
	v6 =	vand.u32 $0xFFFF0000, v6  }
0x4d: {  	v9 =	vadd.s32 $0x7FFF, v9;
	v5 =	vmul.f32 v5, v0;
	v6 =	vmul.f32 v6, v1  }
0x4e: {  	v8 =	vmul.f32 v13, v13;
	v9 =	vand.u32 $0xFFFF0000, v9  }
0x4f: {  	v10 =	vadd.f32 v18, v16;
	v20 =	vmul.f32 v9, v2;
	v5 =	vadd.f32 v6, v5;
	_ =	sdelay $0x1  }
0x50: {  	v8 =	vadd.f32 v8, v10;
	v5 =	vadd.f32 v20, v5;
	_ =	sdelay $0x1  }
0x51: {  	v21 =	vadd.f32 v8, v3;
	v5 =	vadd.f32 v5, v5  }
0x52: {  	v22 =	vadd.s32 $0x400, v4  }
0x53: {  	v5 =	vsub.f32 v21, v5;
	_ =	sdelay $0x1  }
0x54: {  	[tilespmem:s25+$0xFFFFFF10] =	vst v5  }
0x55: {  	[tilespmem:s24+$0xFFFFFF10] =	vst v63  }
0x56: {  	v5 =	vld.idx.msk [tilespmem:v22+s2+$0x0], $0xffff  }
0x57: {  	v23 =	vld.idx.msk [tilespmem:v22+s14+$0x0], $0xffff;
	_ =	sdelay $0x1  }
0x58: {  	v7 =	vld.idx.msk [tilespmem:v22+s15+$0x0], $0xffff;
	_ =	sdelay $0x2  }
0x59: {  	v24 =	vshrl.u32 v5, $0x10;
	v25 =	vshrl.u32 v23, $0x10;
	v26 =	vmul.f32 v5, v5  }
0x5a: {  	v28 =	vmul.f32 v23, v23;
	v9 =	vand.u32 $0x1, v24;
	v27 =	vand.u32 $0x1, v25  }
0x5b: {  	v29 =	vshrl.u32 v7, $0x10;
	v5 =	vadd.s32 v9, v5;
	v6 =	vadd.s32 v27, v23  }
0x5c: {  	v9 =	vand.u32 $0x1, v29;
	v5 =	vadd.s32 $0x7FFF, v5;
	v6 =	vadd.s32 $0x7FFF, v6  }
0x5d: {  	v9 =	vadd.s32 v9, v7;
	v5 =	vand.u32 $0xFFFF0000, v5;
	v6 =	vand.u32 $0xFFFF0000, v6  }
0x5e: {  	v9 =	vadd.s32 $0x7FFF, v9;
	v5 =	vmul.f32 v5, v0;
	v6 =	vmul.f32 v6, v1  }
0x5f: {  	v10 =	vadd.f32 v28, v26;
	v9 =	vand.u32 $0xFFFF0000, v9  }
0x60: {  	v7 =	vmul.f32 v7, v7;
	v30 =	vmul.f32 v9, v2;
	v5 =	vadd.f32 v6, v5;
	_ =	sdelay $0x1  }
0x61: {  	v7 =	vadd.f32 v7, v10;
	v5 =	vadd.f32 v30, v5;
	_ =	sdelay $0x1  }
0x62: {  	v31 =	vadd.f32 v7, v3;
	v5 =	vadd.f32 v5, v5  }
0x63: {  	v32 =	vadd.s32 $0x600, v4  }
0x64: {  	v5 =	vsub.f32 v31, v5;
	_ =	sdelay $0x1  }
0x65: {  	[tilespmem:s25+$0xFFFFFF20] =	vst v5  }
0x66: {  	[tilespmem:s24+$0xFFFFFF20] =	vst v22  }
0x67: {  	v5 =	vld.idx.msk [tilespmem:v32+s2+$0x0], $0xffff  }
0x68: {  	v33 =	vld.idx.msk [tilespmem:v32+s14+$0x0], $0xffff;
	_ =	sdelay $0x1  }
0x69: {  	v8 =	vld.idx.msk [tilespmem:v32+s15+$0x0], $0xffff;
	_ =	sdelay $0x2  }
0x6a: {  	v34 =	vshrl.u32 v5, $0x10;
	v35 =	vshrl.u32 v33, $0x10;
	v36 =	vmul.f32 v5, v5  }
0x6b: {  	v38 =	vmul.f32 v33, v33;
	v9 =	vand.u32 $0x1, v34;
	v37 =	vand.u32 $0x1, v35  }
0x6c: {  	v39 =	vshrl.u32 v8, $0x10;
	v5 =	vadd.s32 v9, v5;
	v6 =	vadd.s32 v37, v33  }
0x6d: {  	v9 =	vand.u32 $0x1, v39;
	v5 =	vadd.s32 $0x7FFF, v5;
	v6 =	vadd.s32 $0x7FFF, v6  }
0x6e: {  	v9 =	vadd.s32 v9, v8;
	v5 =	vand.u32 $0xFFFF0000, v5;
	v6 =	vand.u32 $0xFFFF0000, v6  }
0x6f: {  	v9 =	vadd.s32 $0x7FFF, v9;
	v5 =	vmul.f32 v5, v0;
	v6 =	vmul.f32 v6, v1  }
0x70: {  	v10 =	vadd.f32 v38, v36;
	v9 =	vand.u32 $0xFFFF0000, v9  }
0x71: {  	v8 =	vmul.f32 v8, v8;
	v40 =	vmul.f32 v9, v2;
	v5 =	vadd.f32 v6, v5;
	_ =	sdelay $0x1  }
0x72: {  	v8 =	vadd.f32 v8, v10;
	v5 =	vadd.f32 v40, v5;
	_ =	sdelay $0x1  }
0x73: {  	v41 =	vadd.f32 v8, v3;
	v5 =	vadd.f32 v5, v5  }
0x74: {  	v42 =	vadd.s32 $0x800, v4  }
0x75: {  	v5 =	vsub.f32 v41, v5;
	_ =	sdelay $0x1  }
0x76: {  	[tilespmem:s25+$0xFFFFFF30] =	vst v5  }
0x77: {  	[tilespmem:s24+$0xFFFFFF30] =	vst v32  }
0x78: {  	v5 =	vld.idx.msk [tilespmem:v42+s2+$0x0], $0xffff  }
0x79: {  	v43 =	vld.idx.msk [tilespmem:v42+s14+$0x0], $0xffff;
	_ =	sdelay $0x1  }
0x7a: {  	v7 =	vld.idx.msk [tilespmem:v42+s15+$0x0], $0xffff;
	_ =	sdelay $0x2  }
0x7b: {  	v44 =	vshrl.u32 v5, $0x10;
	v45 =	vshrl.u32 v43, $0x10;
	v46 =	vmul.f32 v5, v5  }
0x7c: {  	v48 =	vmul.f32 v43, v43;
	v9 =	vand.u32 $0x1, v44;
	v47 =	vand.u32 $0x1, v45  }
0x7d: {  	v49 =	vshrl.u32 v7, $0x10;
	v5 =	vadd.s32 v9, v5;
	v6 =	vadd.s32 v47, v43  }
0x7e: {  	v9 =	vand.u32 $0x1, v49;
	v5 =	vadd.s32 $0x7FFF, v5;
	v6 =	vadd.s32 $0x7FFF, v6  }
0x7f: {  	v9 =	vadd.s32 v9, v7;
	v5 =	vand.u32 $0xFFFF0000, v5;
	v6 =	vand.u32 $0xFFFF0000, v6  }
0x80: {  	v9 =	vadd.s32 $0x7FFF, v9;
	v5 =	vmul.f32 v5, v0;
	v6 =	vmul.f32 v6, v1  }
0x81: {  	v10 =	vadd.f32 v48, v46;
	v9 =	vand.u32 $0xFFFF0000, v9  }
0x82: {  	v7 =	vmul.f32 v7, v7;
	v50 =	vmul.f32 v9, v2;
	v5 =	vadd.f32 v6, v5;
	_ =	sdelay $0x1  }
0x83: {  	v7 =	vadd.f32 v7, v10;
	v5 =	vadd.f32 v50, v5;
	_ =	sdelay $0x1  }
0x84: {  	v51 =	vadd.f32 v7, v3;
	v5 =	vadd.f32 v5, v5  }
0x85: {  	v52 =	vadd.s32 $0xA00, v4  }
0x86: {  	v5 =	vsub.f32 v51, v5;
	_ =	sdelay $0x1  }
0x87: {  	[tilespmem:s25+$0xFFFFFF40] =	vst v5  }
0x88: {  	[tilespmem:s24+$0xFFFFFF40] =	vst v42  }
0x89: {  	v5 =	vld.idx.msk [tilespmem:v52+s2+$0x0], $0xffff  }
0x8a: {  	v53 =	vld.idx.msk [tilespmem:v52+s14+$0x0], $0xffff;
	_ =	sdelay $0x1  }
0x8b: {  	v8 =	vld.idx.msk [tilespmem:v52+s15+$0x0], $0xffff;
	_ =	sdelay $0x2  }
0x8c: {  	v54 =	vshrl.u32 v5, $0x10;
	v55 =	vshrl.u32 v53, $0x10;
	v56 =	vmul.f32 v5, v5  }
0x8d: {  	v58 =	vmul.f32 v53, v53;
	v9 =	vand.u32 $0x1, v54;
	v57 =	vand.u32 $0x1, v55  }
0x8e: {  	v59 =	vshrl.u32 v8, $0x10;
	v5 =	vadd.s32 v9, v5;
	v6 =	vadd.s32 v57, v53  }
0x8f: {  	v9 =	vand.u32 $0x1, v59;
	v5 =	vadd.s32 $0x7FFF, v5;
	v6 =	vadd.s32 $0x7FFF, v6  }
0x90: {  	v9 =	vadd.s32 v9, v8;
	v5 =	vand.u32 $0xFFFF0000, v5;
	v6 =	vand.u32 $0xFFFF0000, v6  }
0x91: {  	v9 =	vadd.s32 $0x7FFF, v9;
	v5 =	vmul.f32 v5, v0;
	v6 =	vmul.f32 v6, v1  }
0x92: {  	v10 =	vadd.f32 v58, v56;
	v9 =	vand.u32 $0xFFFF0000, v9  }
0x93: {  	v8 =	vmul.f32 v8, v8;
	v60 =	vmul.f32 v9, v2;
	v5 =	vadd.f32 v6, v5;
	_ =	sdelay $0x1  }
0x94: {  	v8 =	vadd.f32 v8, v10;
	v5 =	vadd.f32 v60, v5;
	_ =	sdelay $0x1  }
0x95: {  	v61 =	vadd.f32 v8, v3;
	v5 =	vadd.f32 v5, v5  }
0x96: {  	v62 =	vadd.s32 $0xC00, v4  }
0x97: {  	v5 =	vsub.f32 v61, v5;
	_ =	sdelay $0x1  }
0x98: {  	[tilespmem:s25+$0xFFFFFF50] =	vst v5  }
0x99: {  	[tilespmem:s24+$0xFFFFFF50] =	vst v52  }
0x9a: {  	v5 =	vld.idx.msk [tilespmem:v62+s2+$0x0], $0xffff  }
0x9b: {  	v63 =	vld.idx.msk [tilespmem:v62+s14+$0x0], $0xffff;
	_ =	sdelay $0x1  }
0x9c: {  	v7 =	vld.idx.msk [tilespmem:v62+s15+$0x0], $0xffff;
	_ =	sdelay $0x2  }
0x9d: {  	v12 =	vshrl.u32 v5, $0x10;
	v13 =	vshrl.u32 v63, $0x10;
	v14 =	vmul.f32 v5, v5  }
0x9e: {  	v16 =	vmul.f32 v63, v63;
	v9 =	vand.u32 $0x1, v12;
	v15 =	vand.u32 $0x1, v13  }
0x9f: {  	v17 =	vshrl.u32 v7, $0x10;
	v5 =	vadd.s32 v9, v5;
	v6 =	vadd.s32 v15, v63  }
0xa0: {  	v9 =	vand.u32 $0x1, v17;
	v5 =	vadd.s32 $0x7FFF, v5;
	v6 =	vadd.s32 $0x7FFF, v6  }
0xa1: {  	v9 =	vadd.s32 v9, v7;
	v5 =	vand.u32 $0xFFFF0000, v5;
	v6 =	vand.u32 $0xFFFF0000, v6  }
0xa2: {  	v9 =	vadd.s32 $0x7FFF, v9;
	v5 =	vmul.f32 v5, v0;
	v6 =	vmul.f32 v6, v1  }
0xa3: {  	v10 =	vadd.f32 v16, v14;
	v9 =	vand.u32 $0xFFFF0000, v9  }
0xa4: {  	v7 =	vmul.f32 v7, v7;
	v18 =	vmul.f32 v9, v2;
	v5 =	vadd.f32 v6, v5;
	_ =	sdelay $0x1  }
0xa5: {  	v7 =	vadd.f32 v7, v10;
	v5 =	vadd.f32 v18, v5;
	_ =	sdelay $0x1  }
0xa6: {  	v19 =	vadd.f32 v7, v3;
	v5 =	vadd.f32 v5, v5  }
0xa7: {  	v20 =	vadd.s32 $0xE00, v4  }
0xa8: {  	v5 =	vsub.f32 v19, v5;
	_ =	sdelay $0x1  }
0xa9: {  	[tilespmem:s25+$0xFFFFFF60] =	vst v5  }
0xaa: {  	[tilespmem:s24+$0xFFFFFF60] =	vst v62  }
0xab: {  	v5 =	vld.idx.msk [tilespmem:v20+s2+$0x0], $0xffff  }
0xac: {  	v21 =	vld.idx.msk [tilespmem:v20+s14+$0x0], $0xffff;
	_ =	sdelay $0x1  }
0xad: {  	v8 =	vld.idx.msk [tilespmem:v20+s15+$0x0], $0xffff;
	_ =	sdelay $0x2  }
0xae: {  	v22 =	vshrl.u32 v5, $0x10;
	v23 =	vshrl.u32 v21, $0x10;
	v24 =	vmul.f32 v5, v5  }
0xaf: {  	v26 =	vmul.f32 v21, v21;
	v9 =	vand.u32 $0x1, v22;
	v25 =	vand.u32 $0x1, v23  }
0xb0: {  	v27 =	vshrl.u32 v8, $0x10;
	v5 =	vadd.s32 v9, v5;
	v6 =	vadd.s32 v25, v21  }
0xb1: {  	v9 =	vand.u32 $0x1, v27;
	v5 =	vadd.s32 $0x7FFF, v5;
	v6 =	vadd.s32 $0x7FFF, v6  }
0xb2: {  	v9 =	vadd.s32 v9, v8;
	v5 =	vand.u32 $0xFFFF0000, v5;
	v6 =	vand.u32 $0xFFFF0000, v6  }
0xb3: {  	v9 =	vadd.s32 $0x7FFF, v9;
	v5 =	vmul.f32 v5, v0;
	v6 =	vmul.f32 v6, v1  }
0xb4: {  	v10 =	vadd.f32 v26, v24;
	v9 =	vand.u32 $0xFFFF0000, v9  }
0xb5: {  	v8 =	vmul.f32 v8, v8;
	v28 =	vmul.f32 v9, v2;
	v5 =	vadd.f32 v6, v5;
	_ =	sdelay $0x1  }
0xb6: {  	v8 =	vadd.f32 v8, v10;
	v5 =	vadd.f32 v28, v5;
	_ =	sdelay $0x1  }
0xb7: {  	v29 =	vadd.f32 v8, v3;
	v5 =	vadd.f32 v5, v5  }
0xb8: {  	v30 =	vadd.s32 $0x1000, v4  }
0xb9: {  	v5 =	vsub.f32 v29, v5;
	_ =	sdelay $0x1  }
0xba: {  	[tilespmem:s25+$0xFFFFFF70] =	vst v5  }
0xbb: {  	[tilespmem:s24+$0xFFFFFF70] =	vst v20  }
0xbc: {  	v5 =	vld.idx.msk [tilespmem:v30+s2+$0x0], $0xffff  }
0xbd: {  	v31 =	vld.idx.msk [tilespmem:v30+s14+$0x0], $0xffff;
	_ =	sdelay $0x1  }
0xbe: {  	v7 =	vld.idx.msk [tilespmem:v30+s15+$0x0], $0xffff;
	_ =	sdelay $0x2  }
0xbf: {  	v32 =	vshrl.u32 v5, $0x10;
	v33 =	vshrl.u32 v31, $0x10;
	v34 =	vmul.f32 v5, v5  }
0xc0: {  	v36 =	vmul.f32 v31, v31;
	v9 =	vand.u32 $0x1, v32;
	v35 =	vand.u32 $0x1, v33  }
0xc1: {  	v37 =	vshrl.u32 v7, $0x10;
	v5 =	vadd.s32 v9, v5;
	v6 =	vadd.s32 v35, v31  }
0xc2: {  	v9 =	vand.u32 $0x1, v37;
	v5 =	vadd.s32 $0x7FFF, v5;
	v6 =	vadd.s32 $0x7FFF, v6  }
0xc3: {  	v9 =	vadd.s32 v9, v7;
	v5 =	vand.u32 $0xFFFF0000, v5;
	v6 =	vand.u32 $0xFFFF0000, v6  }
0xc4: {  	v9 =	vadd.s32 $0x7FFF, v9;
	v5 =	vmul.f32 v5, v0;
	v6 =	vmul.f32 v6, v1  }
0xc5: {  	v10 =	vadd.f32 v36, v34;
	v9 =	vand.u32 $0xFFFF0000, v9  }
0xc6: {  	v7 =	vmul.f32 v7, v7;
	v38 =	vmul.f32 v9, v2;
	v5 =	vadd.f32 v6, v5;
	_ =	sdelay $0x1  }
0xc7: {  	v7 =	vadd.f32 v7, v10;
	v5 =	vadd.f32 v38, v5;
	_ =	sdelay $0x1  }
0xc8: {  	v39 =	vadd.f32 v7, v3;
	v5 =	vadd.f32 v5, v5  }
0xc9: {  	v40 =	vadd.s32 $0x1200, v4  }
0xca: {  	v5 =	vsub.f32 v39, v5;
	_ =	sdelay $0x1  }
0xcb: {  	[tilespmem:s25+$0xFFFFFF80] =	vst v5  }
0xcc: {  	[tilespmem:s24+$0xFFFFFF80] =	vst v30  }
0xcd: {  	v5 =	vld.idx.msk [tilespmem:v40+s2+$0x0], $0xffff  }
0xce: {  	v41 =	vld.idx.msk [tilespmem:v40+s14+$0x0], $0xffff;
	_ =	sdelay $0x1  }
0xcf: {  	v8 =	vld.idx.msk [tilespmem:v40+s15+$0x0], $0xffff;
	_ =	sdelay $0x2  }
0xd0: {  	v42 =	vshrl.u32 v5, $0x10;
	v43 =	vshrl.u32 v41, $0x10;
	v44 =	vmul.f32 v5, v5  }
0xd1: {  	v46 =	vmul.f32 v41, v41;
	v9 =	vand.u32 $0x1, v42;
	v45 =	vand.u32 $0x1, v43  }
0xd2: {  	v47 =	vshrl.u32 v8, $0x10;
	v5 =	vadd.s32 v9, v5;
	v6 =	vadd.s32 v45, v41  }
0xd3: {  	v9 =	vand.u32 $0x1, v47;
	v5 =	vadd.s32 $0x7FFF, v5;
	v6 =	vadd.s32 $0x7FFF, v6  }
0xd4: {  	v9 =	vadd.s32 v9, v8;
	v5 =	vand.u32 $0xFFFF0000, v5;
	v6 =	vand.u32 $0xFFFF0000, v6  }
0xd5: {  	v9 =	vadd.s32 $0x7FFF, v9;
	v5 =	vmul.f32 v5, v0;
	v6 =	vmul.f32 v6, v1  }
0xd6: {  	v10 =	vadd.f32 v46, v44;
	v9 =	vand.u32 $0xFFFF0000, v9  }
0xd7: {  	v8 =	vmul.f32 v8, v8;
	v48 =	vmul.f32 v9, v2;
	v5 =	vadd.f32 v6, v5;
	_ =	sdelay $0x1  }
0xd8: {  	v8 =	vadd.f32 v8, v10;
	v5 =	vadd.f32 v48, v5;
	_ =	sdelay $0x1  }
0xd9: {  	v49 =	vadd.f32 v8, v3;
	v5 =	vadd.f32 v5, v5  }
0xda: {  	v50 =	vadd.s32 $0x1400, v4  }
0xdb: {  	v5 =	vsub.f32 v49, v5;
	_ =	sdelay $0x1  }
0xdc: {  	[tilespmem:s25+$0xFFFFFF90] =	vst v5  }
0xdd: {  	[tilespmem:s24+$0xFFFFFF90] =	vst v40  }
0xde: {  	v5 =	vld.idx.msk [tilespmem:v50+s2+$0x0], $0xffff  }
0xdf: {  	v51 =	vld.idx.msk [tilespmem:v50+s14+$0x0], $0xffff;
	_ =	sdelay $0x1  }
0xe0: {  	v7 =	vld.idx.msk [tilespmem:v50+s15+$0x0], $0xffff;
	_ =	sdelay $0x2  }
0xe1: {  	v52 =	vshrl.u32 v5, $0x10;
	v53 =	vshrl.u32 v51, $0x10;
	v54 =	vmul.f32 v5, v5  }
0xe2: {  	v56 =	vmul.f32 v51, v51;
	v9 =	vand.u32 $0x1, v52;
	v55 =	vand.u32 $0x1, v53  }
0xe3: {  	v57 =	vshrl.u32 v7, $0x10;
	v5 =	vadd.s32 v9, v5;
	v6 =	vadd.s32 v55, v51  }
0xe4: {  	v9 =	vand.u32 $0x1, v57;
	v5 =	vadd.s32 $0x7FFF, v5;
	v6 =	vadd.s32 $0x7FFF, v6  }
0xe5: {  	v9 =	vadd.s32 v9, v7;
	v5 =	vand.u32 $0xFFFF0000, v5;
	v6 =	vand.u32 $0xFFFF0000, v6  }
0xe6: {  	v9 =	vadd.s32 $0x7FFF, v9;
	v5 =	vmul.f32 v5, v0;
	v6 =	vmul.f32 v6, v1  }
0xe7: {  	v10 =	vadd.f32 v56, v54;
	v9 =	vand.u32 $0xFFFF0000, v9  }
0xe8: {  	v7 =	vmul.f32 v7, v7;
	v58 =	vmul.f32 v9, v2;
	v5 =	vadd.f32 v6, v5;
	_ =	sdelay $0x1  }
0xe9: {  	v7 =	vadd.f32 v7, v10;
	v5 =	vadd.f32 v58, v5;
	_ =	sdelay $0x1  }
0xea: {  	v59 =	vadd.f32 v7, v3;
	v5 =	vadd.f32 v5, v5  }
0xeb: {  	v60 =	vadd.s32 $0x1600, v4  }
0xec: {  	v5 =	vsub.f32 v59, v5;
	_ =	sdelay $0x1  }
0xed: {  	[tilespmem:s25+$0xFFFFFFA0] =	vst v5  }
0xee: {  	[tilespmem:s24+$0xFFFFFFA0] =	vst v50  }
0xef: {  	v5 =	vld.idx.msk [tilespmem:v60+s2+$0x0], $0xffff  }
0xf0: {  	v61 =	vld.idx.msk [tilespmem:v60+s14+$0x0], $0xffff;
	_ =	sdelay $0x1  }
0xf1: {  	v8 =	vld.idx.msk [tilespmem:v60+s15+$0x0], $0xffff;
	_ =	sdelay $0x2  }
0xf2: {  	v62 =	vshrl.u32 v5, $0x10;
	v63 =	vshrl.u32 v61, $0x10;
	v12 =	vmul.f32 v5, v5  }
0xf3: {  	v14 =	vmul.f32 v61, v61;
	v9 =	vand.u32 $0x1, v62;
	v13 =	vand.u32 $0x1, v63  }
0xf4: {  	v15 =	vshrl.u32 v8, $0x10;
	v5 =	vadd.s32 v9, v5;
	v6 =	vadd.s32 v13, v61  }
0xf5: {  	v9 =	vand.u32 $0x1, v15;
	v5 =	vadd.s32 $0x7FFF, v5;
	v6 =	vadd.s32 $0x7FFF, v6  }
0xf6: {  	v9 =	vadd.s32 v9, v8;
	v5 =	vand.u32 $0xFFFF0000, v5;
	v6 =	vand.u32 $0xFFFF0000, v6  }
0xf7: {  	v9 =	vadd.s32 $0x7FFF, v9;
	v5 =	vmul.f32 v5, v0;
	v6 =	vmul.f32 v6, v1  }
0xf8: {  	v10 =	vadd.f32 v14, v12;
	v9 =	vand.u32 $0xFFFF0000, v9  }
0xf9: {  	v8 =	vmul.f32 v8, v8;
	v16 =	vmul.f32 v9, v2;
	v5 =	vadd.f32 v6, v5;
	_ =	sdelay $0x1  }
0xfa: {  	v8 =	vadd.f32 v8, v10;
	v5 =	vadd.f32 v16, v5;
	_ =	sdelay $0x1  }
0xfb: {  	v17 =	vadd.f32 v8, v3;
	v5 =	vadd.f32 v5, v5  }
0xfc: {  	v18 =	vadd.s32 $0x1800, v4  }
0xfd: {  	v5 =	vsub.f32 v17, v5;
	_ =	sdelay $0x1  }
0xfe: {  	[tilespmem:s25+$0xFFFFFFB0] =	vst v5  }
0xff: {  	[tilespmem:s24+$0xFFFFFFB0] =	vst v60  }
0x100: {  	v5 =	vld.idx.msk [tilespmem:v18+s2+$0x0], $0xffff  }
0x101: {  	v19 =	vld.idx.msk [tilespmem:v18+s14+$0x0], $0xffff;
	_ =	sdelay $0x1  }
0x102: {  	v7 =	vld.idx.msk [tilespmem:v18+s15+$0x0], $0xffff;
	_ =	sdelay $0x2  }
0x103: {  	v20 =	vshrl.u32 v5, $0x10;
	v21 =	vshrl.u32 v19, $0x10;
	v22 =	vmul.f32 v5, v5  }
0x104: {  	v24 =	vmul.f32 v19, v19;
	v9 =	vand.u32 $0x1, v20;
	v23 =	vand.u32 $0x1, v21  }
0x105: {  	v25 =	vshrl.u32 v7, $0x10;
	v5 =	vadd.s32 v9, v5;
	v6 =	vadd.s32 v23, v19  }
0x106: {  	v9 =	vand.u32 $0x1, v25;
	v5 =	vadd.s32 $0x7FFF, v5;
	v6 =	vadd.s32 $0x7FFF, v6  }
0x107: {  	v9 =	vadd.s32 v9, v7;
	v5 =	vand.u32 $0xFFFF0000, v5;
	v6 =	vand.u32 $0xFFFF0000, v6  }
0x108: {  	v9 =	vadd.s32 $0x7FFF, v9;
	v5 =	vmul.f32 v5, v0;
	v6 =	vmul.f32 v6, v1  }
0x109: {  	v10 =	vadd.f32 v24, v22;
	v9 =	vand.u32 $0xFFFF0000, v9  }
0x10a: {  	v7 =	vmul.f32 v7, v7;
	v26 =	vmul.f32 v9, v2;
	v5 =	vadd.f32 v6, v5;
	_ =	sdelay $0x1  }
0x10b: {  	v7 =	vadd.f32 v7, v10;
	v5 =	vadd.f32 v26, v5;
	_ =	sdelay $0x1  }
0x10c: {  	v27 =	vadd.f32 v7, v3;
	v5 =	vadd.f32 v5, v5  }
0x10d: {  	v28 =	vadd.s32 $0x1A00, v4  }
0x10e: {  	v5 =	vsub.f32 v27, v5;
	_ =	sdelay $0x1  }
0x10f: {  	[tilespmem:s25+$0xFFFFFFC0] =	vst v5  }
0x110: {  	[tilespmem:s24+$0xFFFFFFC0] =	vst v18  }
0x111: {  	v5 =	vld.idx.msk [tilespmem:v28+s2+$0x0], $0xffff  }
0x112: {  	v29 =	vld.idx.msk [tilespmem:v28+s14+$0x0], $0xffff;
	_ =	sdelay $0x1  }
0x113: {  	v8 =	vld.idx.msk [tilespmem:v28+s15+$0x0], $0xffff;
	_ =	sdelay $0x2  }
0x114: {  	v30 =	vshrl.u32 v5, $0x10;
	v31 =	vshrl.u32 v29, $0x10;
	v32 =	vmul.f32 v5, v5  }
0x115: {  	v34 =	vmul.f32 v29, v29;
	v9 =	vand.u32 $0x1, v30;
	v33 =	vand.u32 $0x1, v31  }
0x116: {  	v35 =	vshrl.u32 v8, $0x10;
	v5 =	vadd.s32 v9, v5;
	v6 =	vadd.s32 v33, v29  }
0x117: {  	v9 =	vand.u32 $0x1, v35;
	v5 =	vadd.s32 $0x7FFF, v5;
	v6 =	vadd.s32 $0x7FFF, v6  }
0x118: {  	v9 =	vadd.s32 v9, v8;
	v5 =	vand.u32 $0xFFFF0000, v5;
	v6 =	vand.u32 $0xFFFF0000, v6  }
0x119: {  	v9 =	vadd.s32 $0x7FFF, v9;
	v5 =	vmul.f32 v5, v0;
	v6 =	vmul.f32 v6, v1  }
0x11a: {  	v10 =	vadd.f32 v34, v32;
	v9 =	vand.u32 $0xFFFF0000, v9  }
0x11b: {  	v8 =	vmul.f32 v8, v8;
	v36 =	vmul.f32 v9, v2;
	v5 =	vadd.f32 v6, v5;
	_ =	sdelay $0x1  }
0x11c: {  	v8 =	vadd.f32 v8, v10;
	v5 =	vadd.f32 v36, v5;
	_ =	sdelay $0x1  }
0x11d: {  	v37 =	vadd.f32 v8, v3;
	v5 =	vadd.f32 v5, v5  }
0x11e: {  	v38 =	vadd.s32 $0x1C00, v4  }
0x11f: {  	v5 =	vsub.f32 v37, v5;
	_ =	sdelay $0x1  }
0x120: {  	[tilespmem:s25+$0xFFFFFFD0] =	vst v5  }
0x121: {  	[tilespmem:s24+$0xFFFFFFD0] =	vst v28  }
0x122: {  	v5 =	vld.idx.msk [tilespmem:v38+s2+$0x0], $0xffff  }
0x123: {  	v39 =	vld.idx.msk [tilespmem:v38+s14+$0x0], $0xffff;
	_ =	sdelay $0x1  }
0x124: {  	v7 =	vld.idx.msk [tilespmem:v38+s15+$0x0], $0xffff;
	_ =	sdelay $0x2  }
0x125: {  	v40 =	vshrl.u32 v5, $0x10;
	v41 =	vshrl.u32 v39, $0x10;
	v42 =	vmul.f32 v5, v5  }
0x126: {  	v44 =	vmul.f32 v39, v39;
	v9 =	vand.u32 $0x1, v40;
	v43 =	vand.u32 $0x1, v41  }
0x127: {  	v45 =	vshrl.u32 v7, $0x10;
	v5 =	vadd.s32 v9, v5;
	v6 =	vadd.s32 v43, v39  }
0x128: {  	v9 =	vand.u32 $0x1, v45;
	v5 =	vadd.s32 $0x7FFF, v5;
	v6 =	vadd.s32 $0x7FFF, v6  }
0x129: {  	v9 =	vadd.s32 v9, v7;
	v5 =	vand.u32 $0xFFFF0000, v5;
	v6 =	vand.u32 $0xFFFF0000, v6  }
0x12a: {  	v9 =	vadd.s32 $0x7FFF, v9;
	v5 =	vmul.f32 v5, v0;
	v6 =	vmul.f32 v6, v1  }
0x12b: {  	v10 =	vadd.f32 v44, v42;
	v9 =	vand.u32 $0xFFFF0000, v9  }
0x12c: {  	v7 =	vmul.f32 v7, v7;
	v46 =	vmul.f32 v9, v2;
	v5 =	vadd.f32 v6, v5;
	_ =	sdelay $0x1  }
0x12d: {  	v7 =	vadd.f32 v7, v10;
	v5 =	vadd.f32 v46, v5;
	_ =	sdelay $0x1  }
0x12e: {  	v47 =	vadd.f32 v7, v3;
	v5 =	vadd.f32 v5, v5  }
0x12f: {  	v4 =	vadd.s32 $0x1E00, v4  }
0x130: {  	v5 =	vsub.f32 v47, v5;
	_ =	sdelay $0x1  }
0x131: {  	[tilespmem:s25+$0xFFFFFFE0] =	vst v5  }
0x132: {  	[tilespmem:s24+$0xFFFFFFE0] =	vst v38  }
0x133: {  	v5 =	vld.idx.msk [tilespmem:v4+s2+$0x0], $0xffff  }
0x134: {  	v48 =	vld.idx.msk [tilespmem:v4+s14+$0x0], $0xffff;
	_ =	sdelay $0x1  }
0x135: {  	v49 =	vld.idx.msk [tilespmem:v4+s15+$0x0], $0xffff;
	_ =	sdelay $0x2  }
0x136: {  	v50 =	vmul.f32 v5, v5;
	v51 =	vshrl.u32 v5, $0x10;
	v52 =	vshrl.u32 v48, $0x10  }
0x137: {  	v53 =	vmul.f32 v48, v48;
	v9 =	vand.u32 $0x1, v51;
	v10 =	vand.u32 $0x1, v52  }
0x138: {  	v54 =	vshrl.u32 v49, $0x10;
	v5 =	vadd.s32 v9, v5;
	v6 =	vadd.s32 v10, v48  }
0x139: {  	v9 =	vand.u32 $0x1, v54;
	v5 =	vadd.s32 $0x7FFF, v5;
	v6 =	vadd.s32 $0x7FFF, v6  }
0x13a: {  	v9 =	vadd.s32 v9, v49;
	v5 =	vand.u32 $0xFFFF0000, v5;
	v6 =	vand.u32 $0xFFFF0000, v6  }
0x13b: {  	v9 =	vadd.s32 $0x7FFF, v9;
	v5 =	vmul.f32 v5, v0;
	v6 =	vmul.f32 v6, v1  }
0x13c: {  	v7 =	vmul.f32 v49, v49;
	v9 =	vand.u32 $0xFFFF0000, v9  }
0x13d: {  	v8 =	vadd.f32 v53, v50;
	v55 =	vmul.f32 v9, v2;
	v5 =	vadd.f32 v6, v5;
	_ =	sdelay $0x1  }
0x13e: {  	v7 =	vadd.f32 v7, v8;
	v5 =	vadd.f32 v55, v5;
	_ =	sdelay $0x1  }
0x13f: {  	v56 =	vadd.f32 v7, v3;
	v5 =	vadd.f32 v5, v5;
	_ =	sdelay $0x1  }
0x140: {  	v5 =	vsub.f32 v56, v5;
	_ =	sdelay $0x1  }
0x141: {  	[tilespmem:s25+$0xFFFFFFF0] =	vst v5  }
0x142: {  	[tilespmem:s24+$0xFFFFFFF0] =	vst v4  }
0x143: {  	v4 =	vld [tilespmem:s23+$0x0];
	_ =	sdelay $0x7  }
0x144: {  	v5 =	vld.idx.msk [tilespmem:v4+s2+$0x0], $0xffff  }
0x145: {  	v57 =	vld.idx.msk [tilespmem:v4+s14+$0x0], $0xffff;
	_ =	sdelay $0x1  }
0x146: {  	v58 =	vld.idx.msk [tilespmem:v4+s15+$0x0], $0xffff;
	_ =	sdelay $0x2  }
0x147: {  	v59 =	vmul.f32 v5, v5;
	v60 =	vshrl.u32 v5, $0x10;
	v61 =	vshrl.u32 v57, $0x10  }
0x148: {  	v62 =	vmul.f32 v57, v57;
	v9 =	vand.u32 $0x1, v60;
	v10 =	vand.u32 $0x1, v61  }
0x149: {  	v63 =	vshrl.u32 v58, $0x10;
	v5 =	vadd.s32 v9, v5;
	v6 =	vadd.s32 v10, v57  }
0x14a: {  	v9 =	vand.u32 $0x1, v63;
	v5 =	vadd.s32 $0x7FFF, v5;
	v6 =	vadd.s32 $0x7FFF, v6  }
0x14b: {  	v9 =	vadd.s32 v9, v58;
	v5 =	vand.u32 $0xFFFF0000, v5;
	v6 =	vand.u32 $0xFFFF0000, v6  }
0x14c: {  	v9 =	vadd.s32 $0x7FFF, v9;
	v5 =	vmul.f32 v5, v0;
	v6 =	vmul.f32 v6, v1  }
0x14d: {  	v7 =	vmul.f32 v58, v58;
	v9 =	vand.u32 $0xFFFF0000, v9  }
0x14e: {  	v8 =	vadd.f32 v62, v59;
	v12 =	vmul.f32 v9, v2;
	v5 =	vadd.f32 v6, v5;
	_ =	sdelay $0x1  }
0x14f: {  	v7 =	vadd.f32 v7, v8;
	v5 =	vadd.f32 v12, v5;
	_ =	sdelay $0x1  }
0x150: {  	v13 =	vadd.f32 v7, v3;
	v5 =	vadd.f32 v5, v5  }
0x151: {  	v14 =	vadd.s32 $0x200, v4  }
0x152: {  	v5 =	vsub.f32 v13, v5;
	_ =	sdelay $0x1  }
0x153: {  	[tilespmem:s25+$0x0] =	vst v5  }
0x154: {  	[tilespmem:s24+$0x0] =	vst v4  }
0x155: {  	v5 =	vld.idx.msk [tilespmem:v14+s2+$0x0], $0xffff  }
0x156: {  	v15 =	vld.idx.msk [tilespmem:v14+s14+$0x0], $0xffff;
	_ =	sdelay $0x1  }
0x157: {  	v16 =	vld.idx.msk [tilespmem:v14+s15+$0x0], $0xffff;
	_ =	sdelay $0x2  }
0x158: {  	v17 =	vshrl.u32 v5, $0x10;
	v18 =	vshrl.u32 v15, $0x10;
	v19 =	vmul.f32 v5, v5  }
0x159: {  	v21 =	vmul.f32 v15, v15;
	v9 =	vand.u32 $0x1, v17;
	v20 =	vand.u32 $0x1, v18  }
0x15a: {  	v22 =	vshrl.u32 v16, $0x10;
	v5 =	vadd.s32 v9, v5;
	v6 =	vadd.s32 v20, v15  }
0x15b: {  	v9 =	vand.u32 $0x1, v22;
	v5 =	vadd.s32 $0x7FFF, v5;
	v6 =	vadd.s32 $0x7FFF, v6  }
0x15c: {  	v9 =	vadd.s32 v9, v16;
	v5 =	vand.u32 $0xFFFF0000, v5;
	v6 =	vand.u32 $0xFFFF0000, v6  }
0x15d: {  	v9 =	vadd.s32 $0x7FFF, v9;
	v5 =	vmul.f32 v5, v0;
	v6 =	vmul.f32 v6, v1  }
0x15e: {  	v8 =	vmul.f32 v16, v16;
	v9 =	vand.u32 $0xFFFF0000, v9  }
0x15f: {  	v10 =	vadd.f32 v21, v19;
	v23 =	vmul.f32 v9, v2;
	v5 =	vadd.f32 v6, v5;
	_ =	sdelay $0x1  }
0x160: {  	v8 =	vadd.f32 v8, v10;
	v5 =	vadd.f32 v23, v5;
	_ =	sdelay $0x1  }
0x161: {  	v24 =	vadd.f32 v8, v3;
	v5 =	vadd.f32 v5, v5  }
0x162: {  	v25 =	vadd.s32 $0x400, v4  }
0x163: {  	v5 =	vsub.f32 v24, v5;
	_ =	sdelay $0x1  }
0x164: {  	[tilespmem:s25+$0x10] =	vst v5  }
0x165: {  	[tilespmem:s24+$0x10] =	vst v14  }
0x166: {  	v5 =	vld.idx.msk [tilespmem:v25+s2+$0x0], $0xffff  }
0x167: {  	v26 =	vld.idx.msk [tilespmem:v25+s14+$0x0], $0xffff;
	_ =	sdelay $0x1  }
0x168: {  	v7 =	vld.idx.msk [tilespmem:v25+s15+$0x0], $0xffff;
	_ =	sdelay $0x2  }
0x169: {  	v27 =	vshrl.u32 v5, $0x10;
	v28 =	vshrl.u32 v26, $0x10;
	v29 =	vmul.f32 v5, v5  }
0x16a: {  	v31 =	vmul.f32 v26, v26;
	v9 =	vand.u32 $0x1, v27;
	v30 =	vand.u32 $0x1, v28  }
0x16b: {  	v32 =	vshrl.u32 v7, $0x10;
	v5 =	vadd.s32 v9, v5;
	v6 =	vadd.s32 v30, v26  }
0x16c: {  	v9 =	vand.u32 $0x1, v32;
	v5 =	vadd.s32 $0x7FFF, v5;
	v6 =	vadd.s32 $0x7FFF, v6  }
0x16d: {  	v9 =	vadd.s32 v9, v7;
	v5 =	vand.u32 $0xFFFF0000, v5;
	v6 =	vand.u32 $0xFFFF0000, v6  }
0x16e: {  	v9 =	vadd.s32 $0x7FFF, v9;
	v5 =	vmul.f32 v5, v0;
	v6 =	vmul.f32 v6, v1  }
0x16f: {  	v10 =	vadd.f32 v31, v29;
	v9 =	vand.u32 $0xFFFF0000, v9  }
0x170: {  	v7 =	vmul.f32 v7, v7;
	v33 =	vmul.f32 v9, v2;
	v5 =	vadd.f32 v6, v5;
	_ =	sdelay $0x1  }
0x171: {  	v7 =	vadd.f32 v7, v10;
	v5 =	vadd.f32 v33, v5;
	_ =	sdelay $0x1  }
0x172: {  	v34 =	vadd.f32 v7, v3;
	v5 =	vadd.f32 v5, v5  }
0x173: {  	v35 =	vadd.s32 $0x600, v4  }
0x174: {  	v5 =	vsub.f32 v34, v5;
	_ =	sdelay $0x1  }
0x175: {  	[tilespmem:s25+$0x20] =	vst v5  }
0x176: {  	[tilespmem:s24+$0x20] =	vst v25  }
0x177: {  	v5 =	vld.idx.msk [tilespmem:v35+s2+$0x0], $0xffff  }
0x178: {  	v36 =	vld.idx.msk [tilespmem:v35+s14+$0x0], $0xffff;
	_ =	sdelay $0x1  }
0x179: {  	v8 =	vld.idx.msk [tilespmem:v35+s15+$0x0], $0xffff;
	_ =	sdelay $0x2  }
0x17a: {  	v37 =	vshrl.u32 v5, $0x10;
	v38 =	vshrl.u32 v36, $0x10;
	v39 =	vmul.f32 v5, v5  }
0x17b: {  	v41 =	vmul.f32 v36, v36;
	v9 =	vand.u32 $0x1, v37;
	v40 =	vand.u32 $0x1, v38  }
0x17c: {  	v42 =	vshrl.u32 v8, $0x10;
	v5 =	vadd.s32 v9, v5;
	v6 =	vadd.s32 v40, v36  }
0x17d: {  	v9 =	vand.u32 $0x1, v42;
	v5 =	vadd.s32 $0x7FFF, v5;
	v6 =	vadd.s32 $0x7FFF, v6  }
0x17e: {  	v9 =	vadd.s32 v9, v8;
	v5 =	vand.u32 $0xFFFF0000, v5;
	v6 =	vand.u32 $0xFFFF0000, v6  }
0x17f: {  	v9 =	vadd.s32 $0x7FFF, v9;
	v5 =	vmul.f32 v5, v0;
	v6 =	vmul.f32 v6, v1  }
0x180: {  	v10 =	vadd.f32 v41, v39;
	v9 =	vand.u32 $0xFFFF0000, v9  }
0x181: {  	v8 =	vmul.f32 v8, v8;
	v43 =	vmul.f32 v9, v2;
	v5 =	vadd.f32 v6, v5;
	_ =	sdelay $0x1  }
0x182: {  	v8 =	vadd.f32 v8, v10;
	v5 =	vadd.f32 v43, v5;
	_ =	sdelay $0x1  }
0x183: {  	v44 =	vadd.f32 v8, v3;
	v5 =	vadd.f32 v5, v5  }
0x184: {  	v45 =	vadd.s32 $0x800, v4  }
0x185: {  	v5 =	vsub.f32 v44, v5;
	_ =	sdelay $0x1  }
0x186: {  	[tilespmem:s25+$0x30] =	vst v5  }
0x187: {  	[tilespmem:s24+$0x30] =	vst v35  }
0x188: {  	v5 =	vld.idx.msk [tilespmem:v45+s2+$0x0], $0xffff  }
0x189: {  	v46 =	vld.idx.msk [tilespmem:v45+s14+$0x0], $0xffff;
	_ =	sdelay $0x1  }
0x18a: {  	v7 =	vld.idx.msk [tilespmem:v45+s15+$0x0], $0xffff;
	_ =	sdelay $0x2  }
0x18b: {  	v47 =	vshrl.u32 v5, $0x10;
	v48 =	vshrl.u32 v46, $0x10;
	v49 =	vmul.f32 v5, v5  }
0x18c: {  	v51 =	vmul.f32 v46, v46;
	v9 =	vand.u32 $0x1, v47;
	v50 =	vand.u32 $0x1, v48  }
0x18d: {  	v52 =	vshrl.u32 v7, $0x10;
	v5 =	vadd.s32 v9, v5;
	v6 =	vadd.s32 v50, v46  }
0x18e: {  	v9 =	vand.u32 $0x1, v52;
	v5 =	vadd.s32 $0x7FFF, v5;
	v6 =	vadd.s32 $0x7FFF, v6  }
0x18f: {  	v9 =	vadd.s32 v9, v7;
	v5 =	vand.u32 $0xFFFF0000, v5;
	v6 =	vand.u32 $0xFFFF0000, v6  }
0x190: {  	v9 =	vadd.s32 $0x7FFF, v9;
	v5 =	vmul.f32 v5, v0;
	v6 =	vmul.f32 v6, v1  }
0x191: {  	v10 =	vadd.f32 v51, v49;
	v9 =	vand.u32 $0xFFFF0000, v9  }
0x192: {  	v7 =	vmul.f32 v7, v7;
	v53 =	vmul.f32 v9, v2;
	v5 =	vadd.f32 v6, v5;
	_ =	sdelay $0x1  }
0x193: {  	v7 =	vadd.f32 v7, v10;
	v5 =	vadd.f32 v53, v5;
	_ =	sdelay $0x1  }
0x194: {  	v54 =	vadd.f32 v7, v3;
	v5 =	vadd.f32 v5, v5  }
0x195: {  	v55 =	vadd.s32 $0xA00, v4  }
0x196: {  	v5 =	vsub.f32 v54, v5;
	_ =	sdelay $0x1  }
0x197: {  	[tilespmem:s25+$0x40] =	vst v5  }
0x198: {  	[tilespmem:s24+$0x40] =	vst v45  }
0x199: {  	v5 =	vld.idx.msk [tilespmem:v55+s2+$0x0], $0xffff  }
0x19a: {  	v56 =	vld.idx.msk [tilespmem:v55+s14+$0x0], $0xffff;
	_ =	sdelay $0x1  }
0x19b: {  	v8 =	vld.idx.msk [tilespmem:v55+s15+$0x0], $0xffff;
	_ =	sdelay $0x2  }
0x19c: {  	v57 =	vshrl.u32 v5, $0x10;
	v58 =	vshrl.u32 v56, $0x10;
	v59 =	vmul.f32 v5, v5  }
0x19d: {  	v61 =	vmul.f32 v56, v56;
	v9 =	vand.u32 $0x1, v57;
	v60 =	vand.u32 $0x1, v58  }
0x19e: {  	v62 =	vshrl.u32 v8, $0x10;
	v5 =	vadd.s32 v9, v5;
	v6 =	vadd.s32 v60, v56  }
0x19f: {  	v9 =	vand.u32 $0x1, v62;
	v5 =	vadd.s32 $0x7FFF, v5;
	v6 =	vadd.s32 $0x7FFF, v6  }
0x1a0: {  	v9 =	vadd.s32 v9, v8;
	v5 =	vand.u32 $0xFFFF0000, v5;
	v6 =	vand.u32 $0xFFFF0000, v6  }
0x1a1: {  	v9 =	vadd.s32 $0x7FFF, v9;
	v5 =	vmul.f32 v5, v0;
	v6 =	vmul.f32 v6, v1  }
0x1a2: {  	v10 =	vadd.f32 v61, v59;
	v9 =	vand.u32 $0xFFFF0000, v9  }
0x1a3: {  	v8 =	vmul.f32 v8, v8;
	v63 =	vmul.f32 v9, v2;
	v5 =	vadd.f32 v6, v5;
	_ =	sdelay $0x1  }
0x1a4: {  	v8 =	vadd.f32 v8, v10;
	v5 =	vadd.f32 v63, v5;
	_ =	sdelay $0x1  }
0x1a5: {  	v12 =	vadd.f32 v8, v3;
	v5 =	vadd.f32 v5, v5  }
0x1a6: {  	v13 =	vadd.s32 $0xC00, v4  }
0x1a7: {  	v5 =	vsub.f32 v12, v5;
	_ =	sdelay $0x1  }
0x1a8: {  	[tilespmem:s25+$0x50] =	vst v5  }
0x1a9: {  	[tilespmem:s24+$0x50] =	vst v55  }
0x1aa: {  	v5 =	vld.idx.msk [tilespmem:v13+s2+$0x0], $0xffff  }
0x1ab: {  	v14 =	vld.idx.msk [tilespmem:v13+s14+$0x0], $0xffff;
	_ =	sdelay $0x1  }
0x1ac: {  	v7 =	vld.idx.msk [tilespmem:v13+s15+$0x0], $0xffff;
	_ =	sdelay $0x2  }
0x1ad: {  	v15 =	vshrl.u32 v5, $0x10;
	v16 =	vshrl.u32 v14, $0x10;
	v17 =	vmul.f32 v5, v5  }
0x1ae: {  	v19 =	vmul.f32 v14, v14;
	v9 =	vand.u32 $0x1, v15;
	v18 =	vand.u32 $0x1, v16  }
0x1af: {  	v20 =	vshrl.u32 v7, $0x10;
	v5 =	vadd.s32 v9, v5;
	v6 =	vadd.s32 v18, v14  }
0x1b0: {  	v9 =	vand.u32 $0x1, v20;
	v5 =	vadd.s32 $0x7FFF, v5;
	v6 =	vadd.s32 $0x7FFF, v6  }
0x1b1: {  	v9 =	vadd.s32 v9, v7;
	v5 =	vand.u32 $0xFFFF0000, v5;
	v6 =	vand.u32 $0xFFFF0000, v6  }
0x1b2: {  	v9 =	vadd.s32 $0x7FFF, v9;
	v5 =	vmul.f32 v5, v0;
	v6 =	vmul.f32 v6, v1  }
0x1b3: {  	v10 =	vadd.f32 v19, v17;
	v9 =	vand.u32 $0xFFFF0000, v9  }
0x1b4: {  	v7 =	vmul.f32 v7, v7;
	v21 =	vmul.f32 v9, v2;
	v5 =	vadd.f32 v6, v5;
	_ =	sdelay $0x1  }
0x1b5: {  	v7 =	vadd.f32 v7, v10;
	v5 =	vadd.f32 v21, v5;
	_ =	sdelay $0x1  }
0x1b6: {  	v22 =	vadd.f32 v7, v3;
	v5 =	vadd.f32 v5, v5  }
0x1b7: {  	v23 =	vadd.s32 $0xE00, v4  }
0x1b8: {  	v5 =	vsub.f32 v22, v5;
	_ =	sdelay $0x1  }
0x1b9: {  	[tilespmem:s25+$0x60] =	vst v5  }
0x1ba: {  	[tilespmem:s24+$0x60] =	vst v13  }
0x1bb: {  	v5 =	vld.idx.msk [tilespmem:v23+s2+$0x0], $0xffff  }
0x1bc: {  	v24 =	vld.idx.msk [tilespmem:v23+s14+$0x0], $0xffff;
	_ =	sdelay $0x1  }
0x1bd: {  	v8 =	vld.idx.msk [tilespmem:v23+s15+$0x0], $0xffff;
	_ =	sdelay $0x2  }
0x1be: {  	v25 =	vshrl.u32 v5, $0x10;
	v26 =	vshrl.u32 v24, $0x10;
	v27 =	vmul.f32 v5, v5  }
0x1bf: {  	v29 =	vmul.f32 v24, v24;
	v9 =	vand.u32 $0x1, v25;
	v28 =	vand.u32 $0x1, v26  }
0x1c0: {  	v30 =	vshrl.u32 v8, $0x10;
	v5 =	vadd.s32 v9, v5;
	v6 =	vadd.s32 v28, v24  }
0x1c1: {  	v9 =	vand.u32 $0x1, v30;
	v5 =	vadd.s32 $0x7FFF, v5;
	v6 =	vadd.s32 $0x7FFF, v6  }
0x1c2: {  	v9 =	vadd.s32 v9, v8;
	v5 =	vand.u32 $0xFFFF0000, v5;
	v6 =	vand.u32 $0xFFFF0000, v6  }
0x1c3: {  	v9 =	vadd.s32 $0x7FFF, v9;
	v5 =	vmul.f32 v5, v0;
	v6 =	vmul.f32 v6, v1  }
0x1c4: {  	v10 =	vadd.f32 v29, v27;
	v9 =	vand.u32 $0xFFFF0000, v9  }
0x1c5: {  	v8 =	vmul.f32 v8, v8;
	v31 =	vmul.f32 v9, v2;
	v5 =	vadd.f32 v6, v5;
	_ =	sdelay $0x1  }
0x1c6: {  	v8 =	vadd.f32 v8, v10;
	v5 =	vadd.f32 v31, v5;
	_ =	sdelay $0x1  }
0x1c7: {  	v32 =	vadd.f32 v8, v3;
	v5 =	vadd.f32 v5, v5  }
0x1c8: {  	v33 =	vadd.s32 $0x1000, v4  }
0x1c9: {  	v5 =	vsub.f32 v32, v5;
	_ =	sdelay $0x1  }
0x1ca: {  	[tilespmem:s25+$0x70] =	vst v5  }
0x1cb: {  	[tilespmem:s24+$0x70] =	vst v23  }
0x1cc: {  	v5 =	vld.idx.msk [tilespmem:v33+s2+$0x0], $0xffff  }
0x1cd: {  	v34 =	vld.idx.msk [tilespmem:v33+s14+$0x0], $0xffff;
	_ =	sdelay $0x1  }
0x1ce: {  	v7 =	vld.idx.msk [tilespmem:v33+s15+$0x0], $0xffff;
	_ =	sdelay $0x2  }
0x1cf: {  	v35 =	vshrl.u32 v5, $0x10;
	v36 =	vshrl.u32 v34, $0x10;
	v37 =	vmul.f32 v5, v5  }
0x1d0: {  	v39 =	vmul.f32 v34, v34;
	v9 =	vand.u32 $0x1, v35;
	v38 =	vand.u32 $0x1, v36  }
0x1d1: {  	v40 =	vshrl.u32 v7, $0x10;
	v5 =	vadd.s32 v9, v5;
	v6 =	vadd.s32 v38, v34  }
0x1d2: {  	v9 =	vand.u32 $0x1, v40;
	v5 =	vadd.s32 $0x7FFF, v5;
	v6 =	vadd.s32 $0x7FFF, v6  }
0x1d3: {  	v9 =	vadd.s32 v9, v7;
	v5 =	vand.u32 $0xFFFF0000, v5;
	v6 =	vand.u32 $0xFFFF0000, v6  }
0x1d4: {  	v9 =	vadd.s32 $0x7FFF, v9;
	v5 =	vmul.f32 v5, v0;
	v6 =	vmul.f32 v6, v1  }
0x1d5: {  	v10 =	vadd.f32 v39, v37;
	v9 =	vand.u32 $0xFFFF0000, v9  }
0x1d6: {  	v7 =	vmul.f32 v7, v7;
	v41 =	vmul.f32 v9, v2;
	v5 =	vadd.f32 v6, v5;
	_ =	sdelay $0x1  }
0x1d7: {  	v7 =	vadd.f32 v7, v10;
	v5 =	vadd.f32 v41, v5;
	_ =	sdelay $0x1  }
0x1d8: {  	v42 =	vadd.f32 v7, v3;
	v5 =	vadd.f32 v5, v5  }
0x1d9: {  	v43 =	vadd.s32 $0x1200, v4  }
0x1da: {  	v5 =	vsub.f32 v42, v5;
	_ =	sdelay $0x1  }
0x1db: {  	[tilespmem:s25+$0x80] =	vst v5  }
0x1dc: {  	[tilespmem:s24+$0x80] =	vst v33  }
0x1dd: {  	v5 =	vld.idx.msk [tilespmem:v43+s2+$0x0], $0xffff  }
0x1de: {  	v44 =	vld.idx.msk [tilespmem:v43+s14+$0x0], $0xffff;
	_ =	sdelay $0x1  }
0x1df: {  	v8 =	vld.idx.msk [tilespmem:v43+s15+$0x0], $0xffff;
	_ =	sdelay $0x2  }
0x1e0: {  	v45 =	vshrl.u32 v5, $0x10;
	v46 =	vshrl.u32 v44, $0x10;
	v47 =	vmul.f32 v5, v5  }
0x1e1: {  	v49 =	vmul.f32 v44, v44;
	v9 =	vand.u32 $0x1, v45;
	v48 =	vand.u32 $0x1, v46  }
0x1e2: {  	v50 =	vshrl.u32 v8, $0x10;
	v5 =	vadd.s32 v9, v5;
	v6 =	vadd.s32 v48, v44  }
0x1e3: {  	v9 =	vand.u32 $0x1, v50;
	v5 =	vadd.s32 $0x7FFF, v5;
	v6 =	vadd.s32 $0x7FFF, v6  }
0x1e4: {  	v9 =	vadd.s32 v9, v8;
	v5 =	vand.u32 $0xFFFF0000, v5;
	v6 =	vand.u32 $0xFFFF0000, v6  }
0x1e5: {  	v9 =	vadd.s32 $0x7FFF, v9;
	v5 =	vmul.f32 v5, v0;
	v6 =	vmul.f32 v6, v1  }
0x1e6: {  	v10 =	vadd.f32 v49, v47;
	v9 =	vand.u32 $0xFFFF0000, v9  }
0x1e7: {  	v8 =	vmul.f32 v8, v8;
	v51 =	vmul.f32 v9, v2;
	v5 =	vadd.f32 v6, v5;
	_ =	sdelay $0x1  }
0x1e8: {  	v8 =	vadd.f32 v8, v10;
	v5 =	vadd.f32 v51, v5;
	_ =	sdelay $0x1  }
0x1e9: {  	v52 =	vadd.f32 v8, v3;
	v5 =	vadd.f32 v5, v5  }
0x1ea: {  	v53 =	vadd.s32 $0x1400, v4  }
0x1eb: {  	v5 =	vsub.f32 v52, v5;
	_ =	sdelay $0x1  }
0x1ec: {  	[tilespmem:s25+$0x90] =	vst v5  }
0x1ed: {  	[tilespmem:s24+$0x90] =	vst v43  }
0x1ee: {  	v5 =	vld.idx.msk [tilespmem:v53+s2+$0x0], $0xffff  }
0x1ef: {  	v54 =	vld.idx.msk [tilespmem:v53+s14+$0x0], $0xffff;
	_ =	sdelay $0x1  }
0x1f0: {  	v7 =	vld.idx.msk [tilespmem:v53+s15+$0x0], $0xffff;
	_ =	sdelay $0x2  }
0x1f1: {  	v55 =	vshrl.u32 v5, $0x10;
	v56 =	vshrl.u32 v54, $0x10;
	v57 =	vmul.f32 v5, v5  }
0x1f2: {  	v59 =	vmul.f32 v54, v54;
	v9 =	vand.u32 $0x1, v55;
	v58 =	vand.u32 $0x1, v56  }
0x1f3: {  	v60 =	vshrl.u32 v7, $0x10;
	v5 =	vadd.s32 v9, v5;
	v6 =	vadd.s32 v58, v54  }
0x1f4: {  	v9 =	vand.u32 $0x1, v60;
	v5 =	vadd.s32 $0x7FFF, v5;
	v6 =	vadd.s32 $0x7FFF, v6  }
0x1f5: {  	v9 =	vadd.s32 v9, v7;
	v5 =	vand.u32 $0xFFFF0000, v5;
	v6 =	vand.u32 $0xFFFF0000, v6  }
0x1f6: {  	v9 =	vadd.s32 $0x7FFF, v9;
	v5 =	vmul.f32 v5, v0;
	v6 =	vmul.f32 v6, v1  }
0x1f7: {  	v10 =	vadd.f32 v59, v57;
	v9 =	vand.u32 $0xFFFF0000, v9  }
0x1f8: {  	v7 =	vmul.f32 v7, v7;
	v61 =	vmul.f32 v9, v2;
	v5 =	vadd.f32 v6, v5;
	_ =	sdelay $0x1  }
0x1f9: {  	v7 =	vadd.f32 v7, v10;
	v5 =	vadd.f32 v61, v5;
	_ =	sdelay $0x1  }
0x1fa: {  	v62 =	vadd.f32 v7, v3;
	v5 =	vadd.f32 v5, v5  }
0x1fb: {  	v63 =	vadd.s32 $0x1600, v4  }
0x1fc: {  	v5 =	vsub.f32 v62, v5;
	_ =	sdelay $0x1  }
0x1fd: {  	[tilespmem:s25+$0xA0] =	vst v5  }
0x1fe: {  	[tilespmem:s24+$0xA0] =	vst v53  }
0x1ff: {  	v5 =	vld.idx.msk [tilespmem:v63+s2+$0x0], $0xffff  }
0x200: {  	v12 =	vld.idx.msk [tilespmem:v63+s14+$0x0], $0xffff;
	_ =	sdelay $0x1  }
0x201: {  	v8 =	vld.idx.msk [tilespmem:v63+s15+$0x0], $0xffff;
	_ =	sdelay $0x2  }
0x202: {  	v13 =	vshrl.u32 v5, $0x10;
	v14 =	vshrl.u32 v12, $0x10;
	v15 =	vmul.f32 v5, v5  }
0x203: {  	v17 =	vmul.f32 v12, v12;
	v9 =	vand.u32 $0x1, v13;
	v16 =	vand.u32 $0x1, v14  }
0x204: {  	v18 =	vshrl.u32 v8, $0x10;
	v5 =	vadd.s32 v9, v5;
	v6 =	vadd.s32 v16, v12  }
0x205: {  	v9 =	vand.u32 $0x1, v18;
	v5 =	vadd.s32 $0x7FFF, v5;
	v6 =	vadd.s32 $0x7FFF, v6  }
0x206: {  	v9 =	vadd.s32 v9, v8;
	v5 =	vand.u32 $0xFFFF0000, v5;
	v6 =	vand.u32 $0xFFFF0000, v6  }
0x207: {  	v9 =	vadd.s32 $0x7FFF, v9;
	v5 =	vmul.f32 v5, v0;
	v6 =	vmul.f32 v6, v1  }
0x208: {  	v10 =	vadd.f32 v17, v15;
	v9 =	vand.u32 $0xFFFF0000, v9  }
0x209: {  	v8 =	vmul.f32 v8, v8;
	v19 =	vmul.f32 v9, v2;
	v5 =	vadd.f32 v6, v5;
	_ =	sdelay $0x1  }
0x20a: {  	v8 =	vadd.f32 v8, v10;
	v5 =	vadd.f32 v19, v5;
	_ =	sdelay $0x1  }
0x20b: {  	v20 =	vadd.f32 v8, v3;
	v5 =	vadd.f32 v5, v5  }
0x20c: {  	v21 =	vadd.s32 $0x1800, v4  }
0x20d: {  	v5 =	vsub.f32 v20, v5;
	_ =	sdelay $0x1  }
0x20e: {  	[tilespmem:s25+$0xB0] =	vst v5  }
0x20f: {  	[tilespmem:s24+$0xB0] =	vst v63  }
0x210: {  	v5 =	vld.idx.msk [tilespmem:v21+s2+$0x0], $0xffff  }
0x211: {  	v22 =	vld.idx.msk [tilespmem:v21+s14+$0x0], $0xffff;
	_ =	sdelay $0x1  }
0x212: {  	v7 =	vld.idx.msk [tilespmem:v21+s15+$0x0], $0xffff;
	_ =	sdelay $0x2  }
0x213: {  	v23 =	vshrl.u32 v5, $0x10;
	v24 =	vshrl.u32 v22, $0x10;
	v25 =	vmul.f32 v5, v5  }
0x214: {  	v27 =	vmul.f32 v22, v22;
	v9 =	vand.u32 $0x1, v23;
	v26 =	vand.u32 $0x1, v24  }
0x215: {  	v28 =	vshrl.u32 v7, $0x10;
	v5 =	vadd.s32 v9, v5;
	v6 =	vadd.s32 v26, v22  }
0x216: {  	v9 =	vand.u32 $0x1, v28;
	v5 =	vadd.s32 $0x7FFF, v5;
	v6 =	vadd.s32 $0x7FFF, v6  }
0x217: {  	v9 =	vadd.s32 v9, v7;
	v5 =	vand.u32 $0xFFFF0000, v5;
	v6 =	vand.u32 $0xFFFF0000, v6  }
0x218: {  	v9 =	vadd.s32 $0x7FFF, v9;
	v5 =	vmul.f32 v5, v0;
	v6 =	vmul.f32 v6, v1  }
0x219: {  	v10 =	vadd.f32 v27, v25;
	v9 =	vand.u32 $0xFFFF0000, v9  }
0x21a: {  	v7 =	vmul.f32 v7, v7;
	v29 =	vmul.f32 v9, v2;
	v5 =	vadd.f32 v6, v5;
	_ =	sdelay $0x1  }
0x21b: {  	v7 =	vadd.f32 v7, v10;
	v5 =	vadd.f32 v29, v5;
	_ =	sdelay $0x1  }
0x21c: {  	v30 =	vadd.f32 v7, v3;
	v5 =	vadd.f32 v5, v5  }
0x21d: {  	v31 =	vadd.s32 $0x1A00, v4  }
0x21e: {  	v5 =	vsub.f32 v30, v5;
	_ =	sdelay $0x1  }
0x21f: {  	[tilespmem:s25+$0xC0] =	vst v5  }
0x220: {  	[tilespmem:s24+$0xC0] =	vst v21  }
0x221: {  	v5 =	vld.idx.msk [tilespmem:v31+s2+$0x0], $0xffff  }
0x222: {  	v32 =	vld.idx.msk [tilespmem:v31+s14+$0x0], $0xffff;
	_ =	sdelay $0x1  }
0x223: {  	v8 =	vld.idx.msk [tilespmem:v31+s15+$0x0], $0xffff;
	_ =	sdelay $0x2  }
0x224: {  	v33 =	vshrl.u32 v5, $0x10;
	v34 =	vshrl.u32 v32, $0x10;
	v35 =	vmul.f32 v5, v5  }
0x225: {  	v37 =	vmul.f32 v32, v32;
	v9 =	vand.u32 $0x1, v33;
	v36 =	vand.u32 $0x1, v34  }
0x226: {  	v38 =	vshrl.u32 v8, $0x10;
	v5 =	vadd.s32 v9, v5;
	v6 =	vadd.s32 v36, v32  }
0x227: {  	v9 =	vand.u32 $0x1, v38;
	v5 =	vadd.s32 $0x7FFF, v5;
	v6 =	vadd.s32 $0x7FFF, v6  }
0x228: {  	v9 =	vadd.s32 v9, v8;
	v5 =	vand.u32 $0xFFFF0000, v5;
	v6 =	vand.u32 $0xFFFF0000, v6  }
0x229: {  	v9 =	vadd.s32 $0x7FFF, v9;
	v5 =	vmul.f32 v5, v0;
	v6 =	vmul.f32 v6, v1  }
0x22a: {  	v10 =	vadd.f32 v37, v35;
	v9 =	vand.u32 $0xFFFF0000, v9  }
0x22b: {  	v8 =	vmul.f32 v8, v8;
	v39 =	vmul.f32 v9, v2;
	v5 =	vadd.f32 v6, v5;
	_ =	sdelay $0x1  }
0x22c: {  	v8 =	vadd.f32 v8, v10;
	v5 =	vadd.f32 v39, v5;
	_ =	sdelay $0x1  }
0x22d: {  	v40 =	vadd.f32 v8, v3;
	v5 =	vadd.f32 v5, v5  }
0x22e: {  	v41 =	vadd.s32 $0x1C00, v4  }
0x22f: {  	v5 =	vsub.f32 v40, v5;
	_ =	sdelay $0x1  }
0x230: {  	[tilespmem:s25+$0xD0] =	vst v5  }
0x231: {  	[tilespmem:s24+$0xD0] =	vst v31  }
0x232: {  	v5 =	vld.idx.msk [tilespmem:v41+s2+$0x0], $0xffff  }
0x233: {  	v42 =	vld.idx.msk [tilespmem:v41+s14+$0x0], $0xffff;
	_ =	sdelay $0x1  }
0x234: {  	v7 =	vld.idx.msk [tilespmem:v41+s15+$0x0], $0xffff;
	_ =	sdelay $0x2  }
0x235: {  	v43 =	vshrl.u32 v5, $0x10;
	v44 =	vshrl.u32 v42, $0x10;
	v45 =	vmul.f32 v5, v5  }
0x236: {  	v47 =	vmul.f32 v42, v42;
	v9 =	vand.u32 $0x1, v43;
	v46 =	vand.u32 $0x1, v44  }
0x237: {  	v48 =	vshrl.u32 v7, $0x10;
	v5 =	vadd.s32 v9, v5;
	v6 =	vadd.s32 v46, v42  }
0x238: {  	v9 =	vand.u32 $0x1, v48;
	v5 =	vadd.s32 $0x7FFF, v5;
	v6 =	vadd.s32 $0x7FFF, v6  }
0x239: {  	v9 =	vadd.s32 v9, v7;
	v5 =	vand.u32 $0xFFFF0000, v5;
	v6 =	vand.u32 $0xFFFF0000, v6  }
0x23a: {  	v9 =	vadd.s32 $0x7FFF, v9;
	v5 =	vmul.f32 v5, v0;
	v6 =	vmul.f32 v6, v1  }
0x23b: {  	v10 =	vadd.f32 v47, v45;
	v9 =	vand.u32 $0xFFFF0000, v9  }
0x23c: {  	v7 =	vmul.f32 v7, v7;
	v49 =	vmul.f32 v9, v2;
	v5 =	vadd.f32 v6, v5;
	_ =	sdelay $0x1  }
0x23d: {  	v7 =	vadd.f32 v7, v10;
	v5 =	vadd.f32 v49, v5;
	_ =	sdelay $0x1  }
0x23e: {  	v50 =	vadd.f32 v7, v3;
	v5 =	vadd.f32 v5, v5  }
0x23f: {  	v4 =	vadd.s32 $0x1E00, v4  }
0x240: {  	v5 =	vsub.f32 v50, v5;
	_ =	sdelay $0x1  }
0x241: {  	[tilespmem:s25+$0xE0] =	vst v5  }
0x242: {  	[tilespmem:s24+$0xE0] =	vst v41  }
0x243: {  	v5 =	vld.idx.msk [tilespmem:v4+s2+$0x0], $0xffff  }
0x244: {  	v51 =	vld.idx.msk [tilespmem:v4+s14+$0x0], $0xffff;
	_ =	sdelay $0x1  }
0x245: {  	v52 =	vld.idx.msk [tilespmem:v4+s15+$0x0], $0xffff;
	_ =	sdelay $0x2  }
0x246: {  	v53 =	vshrl.u32 v5, $0x10;
	v54 =	vshrl.u32 v51, $0x10;
	v55 =	vmul.f32 v5, v5  }
0x247: {  	v57 =	vmul.f32 v51, v51;
	v8 =	vand.u32 $0x1, v53;
	v56 =	vand.u32 $0x1, v54  }
0x248: {  	v58 =	vshrl.u32 v52, $0x10;
	v5 =	vadd.s32 v8, v5;
	v6 =	vadd.s32 v56, v51  }
0x249: {  	v8 =	vand.u32 $0x1, v58;
	v5 =	vadd.s32 $0x7FFF, v5;
	v6 =	vadd.s32 $0x7FFF, v6  }
0x24a: {  	v8 =	vadd.s32 v8, v52;
	v5 =	vand.u32 $0xFFFF0000, v5;
	v6 =	vand.u32 $0xFFFF0000, v6  }
0x24b: {  	v8 =	vadd.s32 $0x7FFF, v8;
	v0 =	vmul.f32 v5, v0;
	v1 =	vmul.f32 v6, v1  }
0x24c: {  	v7 =	vmul.f32 v52, v52;
	v60 =	vand.u32 $0xFFFF0000, v8  }
0x24d: {  	v59 =	vadd.f32 v57, v55;
	v61 =	vmul.f32 v60, v2;
	v0 =	vadd.f32 v1, v0;
	_ =	sdelay $0x1  }
0x24e: {  	v62 =	vadd.f32 v7, v59;
	v0 =	vadd.f32 v61, v0;
	_ =	sdelay $0x1  }
0x24f: {  	p0 =	sne.s32 s26, $0xFC0;
	v63 =	vadd.f32 v62, v3;
	v0 =	vadd.f32 v0, v0  }
.Ltmp0:
0x250: {  	_ = 	snop;
	(pc) =	sbr.rel @p0 .LBB2_2-.Ltmp0, $3  }
0x251: {  	v0 =	vsub.f32 v63, v0;
	_ =	sdelay $0x1  }
0x252: {  	s26 =	sadd.s32 $0x40, s26;
	[tilespmem:s25+$0xF0] =	vst v0  }
0x253: {  	s23 =	sadd.s32 $0x20, s23;
	s25 =	sadd.s32 $0x200, s25;
	[tilespmem:s24+$0xF0] =	vst v4;
	s24 =	sadd.s32 $0x200, s24  }
0x254: {  	[hbm4b:s10+s2] =	stream.linear.scatter [tilespmem:s20], [sflag:$0x1], $0x8000, $0x38;
	[tilespmem:$0x17400] =	vst v63  }
0x255: {  	s22 =	sadd.s32 $0x1, s22;
	_ =	swait.ge [sflag:s13], $0x8000  }
0x256: {  	p0 =	sne.s32 s22, s12;
	[sflag:s13] =	ssyncset.done $0x0  }
.Ltmp1:
0x257: {  	[sflag:s13] =	ssyncadd.s32 $0xFFFF8000;
	(pc) =	sbr.rel @p0 .LBB2_1-.Ltmp1, $4  }
0x258: {  	[hbm4b:s11+s2] =	stream.linear.scatter [tilespmem:s21], [sflag:$0x1], $0x8000, $0x38;
	[tilespmem:$0x17400] =	vst v63  }
0x259: {  	_ =	swait.ge [sflag:s13], $0x8000  }
0x25a: {  	[sflag:s13] =	ssyncset.done $0x0  }
0x25b: {  	[sflag:s13] =	ssyncadd.s32 $0xFFFF8000  }
0x25c: {  	_ =	sfence.sel $0x180000  }
0x25d: {  	[bflag:$0x0] =	sbarrier.arrive $0xFFFF  }
0x25e: {  	p0 =	sne.s32 s0, $0x0;
	_ =	strace $0x90000047  }
0x25f: {  	s0 =	sadd.s32 @!p0 $0x100000, s1;
	[bflag:$0x2] =	sbarrier.arrive $0xFFFF  }
0x260: {  	[sflag:s0] =	ssyncadd.tile.s32 @!p0 $0x1;
	_ =	shalt  }
.Lfunc_end2:
_tile_overlayer_lowered:
.L_overlay_start_2:
0x261: {  	(tag) =	ssettag $0x2  }
0x262: {  	s0 =	rddreg [dreg:$0x0];
	s2 =	stileid.u32  }
0x263: {  	s1 =	rddreg [dreg:$0x1];
	p0 =	sne.s32 s2, $0x0  }
0x264: {  	s3 =	rddreg [dreg:$0x2];
	[bflag:$0x3] =	sbarrier.arrive $0xFFFF;
	s2 =	simm.s32 @!p0 $0x1C01  }
0x265: {  	[timem:s3], [sflag:s2] =	dma.local @!p0 [hbm:s0], s1  }
0x266: {  	s0 =	simm.s32 @!p0 $0x1  }
0x267: {  	_ =	swait.ge @!p0 [sflag:s0], s1  }
0x268: {  	s1 =	ssub.s32 @!p0 $0x0, s1;
	[sflag:s0] =	ssyncset.done @!p0 $0x0  }
0x269: {  	[sflag:s0] =	ssyncadd.s32 @!p0 s1  }
0x26a: {  	[bflag:$0x3] =	sbarrier.arrive $0xFFFF  }
0x26b: {  	_ =	shalt  }

</sc_bundles>
